<compile_context>
chip_gen: v7x
topology: tpu7x:2x2x1
jax: 0.10.2.dev20260603
libtpu: 0.0.44.dev20260713+nightly
codegen_flags: <defaults>
</compile_context>

<pallas_src>
import functools

import jax
import jax.numpy as jnp
from jax import lax
from jax.experimental import pallas as pl
from jax.experimental.pallas import tpu as pltpu
from jax.experimental.pallas import tpu_sc as plsc

N = 10000
E = 320000
H = 128
C = 16
G = 64

NC = 2
NS = 16
NW = NC * NS
K = 128
KC0 = 36
KC1 = 122
KCM = 122
NPH = 2
PH_ROWS = 5120
TRASH = PH_ROWS
ACC_ROWS = 5248
RPT = PH_ROWS // NS

_mesh = plsc.VectorSubcoreMesh(
    core_axis_name="c", subcore_axis_name="s", num_cores=NC, num_subcores=NS
)


@functools.partial(
    pl.kernel,
    out_type=jax.ShapeDtypeStruct((NC, NPH, PH_ROWS, H), jnp.float32),
    mesh=_mesh,
    scratch_types=[
        pltpu.VMEM((KCM, K), jnp.int32),
        pltpu.VMEM((K, H), jnp.float32),
        pltpu.VMEM((128, H), jnp.float32),
        pltpu.VMEM_SHARED((ACC_ROWS, H), jnp.float32),
    ],
)
def _sc_deg(dst0_hbm, dst1_hbm, out_hbm, dst_v, ones_v, zb_v, acc):
    c = lax.axis_index("c")
    s = lax.axis_index("s")
    w = s * NC + c
    ncw = jnp.where(c == 0, KC0, KC1)

    def fill_ones(r, _):
        for gcol in range(H // 16):
            ones_v[r, pl.ds(gcol * 16, 16)] = jnp.ones((16,), jnp.float32)
        return 0

    lax.fori_loop(0, K, fill_ones, 0)

    def fill_zero(r, _):
        for gcol in range(H // 16):
            zb_v[r, pl.ds(gcol * 16, 16)] = jnp.zeros((16,), jnp.float32)
        return 0

    lax.fori_loop(0, 128, fill_zero, 0)

    for ph, dst_hbm in enumerate((dst0_hbm, dst1_hbm)):
        pltpu.sync_copy(dst_hbm.at[w], dst_v)
        pltpu.sync_copy(zb_v, acc.at[pl.ds(s * RPT, 128)])
        pltpu.sync_copy(zb_v, acc.at[pl.ds(s * RPT + 128, 128)])
        pltpu.sync_copy(zb_v.at[pl.ds(0, 64)], acc.at[pl.ds(s * RPT + 256, 64)])
        plsc.subcore_barrier()

        def body(i, _):
            pltpu.sync_copy(ones_v, acc.at[dst_v.at[i]], add=True)
            return 0

        lax.fori_loop(0, ncw, body, 0)
        plsc.subcore_barrier()
        pltpu.sync_copy(
            acc.at[pl.ds(s * RPT, RPT)], out_hbm.at[c, ph, pl.ds(s * RPT, RPT)]
        )
        plsc.subcore_barrier()


@functools.partial(
    pl.kernel,
    out_type=jax.ShapeDtypeStruct((NC, NPH, PH_ROWS, H), jnp.float32),
    mesh=_mesh,
    scratch_types=[
        pltpu.VMEM((KCM, K), jnp.int32),
        pltpu.VMEM((KCM, K), jnp.int32),
        pltpu.VMEM((K, H), jnp.float32),
        pltpu.VMEM((K, H), jnp.float32),
        pltpu.VMEM((128, H), jnp.float32),
        pltpu.VMEM_SHARED((ACC_ROWS, H), jnp.float32),
        pltpu.SemaphoreType.DMA,
        pltpu.SemaphoreType.DMA,
    ],
)
def _sc_scatter(g_hbm, src_hbm, dst0_hbm, dst1_hbm, out_hbm,
                src_v, dst_v, rows0, rows1, zb_v, acc, sem0, sem1):
    c = lax.axis_index("c")
    s = lax.axis_index("s")
    w = s * NC + c
    npair = jnp.where(c == 0, KC0 // 2, KC1 // 2)

    def fill_zero(r, _):
        for gcol in range(H // 16):
            zb_v[r, pl.ds(gcol * 16, 16)] = jnp.zeros((16,), jnp.float32)
        return 0

    lax.fori_loop(0, 128, fill_zero, 0)

    pltpu.sync_copy(src_hbm.at[w], src_v)

    for ph, dst_hbm in enumerate((dst0_hbm, dst1_hbm)):
        pltpu.sync_copy(dst_hbm.at[w], dst_v)
        pltpu.sync_copy(zb_v, acc.at[pl.ds(s * RPT, 128)])
        pltpu.sync_copy(zb_v, acc.at[pl.ds(s * RPT + 128, 128)])
        pltpu.sync_copy(zb_v.at[pl.ds(0, 64)], acc.at[pl.ds(s * RPT + 256, 64)])
        plsc.subcore_barrier()

        pltpu.async_copy(g_hbm.at[src_v.at[0]], rows0, sem0)

        def body(j, _):
            i0 = 2 * j
            pltpu.make_async_copy(g_hbm.at[src_v.at[i0]], rows0, sem0).wait()
            pltpu.async_copy(g_hbm.at[src_v.at[i0 + 1]], rows1, sem1)
            pltpu.sync_copy(rows0, acc.at[dst_v.at[i0]], add=True)
            pltpu.make_async_copy(g_hbm.at[src_v.at[i0 + 1]], rows1, sem1).wait()

            @pl.when(j < npair - 1)
            def _():
                pltpu.async_copy(g_hbm.at[src_v.at[i0 + 2]], rows0, sem0)

            pltpu.sync_copy(rows1, acc.at[dst_v.at[i0 + 1]], add=True)
            return 0

        lax.fori_loop(0, npair, body, 0)
        plsc.subcore_barrier()
        pltpu.sync_copy(
            acc.at[pl.ds(s * RPT, RPT)], out_hbm.at[c, ph, pl.ds(s * RPT, RPT)]
        )
        plsc.subcore_barrier()


def _dis_block(d_ref):
    deg = d_ref[0][:, :1] + d_ref[1][:, :1]
    return lax.rsqrt(deg + 1.0)


_RB = 2000


def _tc_prep_body(x_ref, w_ref, d_ref, o_ref):
    dis = _dis_block(d_ref)
    g = jnp.dot(x_ref[...], w_ref[...], preferred_element_type=jnp.float32)
    o_ref[...] = g * dis


def _tc_prep(x, W1, d2):
    return pl.pallas_call(
        _tc_prep_body,
        grid=(N // _RB,),
        in_specs=[
            pl.BlockSpec((_RB, H), lambda i: (i, 0)),
            pl.BlockSpec((H, H), lambda i: (0, 0)),
            pl.BlockSpec((NC, _RB, H), lambda i: (0, i, 0)),
        ],
        out_specs=pl.BlockSpec((_RB, H), lambda i: (i, 0)),
        out_shape=jax.ShapeDtypeStruct((N, H), jnp.float32),
    )(x, W1, d2)


def _tc_mid_body(p_ref, g_ref, d_ref, b_ref, w_ref, o_ref):
    dis = _dis_block(d_ref)
    h = dis * (p_ref[0] + p_ref[1] + g_ref[...]) + b_ref[...]
    h = jnp.maximum(h, 0.0)
    o_ref[...] = jnp.dot(h, w_ref[...], preferred_element_type=jnp.float32) * dis


def _tc_mid(p, g, d2, b, Wn):
    return pl.pallas_call(
        _tc_mid_body,
        grid=(N // _RB,),
        in_specs=[
            pl.BlockSpec((NC, _RB, H), lambda i: (0, i, 0)),
            pl.BlockSpec((_RB, H), lambda i: (i, 0)),
            pl.BlockSpec((NC, _RB, H), lambda i: (0, i, 0)),
            pl.BlockSpec((1, H), lambda i: (0, 0)),
            pl.BlockSpec((H, H), lambda i: (0, 0)),
        ],
        out_specs=pl.BlockSpec((_RB, H), lambda i: (i, 0)),
        out_shape=jax.ShapeDtypeStruct((N, H), jnp.float32),
    )(p, g, d2, b, Wn)


def _tc_final_body(p_ref, g_ref, d_ref, b_ref, batch_ref, wl_ref, bl_ref, o_ref):
    dis = _dis_block(d_ref)
    h = dis * (p_ref[0] + p_ref[1] + g_ref[...]) + b_ref[...]
    seg = lax.broadcasted_iota(jnp.int32, (G, N), 0)
    mask = (batch_ref[...] == seg).astype(jnp.float32)
    sums = jnp.dot(mask, h, preferred_element_type=jnp.float32)
    cnt = jnp.maximum(jnp.sum(mask, axis=1, keepdims=True), 1.0)
    o_ref[...] = (
        jnp.dot(sums / cnt, wl_ref[...], preferred_element_type=jnp.float32)
        + bl_ref[...]
    )


def _tc_final(p, g, d2, b, batch2, Wl, bl):
    return pl.pallas_call(
        _tc_final_body,
        grid=(1,),
        in_specs=[
            pl.BlockSpec((NC, N, H), lambda i: (0, 0, 0)),
            pl.BlockSpec((N, H), lambda i: (0, 0)),
            pl.BlockSpec((NC, N, H), lambda i: (0, 0, 0)),
            pl.BlockSpec((1, H), lambda i: (0, 0)),
            pl.BlockSpec((1, N), lambda i: (0, 0)),
            pl.BlockSpec((H, C), lambda i: (0, 0)),
            pl.BlockSpec((1, C), lambda i: (0, 0)),
        ],
        out_specs=pl.BlockSpec((G, C), lambda i: (0, 0)),
        out_shape=jax.ShapeDtypeStruct((G, C), jnp.float32),
    )(p, g, d2, b, batch2, Wl, bl)


def _distribute(v, padval):
    e0 = 16 * KC0 * K
    e1cap = 16 * KC1 * K
    p0 = jnp.concatenate(
        [
            v[:e0].reshape(16, KC0 * K),
            jnp.full((16, (KCM - KC0) * K), padval, v.dtype),
        ],
        axis=1,
    )
    p1 = jnp.concatenate(
        [v[e0:], jnp.full((e1cap - (E - e0),), padval, v.dtype)]
    ).reshape(16, KC1 * K)
    p1 = jnp.concatenate(
        [p1, jnp.full((16, (KCM - KC1) * K), padval, v.dtype)], axis=1
    )
    return jnp.stack([p0, p1], axis=1).reshape(NW, KCM, K)


def kernel(x, edge_index, batch, W1, b1, W2, b2, W3, b3, Wl, bl):
    src_p = _distribute(edge_index[0], jnp.int32(0))
    dst_p = _distribute(edge_index[1], jnp.int32(N))
    trash = TRASH + (dst_p & 127)
    dst0 = jnp.where(dst_p < PH_ROWS, dst_p, trash)
    dst1 = jnp.where(
        jnp.logical_and(dst_p >= PH_ROWS, dst_p < N), dst_p - PH_ROWS, trash
    )

    d2 = _sc_deg(dst0, dst1).reshape(NC, NPH * PH_ROWS, H)
    g1 = _tc_prep(x, W1, d2)
    p1 = _sc_scatter(g1, src_p, dst0, dst1).reshape(NC, NPH * PH_ROWS, H)
    g2 = _tc_mid(p1, g1, d2, b1.reshape(1, H), W2)
    p2 = _sc_scatter(g2, src_p, dst0, dst1).reshape(NC, NPH * PH_ROWS, H)
    g3 = _tc_mid(p2, g2, d2, b2.reshape(1, H), W3)
    p3 = _sc_scatter(g3, src_p, dst0, dst1).reshape(NC, NPH * PH_ROWS, H)
    return _tc_final(
        p3, g3, d2, b3.reshape(1, H), batch.reshape(1, N), Wl, bl.reshape(1, C)
    )

# --- scband reference (transcript-rebuilt; emitter-appended) ---
"""Pipeline reference for scband-gcn-1666447311118 (READ-ONLY COPY).

The authoritative reference and input builder live on the scoring server;
editing this copy changes nothing except your own understanding.
"""

import jax, jax.numpy as jnp
import numpy as np

N = 10000
E = 320000
F_IN = 128
H = 128
C = 16
G = 64


def setup_inputs(seed: int = 0) -> dict:
    key = jax.random.key(seed)
    ks = jax.random.split(key, 12)
    x = jax.random.normal(ks[0], (N, F_IN), dtype=jnp.float32)
    edge_index = jax.random.randint(ks[1], (2, E), 0, N, dtype=jnp.int32)
    batch = jnp.sort(jax.random.randint(ks[2], (N,), 0, G, dtype=jnp.int32))
    W1 = jax.random.normal(ks[3], (F_IN, H), dtype=jnp.float32) * (1.0 / np.sqrt(F_IN))
    b1 = jnp.zeros((H,), dtype=jnp.float32)
    W2 = jax.random.normal(ks[4], (H, H), dtype=jnp.float32) * (1.0 / np.sqrt(H))
    b2 = jnp.zeros((H,), dtype=jnp.float32)
    W3 = jax.random.normal(ks[5], (H, H), dtype=jnp.float32) * (1.0 / np.sqrt(H))
    b3 = jnp.zeros((H,), dtype=jnp.float32)
    Wl = jax.random.normal(ks[6], (H, C), dtype=jnp.float32) * (1.0 / np.sqrt(H))
    bl = jnp.zeros((C,), dtype=jnp.float32)
    return {"x": x, "edge_index": edge_index, "batch": batch,
            "W1": W1, "b1": b1, "W2": W2, "b2": b2, "W3": W3, "b3": b3,
            "Wl": Wl, "bl": bl}


def _gcn_conv(x, src, dst, W, b):
    # PyG GCNConv: add self-loops, symmetric normalization D^-1/2 A D^-1/2
    h = x @ W
    deg = jnp.zeros((N,), dtype=jnp.float32).at[dst].add(1.0)
    deg_inv_sqrt = jnp.where(deg > 0, jax.lax.rsqrt(jnp.maximum(deg, 1e-12)), 0.0)
    norm = deg_inv_sqrt[src] * deg_inv_sqrt[dst]
    msgs = h[src] * norm[:, None]
    out = jnp.zeros((N, h.shape[1]), dtype=h.dtype).at[dst].add(msgs)
    return out + b


def reference(x, edge_index, batch, W1, b1, W2, b2, W3, b3, Wl, bl):
    loop = jnp.arange(N, dtype=edge_index.dtype)
    src = jnp.concatenate([edge_index[0], loop])
    dst = jnp.concatenate([edge_index[1], loop])
    h = jax.nn.relu(_gcn_conv(x, src, dst, W1, b1))
    h = jax.nn.relu(_gcn_conv(h, src, dst, W2, b2))
    h = _gcn_conv(h, src, dst, W3, b3)
    # global_mean_pool over graph assignment `batch`
    sums = jax.ops.segment_sum(h, batch, num_segments=G)
    cnt = jax.ops.segment_sum(jnp.ones((N, 1), dtype=jnp.float32), batch, num_segments=G)
    pooled = sums / jnp.maximum(cnt, 1.0)
    # dropout p=0.5 in eval mode -> identity
    return pooled @ Wl + bl

if __name__ == "__main__":
    import jax
    _d = setup_inputs()
    print(jax.jit(kernel)(*tuple(_d.values())))

</pallas_src>

<mosaic_0001>
#map = affine_map<(d0, d1) -> (0, 0)>
#map1 = affine_map<(d0, d1) -> (0, 0, 0)>
#map2 = affine_map<(d0, d1) -> (0, 0, 0, 0)>
module attributes {stable_mosaic.version = 14 : i64} {
  func.func @_sc_scatter(%arg0: i32, %arg1: i32, %arg2: memref<10000x128xf32, #tpu.memory_space<hbm>>, %arg3: memref<32x122x128xi32, #tpu.memory_space<hbm>>, %arg4: memref<32x122x128xi32, #tpu.memory_space<hbm>>, %arg5: memref<32x122x128xi32, #tpu.memory_space<hbm>>, %arg6: memref<2x2x5120x128xf32, #tpu.memory_space<hbm>>, %arg7: memref<122x128xi32, #tpu.memory_space<vmem>>, %arg8: memref<122x128xi32, #tpu.memory_space<vmem>>, %arg9: memref<128x128xf32, #tpu.memory_space<vmem>>, %arg10: memref<128x128xf32, #tpu.memory_space<vmem>>, %arg11: memref<128x128xf32, #tpu.memory_space<vmem>>, %arg12: memref<5248x128xf32, #tpu.memory_space<vmem_shared>>, %arg13: memref<!tpu.dma_semaphore, #tpu.memory_space<semaphore_mem>>, %arg14: memref<!tpu.dma_semaphore, #tpu.memory_space<semaphore_mem>>) attributes {dimension_semantics = [#tpu.dimension_semantics<core_parallel>, #tpu.dimension_semantics<subcore_parallel>], iteration_bounds = array<i64: 2, 16>, scalar_prefetch = 0 : i64, scratch_operands = 8 : i64, tpu.core_type = #tpu.core_type<sc_vector_subcore>, window_params = [{transform_indices = #map}, {transform_indices = #map1}, {transform_indices = #map1}, {transform_indices = #map1}, {transform_indices = #map2}]} {
    %mul3A = arith.constant 2 : i32
    %mul3A_0 = arith.muli %arg1, %mul3A : i32
    %add3A = arith.addi %mul3A_0, %arg0 : i32
    %eq3A = arith.constant 0 : i32
    %eq3A_1 = arith.cmpi eq, %arg0, %eq3A : i32
    %jit3A = arith.constant 18 : i32
    %jit3A_2 = arith.constant 61 : i32
    %select_n3A = arith.select %eq3A_1, %jit3A, %jit3A_2 : i32
    %scan3A = arith.constant 0 : i32
    %scan3A_3 = arith.constant 0 : i32
    %scan3A_4 = arith.constant 128 : i32
    %scan3A_5 = arith.addi %scan3A_3, %scan3A_4 : i32
    %scan3A_6 = arith.constant 1 : i32
    %scan3A_7 = scf.for %scan3A_79 = %scan3A_3 to %scan3A_5 step %scan3A_6 iter_args(%scan3A_80 = %scan3A) -> (i32)  : i32 {
      %broadcast_in_dim3A = arith.constant 0.000000e+00 : f32
      %broadcast_in_dim3A_81 = vector.broadcast %broadcast_in_dim3A : f32 to vector<16xf32>
      %swap3A = arith.index_cast %scan3A_79 : i32 to index
      %swap3A_82 = arith.constant 0 : index
      %swap3A_83 = tpu.vector_load %arg11[%swap3A, %swap3A_82] {strides = array<i32>} : memref<128x128xf32, #tpu.memory_space<vmem>>, vector<1x16xf32>,
      %swap3A_84 = vector.shape_cast %swap3A_83 : vector<1x16xf32> to vector<16xf32>
      %swap3A_85 = vector.shape_cast %broadcast_in_dim3A_81 : vector<16xf32> to vector<1x16xf32>
      tpu.vector_store %arg11[%swap3A, %swap3A_82], %swap3A_85 {strides = array<i32>} : memref<128x128xf32, #tpu.memory_space<vmem>>, vector<1x16xf32>,
      %broadcast_in_dim3A_86 = arith.constant 0.000000e+00 : f32
      %broadcast_in_dim3A_87 = vector.broadcast %broadcast_in_dim3A_86 : f32 to vector<16xf32>
      %swap3A_88 = arith.index_cast %scan3A_79 : i32 to index
      %swap3A_89 = arith.constant 16 : index
      %swap3A_90 = tpu.vector_load %arg11[%swap3A_88, %swap3A_89] {strides = array<i32>} : memref<128x128xf32, #tpu.memory_space<vmem>>, vector<1x16xf32>,
      %swap3A_91 = vector.shape_cast %swap3A_90 : vector<1x16xf32> to vector<16xf32>
      %swap3A_92 = vector.shape_cast %broadcast_in_dim3A_87 : vector<16xf32> to vector<1x16xf32>
      tpu.vector_store %arg11[%swap3A_88, %swap3A_89], %swap3A_92 {strides = array<i32>} : memref<128x128xf32, #tpu.memory_space<vmem>>, vector<1x16xf32>,
      %broadcast_in_dim3A_93 = arith.constant 0.000000e+00 : f32
      %broadcast_in_dim3A_94 = vector.broadcast %broadcast_in_dim3A_93 : f32 to vector<16xf32>
      %swap3A_95 = arith.index_cast %scan3A_79 : i32 to index
      %swap3A_96 = arith.constant 32 : index
      %swap3A_97 = tpu.vector_load %arg11[%swap3A_95, %swap3A_96] {strides = array<i32>} : memref<128x128xf32, #tpu.memory_space<vmem>>, vector<1x16xf32>,
      %swap3A_98 = vector.shape_cast %swap3A_97 : vector<1x16xf32> to vector<16xf32>
      %swap3A_99 = vector.shape_cast %broadcast_in_dim3A_94 : vector<16xf32> to vector<1x16xf32>
      tpu.vector_store %arg11[%swap3A_95, %swap3A_96], %swap3A_99 {strides = array<i32>} : memref<128x128xf32, #tpu.memory_space<vmem>>, vector<1x16xf32>,
      %broadcast_in_dim3A_100 = arith.constant 0.000000e+00 : f32
      %broadcast_in_dim3A_101 = vector.broadcast %broadcast_in_dim3A_100 : f32 to vector<16xf32>
      %swap3A_102 = arith.index_cast %scan3A_79 : i32 to index
      %swap3A_103 = arith.constant 48 : index
      %swap3A_104 = tpu.vector_load %arg11[%swap3A_102, %swap3A_103] {strides = array<i32>} : memref<128x128xf32, #tpu.memory_space<vmem>>, vector<1x16xf32>,
      %swap3A_105 = vector.shape_cast %swap3A_104 : vector<1x16xf32> to vector<16xf32>
      %swap3A_106 = vector.shape_cast %broadcast_in_dim3A_101 : vector<16xf32> to vector<1x16xf32>
      tpu.vector_store %arg11[%swap3A_102, %swap3A_103], %swap3A_106 {strides = array<i32>} : memref<128x128xf32, #tpu.memory_space<vmem>>, vector<1x16xf32>,
      %broadcast_in_dim3A_107 = arith.constant 0.000000e+00 : f32
      %broadcast_in_dim3A_108 = vector.broadcast %broadcast_in_dim3A_107 : f32 to vector<16xf32>
      %swap3A_109 = arith.index_cast %scan3A_79 : i32 to index
      %swap3A_110 = arith.constant 64 : index
      %swap3A_111 = tpu.vector_load %arg11[%swap3A_109, %swap3A_110] {strides = array<i32>} : memref<128x128xf32, #tpu.memory_space<vmem>>, vector<1x16xf32>,
      %swap3A_112 = vector.shape_cast %swap3A_111 : vector<1x16xf32> to vector<16xf32>
      %swap3A_113 = vector.shape_cast %broadcast_in_dim3A_108 : vector<16xf32> to vector<1x16xf32>
      tpu.vector_store %arg11[%swap3A_109, %swap3A_110], %swap3A_113 {strides = array<i32>} : memref<128x128xf32, #tpu.memory_space<vmem>>, vector<1x16xf32>,
      %broadcast_in_dim3A_114 = arith.constant 0.000000e+00 : f32
      %broadcast_in_dim3A_115 = vector.broadcast %broadcast_in_dim3A_114 : f32 to vector<16xf32>
      %swap3A_116 = arith.index_cast %scan3A_79 : i32 to index
      %swap3A_117 = arith.constant 80 : index
      %swap3A_118 = tpu.vector_load %arg11[%swap3A_116, %swap3A_117] {strides = array<i32>} : memref<128x128xf32, #tpu.memory_space<vmem>>, vector<1x16xf32>,
      %swap3A_119 = vector.shape_cast %swap3A_118 : vector<1x16xf32> to vector<16xf32>
      %swap3A_120 = vector.shape_cast %broadcast_in_dim3A_115 : vector<16xf32> to vector<1x16xf32>
      tpu.vector_store %arg11[%swap3A_116, %swap3A_117], %swap3A_120 {strides = array<i32>} : memref<128x128xf32, #tpu.memory_space<vmem>>, vector<1x16xf32>,
      %broadcast_in_dim3A_121 = arith.constant 0.000000e+00 : f32
      %broadcast_in_dim3A_122 = vector.broadcast %broadcast_in_dim3A_121 : f32 to vector<16xf32>
      %swap3A_123 = arith.index_cast %scan3A_79 : i32 to index
      %swap3A_124 = arith.constant 96 : index
      %swap3A_125 = tpu.vector_load %arg11[%swap3A_123, %swap3A_124] {strides = array<i32>} : memref<128x128xf32, #tpu.memory_space<vmem>>, vector<1x16xf32>,
      %swap3A_126 = vector.shape_cast %swap3A_125 : vector<1x16xf32> to vector<16xf32>
      %swap3A_127 = vector.shape_cast %broadcast_in_dim3A_122 : vector<16xf32> to vector<1x16xf32>
      tpu.vector_store %arg11[%swap3A_123, %swap3A_124], %swap3A_127 {strides = array<i32>} : memref<128x128xf32, #tpu.memory_space<vmem>>, vector<1x16xf32>,
      %broadcast_in_dim3A_128 = arith.constant 0.000000e+00 : f32
      %broadcast_in_dim3A_129 = vector.broadcast %broadcast_in_dim3A_128 : f32 to vector<16xf32>
      %swap3A_130 = arith.index_cast %scan3A_79 : i32 to index
      %swap3A_131 = arith.constant 112 : index
      %swap3A_132 = tpu.vector_load %arg11[%swap3A_130, %swap3A_131] {strides = array<i32>} : memref<128x128xf32, #tpu.memory_space<vmem>>, vector<1x16xf32>,
      %swap3A_133 = vector.shape_cast %swap3A_132 : vector<1x16xf32> to vector<16xf32>
      %swap3A_134 = vector.shape_cast %broadcast_in_dim3A_129 : vector<16xf32> to vector<1x16xf32>
      tpu.vector_store %arg11[%swap3A_130, %swap3A_131], %swap3A_134 {strides = array<i32>} : memref<128x128xf32, #tpu.memory_space<vmem>>, vector<1x16xf32>,
      %scan3A_135 = arith.constant 0 : i32
      scf.yield %scan3A_135 : i32
    }
    %scan3A_8 = arith.constant 128 : i32
    "tpu.region"() ({
      %run_scoped3A_79 = tpu.sem_alloc : memref<!tpu.dma_semaphore, #tpu.memory_space<semaphore_mem>>
      %dma_start3A_80 = arith.constant 0 : i32
      %dma_start3A_81 = arith.constant 0 : i32
      %dma_start3A_82 = tpu.memref_slice %arg3[%add3A, %dma_start3A_80, %dma_start3A_81] : memref<32x122x128xi32, #tpu.memory_space<hbm>> -> memref<1x122x128xi32, #tpu.memory_space<hbm>>
      %dma_start3A_83 = tpu.memref_squeeze %dma_start3A_82 : memref<1x122x128xi32, #tpu.memory_space<hbm>> -> memref<122x128xi32, #tpu.memory_space<hbm>>
      %dma_start3A_84 = arith.constant 0 : i32
      %dma_start3A_85 = arith.constant 0 : i32
      %dma_start3A_86 = tpu.memref_slice %arg3[%add3A, %dma_start3A_84, %dma_start3A_85] : memref<32x122x128xi32, #tpu.memory_space<hbm>> -> memref<1x122x128xi32, #tpu.memory_space<hbm>>
      %dma_start3A_87 = tpu.memref_squeeze %dma_start3A_86 : memref<1x122x128xi32, #tpu.memory_space<hbm>> -> memref<122x128xi32, #tpu.memory_space<hbm>>
      tpu.enqueue_dma source(%dma_start3A_87 : memref<122x128xi32, #tpu.memory_space<hbm>>) target(%arg7 : memref<122x128xi32, #tpu.memory_space<vmem>>) target_semaphore(%run_scoped3A_79 : memref<!tpu.dma_semaphore, #tpu.memory_space<semaphore_mem>>)
      %dma_wait3A = arith.constant 0 : i32
      %dma_wait3A_88 = arith.constant 0 : i32
      %dma_wait3A_89 = tpu.memref_slice %arg3[%add3A, %dma_wait3A, %dma_wait3A_88] : memref<32x122x128xi32, #tpu.memory_space<hbm>> -> memref<1x122x128xi32, #tpu.memory_space<hbm>>
      %dma_wait3A_90 = tpu.memref_squeeze %dma_wait3A_89 : memref<1x122x128xi32, #tpu.memory_space<hbm>> -> memref<122x128xi32, #tpu.memory_space<hbm>>
      %dma_wait3A_91 = arith.constant 0 : i32
      %dma_wait3A_92 = arith.constant 0 : i32
      %dma_wait3A_93 = tpu.memref_slice %arg3[%add3A, %dma_wait3A_91, %dma_wait3A_92] : memref<32x122x128xi32, #tpu.memory_space<hbm>> -> memref<1x122x128xi32, #tpu.memory_space<hbm>>
      %dma_wait3A_94 = tpu.memref_squeeze %dma_wait3A_93 : memref<1x122x128xi32, #tpu.memory_space<hbm>> -> memref<122x128xi32, #tpu.memory_space<hbm>>
      tpu.wait_dma2 semaphore(%run_scoped3A_79 : memref<!tpu.dma_semaphore, #tpu.memory_space<semaphore_mem>>) src(%dma_wait3A_94 : memref<122x128xi32, #tpu.memory_space<hbm>>) dst(%arg7 : memref<122x128xi32, #tpu.memory_space<vmem>>)
      tpu.yield
    }) : () -> ()
    "tpu.region"() ({
      %run_scoped3A_79 = tpu.sem_alloc : memref<!tpu.dma_semaphore, #tpu.memory_space<semaphore_mem>>
      %dma_start3A_80 = arith.constant 0 : i32
      %dma_start3A_81 = arith.constant 0 : i32
      %dma_start3A_82 = tpu.memref_slice %arg4[%add3A, %dma_start3A_80, %dma_start3A_81] : memref<32x122x128xi32, #tpu.memory_space<hbm>> -> memref<1x122x128xi32, #tpu.memory_space<hbm>>
      %dma_start3A_83 = tpu.memref_squeeze %dma_start3A_82 : memref<1x122x128xi32, #tpu.memory_space<hbm>> -> memref<122x128xi32, #tpu.memory_space<hbm>>
      %dma_start3A_84 = arith.constant 0 : i32
      %dma_start3A_85 = arith.constant 0 : i32
      %dma_start3A_86 = tpu.memref_slice %arg4[%add3A, %dma_start3A_84, %dma_start3A_85] : memref<32x122x128xi32, #tpu.memory_space<hbm>> -> memref<1x122x128xi32, #tpu.memory_space<hbm>>
      %dma_start3A_87 = tpu.memref_squeeze %dma_start3A_86 : memref<1x122x128xi32, #tpu.memory_space<hbm>> -> memref<122x128xi32, #tpu.memory_space<hbm>>
      tpu.enqueue_dma source(%dma_start3A_87 : memref<122x128xi32, #tpu.memory_space<hbm>>) target(%arg8 : memref<122x128xi32, #tpu.memory_space<vmem>>) target_semaphore(%run_scoped3A_79 : memref<!tpu.dma_semaphore, #tpu.memory_space<semaphore_mem>>)
      %dma_wait3A = arith.constant 0 : i32
      %dma_wait3A_88 = arith.constant 0 : i32
      %dma_wait3A_89 = tpu.memref_slice %arg4[%add3A, %dma_wait3A, %dma_wait3A_88] : memref<32x122x128xi32, #tpu.memory_space<hbm>> -> memref<1x122x128xi32, #tpu.memory_space<hbm>>
      %dma_wait3A_90 = tpu.memref_squeeze %dma_wait3A_89 : memref<1x122x128xi32, #tpu.memory_space<hbm>> -> memref<122x128xi32, #tpu.memory_space<hbm>>
      %dma_wait3A_91 = arith.constant 0 : i32
      %dma_wait3A_92 = arith.constant 0 : i32
      %dma_wait3A_93 = tpu.memref_slice %arg4[%add3A, %dma_wait3A_91, %dma_wait3A_92] : memref<32x122x128xi32, #tpu.memory_space<hbm>> -> memref<1x122x128xi32, #tpu.memory_space<hbm>>
      %dma_wait3A_94 = tpu.memref_squeeze %dma_wait3A_93 : memref<1x122x128xi32, #tpu.memory_space<hbm>> -> memref<122x128xi32, #tpu.memory_space<hbm>>
      tpu.wait_dma2 semaphore(%run_scoped3A_79 : memref<!tpu.dma_semaphore, #tpu.memory_space<semaphore_mem>>) src(%dma_wait3A_94 : memref<122x128xi32, #tpu.memory_space<hbm>>) dst(%arg8 : memref<122x128xi32, #tpu.memory_space<vmem>>)
      tpu.yield
    }) : () -> ()
    %mul3A_9 = arith.constant 320 : i32
    %mul3A_10 = arith.muli %arg1, %mul3A_9 : i32
    "tpu.region"() ({
      %run_scoped3A_79 = tpu.sem_alloc : memref<!tpu.dma_semaphore, #tpu.memory_space<semaphore_mem>>
      %dma_start3A_80 = arith.constant 0 : i32
      %dma_start3A_81 = tpu.memref_slice %arg12[%mul3A_10, %dma_start3A_80] : memref<5248x128xf32, #tpu.memory_space<vmem_shared>> -> memref<128x128xf32, #tpu.memory_space<vmem_shared>>
      %dma_start3A_82 = arith.constant 0 : i32
      %dma_start3A_83 = tpu.memref_slice %arg12[%mul3A_10, %dma_start3A_82] : memref<5248x128xf32, #tpu.memory_space<vmem_shared>> -> memref<128x128xf32, #tpu.memory_space<vmem_shared>>
      tpu.enqueue_dma source(%arg11 : memref<128x128xf32, #tpu.memory_space<vmem>>) target(%dma_start3A_83 : memref<128x128xf32, #tpu.memory_space<vmem_shared>>) target_semaphore(%run_scoped3A_79 : memref<!tpu.dma_semaphore, #tpu.memory_space<semaphore_mem>>)
      %dma_wait3A = arith.constant 0 : i32
      %dma_wait3A_84 = tpu.memref_slice %arg12[%mul3A_10, %dma_wait3A] : memref<5248x128xf32, #tpu.memory_space<vmem_shared>> -> memref<128x128xf32, #tpu.memory_space<vmem_shared>>
      %dma_wait3A_85 = arith.constant 0 : i32
      %dma_wait3A_86 = tpu.memref_slice %arg12[%mul3A_10, %dma_wait3A_85] : memref<5248x128xf32, #tpu.memory_space<vmem_shared>> -> memref<128x128xf32, #tpu.memory_space<vmem_shared>>
      tpu.wait_dma2 semaphore(%run_scoped3A_79 : memref<!tpu.dma_semaphore, #tpu.memory_space<semaphore_mem>>) src(%arg11 : memref<128x128xf32, #tpu.memory_space<vmem>>) dst(%dma_wait3A_86 : memref<128x128xf32, #tpu.memory_space<vmem_shared>>)
      tpu.yield
    }) : () -> ()
    %mul3A_11 = arith.constant 320 : i32
    %mul3A_12 = arith.muli %arg1, %mul3A_11 : i32
    %add3A_13 = arith.constant 128 : i32
    %add3A_14 = arith.addi %mul3A_12, %add3A_13 : i32
    "tpu.region"() ({
      %run_scoped3A_79 = tpu.sem_alloc : memref<!tpu.dma_semaphore, #tpu.memory_space<semaphore_mem>>
      %dma_start3A_80 = arith.constant 0 : i32
      %dma_start3A_81 = tpu.memref_slice %arg12[%add3A_14, %dma_start3A_80] : memref<5248x128xf32, #tpu.memory_space<vmem_shared>> -> memref<128x128xf32, #tpu.memory_space<vmem_shared>>
      %dma_start3A_82 = arith.constant 0 : i32
      %dma_start3A_83 = tpu.memref_slice %arg12[%add3A_14, %dma_start3A_82] : memref<5248x128xf32, #tpu.memory_space<vmem_shared>> -> memref<128x128xf32, #tpu.memory_space<vmem_shared>>
      tpu.enqueue_dma source(%arg11 : memref<128x128xf32, #tpu.memory_space<vmem>>) target(%dma_start3A_83 : memref<128x128xf32, #tpu.memory_space<vmem_shared>>) target_semaphore(%run_scoped3A_79 : memref<!tpu.dma_semaphore, #tpu.memory_space<semaphore_mem>>)
      %dma_wait3A = arith.constant 0 : i32
      %dma_wait3A_84 = tpu.memref_slice %arg12[%add3A_14, %dma_wait3A] : memref<5248x128xf32, #tpu.memory_space<vmem_shared>> -> memref<128x128xf32, #tpu.memory_space<vmem_shared>>
      %dma_wait3A_85 = arith.constant 0 : i32
      %dma_wait3A_86 = tpu.memref_slice %arg12[%add3A_14, %dma_wait3A_85] : memref<5248x128xf32, #tpu.memory_space<vmem_shared>> -> memref<128x128xf32, #tpu.memory_space<vmem_shared>>
      tpu.wait_dma2 semaphore(%run_scoped3A_79 : memref<!tpu.dma_semaphore, #tpu.memory_space<semaphore_mem>>) src(%arg11 : memref<128x128xf32, #tpu.memory_space<vmem>>) dst(%dma_wait3A_86 : memref<128x128xf32, #tpu.memory_space<vmem_shared>>)
      tpu.yield
    }) : () -> ()
    %mul3A_15 = arith.constant 320 : i32
    %mul3A_16 = arith.muli %arg1, %mul3A_15 : i32
    %add3A_17 = arith.constant 256 : i32
    %add3A_18 = arith.addi %mul3A_16, %add3A_17 : i32
    "tpu.region"() ({
      %run_scoped3A_79 = tpu.sem_alloc : memref<!tpu.dma_semaphore, #tpu.memory_space<semaphore_mem>>
      %dma_start3A_80 = arith.constant 0 : i32
      %dma_start3A_81 = arith.constant 0 : i32
      %dma_start3A_82 = tpu.memref_slice %arg11[%dma_start3A_80, %dma_start3A_81] : memref<128x128xf32, #tpu.memory_space<vmem>> -> memref<64x128xf32, #tpu.memory_space<vmem>>
      %dma_start3A_83 = arith.constant 0 : i32
      %dma_start3A_84 = tpu.memref_slice %arg12[%add3A_18, %dma_start3A_83] : memref<5248x128xf32, #tpu.memory_space<vmem_shared>> -> memref<64x128xf32, #tpu.memory_space<vmem_shared>>
      %dma_start3A_85 = arith.constant 0 : i32
      %dma_start3A_86 = tpu.memref_slice %arg12[%add3A_18, %dma_start3A_85] : memref<5248x128xf32, #tpu.memory_space<vmem_shared>> -> memref<64x128xf32, #tpu.memory_space<vmem_shared>>
      %dma_start3A_87 = arith.constant 0 : i32
      %dma_start3A_88 = arith.constant 0 : i32
      %dma_start3A_89 = tpu.memref_slice %arg11[%dma_start3A_87, %dma_start3A_88] : memref<128x128xf32, #tpu.memory_space<vmem>> -> memref<64x128xf32, #tpu.memory_space<vmem>>
      tpu.enqueue_dma source(%dma_start3A_89 : memref<64x128xf32, #tpu.memory_space<vmem>>) target(%dma_start3A_86 : memref<64x128xf32, #tpu.memory_space<vmem_shared>>) target_semaphore(%run_scoped3A_79 : memref<!tpu.dma_semaphore, #tpu.memory_space<semaphore_mem>>)
      %dma_wait3A = arith.constant 0 : i32
      %dma_wait3A_90 = arith.constant 0 : i32
      %dma_wait3A_91 = tpu.memref_slice %arg11[%dma_wait3A, %dma_wait3A_90] : memref<128x128xf32, #tpu.memory_space<vmem>> -> memref<64x128xf32, #tpu.memory_space<vmem>>
      %dma_wait3A_92 = arith.constant 0 : i32
      %dma_wait3A_93 = tpu.memref_slice %arg12[%add3A_18, %dma_wait3A_92] : memref<5248x128xf32, #tpu.memory_space<vmem_shared>> -> memref<64x128xf32, #tpu.memory_space<vmem_shared>>
      %dma_wait3A_94 = arith.constant 0 : i32
      %dma_wait3A_95 = tpu.memref_slice %arg12[%add3A_18, %dma_wait3A_94] : memref<5248x128xf32, #tpu.memory_space<vmem_shared>> -> memref<64x128xf32, #tpu.memory_space<vmem_shared>>
      %dma_wait3A_96 = arith.constant 0 : i32
      %dma_wait3A_97 = arith.constant 0 : i32
      %dma_wait3A_98 = tpu.memref_slice %arg11[%dma_wait3A_96, %dma_wait3A_97] : memref<128x128xf32, #tpu.memory_space<vmem>> -> memref<64x128xf32, #tpu.memory_space<vmem>>
      tpu.wait_dma2 semaphore(%run_scoped3A_79 : memref<!tpu.dma_semaphore, #tpu.memory_space<semaphore_mem>>) src(%dma_wait3A_98 : memref<64x128xf32, #tpu.memory_space<vmem>>) dst(%dma_wait3A_95 : memref<64x128xf32, #tpu.memory_space<vmem_shared>>)
      tpu.yield
    }) : () -> ()
    %barrier3A = arith.constant 0 : index
    tpu.barrier barrier_id(%barrier3A)
    %dma_start3A = arith.constant 0 : i32
    %dma_start3A_19 = arith.constant 0 : i32
    %dma_start3A_20 = tpu.memref_slice %arg7[%dma_start3A, %dma_start3A_19] : memref<122x128xi32, #tpu.memory_space<vmem>> -> memref<1x128xi32, #tpu.memory_space<vmem>>
    %dma_start3A_21 = tpu.memref_squeeze %dma_start3A_20 : memref<1x128xi32, #tpu.memory_space<vmem>> -> memref<128xi32, #tpu.memory_space<vmem>>
    %dma_start3A_22 = arith.constant 0 : i32
    %dma_start3A_23 = arith.constant 0 : i32
    %dma_start3A_24 = tpu.memref_slice %arg2[%dma_start3A_22, %dma_start3A_23] : memref<10000x128xf32, #tpu.memory_space<hbm>> -> memref<10000x128xf32, #tpu.memory_space<hbm>>
    tpu.enqueue_indirect_dma source(%dma_start3A_24 : memref<10000x128xf32, #tpu.memory_space<hbm>>) target(%arg9 : memref<128x128xf32, #tpu.memory_space<vmem>>) offsets(%dma_start3A_21 : memref<128xi32, #tpu.memory_space<vmem>>) semaphore(%arg13 : memref<!tpu.dma_semaphore, #tpu.memory_space<semaphore_mem>>)
    %while3A = arith.constant 0 : i32
    %while3A_25 = arith.constant 0 : i32
    %while3A_26 = arith.subi %select_n3A, %while3A : i32
    %while3A_27 = arith.addi %while3A, %while3A_26 : i32
    %while3A_28 = arith.constant 1 : i32
    %while3A_29 = arith.divsi %while3A_26, %while3A_28 : i32
    %while3A_30 = arith.muli %while3A_29, %while3A_28 : i32
    %while3A_31 = arith.addi %while3A, %while3A_30 : i32
    %while3A_32 = arith.constant 1 : i32
    %while3A_33 = scf.for %while3A_79 = %while3A to %while3A_31 step %while3A_32 iter_args(%while3A_80 = %while3A_25) -> (i32)  : i32 {
      %mul3A_81 = arith.constant 2 : i32
      %mul3A_82 = arith.muli %mul3A_81, %while3A_79 : i32
      %dma_wait3A = arith.constant 0 : i32
      %dma_wait3A_83 = tpu.memref_slice %arg7[%mul3A_82, %dma_wait3A] : memref<122x128xi32, #tpu.memory_space<vmem>> -> memref<1x128xi32, #tpu.memory_space<vmem>>
      %dma_wait3A_84 = tpu.memref_squeeze %dma_wait3A_83 : memref<1x128xi32, #tpu.memory_space<vmem>> -> memref<128xi32, #tpu.memory_space<vmem>>
      %dma_wait3A_85 = arith.constant 0 : i32
      %dma_wait3A_86 = arith.constant 0 : i32
      %dma_wait3A_87 = tpu.memref_slice %arg2[%dma_wait3A_85, %dma_wait3A_86] : memref<10000x128xf32, #tpu.memory_space<hbm>> -> memref<10000x128xf32, #tpu.memory_space<hbm>>
      tpu.wait_indirect_dma semaphore(%arg13 : memref<!tpu.dma_semaphore, #tpu.memory_space<semaphore_mem>>) src(%dma_wait3A_87 : memref<10000x128xf32, #tpu.memory_space<hbm>>) dst(%arg9 : memref<128x128xf32, #tpu.memory_space<vmem>>)
      %add3A_88 = arith.constant 1 : i32
      %add3A_89 = arith.addi %mul3A_82, %add3A_88 : i32
      %dma_start3A_90 = arith.constant 0 : i32
      %dma_start3A_91 = tpu.memref_slice %arg7[%add3A_89, %dma_start3A_90] : memref<122x128xi32, #tpu.memory_space<vmem>> -> memref<1x128xi32, #tpu.memory_space<vmem>>
      %dma_start3A_92 = tpu.memref_squeeze %dma_start3A_91 : memref<1x128xi32, #tpu.memory_space<vmem>> -> memref<128xi32, #tpu.memory_space<vmem>>
      %dma_start3A_93 = arith.constant 0 : i32
      %dma_start3A_94 = arith.constant 0 : i32
      %dma_start3A_95 = tpu.memref_slice %arg2[%dma_start3A_93, %dma_start3A_94] : memref<10000x128xf32, #tpu.memory_space<hbm>> -> memref<10000x128xf32, #tpu.memory_space<hbm>>
      tpu.enqueue_indirect_dma source(%dma_start3A_95 : memref<10000x128xf32, #tpu.memory_space<hbm>>) target(%arg10 : memref<128x128xf32, #tpu.memory_space<vmem>>) offsets(%dma_start3A_92 : memref<128xi32, #tpu.memory_space<vmem>>) semaphore(%arg14 : memref<!tpu.dma_semaphore, #tpu.memory_space<semaphore_mem>>)
      "tpu.region"() ({
        %run_scoped3A_109 = tpu.sem_alloc : memref<!tpu.dma_semaphore, #tpu.memory_space<semaphore_mem>>
        %dma_start3A_110 = arith.constant 0 : i32
        %dma_start3A_111 = tpu.memref_slice %arg8[%mul3A_82, %dma_start3A_110] : memref<122x128xi32, #tpu.memory_space<vmem>> -> memref<1x128xi32, #tpu.memory_space<vmem>>
        %dma_start3A_112 = tpu.memref_squeeze %dma_start3A_111 : memref<1x128xi32, #tpu.memory_space<vmem>> -> memref<128xi32, #tpu.memory_space<vmem>>
        %dma_start3A_113 = arith.constant 0 : i32
        %dma_start3A_114 = arith.constant 0 : i32
        %dma_start3A_115 = tpu.memref_slice %arg12[%dma_start3A_113, %dma_start3A_114] : memref<5248x128xf32, #tpu.memory_space<vmem_shared>> -> memref<5248x128xf32, #tpu.memory_space<vmem_shared>>
        tpu.enqueue_indirect_dma source(%arg9 : memref<128x128xf32, #tpu.memory_space<vmem>>) target(%dma_start3A_115 : memref<5248x128xf32, #tpu.memory_space<vmem_shared>>) offsets(%dma_start3A_112 : memref<128xi32, #tpu.memory_space<vmem>>) semaphore(%run_scoped3A_109 : memref<!tpu.dma_semaphore, #tpu.memory_space<semaphore_mem>>) {add = true}
        %dma_wait3A_116 = arith.constant 0 : i32
        %dma_wait3A_117 = tpu.memref_slice %arg8[%mul3A_82, %dma_wait3A_116] : memref<122x128xi32, #tpu.memory_space<vmem>> -> memref<1x128xi32, #tpu.memory_space<vmem>>
        %dma_wait3A_118 = tpu.memref_squeeze %dma_wait3A_117 : memref<1x128xi32, #tpu.memory_space<vmem>> -> memref<128xi32, #tpu.memory_space<vmem>>
        %dma_wait3A_119 = arith.constant 0 : i32
        %dma_wait3A_120 = arith.constant 0 : i32
        %dma_wait3A_121 = tpu.memref_slice %arg12[%dma_wait3A_119, %dma_wait3A_120] : memref<5248x128xf32, #tpu.memory_space<vmem_shared>> -> memref<5248x128xf32, #tpu.memory_space<vmem_shared>>
        tpu.wait_indirect_dma semaphore(%run_scoped3A_109 : memref<!tpu.dma_semaphore, #tpu.memory_space<semaphore_mem>>) src(%arg9 : memref<128x128xf32, #tpu.memory_space<vmem>>) dst(%dma_wait3A_121 : memref<5248x128xf32, #tpu.memory_space<vmem_shared>>)
        tpu.yield
      }) : () -> ()
      %add3A_96 = arith.constant 1 : i32
      %add3A_97 = arith.addi %mul3A_82, %add3A_96 : i32
      %dma_wait3A_98 = arith.constant 0 : i32
      %dma_wait3A_99 = tpu.memref_slice %arg7[%add3A_97, %dma_wait3A_98] : memref<122x128xi32, #tpu.memory_space<vmem>> -> memref<1x128xi32, #tpu.memory_space<vmem>>
      %dma_wait3A_100 = tpu.memref_squeeze %dma_wait3A_99 : memref<1x128xi32, #tpu.memory_space<vmem>> -> memref<128xi32, #tpu.memory_space<vmem>>
      %dma_wait3A_101 = arith.constant 0 : i32
      %dma_wait3A_102 = arith.constant 0 : i32
      %dma_wait3A_103 = tpu.memref_slice %arg2[%dma_wait3A_101, %dma_wait3A_102] : memref<10000x128xf32, #tpu.memory_space<hbm>> -> memref<10000x128xf32, #tpu.memory_space<hbm>>
      tpu.wait_indirect_dma semaphore(%arg14 : memref<!tpu.dma_semaphore, #tpu.memory_space<semaphore_mem>>) src(%dma_wait3A_103 : memref<10000x128xf32, #tpu.memory_space<hbm>>) dst(%arg10 : memref<128x128xf32, #tpu.memory_space<vmem>>)
      %sub3A = arith.constant 1 : i32
      %sub3A_104 = arith.subi %select_n3A, %sub3A : i32
      %lt3A = arith.cmpi slt, %while3A_79, %sub3A_104 : i32
      %convert_element_type3A = arith.extui %lt3A : i1 to i32
      %cond3A = arith.constant 0 : i32
      %cond3A_105 = arith.cmpi ne, %convert_element_type3A, %cond3A : i32
      scf.if %cond3A_105 {
        %add3A_109 = arith.constant 2 : i32
        %add3A_110 = arith.addi %mul3A_82, %add3A_109 : i32
        %dma_start3A_111 = arith.constant 0 : i32
        %dma_start3A_112 = tpu.memref_slice %arg7[%add3A_110, %dma_start3A_111] : memref<122x128xi32, #tpu.memory_space<vmem>> -> memref<1x128xi32, #tpu.memory_space<vmem>>
        %dma_start3A_113 = tpu.memref_squeeze %dma_start3A_112 : memref<1x128xi32, #tpu.memory_space<vmem>> -> memref<128xi32, #tpu.memory_space<vmem>>
        %dma_start3A_114 = arith.constant 0 : i32
        %dma_start3A_115 = arith.constant 0 : i32
        %dma_start3A_116 = tpu.memref_slice %arg2[%dma_start3A_114, %dma_start3A_115] : memref<10000x128xf32, #tpu.memory_space<hbm>> -> memref<10000x128xf32, #tpu.memory_space<hbm>>
        tpu.enqueue_indirect_dma source(%dma_start3A_116 : memref<10000x128xf32, #tpu.memory_space<hbm>>) target(%arg9 : memref<128x128xf32, #tpu.memory_space<vmem>>) offsets(%dma_start3A_113 : memref<128xi32, #tpu.memory_space<vmem>>) semaphore(%arg13 : memref<!tpu.dma_semaphore, #tpu.memory_space<semaphore_mem>>)
      } else {
      }
      %add3A_106 = arith.constant 1 : i32
      %add3A_107 = arith.addi %mul3A_82, %add3A_106 : i32
      "tpu.region"() ({
        %run_scoped3A_109 = tpu.sem_alloc : memref<!tpu.dma_semaphore, #tpu.memory_space<semaphore_mem>>
        %dma_start3A_110 = arith.constant 0 : i32
        %dma_start3A_111 = tpu.memref_slice %arg8[%add3A_107, %dma_start3A_110] : memref<122x128xi32, #tpu.memory_space<vmem>> -> memref<1x128xi32, #tpu.memory_space<vmem>>
        %dma_start3A_112 = tpu.memref_squeeze %dma_start3A_111 : memref<1x128xi32, #tpu.memory_space<vmem>> -> memref<128xi32, #tpu.memory_space<vmem>>
        %dma_start3A_113 = arith.constant 0 : i32
        %dma_start3A_114 = arith.constant 0 : i32
        %dma_start3A_115 = tpu.memref_slice %arg12[%dma_start3A_113, %dma_start3A_114] : memref<5248x128xf32, #tpu.memory_space<vmem_shared>> -> memref<5248x128xf32, #tpu.memory_space<vmem_shared>>
        tpu.enqueue_indirect_dma source(%arg10 : memref<128x128xf32, #tpu.memory_space<vmem>>) target(%dma_start3A_115 : memref<5248x128xf32, #tpu.memory_space<vmem_shared>>) offsets(%dma_start3A_112 : memref<128xi32, #tpu.memory_space<vmem>>) semaphore(%run_scoped3A_109 : memref<!tpu.dma_semaphore, #tpu.memory_space<semaphore_mem>>) {add = true}
        %dma_wait3A_116 = arith.constant 0 : i32
        %dma_wait3A_117 = tpu.memref_slice %arg8[%add3A_107, %dma_wait3A_116] : memref<122x128xi32, #tpu.memory_space<vmem>> -> memref<1x128xi32, #tpu.memory_space<vmem>>
        %dma_wait3A_118 = tpu.memref_squeeze %dma_wait3A_117 : memref<1x128xi32, #tpu.memory_space<vmem>> -> memref<128xi32, #tpu.memory_space<vmem>>
        %dma_wait3A_119 = arith.constant 0 : i32
        %dma_wait3A_120 = arith.constant 0 : i32
        %dma_wait3A_121 = tpu.memref_slice %arg12[%dma_wait3A_119, %dma_wait3A_120] : memref<5248x128xf32, #tpu.memory_space<vmem_shared>> -> memref<5248x128xf32, #tpu.memory_space<vmem_shared>>
        tpu.wait_indirect_dma semaphore(%run_scoped3A_109 : memref<!tpu.dma_semaphore, #tpu.memory_space<semaphore_mem>>) src(%arg10 : memref<128x128xf32, #tpu.memory_space<vmem>>) dst(%dma_wait3A_121 : memref<5248x128xf32, #tpu.memory_space<vmem_shared>>)
        tpu.yield
      }) : () -> ()
      %while3A_108 = arith.constant 0 : i32
      scf.yield %while3A_108 : i32
    }
    %while3A_34 = arith.constant 1 : i32
    %while3A_35 = scf.for %while3A_79 = %while3A_31 to %while3A_27 step %while3A_34 iter_args(%while3A_80 = %while3A_33) -> (i32)  : i32 {
      %mul3A_81 = arith.constant 2 : i32
      %mul3A_82 = arith.muli %mul3A_81, %while3A_79 : i32
      %dma_wait3A = arith.constant 0 : i32
      %dma_wait3A_83 = tpu.memref_slice %arg7[%mul3A_82, %dma_wait3A] : memref<122x128xi32, #tpu.memory_space<vmem>> -> memref<1x128xi32, #tpu.memory_space<vmem>>
      %dma_wait3A_84 = tpu.memref_squeeze %dma_wait3A_83 : memref<1x128xi32, #tpu.memory_space<vmem>> -> memref<128xi32, #tpu.memory_space<vmem>>
      %dma_wait3A_85 = arith.constant 0 : i32
      %dma_wait3A_86 = arith.constant 0 : i32
      %dma_wait3A_87 = tpu.memref_slice %arg2[%dma_wait3A_85, %dma_wait3A_86] : memref<10000x128xf32, #tpu.memory_space<hbm>> -> memref<10000x128xf32, #tpu.memory_space<hbm>>
      tpu.wait_indirect_dma semaphore(%arg13 : memref<!tpu.dma_semaphore, #tpu.memory_space<semaphore_mem>>) src(%dma_wait3A_87 : memref<10000x128xf32, #tpu.memory_space<hbm>>) dst(%arg9 : memref<128x128xf32, #tpu.memory_space<vmem>>)
      %add3A_88 = arith.constant 1 : i32
      %add3A_89 = arith.addi %mul3A_82, %add3A_88 : i32
      %dma_start3A_90 = arith.constant 0 : i32
      %dma_start3A_91 = tpu.memref_slice %arg7[%add3A_89, %dma_start3A_90] : memref<122x128xi32, #tpu.memory_space<vmem>> -> memref<1x128xi32, #tpu.memory_space<vmem>>
      %dma_start3A_92 = tpu.memref_squeeze %dma_start3A_91 : memref<1x128xi32, #tpu.memory_space<vmem>> -> memref<128xi32, #tpu.memory_space<vmem>>
      %dma_start3A_93 = arith.constant 0 : i32
      %dma_start3A_94 = arith.constant 0 : i32
      %dma_start3A_95 = tpu.memref_slice %arg2[%dma_start3A_93, %dma_start3A_94] : memref<10000x128xf32, #tpu.memory_space<hbm>> -> memref<10000x128xf32, #tpu.memory_space<hbm>>
      tpu.enqueue_indirect_dma source(%dma_start3A_95 : memref<10000x128xf32, #tpu.memory_space<hbm>>) target(%arg10 : memref<128x128xf32, #tpu.memory_space<vmem>>) offsets(%dma_start3A_92 : memref<128xi32, #tpu.memory_space<vmem>>) semaphore(%arg14 : memref<!tpu.dma_semaphore, #tpu.memory_space<semaphore_mem>>)
      "tpu.region"() ({
        %run_scoped3A_109 = tpu.sem_alloc : memref<!tpu.dma_semaphore, #tpu.memory_space<semaphore_mem>>
        %dma_start3A_110 = arith.constant 0 : i32
        %dma_start3A_111 = tpu.memref_slice %arg8[%mul3A_82, %dma_start3A_110] : memref<122x128xi32, #tpu.memory_space<vmem>> -> memref<1x128xi32, #tpu.memory_space<vmem>>
        %dma_start3A_112 = tpu.memref_squeeze %dma_start3A_111 : memref<1x128xi32, #tpu.memory_space<vmem>> -> memref<128xi32, #tpu.memory_space<vmem>>
        %dma_start3A_113 = arith.constant 0 : i32
        %dma_start3A_114 = arith.constant 0 : i32
        %dma_start3A_115 = tpu.memref_slice %arg12[%dma_start3A_113, %dma_start3A_114] : memref<5248x128xf32, #tpu.memory_space<vmem_shared>> -> memref<5248x128xf32, #tpu.memory_space<vmem_shared>>
        tpu.enqueue_indirect_dma source(%arg9 : memref<128x128xf32, #tpu.memory_space<vmem>>) target(%dma_start3A_115 : memref<5248x128xf32, #tpu.memory_space<vmem_shared>>) offsets(%dma_start3A_112 : memref<128xi32, #tpu.memory_space<vmem>>) semaphore(%run_scoped3A_109 : memref<!tpu.dma_semaphore, #tpu.memory_space<semaphore_mem>>) {add = true}
        %dma_wait3A_116 = arith.constant 0 : i32
        %dma_wait3A_117 = tpu.memref_slice %arg8[%mul3A_82, %dma_wait3A_116] : memref<122x128xi32, #tpu.memory_space<vmem>> -> memref<1x128xi32, #tpu.memory_space<vmem>>
        %dma_wait3A_118 = tpu.memref_squeeze %dma_wait3A_117 : memref<1x128xi32, #tpu.memory_space<vmem>> -> memref<128xi32, #tpu.memory_space<vmem>>
        %dma_wait3A_119 = arith.constant 0 : i32
        %dma_wait3A_120 = arith.constant 0 : i32
        %dma_wait3A_121 = tpu.memref_slice %arg12[%dma_wait3A_119, %dma_wait3A_120] : memref<5248x128xf32, #tpu.memory_space<vmem_shared>> -> memref<5248x128xf32, #tpu.memory_space<vmem_shared>>
        tpu.wait_indirect_dma semaphore(%run_scoped3A_109 : memref<!tpu.dma_semaphore, #tpu.memory_space<semaphore_mem>>) src(%arg9 : memref<128x128xf32, #tpu.memory_space<vmem>>) dst(%dma_wait3A_121 : memref<5248x128xf32, #tpu.memory_space<vmem_shared>>)
        tpu.yield
      }) : () -> ()
      %add3A_96 = arith.constant 1 : i32
      %add3A_97 = arith.addi %mul3A_82, %add3A_96 : i32
      %dma_wait3A_98 = arith.constant 0 : i32
      %dma_wait3A_99 = tpu.memref_slice %arg7[%add3A_97, %dma_wait3A_98] : memref<122x128xi32, #tpu.memory_space<vmem>> -> memref<1x128xi32, #tpu.memory_space<vmem>>
      %dma_wait3A_100 = tpu.memref_squeeze %dma_wait3A_99 : memref<1x128xi32, #tpu.memory_space<vmem>> -> memref<128xi32, #tpu.memory_space<vmem>>
      %dma_wait3A_101 = arith.constant 0 : i32
      %dma_wait3A_102 = arith.constant 0 : i32
      %dma_wait3A_103 = tpu.memref_slice %arg2[%dma_wait3A_101, %dma_wait3A_102] : memref<10000x128xf32, #tpu.memory_space<hbm>> -> memref<10000x128xf32, #tpu.memory_space<hbm>>
      tpu.wait_indirect_dma semaphore(%arg14 : memref<!tpu.dma_semaphore, #tpu.memory_space<semaphore_mem>>) src(%dma_wait3A_103 : memref<10000x128xf32, #tpu.memory_space<hbm>>) dst(%arg10 : memref<128x128xf32, #tpu.memory_space<vmem>>)
      %sub3A = arith.constant 1 : i32
      %sub3A_104 = arith.subi %select_n3A, %sub3A : i32
      %lt3A = arith.cmpi slt, %while3A_79, %sub3A_104 : i32
      %convert_element_type3A = arith.extui %lt3A : i1 to i32
      %cond3A = arith.constant 0 : i32
      %cond3A_105 = arith.cmpi ne, %convert_element_type3A, %cond3A : i32
      scf.if %cond3A_105 {
        %add3A_109 = arith.constant 2 : i32
        %add3A_110 = arith.addi %mul3A_82, %add3A_109 : i32
        %dma_start3A_111 = arith.constant 0 : i32
        %dma_start3A_112 = tpu.memref_slice %arg7[%add3A_110, %dma_start3A_111] : memref<122x128xi32, #tpu.memory_space<vmem>> -> memref<1x128xi32, #tpu.memory_space<vmem>>
        %dma_start3A_113 = tpu.memref_squeeze %dma_start3A_112 : memref<1x128xi32, #tpu.memory_space<vmem>> -> memref<128xi32, #tpu.memory_space<vmem>>
        %dma_start3A_114 = arith.constant 0 : i32
        %dma_start3A_115 = arith.constant 0 : i32
        %dma_start3A_116 = tpu.memref_slice %arg2[%dma_start3A_114, %dma_start3A_115] : memref<10000x128xf32, #tpu.memory_space<hbm>> -> memref<10000x128xf32, #tpu.memory_space<hbm>>
        tpu.enqueue_indirect_dma source(%dma_start3A_116 : memref<10000x128xf32, #tpu.memory_space<hbm>>) target(%arg9 : memref<128x128xf32, #tpu.memory_space<vmem>>) offsets(%dma_start3A_113 : memref<128xi32, #tpu.memory_space<vmem>>) semaphore(%arg13 : memref<!tpu.dma_semaphore, #tpu.memory_space<semaphore_mem>>)
      } else {
      }
      %add3A_106 = arith.constant 1 : i32
      %add3A_107 = arith.addi %mul3A_82, %add3A_106 : i32
      "tpu.region"() ({
        %run_scoped3A_109 = tpu.sem_alloc : memref<!tpu.dma_semaphore, #tpu.memory_space<semaphore_mem>>
        %dma_start3A_110 = arith.constant 0 : i32
        %dma_start3A_111 = tpu.memref_slice %arg8[%add3A_107, %dma_start3A_110] : memref<122x128xi32, #tpu.memory_space<vmem>> -> memref<1x128xi32, #tpu.memory_space<vmem>>
        %dma_start3A_112 = tpu.memref_squeeze %dma_start3A_111 : memref<1x128xi32, #tpu.memory_space<vmem>> -> memref<128xi32, #tpu.memory_space<vmem>>
        %dma_start3A_113 = arith.constant 0 : i32
        %dma_start3A_114 = arith.constant 0 : i32
        %dma_start3A_115 = tpu.memref_slice %arg12[%dma_start3A_113, %dma_start3A_114] : memref<5248x128xf32, #tpu.memory_space<vmem_shared>> -> memref<5248x128xf32, #tpu.memory_space<vmem_shared>>
        tpu.enqueue_indirect_dma source(%arg10 : memref<128x128xf32, #tpu.memory_space<vmem>>) target(%dma_start3A_115 : memref<5248x128xf32, #tpu.memory_space<vmem_shared>>) offsets(%dma_start3A_112 : memref<128xi32, #tpu.memory_space<vmem>>) semaphore(%run_scoped3A_109 : memref<!tpu.dma_semaphore, #tpu.memory_space<semaphore_mem>>) {add = true}
        %dma_wait3A_116 = arith.constant 0 : i32
        %dma_wait3A_117 = tpu.memref_slice %arg8[%add3A_107, %dma_wait3A_116] : memref<122x128xi32, #tpu.memory_space<vmem>> -> memref<1x128xi32, #tpu.memory_space<vmem>>
        %dma_wait3A_118 = tpu.memref_squeeze %dma_wait3A_117 : memref<1x128xi32, #tpu.memory_space<vmem>> -> memref<128xi32, #tpu.memory_space<vmem>>
        %dma_wait3A_119 = arith.constant 0 : i32
        %dma_wait3A_120 = arith.constant 0 : i32
        %dma_wait3A_121 = tpu.memref_slice %arg12[%dma_wait3A_119, %dma_wait3A_120] : memref<5248x128xf32, #tpu.memory_space<vmem_shared>> -> memref<5248x128xf32, #tpu.memory_space<vmem_shared>>
        tpu.wait_indirect_dma semaphore(%run_scoped3A_109 : memref<!tpu.dma_semaphore, #tpu.memory_space<semaphore_mem>>) src(%arg10 : memref<128x128xf32, #tpu.memory_space<vmem>>) dst(%dma_wait3A_121 : memref<5248x128xf32, #tpu.memory_space<vmem_shared>>)
        tpu.yield
      }) : () -> ()
      %while3A_108 = arith.constant 0 : i32
      scf.yield %while3A_108 : i32
    }
    %barrier3A_36 = arith.constant 0 : index
    tpu.barrier barrier_id(%barrier3A_36)
    %mul3A_37 = arith.constant 320 : i32
    %mul3A_38 = arith.muli %arg1, %mul3A_37 : i32
    %mul3A_39 = arith.constant 320 : i32
    %mul3A_40 = arith.muli %arg1, %mul3A_39 : i32
    %run_scoped3A = arith.constant 0 : i32
    "tpu.region"() ({
      %run_scoped3A_79 = tpu.sem_alloc : memref<!tpu.dma_semaphore, #tpu.memory_space<semaphore_mem>>
      %dma_start3A_80 = arith.constant 0 : i32
      %dma_start3A_81 = tpu.memref_slice %arg6[%arg0, %run_scoped3A, %mul3A_40, %dma_start3A_80] : memref<2x2x5120x128xf32, #tpu.memory_space<hbm>> -> memref<1x1x320x128xf32, #tpu.memory_space<hbm>>
      %dma_start3A_82 = tpu.memref_squeeze %dma_start3A_81 : memref<1x1x320x128xf32, #tpu.memory_space<hbm>> -> memref<320x128xf32, #tpu.memory_space<hbm>>
      %dma_start3A_83 = arith.constant 0 : i32
      %dma_start3A_84 = tpu.memref_slice %arg12[%mul3A_38, %dma_start3A_83] : memref<5248x128xf32, #tpu.memory_space<vmem_shared>> -> memref<320x128xf32, #tpu.memory_space<vmem_shared>>
      tpu.enqueue_dma source(%dma_start3A_84 : memref<320x128xf32, #tpu.memory_space<vmem_shared>>) target(%dma_start3A_82 : memref<320x128xf32, #tpu.memory_space<hbm>>) target_semaphore(%run_scoped3A_79 : memref<!tpu.dma_semaphore, #tpu.memory_space<semaphore_mem>>)
      %dma_wait3A = arith.constant 0 : i32
      %dma_wait3A_85 = tpu.memref_slice %arg6[%arg0, %run_scoped3A, %mul3A_40, %dma_wait3A] : memref<2x2x5120x128xf32, #tpu.memory_space<hbm>> -> memref<1x1x320x128xf32, #tpu.memory_space<hbm>>
      %dma_wait3A_86 = tpu.memref_squeeze %dma_wait3A_85 : memref<1x1x320x128xf32, #tpu.memory_space<hbm>> -> memref<320x128xf32, #tpu.memory_space<hbm>>
      %dma_wait3A_87 = arith.constant 0 : i32
      %dma_wait3A_88 = tpu.memref_slice %arg12[%mul3A_38, %dma_wait3A_87] : memref<5248x128xf32, #tpu.memory_space<vmem_shared>> -> memref<320x128xf32, #tpu.memory_space<vmem_shared>>
      tpu.wait_dma2 semaphore(%run_scoped3A_79 : memref<!tpu.dma_semaphore, #tpu.memory_space<semaphore_mem>>) src(%dma_wait3A_88 : memref<320x128xf32, #tpu.memory_space<vmem_shared>>) dst(%dma_wait3A_86 : memref<320x128xf32, #tpu.memory_space<hbm>>)
      tpu.yield
    }) : () -> ()
    %barrier3A_41 = arith.constant 0 : index
    tpu.barrier barrier_id(%barrier3A_41)
    "tpu.region"() ({
      %run_scoped3A_79 = tpu.sem_alloc : memref<!tpu.dma_semaphore, #tpu.memory_space<semaphore_mem>>
      %dma_start3A_80 = arith.constant 0 : i32
      %dma_start3A_81 = arith.constant 0 : i32
      %dma_start3A_82 = tpu.memref_slice %arg5[%add3A, %dma_start3A_80, %dma_start3A_81] : memref<32x122x128xi32, #tpu.memory_space<hbm>> -> memref<1x122x128xi32, #tpu.memory_space<hbm>>
      %dma_start3A_83 = tpu.memref_squeeze %dma_start3A_82 : memref<1x122x128xi32, #tpu.memory_space<hbm>> -> memref<122x128xi32, #tpu.memory_space<hbm>>
      %dma_start3A_84 = arith.constant 0 : i32
      %dma_start3A_85 = arith.constant 0 : i32
      %dma_start3A_86 = tpu.memref_slice %arg5[%add3A, %dma_start3A_84, %dma_start3A_85] : memref<32x122x128xi32, #tpu.memory_space<hbm>> -> memref<1x122x128xi32, #tpu.memory_space<hbm>>
      %dma_start3A_87 = tpu.memref_squeeze %dma_start3A_86 : memref<1x122x128xi32, #tpu.memory_space<hbm>> -> memref<122x128xi32, #tpu.memory_space<hbm>>
      tpu.enqueue_dma source(%dma_start3A_87 : memref<122x128xi32, #tpu.memory_space<hbm>>) target(%arg8 : memref<122x128xi32, #tpu.memory_space<vmem>>) target_semaphore(%run_scoped3A_79 : memref<!tpu.dma_semaphore, #tpu.memory_space<semaphore_mem>>)
      %dma_wait3A = arith.constant 0 : i32
      %dma_wait3A_88 = arith.constant 0 : i32
      %dma_wait3A_89 = tpu.memref_slice %arg5[%add3A, %dma_wait3A, %dma_wait3A_88] : memref<32x122x128xi32, #tpu.memory_space<hbm>> -> memref<1x122x128xi32, #tpu.memory_space<hbm>>
      %dma_wait3A_90 = tpu.memref_squeeze %dma_wait3A_89 : memref<1x122x128xi32, #tpu.memory_space<hbm>> -> memref<122x128xi32, #tpu.memory_space<hbm>>
      %dma_wait3A_91 = arith.constant 0 : i32
      %dma_wait3A_92 = arith.constant 0 : i32
      %dma_wait3A_93 = tpu.memref_slice %arg5[%add3A, %dma_wait3A_91, %dma_wait3A_92] : memref<32x122x128xi32, #tpu.memory_space<hbm>> -> memref<1x122x128xi32, #tpu.memory_space<hbm>>
      %dma_wait3A_94 = tpu.memref_squeeze %dma_wait3A_93 : memref<1x122x128xi32, #tpu.memory_space<hbm>> -> memref<122x128xi32, #tpu.memory_space<hbm>>
      tpu.wait_dma2 semaphore(%run_scoped3A_79 : memref<!tpu.dma_semaphore, #tpu.memory_space<semaphore_mem>>) src(%dma_wait3A_94 : memref<122x128xi32, #tpu.memory_space<hbm>>) dst(%arg8 : memref<122x128xi32, #tpu.memory_space<vmem>>)
      tpu.yield
    }) : () -> ()
    %mul3A_42 = arith.constant 320 : i32
    %mul3A_43 = arith.muli %arg1, %mul3A_42 : i32
    "tpu.region"() ({
      %run_scoped3A_79 = tpu.sem_alloc : memref<!tpu.dma_semaphore, #tpu.memory_space<semaphore_mem>>
      %dma_start3A_80 = arith.constant 0 : i32
      %dma_start3A_81 = tpu.memref_slice %arg12[%mul3A_43, %dma_start3A_80] : memref<5248x128xf32, #tpu.memory_space<vmem_shared>> -> memref<128x128xf32, #tpu.memory_space<vmem_shared>>
      %dma_start3A_82 = arith.constant 0 : i32
      %dma_start3A_83 = tpu.memref_slice %arg12[%mul3A_43, %dma_start3A_82] : memref<5248x128xf32, #tpu.memory_space<vmem_shared>> -> memref<128x128xf32, #tpu.memory_space<vmem_shared>>
      tpu.enqueue_dma source(%arg11 : memref<128x128xf32, #tpu.memory_space<vmem>>) target(%dma_start3A_83 : memref<128x128xf32, #tpu.memory_space<vmem_shared>>) target_semaphore(%run_scoped3A_79 : memref<!tpu.dma_semaphore, #tpu.memory_space<semaphore_mem>>)
      %dma_wait3A = arith.constant 0 : i32
      %dma_wait3A_84 = tpu.memref_slice %arg12[%mul3A_43, %dma_wait3A] : memref<5248x128xf32, #tpu.memory_space<vmem_shared>> -> memref<128x128xf32, #tpu.memory_space<vmem_shared>>
      %dma_wait3A_85 = arith.constant 0 : i32
      %dma_wait3A_86 = tpu.memref_slice %arg12[%mul3A_43, %dma_wait3A_85] : memref<5248x128xf32, #tpu.memory_space<vmem_shared>> -> memref<128x128xf32, #tpu.memory_space<vmem_shared>>
      tpu.wait_dma2 semaphore(%run_scoped3A_79 : memref<!tpu.dma_semaphore, #tpu.memory_space<semaphore_mem>>) src(%arg11 : memref<128x128xf32, #tpu.memory_space<vmem>>) dst(%dma_wait3A_86 : memref<128x128xf32, #tpu.memory_space<vmem_shared>>)
      tpu.yield
    }) : () -> ()
    %mul3A_44 = arith.constant 320 : i32
    %mul3A_45 = arith.muli %arg1, %mul3A_44 : i32
    %add3A_46 = arith.constant 128 : i32
    %add3A_47 = arith.addi %mul3A_45, %add3A_46 : i32
    "tpu.region"() ({
      %run_scoped3A_79 = tpu.sem_alloc : memref<!tpu.dma_semaphore, #tpu.memory_space<semaphore_mem>>
      %dma_start3A_80 = arith.constant 0 : i32
      %dma_start3A_81 = tpu.memref_slice %arg12[%add3A_47, %dma_start3A_80] : memref<5248x128xf32, #tpu.memory_space<vmem_shared>> -> memref<128x128xf32, #tpu.memory_space<vmem_shared>>
      %dma_start3A_82 = arith.constant 0 : i32
      %dma_start3A_83 = tpu.memref_slice %arg12[%add3A_47, %dma_start3A_82] : memref<5248x128xf32, #tpu.memory_space<vmem_shared>> -> memref<128x128xf32, #tpu.memory_space<vmem_shared>>
      tpu.enqueue_dma source(%arg11 : memref<128x128xf32, #tpu.memory_space<vmem>>) target(%dma_start3A_83 : memref<128x128xf32, #tpu.memory_space<vmem_shared>>) target_semaphore(%run_scoped3A_79 : memref<!tpu.dma_semaphore, #tpu.memory_space<semaphore_mem>>)
      %dma_wait3A = arith.constant 0 : i32
      %dma_wait3A_84 = tpu.memref_slice %arg12[%add3A_47, %dma_wait3A] : memref<5248x128xf32, #tpu.memory_space<vmem_shared>> -> memref<128x128xf32, #tpu.memory_space<vmem_shared>>
      %dma_wait3A_85 = arith.constant 0 : i32
      %dma_wait3A_86 = tpu.memref_slice %arg12[%add3A_47, %dma_wait3A_85] : memref<5248x128xf32, #tpu.memory_space<vmem_shared>> -> memref<128x128xf32, #tpu.memory_space<vmem_shared>>
      tpu.wait_dma2 semaphore(%run_scoped3A_79 : memref<!tpu.dma_semaphore, #tpu.memory_space<semaphore_mem>>) src(%arg11 : memref<128x128xf32, #tpu.memory_space<vmem>>) dst(%dma_wait3A_86 : memref<128x128xf32, #tpu.memory_space<vmem_shared>>)
      tpu.yield
    }) : () -> ()
    %mul3A_48 = arith.constant 320 : i32
    %mul3A_49 = arith.muli %arg1, %mul3A_48 : i32
    %add3A_50 = arith.constant 256 : i32
    %add3A_51 = arith.addi %mul3A_49, %add3A_50 : i32
    "tpu.region"() ({
      %run_scoped3A_79 = tpu.sem_alloc : memref<!tpu.dma_semaphore, #tpu.memory_space<semaphore_mem>>
      %dma_start3A_80 = arith.constant 0 : i32
      %dma_start3A_81 = arith.constant 0 : i32
      %dma_start3A_82 = tpu.memref_slice %arg11[%dma_start3A_80, %dma_start3A_81] : memref<128x128xf32, #tpu.memory_space<vmem>> -> memref<64x128xf32, #tpu.memory_space<vmem>>
      %dma_start3A_83 = arith.constant 0 : i32
      %dma_start3A_84 = tpu.memref_slice %arg12[%add3A_51, %dma_start3A_83] : memref<5248x128xf32, #tpu.memory_space<vmem_shared>> -> memref<64x128xf32, #tpu.memory_space<vmem_shared>>
      %dma_start3A_85 = arith.constant 0 : i32
      %dma_start3A_86 = tpu.memref_slice %arg12[%add3A_51, %dma_start3A_85] : memref<5248x128xf32, #tpu.memory_space<vmem_shared>> -> memref<64x128xf32, #tpu.memory_space<vmem_shared>>
      %dma_start3A_87 = arith.constant 0 : i32
      %dma_start3A_88 = arith.constant 0 : i32
      %dma_start3A_89 = tpu.memref_slice %arg11[%dma_start3A_87, %dma_start3A_88] : memref<128x128xf32, #tpu.memory_space<vmem>> -> memref<64x128xf32, #tpu.memory_space<vmem>>
      tpu.enqueue_dma source(%dma_start3A_89 : memref<64x128xf32, #tpu.memory_space<vmem>>) target(%dma_start3A_86 : memref<64x128xf32, #tpu.memory_space<vmem_shared>>) target_semaphore(%run_scoped3A_79 : memref<!tpu.dma_semaphore, #tpu.memory_space<semaphore_mem>>)
      %dma_wait3A = arith.constant 0 : i32
      %dma_wait3A_90 = arith.constant 0 : i32
      %dma_wait3A_91 = tpu.memref_slice %arg11[%dma_wait3A, %dma_wait3A_90] : memref<128x128xf32, #tpu.memory_space<vmem>> -> memref<64x128xf32, #tpu.memory_space<vmem>>
      %dma_wait3A_92 = arith.constant 0 : i32
      %dma_wait3A_93 = tpu.memref_slice %arg12[%add3A_51, %dma_wait3A_92] : memref<5248x128xf32, #tpu.memory_space<vmem_shared>> -> memref<64x128xf32, #tpu.memory_space<vmem_shared>>
      %dma_wait3A_94 = arith.constant 0 : i32
      %dma_wait3A_95 = tpu.memref_slice %arg12[%add3A_51, %dma_wait3A_94] : memref<5248x128xf32, #tpu.memory_space<vmem_shared>> -> memref<64x128xf32, #tpu.memory_space<vmem_shared>>
      %dma_wait3A_96 = arith.constant 0 : i32
      %dma_wait3A_97 = arith.constant 0 : i32
      %dma_wait3A_98 = tpu.memref_slice %arg11[%dma_wait3A_96, %dma_wait3A_97] : memref<128x128xf32, #tpu.memory_space<vmem>> -> memref<64x128xf32, #tpu.memory_space<vmem>>
      tpu.wait_dma2 semaphore(%run_scoped3A_79 : memref<!tpu.dma_semaphore, #tpu.memory_space<semaphore_mem>>) src(%dma_wait3A_98 : memref<64x128xf32, #tpu.memory_space<vmem>>) dst(%dma_wait3A_95 : memref<64x128xf32, #tpu.memory_space<vmem_shared>>)
      tpu.yield
    }) : () -> ()
    %barrier3A_52 = arith.constant 0 : index
    tpu.barrier barrier_id(%barrier3A_52)
    %dma_start3A_53 = arith.constant 0 : i32
    %dma_start3A_54 = arith.constant 0 : i32
    %dma_start3A_55 = tpu.memref_slice %arg7[%dma_start3A_53, %dma_start3A_54] : memref<122x128xi32, #tpu.memory_space<vmem>> -> memref<1x128xi32, #tpu.memory_space<vmem>>
    %dma_start3A_56 = tpu.memref_squeeze %dma_start3A_55 : memref<1x128xi32, #tpu.memory_space<vmem>> -> memref<128xi32, #tpu.memory_space<vmem>>
    %dma_start3A_57 = arith.constant 0 : i32
    %dma_start3A_58 = arith.constant 0 : i32
    %dma_start3A_59 = tpu.memref_slice %arg2[%dma_start3A_57, %dma_start3A_58] : memref<10000x128xf32, #tpu.memory_space<hbm>> -> memref<10000x128xf32, #tpu.memory_space<hbm>>
    tpu.enqueue_indirect_dma source(%dma_start3A_59 : memref<10000x128xf32, #tpu.memory_space<hbm>>) target(%arg9 : memref<128x128xf32, #tpu.memory_space<vmem>>) offsets(%dma_start3A_56 : memref<128xi32, #tpu.memory_space<vmem>>) semaphore(%arg13 : memref<!tpu.dma_semaphore, #tpu.memory_space<semaphore_mem>>)
    %while3A_60 = arith.constant 0 : i32
    %while3A_61 = arith.constant 0 : i32
    %while3A_62 = arith.subi %select_n3A, %while3A_60 : i32
    %while3A_63 = arith.addi %while3A_60, %while3A_62 : i32
    %while3A_64 = arith.constant 1 : i32
    %while3A_65 = arith.divsi %while3A_62, %while3A_64 : i32
    %while3A_66 = arith.muli %while3A_65, %while3A_64 : i32
    %while3A_67 = arith.addi %while3A_60, %while3A_66 : i32
    %while3A_68 = arith.constant 1 : i32
    %while3A_69 = scf.for %while3A_79 = %while3A_60 to %while3A_67 step %while3A_68 iter_args(%while3A_80 = %while3A_61) -> (i32)  : i32 {
      %mul3A_81 = arith.constant 2 : i32
      %mul3A_82 = arith.muli %mul3A_81, %while3A_79 : i32
      %dma_wait3A = arith.constant 0 : i32
      %dma_wait3A_83 = tpu.memref_slice %arg7[%mul3A_82, %dma_wait3A] : memref<122x128xi32, #tpu.memory_space<vmem>> -> memref<1x128xi32, #tpu.memory_space<vmem>>
      %dma_wait3A_84 = tpu.memref_squeeze %dma_wait3A_83 : memref<1x128xi32, #tpu.memory_space<vmem>> -> memref<128xi32, #tpu.memory_space<vmem>>
      %dma_wait3A_85 = arith.constant 0 : i32
      %dma_wait3A_86 = arith.constant 0 : i32
      %dma_wait3A_87 = tpu.memref_slice %arg2[%dma_wait3A_85, %dma_wait3A_86] : memref<10000x128xf32, #tpu.memory_space<hbm>> -> memref<10000x128xf32, #tpu.memory_space<hbm>>
      tpu.wait_indirect_dma semaphore(%arg13 : memref<!tpu.dma_semaphore, #tpu.memory_space<semaphore_mem>>) src(%dma_wait3A_87 : memref<10000x128xf32, #tpu.memory_space<hbm>>) dst(%arg9 : memref<128x128xf32, #tpu.memory_space<vmem>>)
      %add3A_88 = arith.constant 1 : i32
      %add3A_89 = arith.addi %mul3A_82, %add3A_88 : i32
      %dma_start3A_90 = arith.constant 0 : i32
      %dma_start3A_91 = tpu.memref_slice %arg7[%add3A_89, %dma_start3A_90] : memref<122x128xi32, #tpu.memory_space<vmem>> -> memref<1x128xi32, #tpu.memory_space<vmem>>
      %dma_start3A_92 = tpu.memref_squeeze %dma_start3A_91 : memref<1x128xi32, #tpu.memory_space<vmem>> -> memref<128xi32, #tpu.memory_space<vmem>>
      %dma_start3A_93 = arith.constant 0 : i32
      %dma_start3A_94 = arith.constant 0 : i32
      %dma_start3A_95 = tpu.memref_slice %arg2[%dma_start3A_93, %dma_start3A_94] : memref<10000x128xf32, #tpu.memory_space<hbm>> -> memref<10000x128xf32, #tpu.memory_space<hbm>>
      tpu.enqueue_indirect_dma source(%dma_start3A_95 : memref<10000x128xf32, #tpu.memory_space<hbm>>) target(%arg10 : memref<128x128xf32, #tpu.memory_space<vmem>>) offsets(%dma_start3A_92 : memref<128xi32, #tpu.memory_space<vmem>>) semaphore(%arg14 : memref<!tpu.dma_semaphore, #tpu.memory_space<semaphore_mem>>)
      "tpu.region"() ({
        %run_scoped3A_109 = tpu.sem_alloc : memref<!tpu.dma_semaphore, #tpu.memory_space<semaphore_mem>>
        %dma_start3A_110 = arith.constant 0 : i32
        %dma_start3A_111 = tpu.memref_slice %arg8[%mul3A_82, %dma_start3A_110] : memref<122x128xi32, #tpu.memory_space<vmem>> -> memref<1x128xi32, #tpu.memory_space<vmem>>
        %dma_start3A_112 = tpu.memref_squeeze %dma_start3A_111 : memref<1x128xi32, #tpu.memory_space<vmem>> -> memref<128xi32, #tpu.memory_space<vmem>>
        %dma_start3A_113 = arith.constant 0 : i32
        %dma_start3A_114 = arith.constant 0 : i32
        %dma_start3A_115 = tpu.memref_slice %arg12[%dma_start3A_113, %dma_start3A_114] : memref<5248x128xf32, #tpu.memory_space<vmem_shared>> -> memref<5248x128xf32, #tpu.memory_space<vmem_shared>>
        tpu.enqueue_indirect_dma source(%arg9 : memref<128x128xf32, #tpu.memory_space<vmem>>) target(%dma_start3A_115 : memref<5248x128xf32, #tpu.memory_space<vmem_shared>>) offsets(%dma_start3A_112 : memref<128xi32, #tpu.memory_space<vmem>>) semaphore(%run_scoped3A_109 : memref<!tpu.dma_semaphore, #tpu.memory_space<semaphore_mem>>) {add = true}
        %dma_wait3A_116 = arith.constant 0 : i32
        %dma_wait3A_117 = tpu.memref_slice %arg8[%mul3A_82, %dma_wait3A_116] : memref<122x128xi32, #tpu.memory_space<vmem>> -> memref<1x128xi32, #tpu.memory_space<vmem>>
        %dma_wait3A_118 = tpu.memref_squeeze %dma_wait3A_117 : memref<1x128xi32, #tpu.memory_space<vmem>> -> memref<128xi32, #tpu.memory_space<vmem>>
        %dma_wait3A_119 = arith.constant 0 : i32
        %dma_wait3A_120 = arith.constant 0 : i32
        %dma_wait3A_121 = tpu.memref_slice %arg12[%dma_wait3A_119, %dma_wait3A_120] : memref<5248x128xf32, #tpu.memory_space<vmem_shared>> -> memref<5248x128xf32, #tpu.memory_space<vmem_shared>>
        tpu.wait_indirect_dma semaphore(%run_scoped3A_109 : memref<!tpu.dma_semaphore, #tpu.memory_space<semaphore_mem>>) src(%arg9 : memref<128x128xf32, #tpu.memory_space<vmem>>) dst(%dma_wait3A_121 : memref<5248x128xf32, #tpu.memory_space<vmem_shared>>)
        tpu.yield
      }) : () -> ()
      %add3A_96 = arith.constant 1 : i32
      %add3A_97 = arith.addi %mul3A_82, %add3A_96 : i32
      %dma_wait3A_98 = arith.constant 0 : i32
      %dma_wait3A_99 = tpu.memref_slice %arg7[%add3A_97, %dma_wait3A_98] : memref<122x128xi32, #tpu.memory_space<vmem>> -> memref<1x128xi32, #tpu.memory_space<vmem>>
      %dma_wait3A_100 = tpu.memref_squeeze %dma_wait3A_99 : memref<1x128xi32, #tpu.memory_space<vmem>> -> memref<128xi32, #tpu.memory_space<vmem>>
      %dma_wait3A_101 = arith.constant 0 : i32
      %dma_wait3A_102 = arith.constant 0 : i32
      %dma_wait3A_103 = tpu.memref_slice %arg2[%dma_wait3A_101, %dma_wait3A_102] : memref<10000x128xf32, #tpu.memory_space<hbm>> -> memref<10000x128xf32, #tpu.memory_space<hbm>>
      tpu.wait_indirect_dma semaphore(%arg14 : memref<!tpu.dma_semaphore, #tpu.memory_space<semaphore_mem>>) src(%dma_wait3A_103 : memref<10000x128xf32, #tpu.memory_space<hbm>>) dst(%arg10 : memref<128x128xf32, #tpu.memory_space<vmem>>)
      %sub3A = arith.constant 1 : i32
      %sub3A_104 = arith.subi %select_n3A, %sub3A : i32
      %lt3A = arith.cmpi slt, %while3A_79, %sub3A_104 : i32
      %convert_element_type3A = arith.extui %lt3A : i1 to i32
      %cond3A = arith.constant 0 : i32
      %cond3A_105 = arith.cmpi ne, %convert_element_type3A, %cond3A : i32
      scf.if %cond3A_105 {
        %add3A_109 = arith.constant 2 : i32
        %add3A_110 = arith.addi %mul3A_82, %add3A_109 : i32
        %dma_start3A_111 = arith.constant 0 : i32
        %dma_start3A_112 = tpu.memref_slice %arg7[%add3A_110, %dma_start3A_111] : memref<122x128xi32, #tpu.memory_space<vmem>> -> memref<1x128xi32, #tpu.memory_space<vmem>>
        %dma_start3A_113 = tpu.memref_squeeze %dma_start3A_112 : memref<1x128xi32, #tpu.memory_space<vmem>> -> memref<128xi32, #tpu.memory_space<vmem>>
        %dma_start3A_114 = arith.constant 0 : i32
        %dma_start3A_115 = arith.constant 0 : i32
        %dma_start3A_116 = tpu.memref_slice %arg2[%dma_start3A_114, %dma_start3A_115] : memref<10000x128xf32, #tpu.memory_space<hbm>> -> memref<10000x128xf32, #tpu.memory_space<hbm>>
        tpu.enqueue_indirect_dma source(%dma_start3A_116 : memref<10000x128xf32, #tpu.memory_space<hbm>>) target(%arg9 : memref<128x128xf32, #tpu.memory_space<vmem>>) offsets(%dma_start3A_113 : memref<128xi32, #tpu.memory_space<vmem>>) semaphore(%arg13 : memref<!tpu.dma_semaphore, #tpu.memory_space<semaphore_mem>>)
      } else {
      }
      %add3A_106 = arith.constant 1 : i32
      %add3A_107 = arith.addi %mul3A_82, %add3A_106 : i32
      "tpu.region"() ({
        %run_scoped3A_109 = tpu.sem_alloc : memref<!tpu.dma_semaphore, #tpu.memory_space<semaphore_mem>>
        %dma_start3A_110 = arith.constant 0 : i32
        %dma_start3A_111 = tpu.memref_slice %arg8[%add3A_107, %dma_start3A_110] : memref<122x128xi32, #tpu.memory_space<vmem>> -> memref<1x128xi32, #tpu.memory_space<vmem>>
        %dma_start3A_112 = tpu.memref_squeeze %dma_start3A_111 : memref<1x128xi32, #tpu.memory_space<vmem>> -> memref<128xi32, #tpu.memory_space<vmem>>
        %dma_start3A_113 = arith.constant 0 : i32
        %dma_start3A_114 = arith.constant 0 : i32
        %dma_start3A_115 = tpu.memref_slice %arg12[%dma_start3A_113, %dma_start3A_114] : memref<5248x128xf32, #tpu.memory_space<vmem_shared>> -> memref<5248x128xf32, #tpu.memory_space<vmem_shared>>
        tpu.enqueue_indirect_dma source(%arg10 : memref<128x128xf32, #tpu.memory_space<vmem>>) target(%dma_start3A_115 : memref<5248x128xf32, #tpu.memory_space<vmem_shared>>) offsets(%dma_start3A_112 : memref<128xi32, #tpu.memory_space<vmem>>) semaphore(%run_scoped3A_109 : memref<!tpu.dma_semaphore, #tpu.memory_space<semaphore_mem>>) {add = true}
        %dma_wait3A_116 = arith.constant 0 : i32
        %dma_wait3A_117 = tpu.memref_slice %arg8[%add3A_107, %dma_wait3A_116] : memref<122x128xi32, #tpu.memory_space<vmem>> -> memref<1x128xi32, #tpu.memory_space<vmem>>
        %dma_wait3A_118 = tpu.memref_squeeze %dma_wait3A_117 : memref<1x128xi32, #tpu.memory_space<vmem>> -> memref<128xi32, #tpu.memory_space<vmem>>
        %dma_wait3A_119 = arith.constant 0 : i32
        %dma_wait3A_120 = arith.constant 0 : i32
        %dma_wait3A_121 = tpu.memref_slice %arg12[%dma_wait3A_119, %dma_wait3A_120] : memref<5248x128xf32, #tpu.memory_space<vmem_shared>> -> memref<5248x128xf32, #tpu.memory_space<vmem_shared>>
        tpu.wait_indirect_dma semaphore(%run_scoped3A_109 : memref<!tpu.dma_semaphore, #tpu.memory_space<semaphore_mem>>) src(%arg10 : memref<128x128xf32, #tpu.memory_space<vmem>>) dst(%dma_wait3A_121 : memref<5248x128xf32, #tpu.memory_space<vmem_shared>>)
        tpu.yield
      }) : () -> ()
      %while3A_108 = arith.constant 0 : i32
      scf.yield %while3A_108 : i32
    }
    %while3A_70 = arith.constant 1 : i32
    %while3A_71 = scf.for %while3A_79 = %while3A_67 to %while3A_63 step %while3A_70 iter_args(%while3A_80 = %while3A_69) -> (i32)  : i32 {
      %mul3A_81 = arith.constant 2 : i32
      %mul3A_82 = arith.muli %mul3A_81, %while3A_79 : i32
      %dma_wait3A = arith.constant 0 : i32
      %dma_wait3A_83 = tpu.memref_slice %arg7[%mul3A_82, %dma_wait3A] : memref<122x128xi32, #tpu.memory_space<vmem>> -> memref<1x128xi32, #tpu.memory_space<vmem>>
      %dma_wait3A_84 = tpu.memref_squeeze %dma_wait3A_83 : memref<1x128xi32, #tpu.memory_space<vmem>> -> memref<128xi32, #tpu.memory_space<vmem>>
      %dma_wait3A_85 = arith.constant 0 : i32
      %dma_wait3A_86 = arith.constant 0 : i32
      %dma_wait3A_87 = tpu.memref_slice %arg2[%dma_wait3A_85, %dma_wait3A_86] : memref<10000x128xf32, #tpu.memory_space<hbm>> -> memref<10000x128xf32, #tpu.memory_space<hbm>>
      tpu.wait_indirect_dma semaphore(%arg13 : memref<!tpu.dma_semaphore, #tpu.memory_space<semaphore_mem>>) src(%dma_wait3A_87 : memref<10000x128xf32, #tpu.memory_space<hbm>>) dst(%arg9 : memref<128x128xf32, #tpu.memory_space<vmem>>)
      %add3A_88 = arith.constant 1 : i32
      %add3A_89 = arith.addi %mul3A_82, %add3A_88 : i32
      %dma_start3A_90 = arith.constant 0 : i32
      %dma_start3A_91 = tpu.memref_slice %arg7[%add3A_89, %dma_start3A_90] : memref<122x128xi32, #tpu.memory_space<vmem>> -> memref<1x128xi32, #tpu.memory_space<vmem>>
      %dma_start3A_92 = tpu.memref_squeeze %dma_start3A_91 : memref<1x128xi32, #tpu.memory_space<vmem>> -> memref<128xi32, #tpu.memory_space<vmem>>
      %dma_start3A_93 = arith.constant 0 : i32
      %dma_start3A_94 = arith.constant 0 : i32
      %dma_start3A_95 = tpu.memref_slice %arg2[%dma_start3A_93, %dma_start3A_94] : memref<10000x128xf32, #tpu.memory_space<hbm>> -> memref<10000x128xf32, #tpu.memory_space<hbm>>
      tpu.enqueue_indirect_dma source(%dma_start3A_95 : memref<10000x128xf32, #tpu.memory_space<hbm>>) target(%arg10 : memref<128x128xf32, #tpu.memory_space<vmem>>) offsets(%dma_start3A_92 : memref<128xi32, #tpu.memory_space<vmem>>) semaphore(%arg14 : memref<!tpu.dma_semaphore, #tpu.memory_space<semaphore_mem>>)
      "tpu.region"() ({
        %run_scoped3A_109 = tpu.sem_alloc : memref<!tpu.dma_semaphore, #tpu.memory_space<semaphore_mem>>
        %dma_start3A_110 = arith.constant 0 : i32
        %dma_start3A_111 = tpu.memref_slice %arg8[%mul3A_82, %dma_start3A_110] : memref<122x128xi32, #tpu.memory_space<vmem>> -> memref<1x128xi32, #tpu.memory_space<vmem>>
        %dma_start3A_112 = tpu.memref_squeeze %dma_start3A_111 : memref<1x128xi32, #tpu.memory_space<vmem>> -> memref<128xi32, #tpu.memory_space<vmem>>
        %dma_start3A_113 = arith.constant 0 : i32
        %dma_start3A_114 = arith.constant 0 : i32
        %dma_start3A_115 = tpu.memref_slice %arg12[%dma_start3A_113, %dma_start3A_114] : memref<5248x128xf32, #tpu.memory_space<vmem_shared>> -> memref<5248x128xf32, #tpu.memory_space<vmem_shared>>
        tpu.enqueue_indirect_dma source(%arg9 : memref<128x128xf32, #tpu.memory_space<vmem>>) target(%dma_start3A_115 : memref<5248x128xf32, #tpu.memory_space<vmem_shared>>) offsets(%dma_start3A_112 : memref<128xi32, #tpu.memory_space<vmem>>) semaphore(%run_scoped3A_109 : memref<!tpu.dma_semaphore, #tpu.memory_space<semaphore_mem>>) {add = true}
        %dma_wait3A_116 = arith.constant 0 : i32
        %dma_wait3A_117 = tpu.memref_slice %arg8[%mul3A_82, %dma_wait3A_116] : memref<122x128xi32, #tpu.memory_space<vmem>> -> memref<1x128xi32, #tpu.memory_space<vmem>>
        %dma_wait3A_118 = tpu.memref_squeeze %dma_wait3A_117 : memref<1x128xi32, #tpu.memory_space<vmem>> -> memref<128xi32, #tpu.memory_space<vmem>>
        %dma_wait3A_119 = arith.constant 0 : i32
        %dma_wait3A_120 = arith.constant 0 : i32
        %dma_wait3A_121 = tpu.memref_slice %arg12[%dma_wait3A_119, %dma_wait3A_120] : memref<5248x128xf32, #tpu.memory_space<vmem_shared>> -> memref<5248x128xf32, #tpu.memory_space<vmem_shared>>
        tpu.wait_indirect_dma semaphore(%run_scoped3A_109 : memref<!tpu.dma_semaphore, #tpu.memory_space<semaphore_mem>>) src(%arg9 : memref<128x128xf32, #tpu.memory_space<vmem>>) dst(%dma_wait3A_121 : memref<5248x128xf32, #tpu.memory_space<vmem_shared>>)
        tpu.yield
      }) : () -> ()
      %add3A_96 = arith.constant 1 : i32
      %add3A_97 = arith.addi %mul3A_82, %add3A_96 : i32
      %dma_wait3A_98 = arith.constant 0 : i32
      %dma_wait3A_99 = tpu.memref_slice %arg7[%add3A_97, %dma_wait3A_98] : memref<122x128xi32, #tpu.memory_space<vmem>> -> memref<1x128xi32, #tpu.memory_space<vmem>>
      %dma_wait3A_100 = tpu.memref_squeeze %dma_wait3A_99 : memref<1x128xi32, #tpu.memory_space<vmem>> -> memref<128xi32, #tpu.memory_space<vmem>>
      %dma_wait3A_101 = arith.constant 0 : i32
      %dma_wait3A_102 = arith.constant 0 : i32
      %dma_wait3A_103 = tpu.memref_slice %arg2[%dma_wait3A_101, %dma_wait3A_102] : memref<10000x128xf32, #tpu.memory_space<hbm>> -> memref<10000x128xf32, #tpu.memory_space<hbm>>
      tpu.wait_indirect_dma semaphore(%arg14 : memref<!tpu.dma_semaphore, #tpu.memory_space<semaphore_mem>>) src(%dma_wait3A_103 : memref<10000x128xf32, #tpu.memory_space<hbm>>) dst(%arg10 : memref<128x128xf32, #tpu.memory_space<vmem>>)
      %sub3A = arith.constant 1 : i32
      %sub3A_104 = arith.subi %select_n3A, %sub3A : i32
      %lt3A = arith.cmpi slt, %while3A_79, %sub3A_104 : i32
      %convert_element_type3A = arith.extui %lt3A : i1 to i32
      %cond3A = arith.constant 0 : i32
      %cond3A_105 = arith.cmpi ne, %convert_element_type3A, %cond3A : i32
      scf.if %cond3A_105 {
        %add3A_109 = arith.constant 2 : i32
        %add3A_110 = arith.addi %mul3A_82, %add3A_109 : i32
        %dma_start3A_111 = arith.constant 0 : i32
        %dma_start3A_112 = tpu.memref_slice %arg7[%add3A_110, %dma_start3A_111] : memref<122x128xi32, #tpu.memory_space<vmem>> -> memref<1x128xi32, #tpu.memory_space<vmem>>
        %dma_start3A_113 = tpu.memref_squeeze %dma_start3A_112 : memref<1x128xi32, #tpu.memory_space<vmem>> -> memref<128xi32, #tpu.memory_space<vmem>>
        %dma_start3A_114 = arith.constant 0 : i32
        %dma_start3A_115 = arith.constant 0 : i32
        %dma_start3A_116 = tpu.memref_slice %arg2[%dma_start3A_114, %dma_start3A_115] : memref<10000x128xf32, #tpu.memory_space<hbm>> -> memref<10000x128xf32, #tpu.memory_space<hbm>>
        tpu.enqueue_indirect_dma source(%dma_start3A_116 : memref<10000x128xf32, #tpu.memory_space<hbm>>) target(%arg9 : memref<128x128xf32, #tpu.memory_space<vmem>>) offsets(%dma_start3A_113 : memref<128xi32, #tpu.memory_space<vmem>>) semaphore(%arg13 : memref<!tpu.dma_semaphore, #tpu.memory_space<semaphore_mem>>)
      } else {
      }
      %add3A_106 = arith.constant 1 : i32
      %add3A_107 = arith.addi %mul3A_82, %add3A_106 : i32
      "tpu.region"() ({
        %run_scoped3A_109 = tpu.sem_alloc : memref<!tpu.dma_semaphore, #tpu.memory_space<semaphore_mem>>
        %dma_start3A_110 = arith.constant 0 : i32
        %dma_start3A_111 = tpu.memref_slice %arg8[%add3A_107, %dma_start3A_110] : memref<122x128xi32, #tpu.memory_space<vmem>> -> memref<1x128xi32, #tpu.memory_space<vmem>>
        %dma_start3A_112 = tpu.memref_squeeze %dma_start3A_111 : memref<1x128xi32, #tpu.memory_space<vmem>> -> memref<128xi32, #tpu.memory_space<vmem>>
        %dma_start3A_113 = arith.constant 0 : i32
        %dma_start3A_114 = arith.constant 0 : i32
        %dma_start3A_115 = tpu.memref_slice %arg12[%dma_start3A_113, %dma_start3A_114] : memref<5248x128xf32, #tpu.memory_space<vmem_shared>> -> memref<5248x128xf32, #tpu.memory_space<vmem_shared>>
        tpu.enqueue_indirect_dma source(%arg10 : memref<128x128xf32, #tpu.memory_space<vmem>>) target(%dma_start3A_115 : memref<5248x128xf32, #tpu.memory_space<vmem_shared>>) offsets(%dma_start3A_112 : memref<128xi32, #tpu.memory_space<vmem>>) semaphore(%run_scoped3A_109 : memref<!tpu.dma_semaphore, #tpu.memory_space<semaphore_mem>>) {add = true}
        %dma_wait3A_116 = arith.constant 0 : i32
        %dma_wait3A_117 = tpu.memref_slice %arg8[%add3A_107, %dma_wait3A_116] : memref<122x128xi32, #tpu.memory_space<vmem>> -> memref<1x128xi32, #tpu.memory_space<vmem>>
        %dma_wait3A_118 = tpu.memref_squeeze %dma_wait3A_117 : memref<1x128xi32, #tpu.memory_space<vmem>> -> memref<128xi32, #tpu.memory_space<vmem>>
        %dma_wait3A_119 = arith.constant 0 : i32
        %dma_wait3A_120 = arith.constant 0 : i32
        %dma_wait3A_121 = tpu.memref_slice %arg12[%dma_wait3A_119, %dma_wait3A_120] : memref<5248x128xf32, #tpu.memory_space<vmem_shared>> -> memref<5248x128xf32, #tpu.memory_space<vmem_shared>>
        tpu.wait_indirect_dma semaphore(%run_scoped3A_109 : memref<!tpu.dma_semaphore, #tpu.memory_space<semaphore_mem>>) src(%arg10 : memref<128x128xf32, #tpu.memory_space<vmem>>) dst(%dma_wait3A_121 : memref<5248x128xf32, #tpu.memory_space<vmem_shared>>)
        tpu.yield
      }) : () -> ()
      %while3A_108 = arith.constant 0 : i32
      scf.yield %while3A_108 : i32
    }
    %barrier3A_72 = arith.constant 0 : index
    tpu.barrier barrier_id(%barrier3A_72)
    %mul3A_73 = arith.constant 320 : i32
    %mul3A_74 = arith.muli %arg1, %mul3A_73 : i32
    %mul3A_75 = arith.constant 320 : i32
    %mul3A_76 = arith.muli %arg1, %mul3A_75 : i32
    %run_scoped3A_77 = arith.constant 1 : i32
    "tpu.region"() ({
      %run_scoped3A_79 = tpu.sem_alloc : memref<!tpu.dma_semaphore, #tpu.memory_space<semaphore_mem>>
      %dma_start3A_80 = arith.constant 0 : i32
      %dma_start3A_81 = tpu.memref_slice %arg6[%arg0, %run_scoped3A_77, %mul3A_76, %dma_start3A_80] : memref<2x2x5120x128xf32, #tpu.memory_space<hbm>> -> memref<1x1x320x128xf32, #tpu.memory_space<hbm>>
      %dma_start3A_82 = tpu.memref_squeeze %dma_start3A_81 : memref<1x1x320x128xf32, #tpu.memory_space<hbm>> -> memref<320x128xf32, #tpu.memory_space<hbm>>
      %dma_start3A_83 = arith.constant 0 : i32
      %dma_start3A_84 = tpu.memref_slice %arg12[%mul3A_74, %dma_start3A_83] : memref<5248x128xf32, #tpu.memory_space<vmem_shared>> -> memref<320x128xf32, #tpu.memory_space<vmem_shared>>
      tpu.enqueue_dma source(%dma_start3A_84 : memref<320x128xf32, #tpu.memory_space<vmem_shared>>) target(%dma_start3A_82 : memref<320x128xf32, #tpu.memory_space<hbm>>) target_semaphore(%run_scoped3A_79 : memref<!tpu.dma_semaphore, #tpu.memory_space<semaphore_mem>>)
      %dma_wait3A = arith.constant 0 : i32
      %dma_wait3A_85 = tpu.memref_slice %arg6[%arg0, %run_scoped3A_77, %mul3A_76, %dma_wait3A] : memref<2x2x5120x128xf32, #tpu.memory_space<hbm>> -> memref<1x1x320x128xf32, #tpu.memory_space<hbm>>
      %dma_wait3A_86 = tpu.memref_squeeze %dma_wait3A_85 : memref<1x1x320x128xf32, #tpu.memory_space<hbm>> -> memref<320x128xf32, #tpu.memory_space<hbm>>
      %dma_wait3A_87 = arith.constant 0 : i32
      %dma_wait3A_88 = tpu.memref_slice %arg12[%mul3A_74, %dma_wait3A_87] : memref<5248x128xf32, #tpu.memory_space<vmem_shared>> -> memref<320x128xf32, #tpu.memory_space<vmem_shared>>
      tpu.wait_dma2 semaphore(%run_scoped3A_79 : memref<!tpu.dma_semaphore, #tpu.memory_space<semaphore_mem>>) src(%dma_wait3A_88 : memref<320x128xf32, #tpu.memory_space<vmem_shared>>) dst(%dma_wait3A_86 : memref<320x128xf32, #tpu.memory_space<hbm>>)
      tpu.yield
    }) : () -> ()
    %barrier3A_78 = arith.constant 0 : index
    tpu.barrier barrier_id(%barrier3A_78)
    return
  }
}

#map = affine_map<(d0, d1) -> (0, 0, 0)>
#map1 = affine_map<(d0, d1) -> (0, 0, 0, 0)>
module attributes {stable_mosaic.version = 14 : i64} {
  func.func @_sc_deg(%arg0: i32, %arg1: i32, %arg2: memref<32x122x128xi32, #tpu.memory_space<hbm>>, %arg3: memref<32x122x128xi32, #tpu.memory_space<hbm>>, %arg4: memref<2x2x5120x128xf32, #tpu.memory_space<hbm>>, %arg5: memref<122x128xi32, #tpu.memory_space<vmem>>, %arg6: memref<128x128xf32, #tpu.memory_space<vmem>>, %arg7: memref<128x128xf32, #tpu.memory_space<vmem>>, %arg8: memref<5248x128xf32, #tpu.memory_space<vmem_shared>>) attributes {dimension_semantics = [#tpu.dimension_semantics<core_parallel>, #tpu.dimension_semantics<subcore_parallel>], iteration_bounds = array<i64: 2, 16>, scalar_prefetch = 0 : i64, scratch_operands = 4 : i64, tpu.core_type = #tpu.core_type<sc_vector_subcore>, window_params = [{transform_indices = #map}, {transform_indices = #map}, {transform_indices = #map1}]} {
    %mul3A = arith.constant 2 : i32
    %mul3A_0 = arith.muli %arg1, %mul3A : i32
    %add3A = arith.addi %mul3A_0, %arg0 : i32
    %eq3A = arith.constant 0 : i32
    %eq3A_1 = arith.cmpi eq, %arg0, %eq3A : i32
    %jit3A = arith.constant 36 : i32
    %jit3A_2 = arith.constant 122 : i32
    %select_n3A = arith.select %eq3A_1, %jit3A, %jit3A_2 : i32
    %scan3A = arith.constant 0 : i32
    %scan3A_3 = arith.constant 0 : i32
    %scan3A_4 = arith.constant 128 : i32
    %scan3A_5 = arith.addi %scan3A_3, %scan3A_4 : i32
    %scan3A_6 = arith.constant 1 : i32
    %scan3A_7 = scf.for %scan3A_73 = %scan3A_3 to %scan3A_5 step %scan3A_6 iter_args(%scan3A_74 = %scan3A) -> (i32)  : i32 {
      %broadcast_in_dim3A = arith.constant 1.000000e+00 : f32
      %broadcast_in_dim3A_75 = vector.broadcast %broadcast_in_dim3A : f32 to vector<16xf32>
      %swap3A = arith.index_cast %scan3A_73 : i32 to index
      %swap3A_76 = arith.constant 0 : index
      %swap3A_77 = tpu.vector_load %arg6[%swap3A, %swap3A_76] {strides = array<i32>} : memref<128x128xf32, #tpu.memory_space<vmem>>, vector<1x16xf32>,
      %swap3A_78 = vector.shape_cast %swap3A_77 : vector<1x16xf32> to vector<16xf32>
      %swap3A_79 = vector.shape_cast %broadcast_in_dim3A_75 : vector<16xf32> to vector<1x16xf32>
      tpu.vector_store %arg6[%swap3A, %swap3A_76], %swap3A_79 {strides = array<i32>} : memref<128x128xf32, #tpu.memory_space<vmem>>, vector<1x16xf32>,
      %broadcast_in_dim3A_80 = arith.constant 1.000000e+00 : f32
      %broadcast_in_dim3A_81 = vector.broadcast %broadcast_in_dim3A_80 : f32 to vector<16xf32>
      %swap3A_82 = arith.index_cast %scan3A_73 : i32 to index
      %swap3A_83 = arith.constant 16 : index
      %swap3A_84 = tpu.vector_load %arg6[%swap3A_82, %swap3A_83] {strides = array<i32>} : memref<128x128xf32, #tpu.memory_space<vmem>>, vector<1x16xf32>,
      %swap3A_85 = vector.shape_cast %swap3A_84 : vector<1x16xf32> to vector<16xf32>
      %swap3A_86 = vector.shape_cast %broadcast_in_dim3A_81 : vector<16xf32> to vector<1x16xf32>
      tpu.vector_store %arg6[%swap3A_82, %swap3A_83], %swap3A_86 {strides = array<i32>} : memref<128x128xf32, #tpu.memory_space<vmem>>, vector<1x16xf32>,
      %broadcast_in_dim3A_87 = arith.constant 1.000000e+00 : f32
      %broadcast_in_dim3A_88 = vector.broadcast %broadcast_in_dim3A_87 : f32 to vector<16xf32>
      %swap3A_89 = arith.index_cast %scan3A_73 : i32 to index
      %swap3A_90 = arith.constant 32 : index
      %swap3A_91 = tpu.vector_load %arg6[%swap3A_89, %swap3A_90] {strides = array<i32>} : memref<128x128xf32, #tpu.memory_space<vmem>>, vector<1x16xf32>,
      %swap3A_92 = vector.shape_cast %swap3A_91 : vector<1x16xf32> to vector<16xf32>
      %swap3A_93 = vector.shape_cast %broadcast_in_dim3A_88 : vector<16xf32> to vector<1x16xf32>
      tpu.vector_store %arg6[%swap3A_89, %swap3A_90], %swap3A_93 {strides = array<i32>} : memref<128x128xf32, #tpu.memory_space<vmem>>, vector<1x16xf32>,
      %broadcast_in_dim3A_94 = arith.constant 1.000000e+00 : f32
      %broadcast_in_dim3A_95 = vector.broadcast %broadcast_in_dim3A_94 : f32 to vector<16xf32>
      %swap3A_96 = arith.index_cast %scan3A_73 : i32 to index
      %swap3A_97 = arith.constant 48 : index
      %swap3A_98 = tpu.vector_load %arg6[%swap3A_96, %swap3A_97] {strides = array<i32>} : memref<128x128xf32, #tpu.memory_space<vmem>>, vector<1x16xf32>,
      %swap3A_99 = vector.shape_cast %swap3A_98 : vector<1x16xf32> to vector<16xf32>
      %swap3A_100 = vector.shape_cast %broadcast_in_dim3A_95 : vector<16xf32> to vector<1x16xf32>
      tpu.vector_store %arg6[%swap3A_96, %swap3A_97], %swap3A_100 {strides = array<i32>} : memref<128x128xf32, #tpu.memory_space<vmem>>, vector<1x16xf32>,
      %broadcast_in_dim3A_101 = arith.constant 1.000000e+00 : f32
      %broadcast_in_dim3A_102 = vector.broadcast %broadcast_in_dim3A_101 : f32 to vector<16xf32>
      %swap3A_103 = arith.index_cast %scan3A_73 : i32 to index
      %swap3A_104 = arith.constant 64 : index
      %swap3A_105 = tpu.vector_load %arg6[%swap3A_103, %swap3A_104] {strides = array<i32>} : memref<128x128xf32, #tpu.memory_space<vmem>>, vector<1x16xf32>,
      %swap3A_106 = vector.shape_cast %swap3A_105 : vector<1x16xf32> to vector<16xf32>
      %swap3A_107 = vector.shape_cast %broadcast_in_dim3A_102 : vector<16xf32> to vector<1x16xf32>
      tpu.vector_store %arg6[%swap3A_103, %swap3A_104], %swap3A_107 {strides = array<i32>} : memref<128x128xf32, #tpu.memory_space<vmem>>, vector<1x16xf32>,
      %broadcast_in_dim3A_108 = arith.constant 1.000000e+00 : f32
      %broadcast_in_dim3A_109 = vector.broadcast %broadcast_in_dim3A_108 : f32 to vector<16xf32>
      %swap3A_110 = arith.index_cast %scan3A_73 : i32 to index
      %swap3A_111 = arith.constant 80 : index
      %swap3A_112 = tpu.vector_load %arg6[%swap3A_110, %swap3A_111] {strides = array<i32>} : memref<128x128xf32, #tpu.memory_space<vmem>>, vector<1x16xf32>,
      %swap3A_113 = vector.shape_cast %swap3A_112 : vector<1x16xf32> to vector<16xf32>
      %swap3A_114 = vector.shape_cast %broadcast_in_dim3A_109 : vector<16xf32> to vector<1x16xf32>
      tpu.vector_store %arg6[%swap3A_110, %swap3A_111], %swap3A_114 {strides = array<i32>} : memref<128x128xf32, #tpu.memory_space<vmem>>, vector<1x16xf32>,
      %broadcast_in_dim3A_115 = arith.constant 1.000000e+00 : f32
      %broadcast_in_dim3A_116 = vector.broadcast %broadcast_in_dim3A_115 : f32 to vector<16xf32>
      %swap3A_117 = arith.index_cast %scan3A_73 : i32 to index
      %swap3A_118 = arith.constant 96 : index
      %swap3A_119 = tpu.vector_load %arg6[%swap3A_117, %swap3A_118] {strides = array<i32>} : memref<128x128xf32, #tpu.memory_space<vmem>>, vector<1x16xf32>,
      %swap3A_120 = vector.shape_cast %swap3A_119 : vector<1x16xf32> to vector<16xf32>
      %swap3A_121 = vector.shape_cast %broadcast_in_dim3A_116 : vector<16xf32> to vector<1x16xf32>
      tpu.vector_store %arg6[%swap3A_117, %swap3A_118], %swap3A_121 {strides = array<i32>} : memref<128x128xf32, #tpu.memory_space<vmem>>, vector<1x16xf32>,
      %broadcast_in_dim3A_122 = arith.constant 1.000000e+00 : f32
      %broadcast_in_dim3A_123 = vector.broadcast %broadcast_in_dim3A_122 : f32 to vector<16xf32>
      %swap3A_124 = arith.index_cast %scan3A_73 : i32 to index
      %swap3A_125 = arith.constant 112 : index
      %swap3A_126 = tpu.vector_load %arg6[%swap3A_124, %swap3A_125] {strides = array<i32>} : memref<128x128xf32, #tpu.memory_space<vmem>>, vector<1x16xf32>,
      %swap3A_127 = vector.shape_cast %swap3A_126 : vector<1x16xf32> to vector<16xf32>
      %swap3A_128 = vector.shape_cast %broadcast_in_dim3A_123 : vector<16xf32> to vector<1x16xf32>
      tpu.vector_store %arg6[%swap3A_124, %swap3A_125], %swap3A_128 {strides = array<i32>} : memref<128x128xf32, #tpu.memory_space<vmem>>, vector<1x16xf32>,
      %scan3A_129 = arith.constant 0 : i32
      scf.yield %scan3A_129 : i32
    }
    %scan3A_8 = arith.constant 128 : i32
    %scan3A_9 = arith.constant 0 : i32
    %scan3A_10 = arith.constant 0 : i32
    %scan3A_11 = arith.constant 128 : i32
    %scan3A_12 = arith.addi %scan3A_10, %scan3A_11 : i32
    %scan3A_13 = arith.constant 1 : i32
    %scan3A_14 = scf.for %scan3A_73 = %scan3A_10 to %scan3A_12 step %scan3A_13 iter_args(%scan3A_74 = %scan3A_9) -> (i32)  : i32 {
      %broadcast_in_dim3A = arith.constant 0.000000e+00 : f32
      %broadcast_in_dim3A_75 = vector.broadcast %broadcast_in_dim3A : f32 to vector<16xf32>
      %swap3A = arith.index_cast %scan3A_73 : i32 to index
      %swap3A_76 = arith.constant 0 : index
      %swap3A_77 = tpu.vector_load %arg7[%swap3A, %swap3A_76] {strides = array<i32>} : memref<128x128xf32, #tpu.memory_space<vmem>>, vector<1x16xf32>,
      %swap3A_78 = vector.shape_cast %swap3A_77 : vector<1x16xf32> to vector<16xf32>
      %swap3A_79 = vector.shape_cast %broadcast_in_dim3A_75 : vector<16xf32> to vector<1x16xf32>
      tpu.vector_store %arg7[%swap3A, %swap3A_76], %swap3A_79 {strides = array<i32>} : memref<128x128xf32, #tpu.memory_space<vmem>>, vector<1x16xf32>,
      %broadcast_in_dim3A_80 = arith.constant 0.000000e+00 : f32
      %broadcast_in_dim3A_81 = vector.broadcast %broadcast_in_dim3A_80 : f32 to vector<16xf32>
      %swap3A_82 = arith.index_cast %scan3A_73 : i32 to index
      %swap3A_83 = arith.constant 16 : index
      %swap3A_84 = tpu.vector_load %arg7[%swap3A_82, %swap3A_83] {strides = array<i32>} : memref<128x128xf32, #tpu.memory_space<vmem>>, vector<1x16xf32>,
      %swap3A_85 = vector.shape_cast %swap3A_84 : vector<1x16xf32> to vector<16xf32>
      %swap3A_86 = vector.shape_cast %broadcast_in_dim3A_81 : vector<16xf32> to vector<1x16xf32>
      tpu.vector_store %arg7[%swap3A_82, %swap3A_83], %swap3A_86 {strides = array<i32>} : memref<128x128xf32, #tpu.memory_space<vmem>>, vector<1x16xf32>,
      %broadcast_in_dim3A_87 = arith.constant 0.000000e+00 : f32
      %broadcast_in_dim3A_88 = vector.broadcast %broadcast_in_dim3A_87 : f32 to vector<16xf32>
      %swap3A_89 = arith.index_cast %scan3A_73 : i32 to index
      %swap3A_90 = arith.constant 32 : index
      %swap3A_91 = tpu.vector_load %arg7[%swap3A_89, %swap3A_90] {strides = array<i32>} : memref<128x128xf32, #tpu.memory_space<vmem>>, vector<1x16xf32>,
      %swap3A_92 = vector.shape_cast %swap3A_91 : vector<1x16xf32> to vector<16xf32>
      %swap3A_93 = vector.shape_cast %broadcast_in_dim3A_88 : vector<16xf32> to vector<1x16xf32>
      tpu.vector_store %arg7[%swap3A_89, %swap3A_90], %swap3A_93 {strides = array<i32>} : memref<128x128xf32, #tpu.memory_space<vmem>>, vector<1x16xf32>,
      %broadcast_in_dim3A_94 = arith.constant 0.000000e+00 : f32
      %broadcast_in_dim3A_95 = vector.broadcast %broadcast_in_dim3A_94 : f32 to vector<16xf32>
      %swap3A_96 = arith.index_cast %scan3A_73 : i32 to index
      %swap3A_97 = arith.constant 48 : index
      %swap3A_98 = tpu.vector_load %arg7[%swap3A_96, %swap3A_97] {strides = array<i32>} : memref<128x128xf32, #tpu.memory_space<vmem>>, vector<1x16xf32>,
      %swap3A_99 = vector.shape_cast %swap3A_98 : vector<1x16xf32> to vector<16xf32>
      %swap3A_100 = vector.shape_cast %broadcast_in_dim3A_95 : vector<16xf32> to vector<1x16xf32>
      tpu.vector_store %arg7[%swap3A_96, %swap3A_97], %swap3A_100 {strides = array<i32>} : memref<128x128xf32, #tpu.memory_space<vmem>>, vector<1x16xf32>,
      %broadcast_in_dim3A_101 = arith.constant 0.000000e+00 : f32
      %broadcast_in_dim3A_102 = vector.broadcast %broadcast_in_dim3A_101 : f32 to vector<16xf32>
      %swap3A_103 = arith.index_cast %scan3A_73 : i32 to index
      %swap3A_104 = arith.constant 64 : index
      %swap3A_105 = tpu.vector_load %arg7[%swap3A_103, %swap3A_104] {strides = array<i32>} : memref<128x128xf32, #tpu.memory_space<vmem>>, vector<1x16xf32>,
      %swap3A_106 = vector.shape_cast %swap3A_105 : vector<1x16xf32> to vector<16xf32>
      %swap3A_107 = vector.shape_cast %broadcast_in_dim3A_102 : vector<16xf32> to vector<1x16xf32>
      tpu.vector_store %arg7[%swap3A_103, %swap3A_104], %swap3A_107 {strides = array<i32>} : memref<128x128xf32, #tpu.memory_space<vmem>>, vector<1x16xf32>,
      %broadcast_in_dim3A_108 = arith.constant 0.000000e+00 : f32
      %broadcast_in_dim3A_109 = vector.broadcast %broadcast_in_dim3A_108 : f32 to vector<16xf32>
      %swap3A_110 = arith.index_cast %scan3A_73 : i32 to index
      %swap3A_111 = arith.constant 80 : index
      %swap3A_112 = tpu.vector_load %arg7[%swap3A_110, %swap3A_111] {strides = array<i32>} : memref<128x128xf32, #tpu.memory_space<vmem>>, vector<1x16xf32>,
      %swap3A_113 = vector.shape_cast %swap3A_112 : vector<1x16xf32> to vector<16xf32>
      %swap3A_114 = vector.shape_cast %broadcast_in_dim3A_109 : vector<16xf32> to vector<1x16xf32>
      tpu.vector_store %arg7[%swap3A_110, %swap3A_111], %swap3A_114 {strides = array<i32>} : memref<128x128xf32, #tpu.memory_space<vmem>>, vector<1x16xf32>,
      %broadcast_in_dim3A_115 = arith.constant 0.000000e+00 : f32
      %broadcast_in_dim3A_116 = vector.broadcast %broadcast_in_dim3A_115 : f32 to vector<16xf32>
      %swap3A_117 = arith.index_cast %scan3A_73 : i32 to index
      %swap3A_118 = arith.constant 96 : index
      %swap3A_119 = tpu.vector_load %arg7[%swap3A_117, %swap3A_118] {strides = array<i32>} : memref<128x128xf32, #tpu.memory_space<vmem>>, vector<1x16xf32>,
      %swap3A_120 = vector.shape_cast %swap3A_119 : vector<1x16xf32> to vector<16xf32>
      %swap3A_121 = vector.shape_cast %broadcast_in_dim3A_116 : vector<16xf32> to vector<1x16xf32>
      tpu.vector_store %arg7[%swap3A_117, %swap3A_118], %swap3A_121 {strides = array<i32>} : memref<128x128xf32, #tpu.memory_space<vmem>>, vector<1x16xf32>,
      %broadcast_in_dim3A_122 = arith.constant 0.000000e+00 : f32
      %broadcast_in_dim3A_123 = vector.broadcast %broadcast_in_dim3A_122 : f32 to vector<16xf32>
      %swap3A_124 = arith.index_cast %scan3A_73 : i32 to index
      %swap3A_125 = arith.constant 112 : index
      %swap3A_126 = tpu.vector_load %arg7[%swap3A_124, %swap3A_125] {strides = array<i32>} : memref<128x128xf32, #tpu.memory_space<vmem>>, vector<1x16xf32>,
      %swap3A_127 = vector.shape_cast %swap3A_126 : vector<1x16xf32> to vector<16xf32>
      %swap3A_128 = vector.shape_cast %broadcast_in_dim3A_123 : vector<16xf32> to vector<1x16xf32>
      tpu.vector_store %arg7[%swap3A_124, %swap3A_125], %swap3A_128 {strides = array<i32>} : memref<128x128xf32, #tpu.memory_space<vmem>>, vector<1x16xf32>,
      %scan3A_129 = arith.constant 0 : i32
      scf.yield %scan3A_129 : i32
    }
    %scan3A_15 = arith.constant 128 : i32
    "tpu.region"() ({
      %run_scoped3A_73 = tpu.sem_alloc : memref<!tpu.dma_semaphore, #tpu.memory_space<semaphore_mem>>
      %dma_start3A = arith.constant 0 : i32
      %dma_start3A_74 = arith.constant 0 : i32
      %dma_start3A_75 = tpu.memref_slice %arg2[%add3A, %dma_start3A, %dma_start3A_74] : memref<32x122x128xi32, #tpu.memory_space<hbm>> -> memref<1x122x128xi32, #tpu.memory_space<hbm>>
      %dma_start3A_76 = tpu.memref_squeeze %dma_start3A_75 : memref<1x122x128xi32, #tpu.memory_space<hbm>> -> memref<122x128xi32, #tpu.memory_space<hbm>>
      %dma_start3A_77 = arith.constant 0 : i32
      %dma_start3A_78 = arith.constant 0 : i32
      %dma_start3A_79 = tpu.memref_slice %arg2[%add3A, %dma_start3A_77, %dma_start3A_78] : memref<32x122x128xi32, #tpu.memory_space<hbm>> -> memref<1x122x128xi32, #tpu.memory_space<hbm>>
      %dma_start3A_80 = tpu.memref_squeeze %dma_start3A_79 : memref<1x122x128xi32, #tpu.memory_space<hbm>> -> memref<122x128xi32, #tpu.memory_space<hbm>>
      tpu.enqueue_dma source(%dma_start3A_80 : memref<122x128xi32, #tpu.memory_space<hbm>>) target(%arg5 : memref<122x128xi32, #tpu.memory_space<vmem>>) target_semaphore(%run_scoped3A_73 : memref<!tpu.dma_semaphore, #tpu.memory_space<semaphore_mem>>)
      %dma_wait3A = arith.constant 0 : i32
      %dma_wait3A_81 = arith.constant 0 : i32
      %dma_wait3A_82 = tpu.memref_slice %arg2[%add3A, %dma_wait3A, %dma_wait3A_81] : memref<32x122x128xi32, #tpu.memory_space<hbm>> -> memref<1x122x128xi32, #tpu.memory_space<hbm>>
      %dma_wait3A_83 = tpu.memref_squeeze %dma_wait3A_82 : memref<1x122x128xi32, #tpu.memory_space<hbm>> -> memref<122x128xi32, #tpu.memory_space<hbm>>
      %dma_wait3A_84 = arith.constant 0 : i32
      %dma_wait3A_85 = arith.constant 0 : i32
      %dma_wait3A_86 = tpu.memref_slice %arg2[%add3A, %dma_wait3A_84, %dma_wait3A_85] : memref<32x122x128xi32, #tpu.memory_space<hbm>> -> memref<1x122x128xi32, #tpu.memory_space<hbm>>
      %dma_wait3A_87 = tpu.memref_squeeze %dma_wait3A_86 : memref<1x122x128xi32, #tpu.memory_space<hbm>> -> memref<122x128xi32, #tpu.memory_space<hbm>>
      tpu.wait_dma2 semaphore(%run_scoped3A_73 : memref<!tpu.dma_semaphore, #tpu.memory_space<semaphore_mem>>) src(%dma_wait3A_87 : memref<122x128xi32, #tpu.memory_space<hbm>>) dst(%arg5 : memref<122x128xi32, #tpu.memory_space<vmem>>)
      tpu.yield
    }) : () -> ()
    %mul3A_16 = arith.constant 320 : i32
    %mul3A_17 = arith.muli %arg1, %mul3A_16 : i32
    "tpu.region"() ({
      %run_scoped3A_73 = tpu.sem_alloc : memref<!tpu.dma_semaphore, #tpu.memory_space<semaphore_mem>>
      %dma_start3A = arith.constant 0 : i32
      %dma_start3A_74 = tpu.memref_slice %arg8[%mul3A_17, %dma_start3A] : memref<5248x128xf32, #tpu.memory_space<vmem_shared>> -> memref<128x128xf32, #tpu.memory_space<vmem_shared>>
      %dma_start3A_75 = arith.constant 0 : i32
      %dma_start3A_76 = tpu.memref_slice %arg8[%mul3A_17, %dma_start3A_75] : memref<5248x128xf32, #tpu.memory_space<vmem_shared>> -> memref<128x128xf32, #tpu.memory_space<vmem_shared>>
      tpu.enqueue_dma source(%arg7 : memref<128x128xf32, #tpu.memory_space<vmem>>) target(%dma_start3A_76 : memref<128x128xf32, #tpu.memory_space<vmem_shared>>) target_semaphore(%run_scoped3A_73 : memref<!tpu.dma_semaphore, #tpu.memory_space<semaphore_mem>>)
      %dma_wait3A = arith.constant 0 : i32
      %dma_wait3A_77 = tpu.memref_slice %arg8[%mul3A_17, %dma_wait3A] : memref<5248x128xf32, #tpu.memory_space<vmem_shared>> -> memref<128x128xf32, #tpu.memory_space<vmem_shared>>
      %dma_wait3A_78 = arith.constant 0 : i32
      %dma_wait3A_79 = tpu.memref_slice %arg8[%mul3A_17, %dma_wait3A_78] : memref<5248x128xf32, #tpu.memory_space<vmem_shared>> -> memref<128x128xf32, #tpu.memory_space<vmem_shared>>
      tpu.wait_dma2 semaphore(%run_scoped3A_73 : memref<!tpu.dma_semaphore, #tpu.memory_space<semaphore_mem>>) src(%arg7 : memref<128x128xf32, #tpu.memory_space<vmem>>) dst(%dma_wait3A_79 : memref<128x128xf32, #tpu.memory_space<vmem_shared>>)
      tpu.yield
    }) : () -> ()
    %mul3A_18 = arith.constant 320 : i32
    %mul3A_19 = arith.muli %arg1, %mul3A_18 : i32
    %add3A_20 = arith.constant 128 : i32
    %add3A_21 = arith.addi %mul3A_19, %add3A_20 : i32
    "tpu.region"() ({
      %run_scoped3A_73 = tpu.sem_alloc : memref<!tpu.dma_semaphore, #tpu.memory_space<semaphore_mem>>
      %dma_start3A = arith.constant 0 : i32
      %dma_start3A_74 = tpu.memref_slice %arg8[%add3A_21, %dma_start3A] : memref<5248x128xf32, #tpu.memory_space<vmem_shared>> -> memref<128x128xf32, #tpu.memory_space<vmem_shared>>
      %dma_start3A_75 = arith.constant 0 : i32
      %dma_start3A_76 = tpu.memref_slice %arg8[%add3A_21, %dma_start3A_75] : memref<5248x128xf32, #tpu.memory_space<vmem_shared>> -> memref<128x128xf32, #tpu.memory_space<vmem_shared>>
      tpu.enqueue_dma source(%arg7 : memref<128x128xf32, #tpu.memory_space<vmem>>) target(%dma_start3A_76 : memref<128x128xf32, #tpu.memory_space<vmem_shared>>) target_semaphore(%run_scoped3A_73 : memref<!tpu.dma_semaphore, #tpu.memory_space<semaphore_mem>>)
      %dma_wait3A = arith.constant 0 : i32
      %dma_wait3A_77 = tpu.memref_slice %arg8[%add3A_21, %dma_wait3A] : memref<5248x128xf32, #tpu.memory_space<vmem_shared>> -> memref<128x128xf32, #tpu.memory_space<vmem_shared>>
      %dma_wait3A_78 = arith.constant 0 : i32
      %dma_wait3A_79 = tpu.memref_slice %arg8[%add3A_21, %dma_wait3A_78] : memref<5248x128xf32, #tpu.memory_space<vmem_shared>> -> memref<128x128xf32, #tpu.memory_space<vmem_shared>>
      tpu.wait_dma2 semaphore(%run_scoped3A_73 : memref<!tpu.dma_semaphore, #tpu.memory_space<semaphore_mem>>) src(%arg7 : memref<128x128xf32, #tpu.memory_space<vmem>>) dst(%dma_wait3A_79 : memref<128x128xf32, #tpu.memory_space<vmem_shared>>)
      tpu.yield
    }) : () -> ()
    %mul3A_22 = arith.constant 320 : i32
    %mul3A_23 = arith.muli %arg1, %mul3A_22 : i32
    %add3A_24 = arith.constant 256 : i32
    %add3A_25 = arith.addi %mul3A_23, %add3A_24 : i32
    "tpu.region"() ({
      %run_scoped3A_73 = tpu.sem_alloc : memref<!tpu.dma_semaphore, #tpu.memory_space<semaphore_mem>>
      %dma_start3A = arith.constant 0 : i32
      %dma_start3A_74 = arith.constant 0 : i32
      %dma_start3A_75 = tpu.memref_slice %arg7[%dma_start3A, %dma_start3A_74] : memref<128x128xf32, #tpu.memory_space<vmem>> -> memref<64x128xf32, #tpu.memory_space<vmem>>
      %dma_start3A_76 = arith.constant 0 : i32
      %dma_start3A_77 = tpu.memref_slice %arg8[%add3A_25, %dma_start3A_76] : memref<5248x128xf32, #tpu.memory_space<vmem_shared>> -> memref<64x128xf32, #tpu.memory_space<vmem_shared>>
      %dma_start3A_78 = arith.constant 0 : i32
      %dma_start3A_79 = tpu.memref_slice %arg8[%add3A_25, %dma_start3A_78] : memref<5248x128xf32, #tpu.memory_space<vmem_shared>> -> memref<64x128xf32, #tpu.memory_space<vmem_shared>>
      %dma_start3A_80 = arith.constant 0 : i32
      %dma_start3A_81 = arith.constant 0 : i32
      %dma_start3A_82 = tpu.memref_slice %arg7[%dma_start3A_80, %dma_start3A_81] : memref<128x128xf32, #tpu.memory_space<vmem>> -> memref<64x128xf32, #tpu.memory_space<vmem>>
      tpu.enqueue_dma source(%dma_start3A_82 : memref<64x128xf32, #tpu.memory_space<vmem>>) target(%dma_start3A_79 : memref<64x128xf32, #tpu.memory_space<vmem_shared>>) target_semaphore(%run_scoped3A_73 : memref<!tpu.dma_semaphore, #tpu.memory_space<semaphore_mem>>)
      %dma_wait3A = arith.constant 0 : i32
      %dma_wait3A_83 = arith.constant 0 : i32
      %dma_wait3A_84 = tpu.memref_slice %arg7[%dma_wait3A, %dma_wait3A_83] : memref<128x128xf32, #tpu.memory_space<vmem>> -> memref<64x128xf32, #tpu.memory_space<vmem>>
      %dma_wait3A_85 = arith.constant 0 : i32
      %dma_wait3A_86 = tpu.memref_slice %arg8[%add3A_25, %dma_wait3A_85] : memref<5248x128xf32, #tpu.memory_space<vmem_shared>> -> memref<64x128xf32, #tpu.memory_space<vmem_shared>>
      %dma_wait3A_87 = arith.constant 0 : i32
      %dma_wait3A_88 = tpu.memref_slice %arg8[%add3A_25, %dma_wait3A_87] : memref<5248x128xf32, #tpu.memory_space<vmem_shared>> -> memref<64x128xf32, #tpu.memory_space<vmem_shared>>
      %dma_wait3A_89 = arith.constant 0 : i32
      %dma_wait3A_90 = arith.constant 0 : i32
      %dma_wait3A_91 = tpu.memref_slice %arg7[%dma_wait3A_89, %dma_wait3A_90] : memref<128x128xf32, #tpu.memory_space<vmem>> -> memref<64x128xf32, #tpu.memory_space<vmem>>
      tpu.wait_dma2 semaphore(%run_scoped3A_73 : memref<!tpu.dma_semaphore, #tpu.memory_space<semaphore_mem>>) src(%dma_wait3A_91 : memref<64x128xf32, #tpu.memory_space<vmem>>) dst(%dma_wait3A_88 : memref<64x128xf32, #tpu.memory_space<vmem_shared>>)
      tpu.yield
    }) : () -> ()
    %barrier3A = arith.constant 0 : index
    tpu.barrier barrier_id(%barrier3A)
    %while3A = arith.constant 0 : i32
    %while3A_26 = arith.constant 0 : i32
    %while3A_27 = arith.subi %select_n3A, %while3A : i32
    %while3A_28 = arith.addi %while3A, %while3A_27 : i32
    %while3A_29 = arith.constant 1 : i32
    %while3A_30 = arith.divsi %while3A_27, %while3A_29 : i32
    %while3A_31 = arith.muli %while3A_30, %while3A_29 : i32
    %while3A_32 = arith.addi %while3A, %while3A_31 : i32
    %while3A_33 = arith.constant 1 : i32
    %while3A_34 = scf.for %while3A_73 = %while3A to %while3A_32 step %while3A_33 iter_args(%while3A_74 = %while3A_26) -> (i32)  : i32 {
      "tpu.region"() ({
        %run_scoped3A_76 = tpu.sem_alloc : memref<!tpu.dma_semaphore, #tpu.memory_space<semaphore_mem>>
        %dma_start3A = arith.constant 0 : i32
        %dma_start3A_77 = tpu.memref_slice %arg5[%while3A_73, %dma_start3A] : memref<122x128xi32, #tpu.memory_space<vmem>> -> memref<1x128xi32, #tpu.memory_space<vmem>>
        %dma_start3A_78 = tpu.memref_squeeze %dma_start3A_77 : memref<1x128xi32, #tpu.memory_space<vmem>> -> memref<128xi32, #tpu.memory_space<vmem>>
        %dma_start3A_79 = arith.constant 0 : i32
        %dma_start3A_80 = arith.constant 0 : i32
        %dma_start3A_81 = tpu.memref_slice %arg8[%dma_start3A_79, %dma_start3A_80] : memref<5248x128xf32, #tpu.memory_space<vmem_shared>> -> memref<5248x128xf32, #tpu.memory_space<vmem_shared>>
        tpu.enqueue_indirect_dma source(%arg6 : memref<128x128xf32, #tpu.memory_space<vmem>>) target(%dma_start3A_81 : memref<5248x128xf32, #tpu.memory_space<vmem_shared>>) offsets(%dma_start3A_78 : memref<128xi32, #tpu.memory_space<vmem>>) semaphore(%run_scoped3A_76 : memref<!tpu.dma_semaphore, #tpu.memory_space<semaphore_mem>>) {add = true}
        %dma_wait3A = arith.constant 0 : i32
        %dma_wait3A_82 = tpu.memref_slice %arg5[%while3A_73, %dma_wait3A] : memref<122x128xi32, #tpu.memory_space<vmem>> -> memref<1x128xi32, #tpu.memory_space<vmem>>
        %dma_wait3A_83 = tpu.memref_squeeze %dma_wait3A_82 : memref<1x128xi32, #tpu.memory_space<vmem>> -> memref<128xi32, #tpu.memory_space<vmem>>
        %dma_wait3A_84 = arith.constant 0 : i32
        %dma_wait3A_85 = arith.constant 0 : i32
        %dma_wait3A_86 = tpu.memref_slice %arg8[%dma_wait3A_84, %dma_wait3A_85] : memref<5248x128xf32, #tpu.memory_space<vmem_shared>> -> memref<5248x128xf32, #tpu.memory_space<vmem_shared>>
        tpu.wait_indirect_dma semaphore(%run_scoped3A_76 : memref<!tpu.dma_semaphore, #tpu.memory_space<semaphore_mem>>) src(%arg6 : memref<128x128xf32, #tpu.memory_space<vmem>>) dst(%dma_wait3A_86 : memref<5248x128xf32, #tpu.memory_space<vmem_shared>>)
        tpu.yield
      }) : () -> ()
      %while3A_75 = arith.constant 0 : i32
      scf.yield %while3A_75 : i32
    }
    %while3A_35 = arith.constant 1 : i32
    %while3A_36 = scf.for %while3A_73 = %while3A_32 to %while3A_28 step %while3A_35 iter_args(%while3A_74 = %while3A_34) -> (i32)  : i32 {
      "tpu.region"() ({
        %run_scoped3A_76 = tpu.sem_alloc : memref<!tpu.dma_semaphore, #tpu.memory_space<semaphore_mem>>
        %dma_start3A = arith.constant 0 : i32
        %dma_start3A_77 = tpu.memref_slice %arg5[%while3A_73, %dma_start3A] : memref<122x128xi32, #tpu.memory_space<vmem>> -> memref<1x128xi32, #tpu.memory_space<vmem>>
        %dma_start3A_78 = tpu.memref_squeeze %dma_start3A_77 : memref<1x128xi32, #tpu.memory_space<vmem>> -> memref<128xi32, #tpu.memory_space<vmem>>
        %dma_start3A_79 = arith.constant 0 : i32
        %dma_start3A_80 = arith.constant 0 : i32
        %dma_start3A_81 = tpu.memref_slice %arg8[%dma_start3A_79, %dma_start3A_80] : memref<5248x128xf32, #tpu.memory_space<vmem_shared>> -> memref<5248x128xf32, #tpu.memory_space<vmem_shared>>
        tpu.enqueue_indirect_dma source(%arg6 : memref<128x128xf32, #tpu.memory_space<vmem>>) target(%dma_start3A_81 : memref<5248x128xf32, #tpu.memory_space<vmem_shared>>) offsets(%dma_start3A_78 : memref<128xi32, #tpu.memory_space<vmem>>) semaphore(%run_scoped3A_76 : memref<!tpu.dma_semaphore, #tpu.memory_space<semaphore_mem>>) {add = true}
        %dma_wait3A = arith.constant 0 : i32
        %dma_wait3A_82 = tpu.memref_slice %arg5[%while3A_73, %dma_wait3A] : memref<122x128xi32, #tpu.memory_space<vmem>> -> memref<1x128xi32, #tpu.memory_space<vmem>>
        %dma_wait3A_83 = tpu.memref_squeeze %dma_wait3A_82 : memref<1x128xi32, #tpu.memory_space<vmem>> -> memref<128xi32, #tpu.memory_space<vmem>>
        %dma_wait3A_84 = arith.constant 0 : i32
        %dma_wait3A_85 = arith.constant 0 : i32
        %dma_wait3A_86 = tpu.memref_slice %arg8[%dma_wait3A_84, %dma_wait3A_85] : memref<5248x128xf32, #tpu.memory_space<vmem_shared>> -> memref<5248x128xf32, #tpu.memory_space<vmem_shared>>
        tpu.wait_indirect_dma semaphore(%run_scoped3A_76 : memref<!tpu.dma_semaphore, #tpu.memory_space<semaphore_mem>>) src(%arg6 : memref<128x128xf32, #tpu.memory_space<vmem>>) dst(%dma_wait3A_86 : memref<5248x128xf32, #tpu.memory_space<vmem_shared>>)
        tpu.yield
      }) : () -> ()
      %while3A_75 = arith.constant 0 : i32
      scf.yield %while3A_75 : i32
    }
    %barrier3A_37 = arith.constant 0 : index
    tpu.barrier barrier_id(%barrier3A_37)
    %mul3A_38 = arith.constant 320 : i32
    %mul3A_39 = arith.muli %arg1, %mul3A_38 : i32
    %mul3A_40 = arith.constant 320 : i32
    %mul3A_41 = arith.muli %arg1, %mul3A_40 : i32
    %run_scoped3A = arith.constant 0 : i32
    "tpu.region"() ({
      %run_scoped3A_73 = tpu.sem_alloc : memref<!tpu.dma_semaphore, #tpu.memory_space<semaphore_mem>>
      %dma_start3A = arith.constant 0 : i32
      %dma_start3A_74 = tpu.memref_slice %arg4[%arg0, %run_scoped3A, %mul3A_41, %dma_start3A] : memref<2x2x5120x128xf32, #tpu.memory_space<hbm>> -> memref<1x1x320x128xf32, #tpu.memory_space<hbm>>
      %dma_start3A_75 = tpu.memref_squeeze %dma_start3A_74 : memref<1x1x320x128xf32, #tpu.memory_space<hbm>> -> memref<320x128xf32, #tpu.memory_space<hbm>>
      %dma_start3A_76 = arith.constant 0 : i32
      %dma_start3A_77 = tpu.memref_slice %arg8[%mul3A_39, %dma_start3A_76] : memref<5248x128xf32, #tpu.memory_space<vmem_shared>> -> memref<320x128xf32, #tpu.memory_space<vmem_shared>>
      tpu.enqueue_dma source(%dma_start3A_77 : memref<320x128xf32, #tpu.memory_space<vmem_shared>>) target(%dma_start3A_75 : memref<320x128xf32, #tpu.memory_space<hbm>>) target_semaphore(%run_scoped3A_73 : memref<!tpu.dma_semaphore, #tpu.memory_space<semaphore_mem>>)
      %dma_wait3A = arith.constant 0 : i32
      %dma_wait3A_78 = tpu.memref_slice %arg4[%arg0, %run_scoped3A, %mul3A_41, %dma_wait3A] : memref<2x2x5120x128xf32, #tpu.memory_space<hbm>> -> memref<1x1x320x128xf32, #tpu.memory_space<hbm>>
      %dma_wait3A_79 = tpu.memref_squeeze %dma_wait3A_78 : memref<1x1x320x128xf32, #tpu.memory_space<hbm>> -> memref<320x128xf32, #tpu.memory_space<hbm>>
      %dma_wait3A_80 = arith.constant 0 : i32
      %dma_wait3A_81 = tpu.memref_slice %arg8[%mul3A_39, %dma_wait3A_80] : memref<5248x128xf32, #tpu.memory_space<vmem_shared>> -> memref<320x128xf32, #tpu.memory_space<vmem_shared>>
      tpu.wait_dma2 semaphore(%run_scoped3A_73 : memref<!tpu.dma_semaphore, #tpu.memory_space<semaphore_mem>>) src(%dma_wait3A_81 : memref<320x128xf32, #tpu.memory_space<vmem_shared>>) dst(%dma_wait3A_79 : memref<320x128xf32, #tpu.memory_space<hbm>>)
      tpu.yield
    }) : () -> ()
    %barrier3A_42 = arith.constant 0 : index
    tpu.barrier barrier_id(%barrier3A_42)
    "tpu.region"() ({
      %run_scoped3A_73 = tpu.sem_alloc : memref<!tpu.dma_semaphore, #tpu.memory_space<semaphore_mem>>
      %dma_start3A = arith.constant 0 : i32
      %dma_start3A_74 = arith.constant 0 : i32
      %dma_start3A_75 = tpu.memref_slice %arg3[%add3A, %dma_start3A, %dma_start3A_74] : memref<32x122x128xi32, #tpu.memory_space<hbm>> -> memref<1x122x128xi32, #tpu.memory_space<hbm>>
      %dma_start3A_76 = tpu.memref_squeeze %dma_start3A_75 : memref<1x122x128xi32, #tpu.memory_space<hbm>> -> memref<122x128xi32, #tpu.memory_space<hbm>>
      %dma_start3A_77 = arith.constant 0 : i32
      %dma_start3A_78 = arith.constant 0 : i32
      %dma_start3A_79 = tpu.memref_slice %arg3[%add3A, %dma_start3A_77, %dma_start3A_78] : memref<32x122x128xi32, #tpu.memory_space<hbm>> -> memref<1x122x128xi32, #tpu.memory_space<hbm>>
      %dma_start3A_80 = tpu.memref_squeeze %dma_start3A_79 : memref<1x122x128xi32, #tpu.memory_space<hbm>> -> memref<122x128xi32, #tpu.memory_space<hbm>>
      tpu.enqueue_dma source(%dma_start3A_80 : memref<122x128xi32, #tpu.memory_space<hbm>>) target(%arg5 : memref<122x128xi32, #tpu.memory_space<vmem>>) target_semaphore(%run_scoped3A_73 : memref<!tpu.dma_semaphore, #tpu.memory_space<semaphore_mem>>)
      %dma_wait3A = arith.constant 0 : i32
      %dma_wait3A_81 = arith.constant 0 : i32
      %dma_wait3A_82 = tpu.memref_slice %arg3[%add3A, %dma_wait3A, %dma_wait3A_81] : memref<32x122x128xi32, #tpu.memory_space<hbm>> -> memref<1x122x128xi32, #tpu.memory_space<hbm>>
      %dma_wait3A_83 = tpu.memref_squeeze %dma_wait3A_82 : memref<1x122x128xi32, #tpu.memory_space<hbm>> -> memref<122x128xi32, #tpu.memory_space<hbm>>
      %dma_wait3A_84 = arith.constant 0 : i32
      %dma_wait3A_85 = arith.constant 0 : i32
      %dma_wait3A_86 = tpu.memref_slice %arg3[%add3A, %dma_wait3A_84, %dma_wait3A_85] : memref<32x122x128xi32, #tpu.memory_space<hbm>> -> memref<1x122x128xi32, #tpu.memory_space<hbm>>
      %dma_wait3A_87 = tpu.memref_squeeze %dma_wait3A_86 : memref<1x122x128xi32, #tpu.memory_space<hbm>> -> memref<122x128xi32, #tpu.memory_space<hbm>>
      tpu.wait_dma2 semaphore(%run_scoped3A_73 : memref<!tpu.dma_semaphore, #tpu.memory_space<semaphore_mem>>) src(%dma_wait3A_87 : memref<122x128xi32, #tpu.memory_space<hbm>>) dst(%arg5 : memref<122x128xi32, #tpu.memory_space<vmem>>)
      tpu.yield
    }) : () -> ()
    %mul3A_43 = arith.constant 320 : i32
    %mul3A_44 = arith.muli %arg1, %mul3A_43 : i32
    "tpu.region"() ({
      %run_scoped3A_73 = tpu.sem_alloc : memref<!tpu.dma_semaphore, #tpu.memory_space<semaphore_mem>>
      %dma_start3A = arith.constant 0 : i32
      %dma_start3A_74 = tpu.memref_slice %arg8[%mul3A_44, %dma_start3A] : memref<5248x128xf32, #tpu.memory_space<vmem_shared>> -> memref<128x128xf32, #tpu.memory_space<vmem_shared>>
      %dma_start3A_75 = arith.constant 0 : i32
      %dma_start3A_76 = tpu.memref_slice %arg8[%mul3A_44, %dma_start3A_75] : memref<5248x128xf32, #tpu.memory_space<vmem_shared>> -> memref<128x128xf32, #tpu.memory_space<vmem_shared>>
      tpu.enqueue_dma source(%arg7 : memref<128x128xf32, #tpu.memory_space<vmem>>) target(%dma_start3A_76 : memref<128x128xf32, #tpu.memory_space<vmem_shared>>) target_semaphore(%run_scoped3A_73 : memref<!tpu.dma_semaphore, #tpu.memory_space<semaphore_mem>>)
      %dma_wait3A = arith.constant 0 : i32
      %dma_wait3A_77 = tpu.memref_slice %arg8[%mul3A_44, %dma_wait3A] : memref<5248x128xf32, #tpu.memory_space<vmem_shared>> -> memref<128x128xf32, #tpu.memory_space<vmem_shared>>
      %dma_wait3A_78 = arith.constant 0 : i32
      %dma_wait3A_79 = tpu.memref_slice %arg8[%mul3A_44, %dma_wait3A_78] : memref<5248x128xf32, #tpu.memory_space<vmem_shared>> -> memref<128x128xf32, #tpu.memory_space<vmem_shared>>
      tpu.wait_dma2 semaphore(%run_scoped3A_73 : memref<!tpu.dma_semaphore, #tpu.memory_space<semaphore_mem>>) src(%arg7 : memref<128x128xf32, #tpu.memory_space<vmem>>) dst(%dma_wait3A_79 : memref<128x128xf32, #tpu.memory_space<vmem_shared>>)
      tpu.yield
    }) : () -> ()
    %mul3A_45 = arith.constant 320 : i32
    %mul3A_46 = arith.muli %arg1, %mul3A_45 : i32
    %add3A_47 = arith.constant 128 : i32
    %add3A_48 = arith.addi %mul3A_46, %add3A_47 : i32
    "tpu.region"() ({
      %run_scoped3A_73 = tpu.sem_alloc : memref<!tpu.dma_semaphore, #tpu.memory_space<semaphore_mem>>
      %dma_start3A = arith.constant 0 : i32
      %dma_start3A_74 = tpu.memref_slice %arg8[%add3A_48, %dma_start3A] : memref<5248x128xf32, #tpu.memory_space<vmem_shared>> -> memref<128x128xf32, #tpu.memory_space<vmem_shared>>
      %dma_start3A_75 = arith.constant 0 : i32
      %dma_start3A_76 = tpu.memref_slice %arg8[%add3A_48, %dma_start3A_75] : memref<5248x128xf32, #tpu.memory_space<vmem_shared>> -> memref<128x128xf32, #tpu.memory_space<vmem_shared>>
      tpu.enqueue_dma source(%arg7 : memref<128x128xf32, #tpu.memory_space<vmem>>) target(%dma_start3A_76 : memref<128x128xf32, #tpu.memory_space<vmem_shared>>) target_semaphore(%run_scoped3A_73 : memref<!tpu.dma_semaphore, #tpu.memory_space<semaphore_mem>>)
      %dma_wait3A = arith.constant 0 : i32
      %dma_wait3A_77 = tpu.memref_slice %arg8[%add3A_48, %dma_wait3A] : memref<5248x128xf32, #tpu.memory_space<vmem_shared>> -> memref<128x128xf32, #tpu.memory_space<vmem_shared>>
      %dma_wait3A_78 = arith.constant 0 : i32
      %dma_wait3A_79 = tpu.memref_slice %arg8[%add3A_48, %dma_wait3A_78] : memref<5248x128xf32, #tpu.memory_space<vmem_shared>> -> memref<128x128xf32, #tpu.memory_space<vmem_shared>>
      tpu.wait_dma2 semaphore(%run_scoped3A_73 : memref<!tpu.dma_semaphore, #tpu.memory_space<semaphore_mem>>) src(%arg7 : memref<128x128xf32, #tpu.memory_space<vmem>>) dst(%dma_wait3A_79 : memref<128x128xf32, #tpu.memory_space<vmem_shared>>)
      tpu.yield
    }) : () -> ()
    %mul3A_49 = arith.constant 320 : i32
    %mul3A_50 = arith.muli %arg1, %mul3A_49 : i32
    %add3A_51 = arith.constant 256 : i32
    %add3A_52 = arith.addi %mul3A_50, %add3A_51 : i32
    "tpu.region"() ({
      %run_scoped3A_73 = tpu.sem_alloc : memref<!tpu.dma_semaphore, #tpu.memory_space<semaphore_mem>>
      %dma_start3A = arith.constant 0 : i32
      %dma_start3A_74 = arith.constant 0 : i32
      %dma_start3A_75 = tpu.memref_slice %arg7[%dma_start3A, %dma_start3A_74] : memref<128x128xf32, #tpu.memory_space<vmem>> -> memref<64x128xf32, #tpu.memory_space<vmem>>
      %dma_start3A_76 = arith.constant 0 : i32
      %dma_start3A_77 = tpu.memref_slice %arg8[%add3A_52, %dma_start3A_76] : memref<5248x128xf32, #tpu.memory_space<vmem_shared>> -> memref<64x128xf32, #tpu.memory_space<vmem_shared>>
      %dma_start3A_78 = arith.constant 0 : i32
      %dma_start3A_79 = tpu.memref_slice %arg8[%add3A_52, %dma_start3A_78] : memref<5248x128xf32, #tpu.memory_space<vmem_shared>> -> memref<64x128xf32, #tpu.memory_space<vmem_shared>>
      %dma_start3A_80 = arith.constant 0 : i32
      %dma_start3A_81 = arith.constant 0 : i32
      %dma_start3A_82 = tpu.memref_slice %arg7[%dma_start3A_80, %dma_start3A_81] : memref<128x128xf32, #tpu.memory_space<vmem>> -> memref<64x128xf32, #tpu.memory_space<vmem>>
      tpu.enqueue_dma source(%dma_start3A_82 : memref<64x128xf32, #tpu.memory_space<vmem>>) target(%dma_start3A_79 : memref<64x128xf32, #tpu.memory_space<vmem_shared>>) target_semaphore(%run_scoped3A_73 : memref<!tpu.dma_semaphore, #tpu.memory_space<semaphore_mem>>)
      %dma_wait3A = arith.constant 0 : i32
      %dma_wait3A_83 = arith.constant 0 : i32
      %dma_wait3A_84 = tpu.memref_slice %arg7[%dma_wait3A, %dma_wait3A_83] : memref<128x128xf32, #tpu.memory_space<vmem>> -> memref<64x128xf32, #tpu.memory_space<vmem>>
      %dma_wait3A_85 = arith.constant 0 : i32
      %dma_wait3A_86 = tpu.memref_slice %arg8[%add3A_52, %dma_wait3A_85] : memref<5248x128xf32, #tpu.memory_space<vmem_shared>> -> memref<64x128xf32, #tpu.memory_space<vmem_shared>>
      %dma_wait3A_87 = arith.constant 0 : i32
      %dma_wait3A_88 = tpu.memref_slice %arg8[%add3A_52, %dma_wait3A_87] : memref<5248x128xf32, #tpu.memory_space<vmem_shared>> -> memref<64x128xf32, #tpu.memory_space<vmem_shared>>
      %dma_wait3A_89 = arith.constant 0 : i32
      %dma_wait3A_90 = arith.constant 0 : i32
      %dma_wait3A_91 = tpu.memref_slice %arg7[%dma_wait3A_89, %dma_wait3A_90] : memref<128x128xf32, #tpu.memory_space<vmem>> -> memref<64x128xf32, #tpu.memory_space<vmem>>
      tpu.wait_dma2 semaphore(%run_scoped3A_73 : memref<!tpu.dma_semaphore, #tpu.memory_space<semaphore_mem>>) src(%dma_wait3A_91 : memref<64x128xf32, #tpu.memory_space<vmem>>) dst(%dma_wait3A_88 : memref<64x128xf32, #tpu.memory_space<vmem_shared>>)
      tpu.yield
    }) : () -> ()
    %barrier3A_53 = arith.constant 0 : index
    tpu.barrier barrier_id(%barrier3A_53)
    %while3A_54 = arith.constant 0 : i32
    %while3A_55 = arith.constant 0 : i32
    %while3A_56 = arith.subi %select_n3A, %while3A_54 : i32
    %while3A_57 = arith.addi %while3A_54, %while3A_56 : i32
    %while3A_58 = arith.constant 1 : i32
    %while3A_59 = arith.divsi %while3A_56, %while3A_58 : i32
    %while3A_60 = arith.muli %while3A_59, %while3A_58 : i32
    %while3A_61 = arith.addi %while3A_54, %while3A_60 : i32
    %while3A_62 = arith.constant 1 : i32
    %while3A_63 = scf.for %while3A_73 = %while3A_54 to %while3A_61 step %while3A_62 iter_args(%while3A_74 = %while3A_55) -> (i32)  : i32 {
      "tpu.region"() ({
        %run_scoped3A_76 = tpu.sem_alloc : memref<!tpu.dma_semaphore, #tpu.memory_space<semaphore_mem>>
        %dma_start3A = arith.constant 0 : i32
        %dma_start3A_77 = tpu.memref_slice %arg5[%while3A_73, %dma_start3A] : memref<122x128xi32, #tpu.memory_space<vmem>> -> memref<1x128xi32, #tpu.memory_space<vmem>>
        %dma_start3A_78 = tpu.memref_squeeze %dma_start3A_77 : memref<1x128xi32, #tpu.memory_space<vmem>> -> memref<128xi32, #tpu.memory_space<vmem>>
        %dma_start3A_79 = arith.constant 0 : i32
        %dma_start3A_80 = arith.constant 0 : i32
        %dma_start3A_81 = tpu.memref_slice %arg8[%dma_start3A_79, %dma_start3A_80] : memref<5248x128xf32, #tpu.memory_space<vmem_shared>> -> memref<5248x128xf32, #tpu.memory_space<vmem_shared>>
        tpu.enqueue_indirect_dma source(%arg6 : memref<128x128xf32, #tpu.memory_space<vmem>>) target(%dma_start3A_81 : memref<5248x128xf32, #tpu.memory_space<vmem_shared>>) offsets(%dma_start3A_78 : memref<128xi32, #tpu.memory_space<vmem>>) semaphore(%run_scoped3A_76 : memref<!tpu.dma_semaphore, #tpu.memory_space<semaphore_mem>>) {add = true}
        %dma_wait3A = arith.constant 0 : i32
        %dma_wait3A_82 = tpu.memref_slice %arg5[%while3A_73, %dma_wait3A] : memref<122x128xi32, #tpu.memory_space<vmem>> -> memref<1x128xi32, #tpu.memory_space<vmem>>
        %dma_wait3A_83 = tpu.memref_squeeze %dma_wait3A_82 : memref<1x128xi32, #tpu.memory_space<vmem>> -> memref<128xi32, #tpu.memory_space<vmem>>
        %dma_wait3A_84 = arith.constant 0 : i32
        %dma_wait3A_85 = arith.constant 0 : i32
        %dma_wait3A_86 = tpu.memref_slice %arg8[%dma_wait3A_84, %dma_wait3A_85] : memref<5248x128xf32, #tpu.memory_space<vmem_shared>> -> memref<5248x128xf32, #tpu.memory_space<vmem_shared>>
        tpu.wait_indirect_dma semaphore(%run_scoped3A_76 : memref<!tpu.dma_semaphore, #tpu.memory_space<semaphore_mem>>) src(%arg6 : memref<128x128xf32, #tpu.memory_space<vmem>>) dst(%dma_wait3A_86 : memref<5248x128xf32, #tpu.memory_space<vmem_shared>>)
        tpu.yield
      }) : () -> ()
      %while3A_75 = arith.constant 0 : i32
      scf.yield %while3A_75 : i32
    }
    %while3A_64 = arith.constant 1 : i32
    %while3A_65 = scf.for %while3A_73 = %while3A_61 to %while3A_57 step %while3A_64 iter_args(%while3A_74 = %while3A_63) -> (i32)  : i32 {
      "tpu.region"() ({
        %run_scoped3A_76 = tpu.sem_alloc : memref<!tpu.dma_semaphore, #tpu.memory_space<semaphore_mem>>
        %dma_start3A = arith.constant 0 : i32
        %dma_start3A_77 = tpu.memref_slice %arg5[%while3A_73, %dma_start3A] : memref<122x128xi32, #tpu.memory_space<vmem>> -> memref<1x128xi32, #tpu.memory_space<vmem>>
        %dma_start3A_78 = tpu.memref_squeeze %dma_start3A_77 : memref<1x128xi32, #tpu.memory_space<vmem>> -> memref<128xi32, #tpu.memory_space<vmem>>
        %dma_start3A_79 = arith.constant 0 : i32
        %dma_start3A_80 = arith.constant 0 : i32
        %dma_start3A_81 = tpu.memref_slice %arg8[%dma_start3A_79, %dma_start3A_80] : memref<5248x128xf32, #tpu.memory_space<vmem_shared>> -> memref<5248x128xf32, #tpu.memory_space<vmem_shared>>
        tpu.enqueue_indirect_dma source(%arg6 : memref<128x128xf32, #tpu.memory_space<vmem>>) target(%dma_start3A_81 : memref<5248x128xf32, #tpu.memory_space<vmem_shared>>) offsets(%dma_start3A_78 : memref<128xi32, #tpu.memory_space<vmem>>) semaphore(%run_scoped3A_76 : memref<!tpu.dma_semaphore, #tpu.memory_space<semaphore_mem>>) {add = true}
        %dma_wait3A = arith.constant 0 : i32
        %dma_wait3A_82 = tpu.memref_slice %arg5[%while3A_73, %dma_wait3A] : memref<122x128xi32, #tpu.memory_space<vmem>> -> memref<1x128xi32, #tpu.memory_space<vmem>>
        %dma_wait3A_83 = tpu.memref_squeeze %dma_wait3A_82 : memref<1x128xi32, #tpu.memory_space<vmem>> -> memref<128xi32, #tpu.memory_space<vmem>>
        %dma_wait3A_84 = arith.constant 0 : i32
        %dma_wait3A_85 = arith.constant 0 : i32
        %dma_wait3A_86 = tpu.memref_slice %arg8[%dma_wait3A_84, %dma_wait3A_85] : memref<5248x128xf32, #tpu.memory_space<vmem_shared>> -> memref<5248x128xf32, #tpu.memory_space<vmem_shared>>
        tpu.wait_indirect_dma semaphore(%run_scoped3A_76 : memref<!tpu.dma_semaphore, #tpu.memory_space<semaphore_mem>>) src(%arg6 : memref<128x128xf32, #tpu.memory_space<vmem>>) dst(%dma_wait3A_86 : memref<5248x128xf32, #tpu.memory_space<vmem_shared>>)
        tpu.yield
      }) : () -> ()
      %while3A_75 = arith.constant 0 : i32
      scf.yield %while3A_75 : i32
    }
    %barrier3A_66 = arith.constant 0 : index
    tpu.barrier barrier_id(%barrier3A_66)
    %mul3A_67 = arith.constant 320 : i32
    %mul3A_68 = arith.muli %arg1, %mul3A_67 : i32
    %mul3A_69 = arith.constant 320 : i32
    %mul3A_70 = arith.muli %arg1, %mul3A_69 : i32
    %run_scoped3A_71 = arith.constant 1 : i32
    "tpu.region"() ({
      %run_scoped3A_73 = tpu.sem_alloc : memref<!tpu.dma_semaphore, #tpu.memory_space<semaphore_mem>>
      %dma_start3A = arith.constant 0 : i32
      %dma_start3A_74 = tpu.memref_slice %arg4[%arg0, %run_scoped3A_71, %mul3A_70, %dma_start3A] : memref<2x2x5120x128xf32, #tpu.memory_space<hbm>> -> memref<1x1x320x128xf32, #tpu.memory_space<hbm>>
      %dma_start3A_75 = tpu.memref_squeeze %dma_start3A_74 : memref<1x1x320x128xf32, #tpu.memory_space<hbm>> -> memref<320x128xf32, #tpu.memory_space<hbm>>
      %dma_start3A_76 = arith.constant 0 : i32
      %dma_start3A_77 = tpu.memref_slice %arg8[%mul3A_68, %dma_start3A_76] : memref<5248x128xf32, #tpu.memory_space<vmem_shared>> -> memref<320x128xf32, #tpu.memory_space<vmem_shared>>
      tpu.enqueue_dma source(%dma_start3A_77 : memref<320x128xf32, #tpu.memory_space<vmem_shared>>) target(%dma_start3A_75 : memref<320x128xf32, #tpu.memory_space<hbm>>) target_semaphore(%run_scoped3A_73 : memref<!tpu.dma_semaphore, #tpu.memory_space<semaphore_mem>>)
      %dma_wait3A = arith.constant 0 : i32
      %dma_wait3A_78 = tpu.memref_slice %arg4[%arg0, %run_scoped3A_71, %mul3A_70, %dma_wait3A] : memref<2x2x5120x128xf32, #tpu.memory_space<hbm>> -> memref<1x1x320x128xf32, #tpu.memory_space<hbm>>
      %dma_wait3A_79 = tpu.memref_squeeze %dma_wait3A_78 : memref<1x1x320x128xf32, #tpu.memory_space<hbm>> -> memref<320x128xf32, #tpu.memory_space<hbm>>
      %dma_wait3A_80 = arith.constant 0 : i32
      %dma_wait3A_81 = tpu.memref_slice %arg8[%mul3A_68, %dma_wait3A_80] : memref<5248x128xf32, #tpu.memory_space<vmem_shared>> -> memref<320x128xf32, #tpu.memory_space<vmem_shared>>
      tpu.wait_dma2 semaphore(%run_scoped3A_73 : memref<!tpu.dma_semaphore, #tpu.memory_space<semaphore_mem>>) src(%dma_wait3A_81 : memref<320x128xf32, #tpu.memory_space<vmem_shared>>) dst(%dma_wait3A_79 : memref<320x128xf32, #tpu.memory_space<hbm>>)
      tpu.yield
    }) : () -> ()
    %barrier3A_72 = arith.constant 0 : index
    tpu.barrier barrier_id(%barrier3A_72)
    return
  }
}

#map = affine_map<(d0, d1) -> (0, 0)>
#map1 = affine_map<(d0, d1) -> (0, 0, 0)>
#map2 = affine_map<(d0, d1) -> (0, 0, 0, 0)>
module attributes {stable_mosaic.version = 14 : i64} {
  func.func @_sc_scatter(%arg0: i32, %arg1: i32, %arg2: memref<10000x128xf32, #tpu.memory_space<hbm>>, %arg3: memref<32x122x128xi32, #tpu.memory_space<hbm>>, %arg4: memref<32x122x128xi32, #tpu.memory_space<hbm>>, %arg5: memref<32x122x128xi32, #tpu.memory_space<hbm>>, %arg6: memref<2x2x5120x128xf32, #tpu.memory_space<hbm>>, %arg7: memref<122x128xi32, #tpu.memory_space<vmem>>, %arg8: memref<122x128xi32, #tpu.memory_space<vmem>>, %arg9: memref<128x128xf32, #tpu.memory_space<vmem>>, %arg10: memref<128x128xf32, #tpu.memory_space<vmem>>, %arg11: memref<128x128xf32, #tpu.memory_space<vmem>>, %arg12: memref<5248x128xf32, #tpu.memory_space<vmem_shared>>, %arg13: memref<!tpu.dma_semaphore, #tpu.memory_space<semaphore_mem>>, %arg14: memref<!tpu.dma_semaphore, #tpu.memory_space<semaphore_mem>>) attributes {dimension_semantics = [#tpu.dimension_semantics<core_parallel>, #tpu.dimension_semantics<subcore_parallel>], iteration_bounds = array<i64: 2, 16>, scalar_prefetch = 0 : i64, scratch_operands = 8 : i64, tpu.core_type = #tpu.core_type<sc_vector_subcore>, window_params = [{transform_indices = #map}, {transform_indices = #map1}, {transform_indices = #map1}, {transform_indices = #map1}, {transform_indices = #map2}]} {
    %mul3A = arith.constant 2 : i32
    %mul3A_0 = arith.muli %arg1, %mul3A : i32
    %add3A = arith.addi %mul3A_0, %arg0 : i32
    %eq3A = arith.constant 0 : i32
    %eq3A_1 = arith.cmpi eq, %arg0, %eq3A : i32
    %jit3A = arith.constant 18 : i32
    %jit3A_2 = arith.constant 61 : i32
    %select_n3A = arith.select %eq3A_1, %jit3A, %jit3A_2 : i32
    %scan3A = arith.constant 0 : i32
    %scan3A_3 = arith.constant 0 : i32
    %scan3A_4 = arith.constant 128 : i32
    %scan3A_5 = arith.addi %scan3A_3, %scan3A_4 : i32
    %scan3A_6 = arith.constant 1 : i32
    %scan3A_7 = scf.for %scan3A_79 = %scan3A_3 to %scan3A_5 step %scan3A_6 iter_args(%scan3A_80 = %scan3A) -> (i32)  : i32 {
      %broadcast_in_dim3A = arith.constant 0.000000e+00 : f32
      %broadcast_in_dim3A_81 = vector.broadcast %broadcast_in_dim3A : f32 to vector<16xf32>
      %swap3A = arith.index_cast %scan3A_79 : i32 to index
      %swap3A_82 = arith.constant 0 : index
      %swap3A_83 = tpu.vector_load %arg11[%swap3A, %swap3A_82] {strides = array<i32>} : memref<128x128xf32, #tpu.memory_space<vmem>>, vector<1x16xf32>,
      %swap3A_84 = vector.shape_cast %swap3A_83 : vector<1x16xf32> to vector<16xf32>
      %swap3A_85 = vector.shape_cast %broadcast_in_dim3A_81 : vector<16xf32> to vector<1x16xf32>
      tpu.vector_store %arg11[%swap3A, %swap3A_82], %swap3A_85 {strides = array<i32>} : memref<128x128xf32, #tpu.memory_space<vmem>>, vector<1x16xf32>,
      %broadcast_in_dim3A_86 = arith.constant 0.000000e+00 : f32
      %broadcast_in_dim3A_87 = vector.broadcast %broadcast_in_dim3A_86 : f32 to vector<16xf32>
      %swap3A_88 = arith.index_cast %scan3A_79 : i32 to index
      %swap3A_89 = arith.constant 16 : index
      %swap3A_90 = tpu.vector_load %arg11[%swap3A_88, %swap3A_89] {strides = array<i32>} : memref<128x128xf32, #tpu.memory_space<vmem>>, vector<1x16xf32>,
      %swap3A_91 = vector.shape_cast %swap3A_90 : vector<1x16xf32> to vector<16xf32>
      %swap3A_92 = vector.shape_cast %broadcast_in_dim3A_87 : vector<16xf32> to vector<1x16xf32>
      tpu.vector_store %arg11[%swap3A_88, %swap3A_89], %swap3A_92 {strides = array<i32>} : memref<128x128xf32, #tpu.memory_space<vmem>>, vector<1x16xf32>,
      %broadcast_in_dim3A_93 = arith.constant 0.000000e+00 : f32
      %broadcast_in_dim3A_94 = vector.broadcast %broadcast_in_dim3A_93 : f32 to vector<16xf32>
      %swap3A_95 = arith.index_cast %scan3A_79 : i32 to index
      %swap3A_96 = arith.constant 32 : index
      %swap3A_97 = tpu.vector_load %arg11[%swap3A_95, %swap3A_96] {strides = array<i32>} : memref<128x128xf32, #tpu.memory_space<vmem>>, vector<1x16xf32>,
      %swap3A_98 = vector.shape_cast %swap3A_97 : vector<1x16xf32> to vector<16xf32>
      %swap3A_99 = vector.shape_cast %broadcast_in_dim3A_94 : vector<16xf32> to vector<1x16xf32>
      tpu.vector_store %arg11[%swap3A_95, %swap3A_96], %swap3A_99 {strides = array<i32>} : memref<128x128xf32, #tpu.memory_space<vmem>>, vector<1x16xf32>,
      %broadcast_in_dim3A_100 = arith.constant 0.000000e+00 : f32
      %broadcast_in_dim3A_101 = vector.broadcast %broadcast_in_dim3A_100 : f32 to vector<16xf32>
      %swap3A_102 = arith.index_cast %scan3A_79 : i32 to index
      %swap3A_103 = arith.constant 48 : index
      %swap3A_104 = tpu.vector_load %arg11[%swap3A_102, %swap3A_103] {strides = array<i32>} : memref<128x128xf32, #tpu.memory_space<vmem>>, vector<1x16xf32>,
      %swap3A_105 = vector.shape_cast %swap3A_104 : vector<1x16xf32> to vector<16xf32>
      %swap3A_106 = vector.shape_cast %broadcast_in_dim3A_101 : vector<16xf32> to vector<1x16xf32>
      tpu.vector_store %arg11[%swap3A_102, %swap3A_103], %swap3A_106 {strides = array<i32>} : memref<128x128xf32, #tpu.memory_space<vmem>>, vector<1x16xf32>,
      %broadcast_in_dim3A_107 = arith.constant 0.000000e+00 : f32
      %broadcast_in_dim3A_108 = vector.broadcast %broadcast_in_dim3A_107 : f32 to vector<16xf32>
      %swap3A_109 = arith.index_cast %scan3A_79 : i32 to index
      %swap3A_110 = arith.constant 64 : index
      %swap3A_111 = tpu.vector_load %arg11[%swap3A_109, %swap3A_110] {strides = array<i32>} : memref<128x128xf32, #tpu.memory_space<vmem>>, vector<1x16xf32>,
      %swap3A_112 = vector.shape_cast %swap3A_111 : vector<1x16xf32> to vector<16xf32>
      %swap3A_113 = vector.shape_cast %broadcast_in_dim3A_108 : vector<16xf32> to vector<1x16xf32>
      tpu.vector_store %arg11[%swap3A_109, %swap3A_110], %swap3A_113 {strides = array<i32>} : memref<128x128xf32, #tpu.memory_space<vmem>>, vector<1x16xf32>,
      %broadcast_in_dim3A_114 = arith.constant 0.000000e+00 : f32
      %broadcast_in_dim3A_115 = vector.broadcast %broadcast_in_dim3A_114 : f32 to vector<16xf32>
      %swap3A_116 = arith.index_cast %scan3A_79 : i32 to index
      %swap3A_117 = arith.constant 80 : index
      %swap3A_118 = tpu.vector_load %arg11[%swap3A_116, %swap3A_117] {strides = array<i32>} : memref<128x128xf32, #tpu.memory_space<vmem>>, vector<1x16xf32>,
      %swap3A_119 = vector.shape_cast %swap3A_118 : vector<1x16xf32> to vector<16xf32>
      %swap3A_120 = vector.shape_cast %broadcast_in_dim3A_115 : vector<16xf32> to vector<1x16xf32>
      tpu.vector_store %arg11[%swap3A_116, %swap3A_117], %swap3A_120 {strides = array<i32>} : memref<128x128xf32, #tpu.memory_space<vmem>>, vector<1x16xf32>,
      %broadcast_in_dim3A_121 = arith.constant 0.000000e+00 : f32
      %broadcast_in_dim3A_122 = vector.broadcast %broadcast_in_dim3A_121 : f32 to vector<16xf32>
      %swap3A_123 = arith.index_cast %scan3A_79 : i32 to index
      %swap3A_124 = arith.constant 96 : index
      %swap3A_125 = tpu.vector_load %arg11[%swap3A_123, %swap3A_124] {strides = array<i32>} : memref<128x128xf32, #tpu.memory_space<vmem>>, vector<1x16xf32>,
      %swap3A_126 = vector.shape_cast %swap3A_125 : vector<1x16xf32> to vector<16xf32>
      %swap3A_127 = vector.shape_cast %broadcast_in_dim3A_122 : vector<16xf32> to vector<1x16xf32>
      tpu.vector_store %arg11[%swap3A_123, %swap3A_124], %swap3A_127 {strides = array<i32>} : memref<128x128xf32, #tpu.memory_space<vmem>>, vector<1x16xf32>,
      %broadcast_in_dim3A_128 = arith.constant 0.000000e+00 : f32
      %broadcast_in_dim3A_129 = vector.broadcast %broadcast_in_dim3A_128 : f32 to vector<16xf32>
      %swap3A_130 = arith.index_cast %scan3A_79 : i32 to index
      %swap3A_131 = arith.constant 112 : index
      %swap3A_132 = tpu.vector_load %arg11[%swap3A_130, %swap3A_131] {strides = array<i32>} : memref<128x128xf32, #tpu.memory_space<vmem>>, vector<1x16xf32>,
      %swap3A_133 = vector.shape_cast %swap3A_132 : vector<1x16xf32> to vector<16xf32>
      %swap3A_134 = vector.shape_cast %broadcast_in_dim3A_129 : vector<16xf32> to vector<1x16xf32>
      tpu.vector_store %arg11[%swap3A_130, %swap3A_131], %swap3A_134 {strides = array<i32>} : memref<128x128xf32, #tpu.memory_space<vmem>>, vector<1x16xf32>,
      %scan3A_135 = arith.constant 0 : i32
      scf.yield %scan3A_135 : i32
    }
    %scan3A_8 = arith.constant 128 : i32
    "tpu.region"() ({
      %run_scoped3A_79 = tpu.sem_alloc : memref<!tpu.dma_semaphore, #tpu.memory_space<semaphore_mem>>
      %dma_start3A_80 = arith.constant 0 : i32
      %dma_start3A_81 = arith.constant 0 : i32
      %dma_start3A_82 = tpu.memref_slice %arg3[%add3A, %dma_start3A_80, %dma_start3A_81] : memref<32x122x128xi32, #tpu.memory_space<hbm>> -> memref<1x122x128xi32, #tpu.memory_space<hbm>>
      %dma_start3A_83 = tpu.memref_squeeze %dma_start3A_82 : memref<1x122x128xi32, #tpu.memory_space<hbm>> -> memref<122x128xi32, #tpu.memory_space<hbm>>
      %dma_start3A_84 = arith.constant 0 : i32
      %dma_start3A_85 = arith.constant 0 : i32
      %dma_start3A_86 = tpu.memref_slice %arg3[%add3A, %dma_start3A_84, %dma_start3A_85] : memref<32x122x128xi32, #tpu.memory_space<hbm>> -> memref<1x122x128xi32, #tpu.memory_space<hbm>>
      %dma_start3A_87 = tpu.memref_squeeze %dma_start3A_86 : memref<1x122x128xi32, #tpu.memory_space<hbm>> -> memref<122x128xi32, #tpu.memory_space<hbm>>
      tpu.enqueue_dma source(%dma_start3A_87 : memref<122x128xi32, #tpu.memory_space<hbm>>) target(%arg7 : memref<122x128xi32, #tpu.memory_space<vmem>>) target_semaphore(%run_scoped3A_79 : memref<!tpu.dma_semaphore, #tpu.memory_space<semaphore_mem>>)
      %dma_wait3A = arith.constant 0 : i32
      %dma_wait3A_88 = arith.constant 0 : i32
      %dma_wait3A_89 = tpu.memref_slice %arg3[%add3A, %dma_wait3A, %dma_wait3A_88] : memref<32x122x128xi32, #tpu.memory_space<hbm>> -> memref<1x122x128xi32, #tpu.memory_space<hbm>>
      %dma_wait3A_90 = tpu.memref_squeeze %dma_wait3A_89 : memref<1x122x128xi32, #tpu.memory_space<hbm>> -> memref<122x128xi32, #tpu.memory_space<hbm>>
      %dma_wait3A_91 = arith.constant 0 : i32
      %dma_wait3A_92 = arith.constant 0 : i32
      %dma_wait3A_93 = tpu.memref_slice %arg3[%add3A, %dma_wait3A_91, %dma_wait3A_92] : memref<32x122x128xi32, #tpu.memory_space<hbm>> -> memref<1x122x128xi32, #tpu.memory_space<hbm>>
      %dma_wait3A_94 = tpu.memref_squeeze %dma_wait3A_93 : memref<1x122x128xi32, #tpu.memory_space<hbm>> -> memref<122x128xi32, #tpu.memory_space<hbm>>
      tpu.wait_dma2 semaphore(%run_scoped3A_79 : memref<!tpu.dma_semaphore, #tpu.memory_space<semaphore_mem>>) src(%dma_wait3A_94 : memref<122x128xi32, #tpu.memory_space<hbm>>) dst(%arg7 : memref<122x128xi32, #tpu.memory_space<vmem>>)
      tpu.yield
    }) : () -> ()
    "tpu.region"() ({
      %run_scoped3A_79 = tpu.sem_alloc : memref<!tpu.dma_semaphore, #tpu.memory_space<semaphore_mem>>
      %dma_start3A_80 = arith.constant 0 : i32
      %dma_start3A_81 = arith.constant 0 : i32
      %dma_start3A_82 = tpu.memref_slice %arg4[%add3A, %dma_start3A_80, %dma_start3A_81] : memref<32x122x128xi32, #tpu.memory_space<hbm>> -> memref<1x122x128xi32, #tpu.memory_space<hbm>>
      %dma_start3A_83 = tpu.memref_squeeze %dma_start3A_82 : memref<1x122x128xi32, #tpu.memory_space<hbm>> -> memref<122x128xi32, #tpu.memory_space<hbm>>
      %dma_start3A_84 = arith.constant 0 : i32
      %dma_start3A_85 = arith.constant 0 : i32
      %dma_start3A_86 = tpu.memref_slice %arg4[%add3A, %dma_start3A_84, %dma_start3A_85] : memref<32x122x128xi32, #tpu.memory_space<hbm>> -> memref<1x122x128xi32, #tpu.memory_space<hbm>>
      %dma_start3A_87 = tpu.memref_squeeze %dma_start3A_86 : memref<1x122x128xi32, #tpu.memory_space<hbm>> -> memref<122x128xi32, #tpu.memory_space<hbm>>
      tpu.enqueue_dma source(%dma_start3A_87 : memref<122x128xi32, #tpu.memory_space<hbm>>) target(%arg8 : memref<122x128xi32, #tpu.memory_space<vmem>>) target_semaphore(%run_scoped3A_79 : memref<!tpu.dma_semaphore, #tpu.memory_space<semaphore_mem>>)
      %dma_wait3A = arith.constant 0 : i32
      %dma_wait3A_88 = arith.constant 0 : i32
      %dma_wait3A_89 = tpu.memref_slice %arg4[%add3A, %dma_wait3A, %dma_wait3A_88] : memref<32x122x128xi32, #tpu.memory_space<hbm>> -> memref<1x122x128xi32, #tpu.memory_space<hbm>>
      %dma_wait3A_90 = tpu.memref_squeeze %dma_wait3A_89 : memref<1x122x128xi32, #tpu.memory_space<hbm>> -> memref<122x128xi32, #tpu.memory_space<hbm>>
      %dma_wait3A_91 = arith.constant 0 : i32
      %dma_wait3A_92 = arith.constant 0 : i32
      %dma_wait3A_93 = tpu.memref_slice %arg4[%add3A, %dma_wait3A_91, %dma_wait3A_92] : memref<32x122x128xi32, #tpu.memory_space<hbm>> -> memref<1x122x128xi32, #tpu.memory_space<hbm>>
      %dma_wait3A_94 = tpu.memref_squeeze %dma_wait3A_93 : memref<1x122x128xi32, #tpu.memory_space<hbm>> -> memref<122x128xi32, #tpu.memory_space<hbm>>
      tpu.wait_dma2 semaphore(%run_scoped3A_79 : memref<!tpu.dma_semaphore, #tpu.memory_space<semaphore_mem>>) src(%dma_wait3A_94 : memref<122x128xi32, #tpu.memory_space<hbm>>) dst(%arg8 : memref<122x128xi32, #tpu.memory_space<vmem>>)
      tpu.yield
    }) : () -> ()
    %mul3A_9 = arith.constant 320 : i32
    %mul3A_10 = arith.muli %arg1, %mul3A_9 : i32
    "tpu.region"() ({
      %run_scoped3A_79 = tpu.sem_alloc : memref<!tpu.dma_semaphore, #tpu.memory_space<semaphore_mem>>
      %dma_start3A_80 = arith.constant 0 : i32
      %dma_start3A_81 = tpu.memref_slice %arg12[%mul3A_10, %dma_start3A_80] : memref<5248x128xf32, #tpu.memory_space<vmem_shared>> -> memref<128x128xf32, #tpu.memory_space<vmem_shared>>
      %dma_start3A_82 = arith.constant 0 : i32
      %dma_start3A_83 = tpu.memref_slice %arg12[%mul3A_10, %dma_start3A_82] : memref<5248x128xf32, #tpu.memory_space<vmem_shared>> -> memref<128x128xf32, #tpu.memory_space<vmem_shared>>
      tpu.enqueue_dma source(%arg11 : memref<128x128xf32, #tpu.memory_space<vmem>>) target(%dma_start3A_83 : memref<128x128xf32, #tpu.memory_space<vmem_shared>>) target_semaphore(%run_scoped3A_79 : memref<!tpu.dma_semaphore, #tpu.memory_space<semaphore_mem>>)
      %dma_wait3A = arith.constant 0 : i32
      %dma_wait3A_84 = tpu.memref_slice %arg12[%mul3A_10, %dma_wait3A] : memref<5248x128xf32, #tpu.memory_space<vmem_shared>> -> memref<128x128xf32, #tpu.memory_space<vmem_shared>>
      %dma_wait3A_85 = arith.constant 0 : i32
      %dma_wait3A_86 = tpu.memref_slice %arg12[%mul3A_10, %dma_wait3A_85] : memref<5248x128xf32, #tpu.memory_space<vmem_shared>> -> memref<128x128xf32, #tpu.memory_space<vmem_shared>>
      tpu.wait_dma2 semaphore(%run_scoped3A_79 : memref<!tpu.dma_semaphore, #tpu.memory_space<semaphore_mem>>) src(%arg11 : memref<128x128xf32, #tpu.memory_space<vmem>>) dst(%dma_wait3A_86 : memref<128x128xf32, #tpu.memory_space<vmem_shared>>)
      tpu.yield
    }) : () -> ()
    %mul3A_11 = arith.constant 320 : i32
    %mul3A_12 = arith.muli %arg1, %mul3A_11 : i32
    %add3A_13 = arith.constant 128 : i32
    %add3A_14 = arith.addi %mul3A_12, %add3A_13 : i32
    "tpu.region"() ({
      %run_scoped3A_79 = tpu.sem_alloc : memref<!tpu.dma_semaphore, #tpu.memory_space<semaphore_mem>>
      %dma_start3A_80 = arith.constant 0 : i32
      %dma_start3A_81 = tpu.memref_slice %arg12[%add3A_14, %dma_start3A_80] : memref<5248x128xf32, #tpu.memory_space<vmem_shared>> -> memref<128x128xf32, #tpu.memory_space<vmem_shared>>
      %dma_start3A_82 = arith.constant 0 : i32
      %dma_start3A_83 = tpu.memref_slice %arg12[%add3A_14, %dma_start3A_82] : memref<5248x128xf32, #tpu.memory_space<vmem_shared>> -> memref<128x128xf32, #tpu.memory_space<vmem_shared>>
      tpu.enqueue_dma source(%arg11 : memref<128x128xf32, #tpu.memory_space<vmem>>) target(%dma_start3A_83 : memref<128x128xf32, #tpu.memory_space<vmem_shared>>) target_semaphore(%run_scoped3A_79 : memref<!tpu.dma_semaphore, #tpu.memory_space<semaphore_mem>>)
      %dma_wait3A = arith.constant 0 : i32
      %dma_wait3A_84 = tpu.memref_slice %arg12[%add3A_14, %dma_wait3A] : memref<5248x128xf32, #tpu.memory_space<vmem_shared>> -> memref<128x128xf32, #tpu.memory_space<vmem_shared>>
      %dma_wait3A_85 = arith.constant 0 : i32
      %dma_wait3A_86 = tpu.memref_slice %arg12[%add3A_14, %dma_wait3A_85] : memref<5248x128xf32, #tpu.memory_space<vmem_shared>> -> memref<128x128xf32, #tpu.memory_space<vmem_shared>>
      tpu.wait_dma2 semaphore(%run_scoped3A_79 : memref<!tpu.dma_semaphore, #tpu.memory_space<semaphore_mem>>) src(%arg11 : memref<128x128xf32, #tpu.memory_space<vmem>>) dst(%dma_wait3A_86 : memref<128x128xf32, #tpu.memory_space<vmem_shared>>)
      tpu.yield
    }) : () -> ()
    %mul3A_15 = arith.constant 320 : i32
    %mul3A_16 = arith.muli %arg1, %mul3A_15 : i32
    %add3A_17 = arith.constant 256 : i32
    %add3A_18 = arith.addi %mul3A_16, %add3A_17 : i32
    "tpu.region"() ({
      %run_scoped3A_79 = tpu.sem_alloc : memref<!tpu.dma_semaphore, #tpu.memory_space<semaphore_mem>>
      %dma_start3A_80 = arith.constant 0 : i32
      %dma_start3A_81 = arith.constant 0 : i32
      %dma_start3A_82 = tpu.memref_slice %arg11[%dma_start3A_80, %dma_start3A_81] : memref<128x128xf32, #tpu.memory_space<vmem>> -> memref<64x128xf32, #tpu.memory_space<vmem>>
      %dma_start3A_83 = arith.constant 0 : i32
      %dma_start3A_84 = tpu.memref_slice %arg12[%add3A_18, %dma_start3A_83] : memref<5248x128xf32, #tpu.memory_space<vmem_shared>> -> memref<64x128xf32, #tpu.memory_space<vmem_shared>>
      %dma_start3A_85 = arith.constant 0 : i32
      %dma_start3A_86 = tpu.memref_slice %arg12[%add3A_18, %dma_start3A_85] : memref<5248x128xf32, #tpu.memory_space<vmem_shared>> -> memref<64x128xf32, #tpu.memory_space<vmem_shared>>
      %dma_start3A_87 = arith.constant 0 : i32
      %dma_start3A_88 = arith.constant 0 : i32
      %dma_start3A_89 = tpu.memref_slice %arg11[%dma_start3A_87, %dma_start3A_88] : memref<128x128xf32, #tpu.memory_space<vmem>> -> memref<64x128xf32, #tpu.memory_space<vmem>>
      tpu.enqueue_dma source(%dma_start3A_89 : memref<64x128xf32, #tpu.memory_space<vmem>>) target(%dma_start3A_86 : memref<64x128xf32, #tpu.memory_space<vmem_shared>>) target_semaphore(%run_scoped3A_79 : memref<!tpu.dma_semaphore, #tpu.memory_space<semaphore_mem>>)
      %dma_wait3A = arith.constant 0 : i32
      %dma_wait3A_90 = arith.constant 0 : i32
      %dma_wait3A_91 = tpu.memref_slice %arg11[%dma_wait3A, %dma_wait3A_90] : memref<128x128xf32, #tpu.memory_space<vmem>> -> memref<64x128xf32, #tpu.memory_space<vmem>>
      %dma_wait3A_92 = arith.constant 0 : i32
      %dma_wait3A_93 = tpu.memref_slice %arg12[%add3A_18, %dma_wait3A_92] : memref<5248x128xf32, #tpu.memory_space<vmem_shared>> -> memref<64x128xf32, #tpu.memory_space<vmem_shared>>
      %dma_wait3A_94 = arith.constant 0 : i32
      %dma_wait3A_95 = tpu.memref_slice %arg12[%add3A_18, %dma_wait3A_94] : memref<5248x128xf32, #tpu.memory_space<vmem_shared>> -> memref<64x128xf32, #tpu.memory_space<vmem_shared>>
      %dma_wait3A_96 = arith.constant 0 : i32
      %dma_wait3A_97 = arith.constant 0 : i32
      %dma_wait3A_98 = tpu.memref_slice %arg11[%dma_wait3A_96, %dma_wait3A_97] : memref<128x128xf32, #tpu.memory_space<vmem>> -> memref<64x128xf32, #tpu.memory_space<vmem>>
      tpu.wait_dma2 semaphore(%run_scoped3A_79 : memref<!tpu.dma_semaphore, #tpu.memory_space<semaphore_mem>>) src(%dma_wait3A_98 : memref<64x128xf32, #tpu.memory_space<vmem>>) dst(%dma_wait3A_95 : memref<64x128xf32, #tpu.memory_space<vmem_shared>>)
      tpu.yield
    }) : () -> ()
    %barrier3A = arith.constant 0 : index
    tpu.barrier barrier_id(%barrier3A)
    %dma_start3A = arith.constant 0 : i32
    %dma_start3A_19 = arith.constant 0 : i32
    %dma_start3A_20 = tpu.memref_slice %arg7[%dma_start3A, %dma_start3A_19] : memref<122x128xi32, #tpu.memory_space<vmem>> -> memref<1x128xi32, #tpu.memory_space<vmem>>
    %dma_start3A_21 = tpu.memref_squeeze %dma_start3A_20 : memref<1x128xi32, #tpu.memory_space<vmem>> -> memref<128xi32, #tpu.memory_space<vmem>>
    %dma_start3A_22 = arith.constant 0 : i32
    %dma_start3A_23 = arith.constant 0 : i32
    %dma_start3A_24 = tpu.memref_slice %arg2[%dma_start3A_22, %dma_start3A_23] : memref<10000x128xf32, #tpu.memory_space<hbm>> -> memref<10000x128xf32, #tpu.memory_space<hbm>>
    tpu.enqueue_indirect_dma source(%dma_start3A_24 : memref<10000x128xf32, #tpu.memory_space<hbm>>) target(%arg9 : memref<128x128xf32, #tpu.memory_space<vmem>>) offsets(%dma_start3A_21 : memref<128xi32, #tpu.memory_space<vmem>>) semaphore(%arg13 : memref<!tpu.dma_semaphore, #tpu.memory_space<semaphore_mem>>)
    %while3A = arith.constant 0 : i32
    %while3A_25 = arith.constant 0 : i32
    %while3A_26 = arith.subi %select_n3A, %while3A : i32
    %while3A_27 = arith.addi %while3A, %while3A_26 : i32
    %while3A_28 = arith.constant 1 : i32
    %while3A_29 = arith.divsi %while3A_26, %while3A_28 : i32
    %while3A_30 = arith.muli %while3A_29, %while3A_28 : i32
    %while3A_31 = arith.addi %while3A, %while3A_30 : i32
    %while3A_32 = arith.constant 1 : i32
    %while3A_33 = scf.for %while3A_79 = %while3A to %while3A_31 step %while3A_32 iter_args(%while3A_80 = %while3A_25) -> (i32)  : i32 {
      %mul3A_81 = arith.constant 2 : i32
      %mul3A_82 = arith.muli %mul3A_81, %while3A_79 : i32
      %dma_wait3A = arith.constant 0 : i32
      %dma_wait3A_83 = tpu.memref_slice %arg7[%mul3A_82, %dma_wait3A] : memref<122x128xi32, #tpu.memory_space<vmem>> -> memref<1x128xi32, #tpu.memory_space<vmem>>
      %dma_wait3A_84 = tpu.memref_squeeze %dma_wait3A_83 : memref<1x128xi32, #tpu.memory_space<vmem>> -> memref<128xi32, #tpu.memory_space<vmem>>
      %dma_wait3A_85 = arith.constant 0 : i32
      %dma_wait3A_86 = arith.constant 0 : i32
      %dma_wait3A_87 = tpu.memref_slice %arg2[%dma_wait3A_85, %dma_wait3A_86] : memref<10000x128xf32, #tpu.memory_space<hbm>> -> memref<10000x128xf32, #tpu.memory_space<hbm>>
      tpu.wait_indirect_dma semaphore(%arg13 : memref<!tpu.dma_semaphore, #tpu.memory_space<semaphore_mem>>) src(%dma_wait3A_87 : memref<10000x128xf32, #tpu.memory_space<hbm>>) dst(%arg9 : memref<128x128xf32, #tpu.memory_space<vmem>>)
      %add3A_88 = arith.constant 1 : i32
      %add3A_89 = arith.addi %mul3A_82, %add3A_88 : i32
      %dma_start3A_90 = arith.constant 0 : i32
      %dma_start3A_91 = tpu.memref_slice %arg7[%add3A_89, %dma_start3A_90] : memref<122x128xi32, #tpu.memory_space<vmem>> -> memref<1x128xi32, #tpu.memory_space<vmem>>
      %dma_start3A_92 = tpu.memref_squeeze %dma_start3A_91 : memref<1x128xi32, #tpu.memory_space<vmem>> -> memref<128xi32, #tpu.memory_space<vmem>>
      %dma_start3A_93 = arith.constant 0 : i32
      %dma_start3A_94 = arith.constant 0 : i32
      %dma_start3A_95 = tpu.memref_slice %arg2[%dma_start3A_93, %dma_start3A_94] : memref<10000x128xf32, #tpu.memory_space<hbm>> -> memref<10000x128xf32, #tpu.memory_space<hbm>>
      tpu.enqueue_indirect_dma source(%dma_start3A_95 : memref<10000x128xf32, #tpu.memory_space<hbm>>) target(%arg10 : memref<128x128xf32, #tpu.memory_space<vmem>>) offsets(%dma_start3A_92 : memref<128xi32, #tpu.memory_space<vmem>>) semaphore(%arg14 : memref<!tpu.dma_semaphore, #tpu.memory_space<semaphore_mem>>)
      "tpu.region"() ({
        %run_scoped3A_109 = tpu.sem_alloc : memref<!tpu.dma_semaphore, #tpu.memory_space<semaphore_mem>>
        %dma_start3A_110 = arith.constant 0 : i32
        %dma_start3A_111 = tpu.memref_slice %arg8[%mul3A_82, %dma_start3A_110] : memref<122x128xi32, #tpu.memory_space<vmem>> -> memref<1x128xi32, #tpu.memory_space<vmem>>
        %dma_start3A_112 = tpu.memref_squeeze %dma_start3A_111 : memref<1x128xi32, #tpu.memory_space<vmem>> -> memref<128xi32, #tpu.memory_space<vmem>>
        %dma_start3A_113 = arith.constant 0 : i32
        %dma_start3A_114 = arith.constant 0 : i32
        %dma_start3A_115 = tpu.memref_slice %arg12[%dma_start3A_113, %dma_start3A_114] : memref<5248x128xf32, #tpu.memory_space<vmem_shared>> -> memref<5248x128xf32, #tpu.memory_space<vmem_shared>>
        tpu.enqueue_indirect_dma source(%arg9 : memref<128x128xf32, #tpu.memory_space<vmem>>) target(%dma_start3A_115 : memref<5248x128xf32, #tpu.memory_space<vmem_shared>>) offsets(%dma_start3A_112 : memref<128xi32, #tpu.memory_space<vmem>>) semaphore(%run_scoped3A_109 : memref<!tpu.dma_semaphore, #tpu.memory_space<semaphore_mem>>) {add = true}
        %dma_wait3A_116 = arith.constant 0 : i32
        %dma_wait3A_117 = tpu.memref_slice %arg8[%mul3A_82, %dma_wait3A_116] : memref<122x128xi32, #tpu.memory_space<vmem>> -> memref<1x128xi32, #tpu.memory_space<vmem>>
        %dma_wait3A_118 = tpu.memref_squeeze %dma_wait3A_117 : memref<1x128xi32, #tpu.memory_space<vmem>> -> memref<128xi32, #tpu.memory_space<vmem>>
        %dma_wait3A_119 = arith.constant 0 : i32
        %dma_wait3A_120 = arith.constant 0 : i32
        %dma_wait3A_121 = tpu.memref_slice %arg12[%dma_wait3A_119, %dma_wait3A_120] : memref<5248x128xf32, #tpu.memory_space<vmem_shared>> -> memref<5248x128xf32, #tpu.memory_space<vmem_shared>>
        tpu.wait_indirect_dma semaphore(%run_scoped3A_109 : memref<!tpu.dma_semaphore, #tpu.memory_space<semaphore_mem>>) src(%arg9 : memref<128x128xf32, #tpu.memory_space<vmem>>) dst(%dma_wait3A_121 : memref<5248x128xf32, #tpu.memory_space<vmem_shared>>)
        tpu.yield
      }) : () -> ()
      %add3A_96 = arith.constant 1 : i32
      %add3A_97 = arith.addi %mul3A_82, %add3A_96 : i32
      %dma_wait3A_98 = arith.constant 0 : i32
      %dma_wait3A_99 = tpu.memref_slice %arg7[%add3A_97, %dma_wait3A_98] : memref<122x128xi32, #tpu.memory_space<vmem>> -> memref<1x128xi32, #tpu.memory_space<vmem>>
      %dma_wait3A_100 = tpu.memref_squeeze %dma_wait3A_99 : memref<1x128xi32, #tpu.memory_space<vmem>> -> memref<128xi32, #tpu.memory_space<vmem>>
      %dma_wait3A_101 = arith.constant 0 : i32
      %dma_wait3A_102 = arith.constant 0 : i32
      %dma_wait3A_103 = tpu.memref_slice %arg2[%dma_wait3A_101, %dma_wait3A_102] : memref<10000x128xf32, #tpu.memory_space<hbm>> -> memref<10000x128xf32, #tpu.memory_space<hbm>>
      tpu.wait_indirect_dma semaphore(%arg14 : memref<!tpu.dma_semaphore, #tpu.memory_space<semaphore_mem>>) src(%dma_wait3A_103 : memref<10000x128xf32, #tpu.memory_space<hbm>>) dst(%arg10 : memref<128x128xf32, #tpu.memory_space<vmem>>)
      %sub3A = arith.constant 1 : i32
      %sub3A_104 = arith.subi %select_n3A, %sub3A : i32
      %lt3A = arith.cmpi slt, %while3A_79, %sub3A_104 : i32
      %convert_element_type3A = arith.extui %lt3A : i1 to i32
      %cond3A = arith.constant 0 : i32
      %cond3A_105 = arith.cmpi ne, %convert_element_type3A, %cond3A : i32
      scf.if %cond3A_105 {
        %add3A_109 = arith.constant 2 : i32
        %add3A_110 = arith.addi %mul3A_82, %add3A_109 : i32
        %dma_start3A_111 = arith.constant 0 : i32
        %dma_start3A_112 = tpu.memref_slice %arg7[%add3A_110, %dma_start3A_111] : memref<122x128xi32, #tpu.memory_space<vmem>> -> memref<1x128xi32, #tpu.memory_space<vmem>>
        %dma_start3A_113 = tpu.memref_squeeze %dma_start3A_112 : memref<1x128xi32, #tpu.memory_space<vmem>> -> memref<128xi32, #tpu.memory_space<vmem>>
        %dma_start3A_114 = arith.constant 0 : i32
        %dma_start3A_115 = arith.constant 0 : i32
        %dma_start3A_116 = tpu.memref_slice %arg2[%dma_start3A_114, %dma_start3A_115] : memref<10000x128xf32, #tpu.memory_space<hbm>> -> memref<10000x128xf32, #tpu.memory_space<hbm>>
        tpu.enqueue_indirect_dma source(%dma_start3A_116 : memref<10000x128xf32, #tpu.memory_space<hbm>>) target(%arg9 : memref<128x128xf32, #tpu.memory_space<vmem>>) offsets(%dma_start3A_113 : memref<128xi32, #tpu.memory_space<vmem>>) semaphore(%arg13 : memref<!tpu.dma_semaphore, #tpu.memory_space<semaphore_mem>>)
      } else {
      }
      %add3A_106 = arith.constant 1 : i32
      %add3A_107 = arith.addi %mul3A_82, %add3A_106 : i32
      "tpu.region"() ({
        %run_scoped3A_109 = tpu.sem_alloc : memref<!tpu.dma_semaphore, #tpu.memory_space<semaphore_mem>>
        %dma_start3A_110 = arith.constant 0 : i32
        %dma_start3A_111 = tpu.memref_slice %arg8[%add3A_107, %dma_start3A_110] : memref<122x128xi32, #tpu.memory_space<vmem>> -> memref<1x128xi32, #tpu.memory_space<vmem>>
        %dma_start3A_112 = tpu.memref_squeeze %dma_start3A_111 : memref<1x128xi32, #tpu.memory_space<vmem>> -> memref<128xi32, #tpu.memory_space<vmem>>
        %dma_start3A_113 = arith.constant 0 : i32
        %dma_start3A_114 = arith.constant 0 : i32
        %dma_start3A_115 = tpu.memref_slice %arg12[%dma_start3A_113, %dma_start3A_114] : memref<5248x128xf32, #tpu.memory_space<vmem_shared>> -> memref<5248x128xf32, #tpu.memory_space<vmem_shared>>
        tpu.enqueue_indirect_dma source(%arg10 : memref<128x128xf32, #tpu.memory_space<vmem>>) target(%dma_start3A_115 : memref<5248x128xf32, #tpu.memory_space<vmem_shared>>) offsets(%dma_start3A_112 : memref<128xi32, #tpu.memory_space<vmem>>) semaphore(%run_scoped3A_109 : memref<!tpu.dma_semaphore, #tpu.memory_space<semaphore_mem>>) {add = true}
        %dma_wait3A_116 = arith.constant 0 : i32
        %dma_wait3A_117 = tpu.memref_slice %arg8[%add3A_107, %dma_wait3A_116] : memref<122x128xi32, #tpu.memory_space<vmem>> -> memref<1x128xi32, #tpu.memory_space<vmem>>
        %dma_wait3A_118 = tpu.memref_squeeze %dma_wait3A_117 : memref<1x128xi32, #tpu.memory_space<vmem>> -> memref<128xi32, #tpu.memory_space<vmem>>
        %dma_wait3A_119 = arith.constant 0 : i32
        %dma_wait3A_120 = arith.constant 0 : i32
        %dma_wait3A_121 = tpu.memref_slice %arg12[%dma_wait3A_119, %dma_wait3A_120] : memref<5248x128xf32, #tpu.memory_space<vmem_shared>> -> memref<5248x128xf32, #tpu.memory_space<vmem_shared>>
        tpu.wait_indirect_dma semaphore(%run_scoped3A_109 : memref<!tpu.dma_semaphore, #tpu.memory_space<semaphore_mem>>) src(%arg10 : memref<128x128xf32, #tpu.memory_space<vmem>>) dst(%dma_wait3A_121 : memref<5248x128xf32, #tpu.memory_space<vmem_shared>>)
        tpu.yield
      }) : () -> ()
      %while3A_108 = arith.constant 0 : i32
      scf.yield %while3A_108 : i32
    }
    %while3A_34 = arith.constant 1 : i32
    %while3A_35 = scf.for %while3A_79 = %while3A_31 to %while3A_27 step %while3A_34 iter_args(%while3A_80 = %while3A_33) -> (i32)  : i32 {
      %mul3A_81 = arith.constant 2 : i32
      %mul3A_82 = arith.muli %mul3A_81, %while3A_79 : i32
      %dma_wait3A = arith.constant 0 : i32
      %dma_wait3A_83 = tpu.memref_slice %arg7[%mul3A_82, %dma_wait3A] : memref<122x128xi32, #tpu.memory_space<vmem>> -> memref<1x128xi32, #tpu.memory_space<vmem>>
      %dma_wait3A_84 = tpu.memref_squeeze %dma_wait3A_83 : memref<1x128xi32, #tpu.memory_space<vmem>> -> memref<128xi32, #tpu.memory_space<vmem>>
      %dma_wait3A_85 = arith.constant 0 : i32
      %dma_wait3A_86 = arith.constant 0 : i32
      %dma_wait3A_87 = tpu.memref_slice %arg2[%dma_wait3A_85, %dma_wait3A_86] : memref<10000x128xf32, #tpu.memory_space<hbm>> -> memref<10000x128xf32, #tpu.memory_space<hbm>>
      tpu.wait_indirect_dma semaphore(%arg13 : memref<!tpu.dma_semaphore, #tpu.memory_space<semaphore_mem>>) src(%dma_wait3A_87 : memref<10000x128xf32, #tpu.memory_space<hbm>>) dst(%arg9 : memref<128x128xf32, #tpu.memory_space<vmem>>)
      %add3A_88 = arith.constant 1 : i32
      %add3A_89 = arith.addi %mul3A_82, %add3A_88 : i32
      %dma_start3A_90 = arith.constant 0 : i32
      %dma_start3A_91 = tpu.memref_slice %arg7[%add3A_89, %dma_start3A_90] : memref<122x128xi32, #tpu.memory_space<vmem>> -> memref<1x128xi32, #tpu.memory_space<vmem>>
      %dma_start3A_92 = tpu.memref_squeeze %dma_start3A_91 : memref<1x128xi32, #tpu.memory_space<vmem>> -> memref<128xi32, #tpu.memory_space<vmem>>
      %dma_start3A_93 = arith.constant 0 : i32
      %dma_start3A_94 = arith.constant 0 : i32
      %dma_start3A_95 = tpu.memref_slice %arg2[%dma_start3A_93, %dma_start3A_94] : memref<10000x128xf32, #tpu.memory_space<hbm>> -> memref<10000x128xf32, #tpu.memory_space<hbm>>
      tpu.enqueue_indirect_dma source(%dma_start3A_95 : memref<10000x128xf32, #tpu.memory_space<hbm>>) target(%arg10 : memref<128x128xf32, #tpu.memory_space<vmem>>) offsets(%dma_start3A_92 : memref<128xi32, #tpu.memory_space<vmem>>) semaphore(%arg14 : memref<!tpu.dma_semaphore, #tpu.memory_space<semaphore_mem>>)
      "tpu.region"() ({
        %run_scoped3A_109 = tpu.sem_alloc : memref<!tpu.dma_semaphore, #tpu.memory_space<semaphore_mem>>
        %dma_start3A_110 = arith.constant 0 : i32
        %dma_start3A_111 = tpu.memref_slice %arg8[%mul3A_82, %dma_start3A_110] : memref<122x128xi32, #tpu.memory_space<vmem>> -> memref<1x128xi32, #tpu.memory_space<vmem>>
        %dma_start3A_112 = tpu.memref_squeeze %dma_start3A_111 : memref<1x128xi32, #tpu.memory_space<vmem>> -> memref<128xi32, #tpu.memory_space<vmem>>
        %dma_start3A_113 = arith.constant 0 : i32
        %dma_start3A_114 = arith.constant 0 : i32
        %dma_start3A_115 = tpu.memref_slice %arg12[%dma_start3A_113, %dma_start3A_114] : memref<5248x128xf32, #tpu.memory_space<vmem_shared>> -> memref<5248x128xf32, #tpu.memory_space<vmem_shared>>
        tpu.enqueue_indirect_dma source(%arg9 : memref<128x128xf32, #tpu.memory_space<vmem>>) target(%dma_start3A_115 : memref<5248x128xf32, #tpu.memory_space<vmem_shared>>) offsets(%dma_start3A_112 : memref<128xi32, #tpu.memory_space<vmem>>) semaphore(%run_scoped3A_109 : memref<!tpu.dma_semaphore, #tpu.memory_space<semaphore_mem>>) {add = true}
        %dma_wait3A_116 = arith.constant 0 : i32
        %dma_wait3A_117 = tpu.memref_slice %arg8[%mul3A_82, %dma_wait3A_116] : memref<122x128xi32, #tpu.memory_space<vmem>> -> memref<1x128xi32, #tpu.memory_space<vmem>>
        %dma_wait3A_118 = tpu.memref_squeeze %dma_wait3A_117 : memref<1x128xi32, #tpu.memory_space<vmem>> -> memref<128xi32, #tpu.memory_space<vmem>>
        %dma_wait3A_119 = arith.constant 0 : i32
        %dma_wait3A_120 = arith.constant 0 : i32
        %dma_wait3A_121 = tpu.memref_slice %arg12[%dma_wait3A_119, %dma_wait3A_120] : memref<5248x128xf32, #tpu.memory_space<vmem_shared>> -> memref<5248x128xf32, #tpu.memory_space<vmem_shared>>
        tpu.wait_indirect_dma semaphore(%run_scoped3A_109 : memref<!tpu.dma_semaphore, #tpu.memory_space<semaphore_mem>>) src(%arg9 : memref<128x128xf32, #tpu.memory_space<vmem>>) dst(%dma_wait3A_121 : memref<5248x128xf32, #tpu.memory_space<vmem_shared>>)
        tpu.yield
      }) : () -> ()
      %add3A_96 = arith.constant 1 : i32
      %add3A_97 = arith.addi %mul3A_82, %add3A_96 : i32
      %dma_wait3A_98 = arith.constant 0 : i32
      %dma_wait3A_99 = tpu.memref_slice %arg7[%add3A_97, %dma_wait3A_98] : memref<122x128xi32, #tpu.memory_space<vmem>> -> memref<1x128xi32, #tpu.memory_space<vmem>>
      %dma_wait3A_100 = tpu.memref_squeeze %dma_wait3A_99 : memref<1x128xi32, #tpu.memory_space<vmem>> -> memref<128xi32, #tpu.memory_space<vmem>>
      %dma_wait3A_101 = arith.constant 0 : i32
      %dma_wait3A_102 = arith.constant 0 : i32
      %dma_wait3A_103 = tpu.memref_slice %arg2[%dma_wait3A_101, %dma_wait3A_102] : memref<10000x128xf32, #tpu.memory_space<hbm>> -> memref<10000x128xf32, #tpu.memory_space<hbm>>
      tpu.wait_indirect_dma semaphore(%arg14 : memref<!tpu.dma_semaphore, #tpu.memory_space<semaphore_mem>>) src(%dma_wait3A_103 : memref<10000x128xf32, #tpu.memory_space<hbm>>) dst(%arg10 : memref<128x128xf32, #tpu.memory_space<vmem>>)
      %sub3A = arith.constant 1 : i32
      %sub3A_104 = arith.subi %select_n3A, %sub3A : i32
      %lt3A = arith.cmpi slt, %while3A_79, %sub3A_104 : i32
      %convert_element_type3A = arith.extui %lt3A : i1 to i32
      %cond3A = arith.constant 0 : i32
      %cond3A_105 = arith.cmpi ne, %convert_element_type3A, %cond3A : i32
      scf.if %cond3A_105 {
        %add3A_109 = arith.constant 2 : i32
        %add3A_110 = arith.addi %mul3A_82, %add3A_109 : i32
        %dma_start3A_111 = arith.constant 0 : i32
        %dma_start3A_112 = tpu.memref_slice %arg7[%add3A_110, %dma_start3A_111] : memref<122x128xi32, #tpu.memory_space<vmem>> -> memref<1x128xi32, #tpu.memory_space<vmem>>
        %dma_start3A_113 = tpu.memref_squeeze %dma_start3A_112 : memref<1x128xi32, #tpu.memory_space<vmem>> -> memref<128xi32, #tpu.memory_space<vmem>>
        %dma_start3A_114 = arith.constant 0 : i32
        %dma_start3A_115 = arith.constant 0 : i32
        %dma_start3A_116 = tpu.memref_slice %arg2[%dma_start3A_114, %dma_start3A_115] : memref<10000x128xf32, #tpu.memory_space<hbm>> -> memref<10000x128xf32, #tpu.memory_space<hbm>>
        tpu.enqueue_indirect_dma source(%dma_start3A_116 : memref<10000x128xf32, #tpu.memory_space<hbm>>) target(%arg9 : memref<128x128xf32, #tpu.memory_space<vmem>>) offsets(%dma_start3A_113 : memref<128xi32, #tpu.memory_space<vmem>>) semaphore(%arg13 : memref<!tpu.dma_semaphore, #tpu.memory_space<semaphore_mem>>)
      } else {
      }
      %add3A_106 = arith.constant 1 : i32
      %add3A_107 = arith.addi %mul3A_82, %add3A_106 : i32
      "tpu.region"() ({
        %run_scoped3A_109 = tpu.sem_alloc : memref<!tpu.dma_semaphore, #tpu.memory_space<semaphore_mem>>
        %dma_start3A_110 = arith.constant 0 : i32
        %dma_start3A_111 = tpu.memref_slice %arg8[%add3A_107, %dma_start3A_110] : memref<122x128xi32, #tpu.memory_space<vmem>> -> memref<1x128xi32, #tpu.memory_space<vmem>>
        %dma_start3A_112 = tpu.memref_squeeze %dma_start3A_111 : memref<1x128xi32, #tpu.memory_space<vmem>> -> memref<128xi32, #tpu.memory_space<vmem>>
        %dma_start3A_113 = arith.constant 0 : i32
        %dma_start3A_114 = arith.constant 0 : i32
        %dma_start3A_115 = tpu.memref_slice %arg12[%dma_start3A_113, %dma_start3A_114] : memref<5248x128xf32, #tpu.memory_space<vmem_shared>> -> memref<5248x128xf32, #tpu.memory_space<vmem_shared>>
        tpu.enqueue_indirect_dma source(%arg10 : memref<128x128xf32, #tpu.memory_space<vmem>>) target(%dma_start3A_115 : memref<5248x128xf32, #tpu.memory_space<vmem_shared>>) offsets(%dma_start3A_112 : memref<128xi32, #tpu.memory_space<vmem>>) semaphore(%run_scoped3A_109 : memref<!tpu.dma_semaphore, #tpu.memory_space<semaphore_mem>>) {add = true}
        %dma_wait3A_116 = arith.constant 0 : i32
        %dma_wait3A_117 = tpu.memref_slice %arg8[%add3A_107, %dma_wait3A_116] : memref<122x128xi32, #tpu.memory_space<vmem>> -> memref<1x128xi32, #tpu.memory_space<vmem>>
        %dma_wait3A_118 = tpu.memref_squeeze %dma_wait3A_117 : memref<1x128xi32, #tpu.memory_space<vmem>> -> memref<128xi32, #tpu.memory_space<vmem>>
        %dma_wait3A_119 = arith.constant 0 : i32
        %dma_wait3A_120 = arith.constant 0 : i32
        %dma_wait3A_121 = tpu.memref_slice %arg12[%dma_wait3A_119, %dma_wait3A_120] : memref<5248x128xf32, #tpu.memory_space<vmem_shared>> -> memref<5248x128xf32, #tpu.memory_space<vmem_shared>>
        tpu.wait_indirect_dma semaphore(%run_scoped3A_109 : memref<!tpu.dma_semaphore, #tpu.memory_space<semaphore_mem>>) src(%arg10 : memref<128x128xf32, #tpu.memory_space<vmem>>) dst(%dma_wait3A_121 : memref<5248x128xf32, #tpu.memory_space<vmem_shared>>)
        tpu.yield
      }) : () -> ()
      %while3A_108 = arith.constant 0 : i32
      scf.yield %while3A_108 : i32
    }
    %barrier3A_36 = arith.constant 0 : index
    tpu.barrier barrier_id(%barrier3A_36)
    %mul3A_37 = arith.constant 320 : i32
    %mul3A_38 = arith.muli %arg1, %mul3A_37 : i32
    %mul3A_39 = arith.constant 320 : i32
    %mul3A_40 = arith.muli %arg1, %mul3A_39 : i32
    %run_scoped3A = arith.constant 0 : i32
    "tpu.region"() ({
      %run_scoped3A_79 = tpu.sem_alloc : memref<!tpu.dma_semaphore, #tpu.memory_space<semaphore_mem>>
      %dma_start3A_80 = arith.constant 0 : i32
      %dma_start3A_81 = tpu.memref_slice %arg6[%arg0, %run_scoped3A, %mul3A_40, %dma_start3A_80] : memref<2x2x5120x128xf32, #tpu.memory_space<hbm>> -> memref<1x1x320x128xf32, #tpu.memory_space<hbm>>
      %dma_start3A_82 = tpu.memref_squeeze %dma_start3A_81 : memref<1x1x320x128xf32, #tpu.memory_space<hbm>> -> memref<320x128xf32, #tpu.memory_space<hbm>>
      %dma_start3A_83 = arith.constant 0 : i32
      %dma_start3A_84 = tpu.memref_slice %arg12[%mul3A_38, %dma_start3A_83] : memref<5248x128xf32, #tpu.memory_space<vmem_shared>> -> memref<320x128xf32, #tpu.memory_space<vmem_shared>>
      tpu.enqueue_dma source(%dma_start3A_84 : memref<320x128xf32, #tpu.memory_space<vmem_shared>>) target(%dma_start3A_82 : memref<320x128xf32, #tpu.memory_space<hbm>>) target_semaphore(%run_scoped3A_79 : memref<!tpu.dma_semaphore, #tpu.memory_space<semaphore_mem>>)
      %dma_wait3A = arith.constant 0 : i32
      %dma_wait3A_85 = tpu.memref_slice %arg6[%arg0, %run_scoped3A, %mul3A_40, %dma_wait3A] : memref<2x2x5120x128xf32, #tpu.memory_space<hbm>> -> memref<1x1x320x128xf32, #tpu.memory_space<hbm>>
      %dma_wait3A_86 = tpu.memref_squeeze %dma_wait3A_85 : memref<1x1x320x128xf32, #tpu.memory_space<hbm>> -> memref<320x128xf32, #tpu.memory_space<hbm>>
      %dma_wait3A_87 = arith.constant 0 : i32
      %dma_wait3A_88 = tpu.memref_slice %arg12[%mul3A_38, %dma_wait3A_87] : memref<5248x128xf32, #tpu.memory_space<vmem_shared>> -> memref<320x128xf32, #tpu.memory_space<vmem_shared>>
      tpu.wait_dma2 semaphore(%run_scoped3A_79 : memref<!tpu.dma_semaphore, #tpu.memory_space<semaphore_mem>>) src(%dma_wait3A_88 : memref<320x128xf32, #tpu.memory_space<vmem_shared>>) dst(%dma_wait3A_86 : memref<320x128xf32, #tpu.memory_space<hbm>>)
      tpu.yield
    }) : () -> ()
    %barrier3A_41 = arith.constant 0 : index
    tpu.barrier barrier_id(%barrier3A_41)
    "tpu.region"() ({
      %run_scoped3A_79 = tpu.sem_alloc : memref<!tpu.dma_semaphore, #tpu.memory_space<semaphore_mem>>
      %dma_start3A_80 = arith.constant 0 : i32
      %dma_start3A_81 = arith.constant 0 : i32
      %dma_start3A_82 = tpu.memref_slice %arg5[%add3A, %dma_start3A_80, %dma_start3A_81] : memref<32x122x128xi32, #tpu.memory_space<hbm>> -> memref<1x122x128xi32, #tpu.memory_space<hbm>>
      %dma_start3A_83 = tpu.memref_squeeze %dma_start3A_82 : memref<1x122x128xi32, #tpu.memory_space<hbm>> -> memref<122x128xi32, #tpu.memory_space<hbm>>
      %dma_start3A_84 = arith.constant 0 : i32
      %dma_start3A_85 = arith.constant 0 : i32
      %dma_start3A_86 = tpu.memref_slice %arg5[%add3A, %dma_start3A_84, %dma_start3A_85] : memref<32x122x128xi32, #tpu.memory_space<hbm>> -> memref<1x122x128xi32, #tpu.memory_space<hbm>>
      %dma_start3A_87 = tpu.memref_squeeze %dma_start3A_86 : memref<1x122x128xi32, #tpu.memory_space<hbm>> -> memref<122x128xi32, #tpu.memory_space<hbm>>
      tpu.enqueue_dma source(%dma_start3A_87 : memref<122x128xi32, #tpu.memory_space<hbm>>) target(%arg8 : memref<122x128xi32, #tpu.memory_space<vmem>>) target_semaphore(%run_scoped3A_79 : memref<!tpu.dma_semaphore, #tpu.memory_space<semaphore_mem>>)
      %dma_wait3A = arith.constant 0 : i32
      %dma_wait3A_88 = arith.constant 0 : i32
      %dma_wait3A_89 = tpu.memref_slice %arg5[%add3A, %dma_wait3A, %dma_wait3A_88] : memref<32x122x128xi32, #tpu.memory_space<hbm>> -> memref<1x122x128xi32, #tpu.memory_space<hbm>>
      %dma_wait3A_90 = tpu.memref_squeeze %dma_wait3A_89 : memref<1x122x128xi32, #tpu.memory_space<hbm>> -> memref<122x128xi32, #tpu.memory_space<hbm>>
      %dma_wait3A_91 = arith.constant 0 : i32
      %dma_wait3A_92 = arith.constant 0 : i32
      %dma_wait3A_93 = tpu.memref_slice %arg5[%add3A, %dma_wait3A_91, %dma_wait3A_92] : memref<32x122x128xi32, #tpu.memory_space<hbm>> -> memref<1x122x128xi32, #tpu.memory_space<hbm>>
      %dma_wait3A_94 = tpu.memref_squeeze %dma_wait3A_93 : memref<1x122x128xi32, #tpu.memory_space<hbm>> -> memref<122x128xi32, #tpu.memory_space<hbm>>
      tpu.wait_dma2 semaphore(%run_scoped3A_79 : memref<!tpu.dma_semaphore, #tpu.memory_space<semaphore_mem>>) src(%dma_wait3A_94 : memref<122x128xi32, #tpu.memory_space<hbm>>) dst(%arg8 : memref<122x128xi32, #tpu.memory_space<vmem>>)
      tpu.yield
    }) : () -> ()
    %mul3A_42 = arith.constant 320 : i32
    %mul3A_43 = arith.muli %arg1, %mul3A_42 : i32
    "tpu.region"() ({
      %run_scoped3A_79 = tpu.sem_alloc : memref<!tpu.dma_semaphore, #tpu.memory_space<semaphore_mem>>
      %dma_start3A_80 = arith.constant 0 : i32
      %dma_start3A_81 = tpu.memref_slice %arg12[%mul3A_43, %dma_start3A_80] : memref<5248x128xf32, #tpu.memory_space<vmem_shared>> -> memref<128x128xf32, #tpu.memory_space<vmem_shared>>
      %dma_start3A_82 = arith.constant 0 : i32
      %dma_start3A_83 = tpu.memref_slice %arg12[%mul3A_43, %dma_start3A_82] : memref<5248x128xf32, #tpu.memory_space<vmem_shared>> -> memref<128x128xf32, #tpu.memory_space<vmem_shared>>
      tpu.enqueue_dma source(%arg11 : memref<128x128xf32, #tpu.memory_space<vmem>>) target(%dma_start3A_83 : memref<128x128xf32, #tpu.memory_space<vmem_shared>>) target_semaphore(%run_scoped3A_79 : memref<!tpu.dma_semaphore, #tpu.memory_space<semaphore_mem>>)
      %dma_wait3A = arith.constant 0 : i32
      %dma_wait3A_84 = tpu.memref_slice %arg12[%mul3A_43, %dma_wait3A] : memref<5248x128xf32, #tpu.memory_space<vmem_shared>> -> memref<128x128xf32, #tpu.memory_space<vmem_shared>>
      %dma_wait3A_85 = arith.constant 0 : i32
      %dma_wait3A_86 = tpu.memref_slice %arg12[%mul3A_43, %dma_wait3A_85] : memref<5248x128xf32, #tpu.memory_space<vmem_shared>> -> memref<128x128xf32, #tpu.memory_space<vmem_shared>>
      tpu.wait_dma2 semaphore(%run_scoped3A_79 : memref<!tpu.dma_semaphore, #tpu.memory_space<semaphore_mem>>) src(%arg11 : memref<128x128xf32, #tpu.memory_space<vmem>>) dst(%dma_wait3A_86 : memref<128x128xf32, #tpu.memory_space<vmem_shared>>)
      tpu.yield
    }) : () -> ()
    %mul3A_44 = arith.constant 320 : i32
    %mul3A_45 = arith.muli %arg1, %mul3A_44 : i32
    %add3A_46 = arith.constant 128 : i32
    %add3A_47 = arith.addi %mul3A_45, %add3A_46 : i32
    "tpu.region"() ({
      %run_scoped3A_79 = tpu.sem_alloc : memref<!tpu.dma_semaphore, #tpu.memory_space<semaphore_mem>>
      %dma_start3A_80 = arith.constant 0 : i32
      %dma_start3A_81 = tpu.memref_slice %arg12[%add3A_47, %dma_start3A_80] : memref<5248x128xf32, #tpu.memory_space<vmem_shared>> -> memref<128x128xf32, #tpu.memory_space<vmem_shared>>
      %dma_start3A_82 = arith.constant 0 : i32
      %dma_start3A_83 = tpu.memref_slice %arg12[%add3A_47, %dma_start3A_82] : memref<5248x128xf32, #tpu.memory_space<vmem_shared>> -> memref<128x128xf32, #tpu.memory_space<vmem_shared>>
      tpu.enqueue_dma source(%arg11 : memref<128x128xf32, #tpu.memory_space<vmem>>) target(%dma_start3A_83 : memref<128x128xf32, #tpu.memory_space<vmem_shared>>) target_semaphore(%run_scoped3A_79 : memref<!tpu.dma_semaphore, #tpu.memory_space<semaphore_mem>>)
      %dma_wait3A = arith.constant 0 : i32
      %dma_wait3A_84 = tpu.memref_slice %arg12[%add3A_47, %dma_wait3A] : memref<5248x128xf32, #tpu.memory_space<vmem_shared>> -> memref<128x128xf32, #tpu.memory_space<vmem_shared>>
      %dma_wait3A_85 = arith.constant 0 : i32
      %dma_wait3A_86 = tpu.memref_slice %arg12[%add3A_47, %dma_wait3A_85] : memref<5248x128xf32, #tpu.memory_space<vmem_shared>> -> memref<128x128xf32, #tpu.memory_space<vmem_shared>>
      tpu.wait_dma2 semaphore(%run_scoped3A_79 : memref<!tpu.dma_semaphore, #tpu.memory_space<semaphore_mem>>) src(%arg11 : memref<128x128xf32, #tpu.memory_space<vmem>>) dst(%dma_wait3A_86 : memref<128x128xf32, #tpu.memory_space<vmem_shared>>)
      tpu.yield
    }) : () -> ()
    %mul3A_48 = arith.constant 320 : i32
    %mul3A_49 = arith.muli %arg1, %mul3A_48 : i32
    %add3A_50 = arith.constant 256 : i32
    %add3A_51 = arith.addi %mul3A_49, %add3A_50 : i32
    "tpu.region"() ({
      %run_scoped3A_79 = tpu.sem_alloc : memref<!tpu.dma_semaphore, #tpu.memory_space<semaphore_mem>>
      %dma_start3A_80 = arith.constant 0 : i32
      %dma_start3A_81 = arith.constant 0 : i32
      %dma_start3A_82 = tpu.memref_slice %arg11[%dma_start3A_80, %dma_start3A_81] : memref<128x128xf32, #tpu.memory_space<vmem>> -> memref<64x128xf32, #tpu.memory_space<vmem>>
      %dma_start3A_83 = arith.constant 0 : i32
      %dma_start3A_84 = tpu.memref_slice %arg12[%add3A_51, %dma_start3A_83] : memref<5248x128xf32, #tpu.memory_space<vmem_shared>> -> memref<64x128xf32, #tpu.memory_space<vmem_shared>>
      %dma_start3A_85 = arith.constant 0 : i32
      %dma_start3A_86 = tpu.memref_slice %arg12[%add3A_51, %dma_start3A_85] : memref<5248x128xf32, #tpu.memory_space<vmem_shared>> -> memref<64x128xf32, #tpu.memory_space<vmem_shared>>
      %dma_start3A_87 = arith.constant 0 : i32
      %dma_start3A_88 = arith.constant 0 : i32
      %dma_start3A_89 = tpu.memref_slice %arg11[%dma_start3A_87, %dma_start3A_88] : memref<128x128xf32, #tpu.memory_space<vmem>> -> memref<64x128xf32, #tpu.memory_space<vmem>>
      tpu.enqueue_dma source(%dma_start3A_89 : memref<64x128xf32, #tpu.memory_space<vmem>>) target(%dma_start3A_86 : memref<64x128xf32, #tpu.memory_space<vmem_shared>>) target_semaphore(%run_scoped3A_79 : memref<!tpu.dma_semaphore, #tpu.memory_space<semaphore_mem>>)
      %dma_wait3A = arith.constant 0 : i32
      %dma_wait3A_90 = arith.constant 0 : i32
      %dma_wait3A_91 = tpu.memref_slice %arg11[%dma_wait3A, %dma_wait3A_90] : memref<128x128xf32, #tpu.memory_space<vmem>> -> memref<64x128xf32, #tpu.memory_space<vmem>>
      %dma_wait3A_92 = arith.constant 0 : i32
      %dma_wait3A_93 = tpu.memref_slice %arg12[%add3A_51, %dma_wait3A_92] : memref<5248x128xf32, #tpu.memory_space<vmem_shared>> -> memref<64x128xf32, #tpu.memory_space<vmem_shared>>
      %dma_wait3A_94 = arith.constant 0 : i32
      %dma_wait3A_95 = tpu.memref_slice %arg12[%add3A_51, %dma_wait3A_94] : memref<5248x128xf32, #tpu.memory_space<vmem_shared>> -> memref<64x128xf32, #tpu.memory_space<vmem_shared>>
      %dma_wait3A_96 = arith.constant 0 : i32
      %dma_wait3A_97 = arith.constant 0 : i32
      %dma_wait3A_98 = tpu.memref_slice %arg11[%dma_wait3A_96, %dma_wait3A_97] : memref<128x128xf32, #tpu.memory_space<vmem>> -> memref<64x128xf32, #tpu.memory_space<vmem>>
      tpu.wait_dma2 semaphore(%run_scoped3A_79 : memref<!tpu.dma_semaphore, #tpu.memory_space<semaphore_mem>>) src(%dma_wait3A_98 : memref<64x128xf32, #tpu.memory_space<vmem>>) dst(%dma_wait3A_95 : memref<64x128xf32, #tpu.memory_space<vmem_shared>>)
      tpu.yield
    }) : () -> ()
    %barrier3A_52 = arith.constant 0 : index
    tpu.barrier barrier_id(%barrier3A_52)
    %dma_start3A_53 = arith.constant 0 : i32
    %dma_start3A_54 = arith.constant 0 : i32
    %dma_start3A_55 = tpu.memref_slice %arg7[%dma_start3A_53, %dma_start3A_54] : memref<122x128xi32, #tpu.memory_space<vmem>> -> memref<1x128xi32, #tpu.memory_space<vmem>>
    %dma_start3A_56 = tpu.memref_squeeze %dma_start3A_55 : memref<1x128xi32, #tpu.memory_space<vmem>> -> memref<128xi32, #tpu.memory_space<vmem>>
    %dma_start3A_57 = arith.constant 0 : i32
    %dma_start3A_58 = arith.constant 0 : i32
    %dma_start3A_59 = tpu.memref_slice %arg2[%dma_start3A_57, %dma_start3A_58] : memref<10000x128xf32, #tpu.memory_space<hbm>> -> memref<10000x128xf32, #tpu.memory_space<hbm>>
    tpu.enqueue_indirect_dma source(%dma_start3A_59 : memref<10000x128xf32, #tpu.memory_space<hbm>>) target(%arg9 : memref<128x128xf32, #tpu.memory_space<vmem>>) offsets(%dma_start3A_56 : memref<128xi32, #tpu.memory_space<vmem>>) semaphore(%arg13 : memref<!tpu.dma_semaphore, #tpu.memory_space<semaphore_mem>>)
    %while3A_60 = arith.constant 0 : i32
    %while3A_61 = arith.constant 0 : i32
    %while3A_62 = arith.subi %select_n3A, %while3A_60 : i32
    %while3A_63 = arith.addi %while3A_60, %while3A_62 : i32
    %while3A_64 = arith.constant 1 : i32
    %while3A_65 = arith.divsi %while3A_62, %while3A_64 : i32
    %while3A_66 = arith.muli %while3A_65, %while3A_64 : i32
    %while3A_67 = arith.addi %while3A_60, %while3A_66 : i32
    %while3A_68 = arith.constant 1 : i32
    %while3A_69 = scf.for %while3A_79 = %while3A_60 to %while3A_67 step %while3A_68 iter_args(%while3A_80 = %while3A_61) -> (i32)  : i32 {
      %mul3A_81 = arith.constant 2 : i32
      %mul3A_82 = arith.muli %mul3A_81, %while3A_79 : i32
      %dma_wait3A = arith.constant 0 : i32
      %dma_wait3A_83 = tpu.memref_slice %arg7[%mul3A_82, %dma_wait3A] : memref<122x128xi32, #tpu.memory_space<vmem>> -> memref<1x128xi32, #tpu.memory_space<vmem>>
      %dma_wait3A_84 = tpu.memref_squeeze %dma_wait3A_83 : memref<1x128xi32, #tpu.memory_space<vmem>> -> memref<128xi32, #tpu.memory_space<vmem>>
      %dma_wait3A_85 = arith.constant 0 : i32
      %dma_wait3A_86 = arith.constant 0 : i32
      %dma_wait3A_87 = tpu.memref_slice %arg2[%dma_wait3A_85, %dma_wait3A_86] : memref<10000x128xf32, #tpu.memory_space<hbm>> -> memref<10000x128xf32, #tpu.memory_space<hbm>>
      tpu.wait_indirect_dma semaphore(%arg13 : memref<!tpu.dma_semaphore, #tpu.memory_space<semaphore_mem>>) src(%dma_wait3A_87 : memref<10000x128xf32, #tpu.memory_space<hbm>>) dst(%arg9 : memref<128x128xf32, #tpu.memory_space<vmem>>)
      %add3A_88 = arith.constant 1 : i32
      %add3A_89 = arith.addi %mul3A_82, %add3A_88 : i32
      %dma_start3A_90 = arith.constant 0 : i32
      %dma_start3A_91 = tpu.memref_slice %arg7[%add3A_89, %dma_start3A_90] : memref<122x128xi32, #tpu.memory_space<vmem>> -> memref<1x128xi32, #tpu.memory_space<vmem>>
      %dma_start3A_92 = tpu.memref_squeeze %dma_start3A_91 : memref<1x128xi32, #tpu.memory_space<vmem>> -> memref<128xi32, #tpu.memory_space<vmem>>
      %dma_start3A_93 = arith.constant 0 : i32
      %dma_start3A_94 = arith.constant 0 : i32
      %dma_start3A_95 = tpu.memref_slice %arg2[%dma_start3A_93, %dma_start3A_94] : memref<10000x128xf32, #tpu.memory_space<hbm>> -> memref<10000x128xf32, #tpu.memory_space<hbm>>
      tpu.enqueue_indirect_dma source(%dma_start3A_95 : memref<10000x128xf32, #tpu.memory_space<hbm>>) target(%arg10 : memref<128x128xf32, #tpu.memory_space<vmem>>) offsets(%dma_start3A_92 : memref<128xi32, #tpu.memory_space<vmem>>) semaphore(%arg14 : memref<!tpu.dma_semaphore, #tpu.memory_space<semaphore_mem>>)
      "tpu.region"() ({
        %run_scoped3A_109 = tpu.sem_alloc : memref<!tpu.dma_semaphore, #tpu.memory_space<semaphore_mem>>
        %dma_start3A_110 = arith.constant 0 : i32
        %dma_start3A_111 = tpu.memref_slice %arg8[%mul3A_82, %dma_start3A_110] : memref<122x128xi32, #tpu.memory_space<vmem>> -> memref<1x128xi32, #tpu.memory_space<vmem>>
        %dma_start3A_112 = tpu.memref_squeeze %dma_start3A_111 : memref<1x128xi32, #tpu.memory_space<vmem>> -> memref<128xi32, #tpu.memory_space<vmem>>
        %dma_start3A_113 = arith.constant 0 : i32
        %dma_start3A_114 = arith.constant 0 : i32
        %dma_start3A_115 = tpu.memref_slice %arg12[%dma_start3A_113, %dma_start3A_114] : memref<5248x128xf32, #tpu.memory_space<vmem_shared>> -> memref<5248x128xf32, #tpu.memory_space<vmem_shared>>
        tpu.enqueue_indirect_dma source(%arg9 : memref<128x128xf32, #tpu.memory_space<vmem>>) target(%dma_start3A_115 : memref<5248x128xf32, #tpu.memory_space<vmem_shared>>) offsets(%dma_start3A_112 : memref<128xi32, #tpu.memory_space<vmem>>) semaphore(%run_scoped3A_109 : memref<!tpu.dma_semaphore, #tpu.memory_space<semaphore_mem>>) {add = true}
        %dma_wait3A_116 = arith.constant 0 : i32
        %dma_wait3A_117 = tpu.memref_slice %arg8[%mul3A_82, %dma_wait3A_116] : memref<122x128xi32, #tpu.memory_space<vmem>> -> memref<1x128xi32, #tpu.memory_space<vmem>>
        %dma_wait3A_118 = tpu.memref_squeeze %dma_wait3A_117 : memref<1x128xi32, #tpu.memory_space<vmem>> -> memref<128xi32, #tpu.memory_space<vmem>>
        %dma_wait3A_119 = arith.constant 0 : i32
        %dma_wait3A_120 = arith.constant 0 : i32
        %dma_wait3A_121 = tpu.memref_slice %arg12[%dma_wait3A_119, %dma_wait3A_120] : memref<5248x128xf32, #tpu.memory_space<vmem_shared>> -> memref<5248x128xf32, #tpu.memory_space<vmem_shared>>
        tpu.wait_indirect_dma semaphore(%run_scoped3A_109 : memref<!tpu.dma_semaphore, #tpu.memory_space<semaphore_mem>>) src(%arg9 : memref<128x128xf32, #tpu.memory_space<vmem>>) dst(%dma_wait3A_121 : memref<5248x128xf32, #tpu.memory_space<vmem_shared>>)
        tpu.yield
      }) : () -> ()
      %add3A_96 = arith.constant 1 : i32
      %add3A_97 = arith.addi %mul3A_82, %add3A_96 : i32
      %dma_wait3A_98 = arith.constant 0 : i32
      %dma_wait3A_99 = tpu.memref_slice %arg7[%add3A_97, %dma_wait3A_98] : memref<122x128xi32, #tpu.memory_space<vmem>> -> memref<1x128xi32, #tpu.memory_space<vmem>>
      %dma_wait3A_100 = tpu.memref_squeeze %dma_wait3A_99 : memref<1x128xi32, #tpu.memory_space<vmem>> -> memref<128xi32, #tpu.memory_space<vmem>>
      %dma_wait3A_101 = arith.constant 0 : i32
      %dma_wait3A_102 = arith.constant 0 : i32
      %dma_wait3A_103 = tpu.memref_slice %arg2[%dma_wait3A_101, %dma_wait3A_102] : memref<10000x128xf32, #tpu.memory_space<hbm>> -> memref<10000x128xf32, #tpu.memory_space<hbm>>
      tpu.wait_indirect_dma semaphore(%arg14 : memref<!tpu.dma_semaphore, #tpu.memory_space<semaphore_mem>>) src(%dma_wait3A_103 : memref<10000x128xf32, #tpu.memory_space<hbm>>) dst(%arg10 : memref<128x128xf32, #tpu.memory_space<vmem>>)
      %sub3A = arith.constant 1 : i32
      %sub3A_104 = arith.subi %select_n3A, %sub3A : i32
      %lt3A = arith.cmpi slt, %while3A_79, %sub3A_104 : i32
      %convert_element_type3A = arith.extui %lt3A : i1 to i32
      %cond3A = arith.constant 0 : i32
      %cond3A_105 = arith.cmpi ne, %convert_element_type3A, %cond3A : i32
      scf.if %cond3A_105 {
        %add3A_109 = arith.constant 2 : i32
        %add3A_110 = arith.addi %mul3A_82, %add3A_109 : i32
        %dma_start3A_111 = arith.constant 0 : i32
        %dma_start3A_112 = tpu.memref_slice %arg7[%add3A_110, %dma_start3A_111] : memref<122x128xi32, #tpu.memory_space<vmem>> -> memref<1x128xi32, #tpu.memory_space<vmem>>
        %dma_start3A_113 = tpu.memref_squeeze %dma_start3A_112 : memref<1x128xi32, #tpu.memory_space<vmem>> -> memref<128xi32, #tpu.memory_space<vmem>>
        %dma_start3A_114 = arith.constant 0 : i32
        %dma_start3A_115 = arith.constant 0 : i32
        %dma_start3A_116 = tpu.memref_slice %arg2[%dma_start3A_114, %dma_start3A_115] : memref<10000x128xf32, #tpu.memory_space<hbm>> -> memref<10000x128xf32, #tpu.memory_space<hbm>>
        tpu.enqueue_indirect_dma source(%dma_start3A_116 : memref<10000x128xf32, #tpu.memory_space<hbm>>) target(%arg9 : memref<128x128xf32, #tpu.memory_space<vmem>>) offsets(%dma_start3A_113 : memref<128xi32, #tpu.memory_space<vmem>>) semaphore(%arg13 : memref<!tpu.dma_semaphore, #tpu.memory_space<semaphore_mem>>)
      } else {
      }
      %add3A_106 = arith.constant 1 : i32
      %add3A_107 = arith.addi %mul3A_82, %add3A_106 : i32
      "tpu.region"() ({
        %run_scoped3A_109 = tpu.sem_alloc : memref<!tpu.dma_semaphore, #tpu.memory_space<semaphore_mem>>
        %dma_start3A_110 = arith.constant 0 : i32
        %dma_start3A_111 = tpu.memref_slice %arg8[%add3A_107, %dma_start3A_110] : memref<122x128xi32, #tpu.memory_space<vmem>> -> memref<1x128xi32, #tpu.memory_space<vmem>>
        %dma_start3A_112 = tpu.memref_squeeze %dma_start3A_111 : memref<1x128xi32, #tpu.memory_space<vmem>> -> memref<128xi32, #tpu.memory_space<vmem>>
        %dma_start3A_113 = arith.constant 0 : i32
        %dma_start3A_114 = arith.constant 0 : i32
        %dma_start3A_115 = tpu.memref_slice %arg12[%dma_start3A_113, %dma_start3A_114] : memref<5248x128xf32, #tpu.memory_space<vmem_shared>> -> memref<5248x128xf32, #tpu.memory_space<vmem_shared>>
        tpu.enqueue_indirect_dma source(%arg10 : memref<128x128xf32, #tpu.memory_space<vmem>>) target(%dma_start3A_115 : memref<5248x128xf32, #tpu.memory_space<vmem_shared>>) offsets(%dma_start3A_112 : memref<128xi32, #tpu.memory_space<vmem>>) semaphore(%run_scoped3A_109 : memref<!tpu.dma_semaphore, #tpu.memory_space<semaphore_mem>>) {add = true}
        %dma_wait3A_116 = arith.constant 0 : i32
        %dma_wait3A_117 = tpu.memref_slice %arg8[%add3A_107, %dma_wait3A_116] : memref<122x128xi32, #tpu.memory_space<vmem>> -> memref<1x128xi32, #tpu.memory_space<vmem>>
        %dma_wait3A_118 = tpu.memref_squeeze %dma_wait3A_117 : memref<1x128xi32, #tpu.memory_space<vmem>> -> memref<128xi32, #tpu.memory_space<vmem>>
        %dma_wait3A_119 = arith.constant 0 : i32
        %dma_wait3A_120 = arith.constant 0 : i32
        %dma_wait3A_121 = tpu.memref_slice %arg12[%dma_wait3A_119, %dma_wait3A_120] : memref<5248x128xf32, #tpu.memory_space<vmem_shared>> -> memref<5248x128xf32, #tpu.memory_space<vmem_shared>>
        tpu.wait_indirect_dma semaphore(%run_scoped3A_109 : memref<!tpu.dma_semaphore, #tpu.memory_space<semaphore_mem>>) src(%arg10 : memref<128x128xf32, #tpu.memory_space<vmem>>) dst(%dma_wait3A_121 : memref<5248x128xf32, #tpu.memory_space<vmem_shared>>)
        tpu.yield
      }) : () -> ()
      %while3A_108 = arith.constant 0 : i32
      scf.yield %while3A_108 : i32
    }
    %while3A_70 = arith.constant 1 : i32
    %while3A_71 = scf.for %while3A_79 = %while3A_67 to %while3A_63 step %while3A_70 iter_args(%while3A_80 = %while3A_69) -> (i32)  : i32 {
      %mul3A_81 = arith.constant 2 : i32
      %mul3A_82 = arith.muli %mul3A_81, %while3A_79 : i32
      %dma_wait3A = arith.constant 0 : i32
      %dma_wait3A_83 = tpu.memref_slice %arg7[%mul3A_82, %dma_wait3A] : memref<122x128xi32, #tpu.memory_space<vmem>> -> memref<1x128xi32, #tpu.memory_space<vmem>>
      %dma_wait3A_84 = tpu.memref_squeeze %dma_wait3A_83 : memref<1x128xi32, #tpu.memory_space<vmem>> -> memref<128xi32, #tpu.memory_space<vmem>>
      %dma_wait3A_85 = arith.constant 0 : i32
      %dma_wait3A_86 = arith.constant 0 : i32
      %dma_wait3A_87 = tpu.memref_slice %arg2[%dma_wait3A_85, %dma_wait3A_86] : memref<10000x128xf32, #tpu.memory_space<hbm>> -> memref<10000x128xf32, #tpu.memory_space<hbm>>
      tpu.wait_indirect_dma semaphore(%arg13 : memref<!tpu.dma_semaphore, #tpu.memory_space<semaphore_mem>>) src(%dma_wait3A_87 : memref<10000x128xf32, #tpu.memory_space<hbm>>) dst(%arg9 : memref<128x128xf32, #tpu.memory_space<vmem>>)
      %add3A_88 = arith.constant 1 : i32
      %add3A_89 = arith.addi %mul3A_82, %add3A_88 : i32
      %dma_start3A_90 = arith.constant 0 : i32
      %dma_start3A_91 = tpu.memref_slice %arg7[%add3A_89, %dma_start3A_90] : memref<122x128xi32, #tpu.memory_space<vmem>> -> memref<1x128xi32, #tpu.memory_space<vmem>>
      %dma_start3A_92 = tpu.memref_squeeze %dma_start3A_91 : memref<1x128xi32, #tpu.memory_space<vmem>> -> memref<128xi32, #tpu.memory_space<vmem>>
      %dma_start3A_93 = arith.constant 0 : i32
      %dma_start3A_94 = arith.constant 0 : i32
      %dma_start3A_95 = tpu.memref_slice %arg2[%dma_start3A_93, %dma_start3A_94] : memref<10000x128xf32, #tpu.memory_space<hbm>> -> memref<10000x128xf32, #tpu.memory_space<hbm>>
      tpu.enqueue_indirect_dma source(%dma_start3A_95 : memref<10000x128xf32, #tpu.memory_space<hbm>>) target(%arg10 : memref<128x128xf32, #tpu.memory_space<vmem>>) offsets(%dma_start3A_92 : memref<128xi32, #tpu.memory_space<vmem>>) semaphore(%arg14 : memref<!tpu.dma_semaphore, #tpu.memory_space<semaphore_mem>>)
      "tpu.region"() ({
        %run_scoped3A_109 = tpu.sem_alloc : memref<!tpu.dma_semaphore, #tpu.memory_space<semaphore_mem>>
        %dma_start3A_110 = arith.constant 0 : i32
        %dma_start3A_111 = tpu.memref_slice %arg8[%mul3A_82, %dma_start3A_110] : memref<122x128xi32, #tpu.memory_space<vmem>> -> memref<1x128xi32, #tpu.memory_space<vmem>>
        %dma_start3A_112 = tpu.memref_squeeze %dma_start3A_111 : memref<1x128xi32, #tpu.memory_space<vmem>> -> memref<128xi32, #tpu.memory_space<vmem>>
        %dma_start3A_113 = arith.constant 0 : i32
        %dma_start3A_114 = arith.constant 0 : i32
        %dma_start3A_115 = tpu.memref_slice %arg12[%dma_start3A_113, %dma_start3A_114] : memref<5248x128xf32, #tpu.memory_space<vmem_shared>> -> memref<5248x128xf32, #tpu.memory_space<vmem_shared>>
        tpu.enqueue_indirect_dma source(%arg9 : memref<128x128xf32, #tpu.memory_space<vmem>>) target(%dma_start3A_115 : memref<5248x128xf32, #tpu.memory_space<vmem_shared>>) offsets(%dma_start3A_112 : memref<128xi32, #tpu.memory_space<vmem>>) semaphore(%run_scoped3A_109 : memref<!tpu.dma_semaphore, #tpu.memory_space<semaphore_mem>>) {add = true}
        %dma_wait3A_116 = arith.constant 0 : i32
        %dma_wait3A_117 = tpu.memref_slice %arg8[%mul3A_82, %dma_wait3A_116] : memref<122x128xi32, #tpu.memory_space<vmem>> -> memref<1x128xi32, #tpu.memory_space<vmem>>
        %dma_wait3A_118 = tpu.memref_squeeze %dma_wait3A_117 : memref<1x128xi32, #tpu.memory_space<vmem>> -> memref<128xi32, #tpu.memory_space<vmem>>
        %dma_wait3A_119 = arith.constant 0 : i32
        %dma_wait3A_120 = arith.constant 0 : i32
        %dma_wait3A_121 = tpu.memref_slice %arg12[%dma_wait3A_119, %dma_wait3A_120] : memref<5248x128xf32, #tpu.memory_space<vmem_shared>> -> memref<5248x128xf32, #tpu.memory_space<vmem_shared>>
        tpu.wait_indirect_dma semaphore(%run_scoped3A_109 : memref<!tpu.dma_semaphore, #tpu.memory_space<semaphore_mem>>) src(%arg9 : memref<128x128xf32, #tpu.memory_space<vmem>>) dst(%dma_wait3A_121 : memref<5248x128xf32, #tpu.memory_space<vmem_shared>>)
        tpu.yield
      }) : () -> ()
      %add3A_96 = arith.constant 1 : i32
      %add3A_97 = arith.addi %mul3A_82, %add3A_96 : i32
      %dma_wait3A_98 = arith.constant 0 : i32
      %dma_wait3A_99 = tpu.memref_slice %arg7[%add3A_97, %dma_wait3A_98] : memref<122x128xi32, #tpu.memory_space<vmem>> -> memref<1x128xi32, #tpu.memory_space<vmem>>
      %dma_wait3A_100 = tpu.memref_squeeze %dma_wait3A_99 : memref<1x128xi32, #tpu.memory_space<vmem>> -> memref<128xi32, #tpu.memory_space<vmem>>
      %dma_wait3A_101 = arith.constant 0 : i32
      %dma_wait3A_102 = arith.constant 0 : i32
      %dma_wait3A_103 = tpu.memref_slice %arg2[%dma_wait3A_101, %dma_wait3A_102] : memref<10000x128xf32, #tpu.memory_space<hbm>> -> memref<10000x128xf32, #tpu.memory_space<hbm>>
      tpu.wait_indirect_dma semaphore(%arg14 : memref<!tpu.dma_semaphore, #tpu.memory_space<semaphore_mem>>) src(%dma_wait3A_103 : memref<10000x128xf32, #tpu.memory_space<hbm>>) dst(%arg10 : memref<128x128xf32, #tpu.memory_space<vmem>>)
      %sub3A = arith.constant 1 : i32
      %sub3A_104 = arith.subi %select_n3A, %sub3A : i32
      %lt3A = arith.cmpi slt, %while3A_79, %sub3A_104 : i32
      %convert_element_type3A = arith.extui %lt3A : i1 to i32
      %cond3A = arith.constant 0 : i32
      %cond3A_105 = arith.cmpi ne, %convert_element_type3A, %cond3A : i32
      scf.if %cond3A_105 {
        %add3A_109 = arith.constant 2 : i32
        %add3A_110 = arith.addi %mul3A_82, %add3A_109 : i32
        %dma_start3A_111 = arith.constant 0 : i32
        %dma_start3A_112 = tpu.memref_slice %arg7[%add3A_110, %dma_start3A_111] : memref<122x128xi32, #tpu.memory_space<vmem>> -> memref<1x128xi32, #tpu.memory_space<vmem>>
        %dma_start3A_113 = tpu.memref_squeeze %dma_start3A_112 : memref<1x128xi32, #tpu.memory_space<vmem>> -> memref<128xi32, #tpu.memory_space<vmem>>
        %dma_start3A_114 = arith.constant 0 : i32
        %dma_start3A_115 = arith.constant 0 : i32
        %dma_start3A_116 = tpu.memref_slice %arg2[%dma_start3A_114, %dma_start3A_115] : memref<10000x128xf32, #tpu.memory_space<hbm>> -> memref<10000x128xf32, #tpu.memory_space<hbm>>
        tpu.enqueue_indirect_dma source(%dma_start3A_116 : memref<10000x128xf32, #tpu.memory_space<hbm>>) target(%arg9 : memref<128x128xf32, #tpu.memory_space<vmem>>) offsets(%dma_start3A_113 : memref<128xi32, #tpu.memory_space<vmem>>) semaphore(%arg13 : memref<!tpu.dma_semaphore, #tpu.memory_space<semaphore_mem>>)
      } else {
      }
      %add3A_106 = arith.constant 1 : i32
      %add3A_107 = arith.addi %mul3A_82, %add3A_106 : i32
      "tpu.region"() ({
        %run_scoped3A_109 = tpu.sem_alloc : memref<!tpu.dma_semaphore, #tpu.memory_space<semaphore_mem>>
        %dma_start3A_110 = arith.constant 0 : i32
        %dma_start3A_111 = tpu.memref_slice %arg8[%add3A_107, %dma_start3A_110] : memref<122x128xi32, #tpu.memory_space<vmem>> -> memref<1x128xi32, #tpu.memory_space<vmem>>
        %dma_start3A_112 = tpu.memref_squeeze %dma_start3A_111 : memref<1x128xi32, #tpu.memory_space<vmem>> -> memref<128xi32, #tpu.memory_space<vmem>>
        %dma_start3A_113 = arith.constant 0 : i32
        %dma_start3A_114 = arith.constant 0 : i32
        %dma_start3A_115 = tpu.memref_slice %arg12[%dma_start3A_113, %dma_start3A_114] : memref<5248x128xf32, #tpu.memory_space<vmem_shared>> -> memref<5248x128xf32, #tpu.memory_space<vmem_shared>>
        tpu.enqueue_indirect_dma source(%arg10 : memref<128x128xf32, #tpu.memory_space<vmem>>) target(%dma_start3A_115 : memref<5248x128xf32, #tpu.memory_space<vmem_shared>>) offsets(%dma_start3A_112 : memref<128xi32, #tpu.memory_space<vmem>>) semaphore(%run_scoped3A_109 : memref<!tpu.dma_semaphore, #tpu.memory_space<semaphore_mem>>) {add = true}
        %dma_wait3A_116 = arith.constant 0 : i32
        %dma_wait3A_117 = tpu.memref_slice %arg8[%add3A_107, %dma_wait3A_116] : memref<122x128xi32, #tpu.memory_space<vmem>> -> memref<1x128xi32, #tpu.memory_space<vmem>>
        %dma_wait3A_118 = tpu.memref_squeeze %dma_wait3A_117 : memref<1x128xi32, #tpu.memory_space<vmem>> -> memref<128xi32, #tpu.memory_space<vmem>>
        %dma_wait3A_119 = arith.constant 0 : i32
        %dma_wait3A_120 = arith.constant 0 : i32
        %dma_wait3A_121 = tpu.memref_slice %arg12[%dma_wait3A_119, %dma_wait3A_120] : memref<5248x128xf32, #tpu.memory_space<vmem_shared>> -> memref<5248x128xf32, #tpu.memory_space<vmem_shared>>
        tpu.wait_indirect_dma semaphore(%run_scoped3A_109 : memref<!tpu.dma_semaphore, #tpu.memory_space<semaphore_mem>>) src(%arg10 : memref<128x128xf32, #tpu.memory_space<vmem>>) dst(%dma_wait3A_121 : memref<5248x128xf32, #tpu.memory_space<vmem_shared>>)
        tpu.yield
      }) : () -> ()
      %while3A_108 = arith.constant 0 : i32
      scf.yield %while3A_108 : i32
    }
    %barrier3A_72 = arith.constant 0 : index
    tpu.barrier barrier_id(%barrier3A_72)
    %mul3A_73 = arith.constant 320 : i32
    %mul3A_74 = arith.muli %arg1, %mul3A_73 : i32
    %mul3A_75 = arith.constant 320 : i32
    %mul3A_76 = arith.muli %arg1, %mul3A_75 : i32
    %run_scoped3A_77 = arith.constant 1 : i32
    "tpu.region"() ({
      %run_scoped3A_79 = tpu.sem_alloc : memref<!tpu.dma_semaphore, #tpu.memory_space<semaphore_mem>>
      %dma_start3A_80 = arith.constant 0 : i32
      %dma_start3A_81 = tpu.memref_slice %arg6[%arg0, %run_scoped3A_77, %mul3A_76, %dma_start3A_80] : memref<2x2x5120x128xf32, #tpu.memory_space<hbm>> -> memref<1x1x320x128xf32, #tpu.memory_space<hbm>>
      %dma_start3A_82 = tpu.memref_squeeze %dma_start3A_81 : memref<1x1x320x128xf32, #tpu.memory_space<hbm>> -> memref<320x128xf32, #tpu.memory_space<hbm>>
      %dma_start3A_83 = arith.constant 0 : i32
      %dma_start3A_84 = tpu.memref_slice %arg12[%mul3A_74, %dma_start3A_83] : memref<5248x128xf32, #tpu.memory_space<vmem_shared>> -> memref<320x128xf32, #tpu.memory_space<vmem_shared>>
      tpu.enqueue_dma source(%dma_start3A_84 : memref<320x128xf32, #tpu.memory_space<vmem_shared>>) target(%dma_start3A_82 : memref<320x128xf32, #tpu.memory_space<hbm>>) target_semaphore(%run_scoped3A_79 : memref<!tpu.dma_semaphore, #tpu.memory_space<semaphore_mem>>)
      %dma_wait3A = arith.constant 0 : i32
      %dma_wait3A_85 = tpu.memref_slice %arg6[%arg0, %run_scoped3A_77, %mul3A_76, %dma_wait3A] : memref<2x2x5120x128xf32, #tpu.memory_space<hbm>> -> memref<1x1x320x128xf32, #tpu.memory_space<hbm>>
      %dma_wait3A_86 = tpu.memref_squeeze %dma_wait3A_85 : memref<1x1x320x128xf32, #tpu.memory_space<hbm>> -> memref<320x128xf32, #tpu.memory_space<hbm>>
      %dma_wait3A_87 = arith.constant 0 : i32
      %dma_wait3A_88 = tpu.memref_slice %arg12[%mul3A_74, %dma_wait3A_87] : memref<5248x128xf32, #tpu.memory_space<vmem_shared>> -> memref<320x128xf32, #tpu.memory_space<vmem_shared>>
      tpu.wait_dma2 semaphore(%run_scoped3A_79 : memref<!tpu.dma_semaphore, #tpu.memory_space<semaphore_mem>>) src(%dma_wait3A_88 : memref<320x128xf32, #tpu.memory_space<vmem_shared>>) dst(%dma_wait3A_86 : memref<320x128xf32, #tpu.memory_space<hbm>>)
      tpu.yield
    }) : () -> ()
    %barrier3A_78 = arith.constant 0 : index
    tpu.barrier barrier_id(%barrier3A_78)
    return
  }
}

#map = affine_map<(d0, d1) -> (0, 0)>
#map1 = affine_map<(d0, d1) -> (0, 0, 0)>
#map2 = affine_map<(d0, d1) -> (0, 0, 0, 0)>
module attributes {stable_mosaic.version = 14 : i64} {
  func.func @_sc_scatter(%arg0: i32, %arg1: i32, %arg2: memref<10000x128xf32, #tpu.memory_space<hbm>>, %arg3: memref<32x122x128xi32, #tpu.memory_space<hbm>>, %arg4: memref<32x122x128xi32, #tpu.memory_space<hbm>>, %arg5: memref<32x122x128xi32, #tpu.memory_space<hbm>>, %arg6: memref<2x2x5120x128xf32, #tpu.memory_space<hbm>>, %arg7: memref<122x128xi32, #tpu.memory_space<vmem>>, %arg8: memref<122x128xi32, #tpu.memory_space<vmem>>, %arg9: memref<128x128xf32, #tpu.memory_space<vmem>>, %arg10: memref<128x128xf32, #tpu.memory_space<vmem>>, %arg11: memref<128x128xf32, #tpu.memory_space<vmem>>, %arg12: memref<5248x128xf32, #tpu.memory_space<vmem_shared>>, %arg13: memref<!tpu.dma_semaphore, #tpu.memory_space<semaphore_mem>>, %arg14: memref<!tpu.dma_semaphore, #tpu.memory_space<semaphore_mem>>) attributes {dimension_semantics = [#tpu.dimension_semantics<core_parallel>, #tpu.dimension_semantics<subcore_parallel>], iteration_bounds = array<i64: 2, 16>, scalar_prefetch = 0 : i64, scratch_operands = 8 : i64, tpu.core_type = #tpu.core_type<sc_vector_subcore>, window_params = [{transform_indices = #map}, {transform_indices = #map1}, {transform_indices = #map1}, {transform_indices = #map1}, {transform_indices = #map2}]} {
    %mul3A = arith.constant 2 : i32
    %mul3A_0 = arith.muli %arg1, %mul3A : i32
    %add3A = arith.addi %mul3A_0, %arg0 : i32
    %eq3A = arith.constant 0 : i32
    %eq3A_1 = arith.cmpi eq, %arg0, %eq3A : i32
    %jit3A = arith.constant 18 : i32
    %jit3A_2 = arith.constant 61 : i32
    %select_n3A = arith.select %eq3A_1, %jit3A, %jit3A_2 : i32
    %scan3A = arith.constant 0 : i32
    %scan3A_3 = arith.constant 0 : i32
    %scan3A_4 = arith.constant 128 : i32
    %scan3A_5 = arith.addi %scan3A_3, %scan3A_4 : i32
    %scan3A_6 = arith.constant 1 : i32
    %scan3A_7 = scf.for %scan3A_79 = %scan3A_3 to %scan3A_5 step %scan3A_6 iter_args(%scan3A_80 = %scan3A) -> (i32)  : i32 {
      %broadcast_in_dim3A = arith.constant 0.000000e+00 : f32
      %broadcast_in_dim3A_81 = vector.broadcast %broadcast_in_dim3A : f32 to vector<16xf32>
      %swap3A = arith.index_cast %scan3A_79 : i32 to index
      %swap3A_82 = arith.constant 0 : index
      %swap3A_83 = tpu.vector_load %arg11[%swap3A, %swap3A_82] {strides = array<i32>} : memref<128x128xf32, #tpu.memory_space<vmem>>, vector<1x16xf32>,
      %swap3A_84 = vector.shape_cast %swap3A_83 : vector<1x16xf32> to vector<16xf32>
      %swap3A_85 = vector.shape_cast %broadcast_in_dim3A_81 : vector<16xf32> to vector<1x16xf32>
      tpu.vector_store %arg11[%swap3A, %swap3A_82], %swap3A_85 {strides = array<i32>} : memref<128x128xf32, #tpu.memory_space<vmem>>, vector<1x16xf32>,
      %broadcast_in_dim3A_86 = arith.constant 0.000000e+00 : f32
      %broadcast_in_dim3A_87 = vector.broadcast %broadcast_in_dim3A_86 : f32 to vector<16xf32>
      %swap3A_88 = arith.index_cast %scan3A_79 : i32 to index
      %swap3A_89 = arith.constant 16 : index
      %swap3A_90 = tpu.vector_load %arg11[%swap3A_88, %swap3A_89] {strides = array<i32>} : memref<128x128xf32, #tpu.memory_space<vmem>>, vector<1x16xf32>,
      %swap3A_91 = vector.shape_cast %swap3A_90 : vector<1x16xf32> to vector<16xf32>
      %swap3A_92 = vector.shape_cast %broadcast_in_dim3A_87 : vector<16xf32> to vector<1x16xf32>
      tpu.vector_store %arg11[%swap3A_88, %swap3A_89], %swap3A_92 {strides = array<i32>} : memref<128x128xf32, #tpu.memory_space<vmem>>, vector<1x16xf32>,
      %broadcast_in_dim3A_93 = arith.constant 0.000000e+00 : f32
      %broadcast_in_dim3A_94 = vector.broadcast %broadcast_in_dim3A_93 : f32 to vector<16xf32>
      %swap3A_95 = arith.index_cast %scan3A_79 : i32 to index
      %swap3A_96 = arith.constant 32 : index
      %swap3A_97 = tpu.vector_load %arg11[%swap3A_95, %swap3A_96] {strides = array<i32>} : memref<128x128xf32, #tpu.memory_space<vmem>>, vector<1x16xf32>,
      %swap3A_98 = vector.shape_cast %swap3A_97 : vector<1x16xf32> to vector<16xf32>
      %swap3A_99 = vector.shape_cast %broadcast_in_dim3A_94 : vector<16xf32> to vector<1x16xf32>
      tpu.vector_store %arg11[%swap3A_95, %swap3A_96], %swap3A_99 {strides = array<i32>} : memref<128x128xf32, #tpu.memory_space<vmem>>, vector<1x16xf32>,
      %broadcast_in_dim3A_100 = arith.constant 0.000000e+00 : f32
      %broadcast_in_dim3A_101 = vector.broadcast %broadcast_in_dim3A_100 : f32 to vector<16xf32>
      %swap3A_102 = arith.index_cast %scan3A_79 : i32 to index
      %swap3A_103 = arith.constant 48 : index
      %swap3A_104 = tpu.vector_load %arg11[%swap3A_102, %swap3A_103] {strides = array<i32>} : memref<128x128xf32, #tpu.memory_space<vmem>>, vector<1x16xf32>,
      %swap3A_105 = vector.shape_cast %swap3A_104 : vector<1x16xf32> to vector<16xf32>
      %swap3A_106 = vector.shape_cast %broadcast_in_dim3A_101 : vector<16xf32> to vector<1x16xf32>
      tpu.vector_store %arg11[%swap3A_102, %swap3A_103], %swap3A_106 {strides = array<i32>} : memref<128x128xf32, #tpu.memory_space<vmem>>, vector<1x16xf32>,
      %broadcast_in_dim3A_107 = arith.constant 0.000000e+00 : f32
      %broadcast_in_dim3A_108 = vector.broadcast %broadcast_in_dim3A_107 : f32 to vector<16xf32>
      %swap3A_109 = arith.index_cast %scan3A_79 : i32 to index
      %swap3A_110 = arith.constant 64 : index
      %swap3A_111 = tpu.vector_load %arg11[%swap3A_109, %swap3A_110] {strides = array<i32>} : memref<128x128xf32, #tpu.memory_space<vmem>>, vector<1x16xf32>,
      %swap3A_112 = vector.shape_cast %swap3A_111 : vector<1x16xf32> to vector<16xf32>
      %swap3A_113 = vector.shape_cast %broadcast_in_dim3A_108 : vector<16xf32> to vector<1x16xf32>
      tpu.vector_store %arg11[%swap3A_109, %swap3A_110], %swap3A_113 {strides = array<i32>} : memref<128x128xf32, #tpu.memory_space<vmem>>, vector<1x16xf32>,
      %broadcast_in_dim3A_114 = arith.constant 0.000000e+00 : f32
      %broadcast_in_dim3A_115 = vector.broadcast %broadcast_in_dim3A_114 : f32 to vector<16xf32>
      %swap3A_116 = arith.index_cast %scan3A_79 : i32 to index
      %swap3A_117 = arith.constant 80 : index
      %swap3A_118 = tpu.vector_load %arg11[%swap3A_116, %swap3A_117] {strides = array<i32>} : memref<128x128xf32, #tpu.memory_space<vmem>>, vector<1x16xf32>,
      %swap3A_119 = vector.shape_cast %swap3A_118 : vector<1x16xf32> to vector<16xf32>
      %swap3A_120 = vector.shape_cast %broadcast_in_dim3A_115 : vector<16xf32> to vector<1x16xf32>
      tpu.vector_store %arg11[%swap3A_116, %swap3A_117], %swap3A_120 {strides = array<i32>} : memref<128x128xf32, #tpu.memory_space<vmem>>, vector<1x16xf32>,
      %broadcast_in_dim3A_121 = arith.constant 0.000000e+00 : f32
      %broadcast_in_dim3A_122 = vector.broadcast %broadcast_in_dim3A_121 : f32 to vector<16xf32>
      %swap3A_123 = arith.index_cast %scan3A_79 : i32 to index
      %swap3A_124 = arith.constant 96 : index
      %swap3A_125 = tpu.vector_load %arg11[%swap3A_123, %swap3A_124] {strides = array<i32>} : memref<128x128xf32, #tpu.memory_space<vmem>>, vector<1x16xf32>,
      %swap3A_126 = vector.shape_cast %swap3A_125 : vector<1x16xf32> to vector<16xf32>
      %swap3A_127 = vector.shape_cast %broadcast_in_dim3A_122 : vector<16xf32> to vector<1x16xf32>
      tpu.vector_store %arg11[%swap3A_123, %swap3A_124], %swap3A_127 {strides = array<i32>} : memref<128x128xf32, #tpu.memory_space<vmem>>, vector<1x16xf32>,
      %broadcast_in_dim3A_128 = arith.constant 0.000000e+00 : f32
      %broadcast_in_dim3A_129 = vector.broadcast %broadcast_in_dim3A_128 : f32 to vector<16xf32>
      %swap3A_130 = arith.index_cast %scan3A_79 : i32 to index
      %swap3A_131 = arith.constant 112 : index
      %swap3A_132 = tpu.vector_load %arg11[%swap3A_130, %swap3A_131] {strides = array<i32>} : memref<128x128xf32, #tpu.memory_space<vmem>>, vector<1x16xf32>,
      %swap3A_133 = vector.shape_cast %swap3A_132 : vector<1x16xf32> to vector<16xf32>
      %swap3A_134 = vector.shape_cast %broadcast_in_dim3A_129 : vector<16xf32> to vector<1x16xf32>
      tpu.vector_store %arg11[%swap3A_130, %swap3A_131], %swap3A_134 {strides = array<i32>} : memref<128x128xf32, #tpu.memory_space<vmem>>, vector<1x16xf32>,
      %scan3A_135 = arith.constant 0 : i32
      scf.yield %scan3A_135 : i32
    }
    %scan3A_8 = arith.constant 128 : i32
    "tpu.region"() ({
      %run_scoped3A_79 = tpu.sem_alloc : memref<!tpu.dma_semaphore, #tpu.memory_space<semaphore_mem>>
      %dma_start3A_80 = arith.constant 0 : i32
      %dma_start3A_81 = arith.constant 0 : i32
      %dma_start3A_82 = tpu.memref_slice %arg3[%add3A, %dma_start3A_80, %dma_start3A_81] : memref<32x122x128xi32, #tpu.memory_space<hbm>> -> memref<1x122x128xi32, #tpu.memory_space<hbm>>
      %dma_start3A_83 = tpu.memref_squeeze %dma_start3A_82 : memref<1x122x128xi32, #tpu.memory_space<hbm>> -> memref<122x128xi32, #tpu.memory_space<hbm>>
      %dma_start3A_84 = arith.constant 0 : i32
      %dma_start3A_85 = arith.constant 0 : i32
      %dma_start3A_86 = tpu.memref_slice %arg3[%add3A, %dma_start3A_84, %dma_start3A_85] : memref<32x122x128xi32, #tpu.memory_space<hbm>> -> memref<1x122x128xi32, #tpu.memory_space<hbm>>
      %dma_start3A_87 = tpu.memref_squeeze %dma_start3A_86 : memref<1x122x128xi32, #tpu.memory_space<hbm>> -> memref<122x128xi32, #tpu.memory_space<hbm>>
      tpu.enqueue_dma source(%dma_start3A_87 : memref<122x128xi32, #tpu.memory_space<hbm>>) target(%arg7 : memref<122x128xi32, #tpu.memory_space<vmem>>) target_semaphore(%run_scoped3A_79 : memref<!tpu.dma_semaphore, #tpu.memory_space<semaphore_mem>>)
      %dma_wait3A = arith.constant 0 : i32
      %dma_wait3A_88 = arith.constant 0 : i32
      %dma_wait3A_89 = tpu.memref_slice %arg3[%add3A, %dma_wait3A, %dma_wait3A_88] : memref<32x122x128xi32, #tpu.memory_space<hbm>> -> memref<1x122x128xi32, #tpu.memory_space<hbm>>
      %dma_wait3A_90 = tpu.memref_squeeze %dma_wait3A_89 : memref<1x122x128xi32, #tpu.memory_space<hbm>> -> memref<122x128xi32, #tpu.memory_space<hbm>>
      %dma_wait3A_91 = arith.constant 0 : i32
      %dma_wait3A_92 = arith.constant 0 : i32
      %dma_wait3A_93 = tpu.memref_slice %arg3[%add3A, %dma_wait3A_91, %dma_wait3A_92] : memref<32x122x128xi32, #tpu.memory_space<hbm>> -> memref<1x122x128xi32, #tpu.memory_space<hbm>>
      %dma_wait3A_94 = tpu.memref_squeeze %dma_wait3A_93 : memref<1x122x128xi32, #tpu.memory_space<hbm>> -> memref<122x128xi32, #tpu.memory_space<hbm>>
      tpu.wait_dma2 semaphore(%run_scoped3A_79 : memref<!tpu.dma_semaphore, #tpu.memory_space<semaphore_mem>>) src(%dma_wait3A_94 : memref<122x128xi32, #tpu.memory_space<hbm>>) dst(%arg7 : memref<122x128xi32, #tpu.memory_space<vmem>>)
      tpu.yield
    }) : () -> ()
    "tpu.region"() ({
      %run_scoped3A_79 = tpu.sem_alloc : memref<!tpu.dma_semaphore, #tpu.memory_space<semaphore_mem>>
      %dma_start3A_80 = arith.constant 0 : i32
      %dma_start3A_81 = arith.constant 0 : i32
      %dma_start3A_82 = tpu.memref_slice %arg4[%add3A, %dma_start3A_80, %dma_start3A_81] : memref<32x122x128xi32, #tpu.memory_space<hbm>> -> memref<1x122x128xi32, #tpu.memory_space<hbm>>
      %dma_start3A_83 = tpu.memref_squeeze %dma_start3A_82 : memref<1x122x128xi32, #tpu.memory_space<hbm>> -> memref<122x128xi32, #tpu.memory_space<hbm>>
      %dma_start3A_84 = arith.constant 0 : i32
      %dma_start3A_85 = arith.constant 0 : i32
      %dma_start3A_86 = tpu.memref_slice %arg4[%add3A, %dma_start3A_84, %dma_start3A_85] : memref<32x122x128xi32, #tpu.memory_space<hbm>> -> memref<1x122x128xi32, #tpu.memory_space<hbm>>
      %dma_start3A_87 = tpu.memref_squeeze %dma_start3A_86 : memref<1x122x128xi32, #tpu.memory_space<hbm>> -> memref<122x128xi32, #tpu.memory_space<hbm>>
      tpu.enqueue_dma source(%dma_start3A_87 : memref<122x128xi32, #tpu.memory_space<hbm>>) target(%arg8 : memref<122x128xi32, #tpu.memory_space<vmem>>) target_semaphore(%run_scoped3A_79 : memref<!tpu.dma_semaphore, #tpu.memory_space<semaphore_mem>>)
      %dma_wait3A = arith.constant 0 : i32
      %dma_wait3A_88 = arith.constant 0 : i32
      %dma_wait3A_89 = tpu.memref_slice %arg4[%add3A, %dma_wait3A, %dma_wait3A_88] : memref<32x122x128xi32, #tpu.memory_space<hbm>> -> memref<1x122x128xi32, #tpu.memory_space<hbm>>
      %dma_wait3A_90 = tpu.memref_squeeze %dma_wait3A_89 : memref<1x122x128xi32, #tpu.memory_space<hbm>> -> memref<122x128xi32, #tpu.memory_space<hbm>>
      %dma_wait3A_91 = arith.constant 0 : i32
      %dma_wait3A_92 = arith.constant 0 : i32
      %dma_wait3A_93 = tpu.memref_slice %arg4[%add3A, %dma_wait3A_91, %dma_wait3A_92] : memref<32x122x128xi32, #tpu.memory_space<hbm>> -> memref<1x122x128xi32, #tpu.memory_space<hbm>>
      %dma_wait3A_94 = tpu.memref_squeeze %dma_wait3A_93 : memref<1x122x128xi32, #tpu.memory_space<hbm>> -> memref<122x128xi32, #tpu.memory_space<hbm>>
      tpu.wait_dma2 semaphore(%run_scoped3A_79 : memref<!tpu.dma_semaphore, #tpu.memory_space<semaphore_mem>>) src(%dma_wait3A_94 : memref<122x128xi32, #tpu.memory_space<hbm>>) dst(%arg8 : memref<122x128xi32, #tpu.memory_space<vmem>>)
      tpu.yield
    }) : () -> ()
    %mul3A_9 = arith.constant 320 : i32
    %mul3A_10 = arith.muli %arg1, %mul3A_9 : i32
    "tpu.region"() ({
      %run_scoped3A_79 = tpu.sem_alloc : memref<!tpu.dma_semaphore, #tpu.memory_space<semaphore_mem>>
      %dma_start3A_80 = arith.constant 0 : i32
      %dma_start3A_81 = tpu.memref_slice %arg12[%mul3A_10, %dma_start3A_80] : memref<5248x128xf32, #tpu.memory_space<vmem_shared>> -> memref<128x128xf32, #tpu.memory_space<vmem_shared>>
      %dma_start3A_82 = arith.constant 0 : i32
      %dma_start3A_83 = tpu.memref_slice %arg12[%mul3A_10, %dma_start3A_82] : memref<5248x128xf32, #tpu.memory_space<vmem_shared>> -> memref<128x128xf32, #tpu.memory_space<vmem_shared>>
      tpu.enqueue_dma source(%arg11 : memref<128x128xf32, #tpu.memory_space<vmem>>) target(%dma_start3A_83 : memref<128x128xf32, #tpu.memory_space<vmem_shared>>) target_semaphore(%run_scoped3A_79 : memref<!tpu.dma_semaphore, #tpu.memory_space<semaphore_mem>>)
      %dma_wait3A = arith.constant 0 : i32
      %dma_wait3A_84 = tpu.memref_slice %arg12[%mul3A_10, %dma_wait3A] : memref<5248x128xf32, #tpu.memory_space<vmem_shared>> -> memref<128x128xf32, #tpu.memory_space<vmem_shared>>
      %dma_wait3A_85 = arith.constant 0 : i32
      %dma_wait3A_86 = tpu.memref_slice %arg12[%mul3A_10, %dma_wait3A_85] : memref<5248x128xf32, #tpu.memory_space<vmem_shared>> -> memref<128x128xf32, #tpu.memory_space<vmem_shared>>
      tpu.wait_dma2 semaphore(%run_scoped3A_79 : memref<!tpu.dma_semaphore, #tpu.memory_space<semaphore_mem>>) src(%arg11 : memref<128x128xf32, #tpu.memory_space<vmem>>) dst(%dma_wait3A_86 : memref<128x128xf32, #tpu.memory_space<vmem_shared>>)
      tpu.yield
    }) : () -> ()
    %mul3A_11 = arith.constant 320 : i32
    %mul3A_12 = arith.muli %arg1, %mul3A_11 : i32
    %add3A_13 = arith.constant 128 : i32
    %add3A_14 = arith.addi %mul3A_12, %add3A_13 : i32
    "tpu.region"() ({
      %run_scoped3A_79 = tpu.sem_alloc : memref<!tpu.dma_semaphore, #tpu.memory_space<semaphore_mem>>
      %dma_start3A_80 = arith.constant 0 : i32
      %dma_start3A_81 = tpu.memref_slice %arg12[%add3A_14, %dma_start3A_80] : memref<5248x128xf32, #tpu.memory_space<vmem_shared>> -> memref<128x128xf32, #tpu.memory_space<vmem_shared>>
      %dma_start3A_82 = arith.constant 0 : i32
      %dma_start3A_83 = tpu.memref_slice %arg12[%add3A_14, %dma_start3A_82] : memref<5248x128xf32, #tpu.memory_space<vmem_shared>> -> memref<128x128xf32, #tpu.memory_space<vmem_shared>>
      tpu.enqueue_dma source(%arg11 : memref<128x128xf32, #tpu.memory_space<vmem>>) target(%dma_start3A_83 : memref<128x128xf32, #tpu.memory_space<vmem_shared>>) target_semaphore(%run_scoped3A_79 : memref<!tpu.dma_semaphore, #tpu.memory_space<semaphore_mem>>)
      %dma_wait3A = arith.constant 0 : i32
      %dma_wait3A_84 = tpu.memref_slice %arg12[%add3A_14, %dma_wait3A] : memref<5248x128xf32, #tpu.memory_space<vmem_shared>> -> memref<128x128xf32, #tpu.memory_space<vmem_shared>>
      %dma_wait3A_85 = arith.constant 0 : i32
      %dma_wait3A_86 = tpu.memref_slice %arg12[%add3A_14, %dma_wait3A_85] : memref<5248x128xf32, #tpu.memory_space<vmem_shared>> -> memref<128x128xf32, #tpu.memory_space<vmem_shared>>
      tpu.wait_dma2 semaphore(%run_scoped3A_79 : memref<!tpu.dma_semaphore, #tpu.memory_space<semaphore_mem>>) src(%arg11 : memref<128x128xf32, #tpu.memory_space<vmem>>) dst(%dma_wait3A_86 : memref<128x128xf32, #tpu.memory_space<vmem_shared>>)
      tpu.yield
    }) : () -> ()
    %mul3A_15 = arith.constant 320 : i32
    %mul3A_16 = arith.muli %arg1, %mul3A_15 : i32
    %add3A_17 = arith.constant 256 : i32
    %add3A_18 = arith.addi %mul3A_16, %add3A_17 : i32
    "tpu.region"() ({
      %run_scoped3A_79 = tpu.sem_alloc : memref<!tpu.dma_semaphore, #tpu.memory_space<semaphore_mem>>
      %dma_start3A_80 = arith.constant 0 : i32
      %dma_start3A_81 = arith.constant 0 : i32
      %dma_start3A_82 = tpu.memref_slice %arg11[%dma_start3A_80, %dma_start3A_81] : memref<128x128xf32, #tpu.memory_space<vmem>> -> memref<64x128xf32, #tpu.memory_space<vmem>>
      %dma_start3A_83 = arith.constant 0 : i32
      %dma_start3A_84 = tpu.memref_slice %arg12[%add3A_18, %dma_start3A_83] : memref<5248x128xf32, #tpu.memory_space<vmem_shared>> -> memref<64x128xf32, #tpu.memory_space<vmem_shared>>
      %dma_start3A_85 = arith.constant 0 : i32
      %dma_start3A_86 = tpu.memref_slice %arg12[%add3A_18, %dma_start3A_85] : memref<5248x128xf32, #tpu.memory_space<vmem_shared>> -> memref<64x128xf32, #tpu.memory_space<vmem_shared>>
      %dma_start3A_87 = arith.constant 0 : i32
      %dma_start3A_88 = arith.constant 0 : i32
      %dma_start3A_89 = tpu.memref_slice %arg11[%dma_start3A_87, %dma_start3A_88] : memref<128x128xf32, #tpu.memory_space<vmem>> -> memref<64x128xf32, #tpu.memory_space<vmem>>
      tpu.enqueue_dma source(%dma_start3A_89 : memref<64x128xf32, #tpu.memory_space<vmem>>) target(%dma_start3A_86 : memref<64x128xf32, #tpu.memory_space<vmem_shared>>) target_semaphore(%run_scoped3A_79 : memref<!tpu.dma_semaphore, #tpu.memory_space<semaphore_mem>>)
      %dma_wait3A = arith.constant 0 : i32
      %dma_wait3A_90 = arith.constant 0 : i32
      %dma_wait3A_91 = tpu.memref_slice %arg11[%dma_wait3A, %dma_wait3A_90] : memref<128x128xf32, #tpu.memory_space<vmem>> -> memref<64x128xf32, #tpu.memory_space<vmem>>
      %dma_wait3A_92 = arith.constant 0 : i32
      %dma_wait3A_93 = tpu.memref_slice %arg12[%add3A_18, %dma_wait3A_92] : memref<5248x128xf32, #tpu.memory_space<vmem_shared>> -> memref<64x128xf32, #tpu.memory_space<vmem_shared>>
      %dma_wait3A_94 = arith.constant 0 : i32
      %dma_wait3A_95 = tpu.memref_slice %arg12[%add3A_18, %dma_wait3A_94] : memref<5248x128xf32, #tpu.memory_space<vmem_shared>> -> memref<64x128xf32, #tpu.memory_space<vmem_shared>>
      %dma_wait3A_96 = arith.constant 0 : i32
      %dma_wait3A_97 = arith.constant 0 : i32
      %dma_wait3A_98 = tpu.memref_slice %arg11[%dma_wait3A_96, %dma_wait3A_97] : memref<128x128xf32, #tpu.memory_space<vmem>> -> memref<64x128xf32, #tpu.memory_space<vmem>>
      tpu.wait_dma2 semaphore(%run_scoped3A_79 : memref<!tpu.dma_semaphore, #tpu.memory_space<semaphore_mem>>) src(%dma_wait3A_98 : memref<64x128xf32, #tpu.memory_space<vmem>>) dst(%dma_wait3A_95 : memref<64x128xf32, #tpu.memory_space<vmem_shared>>)
      tpu.yield
    }) : () -> ()
    %barrier3A = arith.constant 0 : index
    tpu.barrier barrier_id(%barrier3A)
    %dma_start3A = arith.constant 0 : i32
    %dma_start3A_19 = arith.constant 0 : i32
    %dma_start3A_20 = tpu.memref_slice %arg7[%dma_start3A, %dma_start3A_19] : memref<122x128xi32, #tpu.memory_space<vmem>> -> memref<1x128xi32, #tpu.memory_space<vmem>>
    %dma_start3A_21 = tpu.memref_squeeze %dma_start3A_20 : memref<1x128xi32, #tpu.memory_space<vmem>> -> memref<128xi32, #tpu.memory_space<vmem>>
    %dma_start3A_22 = arith.constant 0 : i32
    %dma_start3A_23 = arith.constant 0 : i32
    %dma_start3A_24 = tpu.memref_slice %arg2[%dma_start3A_22, %dma_start3A_23] : memref<10000x128xf32, #tpu.memory_space<hbm>> -> memref<10000x128xf32, #tpu.memory_space<hbm>>
    tpu.enqueue_indirect_dma source(%dma_start3A_24 : memref<10000x128xf32, #tpu.memory_space<hbm>>) target(%arg9 : memref<128x128xf32, #tpu.memory_space<vmem>>) offsets(%dma_start3A_21 : memref<128xi32, #tpu.memory_space<vmem>>) semaphore(%arg13 : memref<!tpu.dma_semaphore, #tpu.memory_space<semaphore_mem>>)
    %while3A = arith.constant 0 : i32
    %while3A_25 = arith.constant 0 : i32
    %while3A_26 = arith.subi %select_n3A, %while3A : i32
    %while3A_27 = arith.addi %while3A, %while3A_26 : i32
    %while3A_28 = arith.constant 1 : i32
    %while3A_29 = arith.divsi %while3A_26, %while3A_28 : i32
    %while3A_30 = arith.muli %while3A_29, %while3A_28 : i32
    %while3A_31 = arith.addi %while3A, %while3A_30 : i32
    %while3A_32 = arith.constant 1 : i32
    %while3A_33 = scf.for %while3A_79 = %while3A to %while3A_31 step %while3A_32 iter_args(%while3A_80 = %while3A_25) -> (i32)  : i32 {
      %mul3A_81 = arith.constant 2 : i32
      %mul3A_82 = arith.muli %mul3A_81, %while3A_79 : i32
      %dma_wait3A = arith.constant 0 : i32
      %dma_wait3A_83 = tpu.memref_slice %arg7[%mul3A_82, %dma_wait3A] : memref<122x128xi32, #tpu.memory_space<vmem>> -> memref<1x128xi32, #tpu.memory_space<vmem>>
      %dma_wait3A_84 = tpu.memref_squeeze %dma_wait3A_83 : memref<1x128xi32, #tpu.memory_space<vmem>> -> memref<128xi32, #tpu.memory_space<vmem>>
      %dma_wait3A_85 = arith.constant 0 : i32
      %dma_wait3A_86 = arith.constant 0 : i32
      %dma_wait3A_87 = tpu.memref_slice %arg2[%dma_wait3A_85, %dma_wait3A_86] : memref<10000x128xf32, #tpu.memory_space<hbm>> -> memref<10000x128xf32, #tpu.memory_space<hbm>>
      tpu.wait_indirect_dma semaphore(%arg13 : memref<!tpu.dma_semaphore, #tpu.memory_space<semaphore_mem>>) src(%dma_wait3A_87 : memref<10000x128xf32, #tpu.memory_space<hbm>>) dst(%arg9 : memref<128x128xf32, #tpu.memory_space<vmem>>)
      %add3A_88 = arith.constant 1 : i32
      %add3A_89 = arith.addi %mul3A_82, %add3A_88 : i32
      %dma_start3A_90 = arith.constant 0 : i32
      %dma_start3A_91 = tpu.memref_slice %arg7[%add3A_89, %dma_start3A_90] : memref<122x128xi32, #tpu.memory_space<vmem>> -> memref<1x128xi32, #tpu.memory_space<vmem>>
      %dma_start3A_92 = tpu.memref_squeeze %dma_start3A_91 : memref<1x128xi32, #tpu.memory_space<vmem>> -> memref<128xi32, #tpu.memory_space<vmem>>
      %dma_start3A_93 = arith.constant 0 : i32
      %dma_start3A_94 = arith.constant 0 : i32
      %dma_start3A_95 = tpu.memref_slice %arg2[%dma_start3A_93, %dma_start3A_94] : memref<10000x128xf32, #tpu.memory_space<hbm>> -> memref<10000x128xf32, #tpu.memory_space<hbm>>
      tpu.enqueue_indirect_dma source(%dma_start3A_95 : memref<10000x128xf32, #tpu.memory_space<hbm>>) target(%arg10 : memref<128x128xf32, #tpu.memory_space<vmem>>) offsets(%dma_start3A_92 : memref<128xi32, #tpu.memory_space<vmem>>) semaphore(%arg14 : memref<!tpu.dma_semaphore, #tpu.memory_space<semaphore_mem>>)
      "tpu.region"() ({
        %run_scoped3A_109 = tpu.sem_alloc : memref<!tpu.dma_semaphore, #tpu.memory_space<semaphore_mem>>
        %dma_start3A_110 = arith.constant 0 : i32
        %dma_start3A_111 = tpu.memref_slice %arg8[%mul3A_82, %dma_start3A_110] : memref<122x128xi32, #tpu.memory_space<vmem>> -> memref<1x128xi32, #tpu.memory_space<vmem>>
        %dma_start3A_112 = tpu.memref_squeeze %dma_start3A_111 : memref<1x128xi32, #tpu.memory_space<vmem>> -> memref<128xi32, #tpu.memory_space<vmem>>
        %dma_start3A_113 = arith.constant 0 : i32
        %dma_start3A_114 = arith.constant 0 : i32
        %dma_start3A_115 = tpu.memref_slice %arg12[%dma_start3A_113, %dma_start3A_114] : memref<5248x128xf32, #tpu.memory_space<vmem_shared>> -> memref<5248x128xf32, #tpu.memory_space<vmem_shared>>
        tpu.enqueue_indirect_dma source(%arg9 : memref<128x128xf32, #tpu.memory_space<vmem>>) target(%dma_start3A_115 : memref<5248x128xf32, #tpu.memory_space<vmem_shared>>) offsets(%dma_start3A_112 : memref<128xi32, #tpu.memory_space<vmem>>) semaphore(%run_scoped3A_109 : memref<!tpu.dma_semaphore, #tpu.memory_space<semaphore_mem>>) {add = true}
        %dma_wait3A_116 = arith.constant 0 : i32
        %dma_wait3A_117 = tpu.memref_slice %arg8[%mul3A_82, %dma_wait3A_116] : memref<122x128xi32, #tpu.memory_space<vmem>> -> memref<1x128xi32, #tpu.memory_space<vmem>>
        %dma_wait3A_118 = tpu.memref_squeeze %dma_wait3A_117 : memref<1x128xi32, #tpu.memory_space<vmem>> -> memref<128xi32, #tpu.memory_space<vmem>>
        %dma_wait3A_119 = arith.constant 0 : i32
        %dma_wait3A_120 = arith.constant 0 : i32
        %dma_wait3A_121 = tpu.memref_slice %arg12[%dma_wait3A_119, %dma_wait3A_120] : memref<5248x128xf32, #tpu.memory_space<vmem_shared>> -> memref<5248x128xf32, #tpu.memory_space<vmem_shared>>
        tpu.wait_indirect_dma semaphore(%run_scoped3A_109 : memref<!tpu.dma_semaphore, #tpu.memory_space<semaphore_mem>>) src(%arg9 : memref<128x128xf32, #tpu.memory_space<vmem>>) dst(%dma_wait3A_121 : memref<5248x128xf32, #tpu.memory_space<vmem_shared>>)
        tpu.yield
      }) : () -> ()
      %add3A_96 = arith.constant 1 : i32
      %add3A_97 = arith.addi %mul3A_82, %add3A_96 : i32
      %dma_wait3A_98 = arith.constant 0 : i32
      %dma_wait3A_99 = tpu.memref_slice %arg7[%add3A_97, %dma_wait3A_98] : memref<122x128xi32, #tpu.memory_space<vmem>> -> memref<1x128xi32, #tpu.memory_space<vmem>>
      %dma_wait3A_100 = tpu.memref_squeeze %dma_wait3A_99 : memref<1x128xi32, #tpu.memory_space<vmem>> -> memref<128xi32, #tpu.memory_space<vmem>>
      %dma_wait3A_101 = arith.constant 0 : i32
      %dma_wait3A_102 = arith.constant 0 : i32
      %dma_wait3A_103 = tpu.memref_slice %arg2[%dma_wait3A_101, %dma_wait3A_102] : memref<10000x128xf32, #tpu.memory_space<hbm>> -> memref<10000x128xf32, #tpu.memory_space<hbm>>
      tpu.wait_indirect_dma semaphore(%arg14 : memref<!tpu.dma_semaphore, #tpu.memory_space<semaphore_mem>>) src(%dma_wait3A_103 : memref<10000x128xf32, #tpu.memory_space<hbm>>) dst(%arg10 : memref<128x128xf32, #tpu.memory_space<vmem>>)
      %sub3A = arith.constant 1 : i32
      %sub3A_104 = arith.subi %select_n3A, %sub3A : i32
      %lt3A = arith.cmpi slt, %while3A_79, %sub3A_104 : i32
      %convert_element_type3A = arith.extui %lt3A : i1 to i32
      %cond3A = arith.constant 0 : i32
      %cond3A_105 = arith.cmpi ne, %convert_element_type3A, %cond3A : i32
      scf.if %cond3A_105 {
        %add3A_109 = arith.constant 2 : i32
        %add3A_110 = arith.addi %mul3A_82, %add3A_109 : i32
        %dma_start3A_111 = arith.constant 0 : i32
        %dma_start3A_112 = tpu.memref_slice %arg7[%add3A_110, %dma_start3A_111] : memref<122x128xi32, #tpu.memory_space<vmem>> -> memref<1x128xi32, #tpu.memory_space<vmem>>
        %dma_start3A_113 = tpu.memref_squeeze %dma_start3A_112 : memref<1x128xi32, #tpu.memory_space<vmem>> -> memref<128xi32, #tpu.memory_space<vmem>>
        %dma_start3A_114 = arith.constant 0 : i32
        %dma_start3A_115 = arith.constant 0 : i32
        %dma_start3A_116 = tpu.memref_slice %arg2[%dma_start3A_114, %dma_start3A_115] : memref<10000x128xf32, #tpu.memory_space<hbm>> -> memref<10000x128xf32, #tpu.memory_space<hbm>>
        tpu.enqueue_indirect_dma source(%dma_start3A_116 : memref<10000x128xf32, #tpu.memory_space<hbm>>) target(%arg9 : memref<128x128xf32, #tpu.memory_space<vmem>>) offsets(%dma_start3A_113 : memref<128xi32, #tpu.memory_space<vmem>>) semaphore(%arg13 : memref<!tpu.dma_semaphore, #tpu.memory_space<semaphore_mem>>)
      } else {
      }
      %add3A_106 = arith.constant 1 : i32
      %add3A_107 = arith.addi %mul3A_82, %add3A_106 : i32
      "tpu.region"() ({
        %run_scoped3A_109 = tpu.sem_alloc : memref<!tpu.dma_semaphore, #tpu.memory_space<semaphore_mem>>
        %dma_start3A_110 = arith.constant 0 : i32
        %dma_start3A_111 = tpu.memref_slice %arg8[%add3A_107, %dma_start3A_110] : memref<122x128xi32, #tpu.memory_space<vmem>> -> memref<1x128xi32, #tpu.memory_space<vmem>>
        %dma_start3A_112 = tpu.memref_squeeze %dma_start3A_111 : memref<1x128xi32, #tpu.memory_space<vmem>> -> memref<128xi32, #tpu.memory_space<vmem>>
        %dma_start3A_113 = arith.constant 0 : i32
        %dma_start3A_114 = arith.constant 0 : i32
        %dma_start3A_115 = tpu.memref_slice %arg12[%dma_start3A_113, %dma_start3A_114] : memref<5248x128xf32, #tpu.memory_space<vmem_shared>> -> memref<5248x128xf32, #tpu.memory_space<vmem_shared>>
        tpu.enqueue_indirect_dma source(%arg10 : memref<128x128xf32, #tpu.memory_space<vmem>>) target(%dma_start3A_115 : memref<5248x128xf32, #tpu.memory_space<vmem_shared>>) offsets(%dma_start3A_112 : memref<128xi32, #tpu.memory_space<vmem>>) semaphore(%run_scoped3A_109 : memref<!tpu.dma_semaphore, #tpu.memory_space<semaphore_mem>>) {add = true}
        %dma_wait3A_116 = arith.constant 0 : i32
        %dma_wait3A_117 = tpu.memref_slice %arg8[%add3A_107, %dma_wait3A_116] : memref<122x128xi32, #tpu.memory_space<vmem>> -> memref<1x128xi32, #tpu.memory_space<vmem>>
        %dma_wait3A_118 = tpu.memref_squeeze %dma_wait3A_117 : memref<1x128xi32, #tpu.memory_space<vmem>> -> memref<128xi32, #tpu.memory_space<vmem>>
        %dma_wait3A_119 = arith.constant 0 : i32
        %dma_wait3A_120 = arith.constant 0 : i32
        %dma_wait3A_121 = tpu.memref_slice %arg12[%dma_wait3A_119, %dma_wait3A_120] : memref<5248x128xf32, #tpu.memory_space<vmem_shared>> -> memref<5248x128xf32, #tpu.memory_space<vmem_shared>>
        tpu.wait_indirect_dma semaphore(%run_scoped3A_109 : memref<!tpu.dma_semaphore, #tpu.memory_space<semaphore_mem>>) src(%arg10 : memref<128x128xf32, #tpu.memory_space<vmem>>) dst(%dma_wait3A_121 : memref<5248x128xf32, #tpu.memory_space<vmem_shared>>)
        tpu.yield
      }) : () -> ()
      %while3A_108 = arith.constant 0 : i32
      scf.yield %while3A_108 : i32
    }
    %while3A_34 = arith.constant 1 : i32
    %while3A_35 = scf.for %while3A_79 = %while3A_31 to %while3A_27 step %while3A_34 iter_args(%while3A_80 = %while3A_33) -> (i32)  : i32 {
      %mul3A_81 = arith.constant 2 : i32
      %mul3A_82 = arith.muli %mul3A_81, %while3A_79 : i32
      %dma_wait3A = arith.constant 0 : i32
      %dma_wait3A_83 = tpu.memref_slice %arg7[%mul3A_82, %dma_wait3A] : memref<122x128xi32, #tpu.memory_space<vmem>> -> memref<1x128xi32, #tpu.memory_space<vmem>>
      %dma_wait3A_84 = tpu.memref_squeeze %dma_wait3A_83 : memref<1x128xi32, #tpu.memory_space<vmem>> -> memref<128xi32, #tpu.memory_space<vmem>>
      %dma_wait3A_85 = arith.constant 0 : i32
      %dma_wait3A_86 = arith.constant 0 : i32
      %dma_wait3A_87 = tpu.memref_slice %arg2[%dma_wait3A_85, %dma_wait3A_86] : memref<10000x128xf32, #tpu.memory_space<hbm>> -> memref<10000x128xf32, #tpu.memory_space<hbm>>
      tpu.wait_indirect_dma semaphore(%arg13 : memref<!tpu.dma_semaphore, #tpu.memory_space<semaphore_mem>>) src(%dma_wait3A_87 : memref<10000x128xf32, #tpu.memory_space<hbm>>) dst(%arg9 : memref<128x128xf32, #tpu.memory_space<vmem>>)
      %add3A_88 = arith.constant 1 : i32
      %add3A_89 = arith.addi %mul3A_82, %add3A_88 : i32
      %dma_start3A_90 = arith.constant 0 : i32
      %dma_start3A_91 = tpu.memref_slice %arg7[%add3A_89, %dma_start3A_90] : memref<122x128xi32, #tpu.memory_space<vmem>> -> memref<1x128xi32, #tpu.memory_space<vmem>>
      %dma_start3A_92 = tpu.memref_squeeze %dma_start3A_91 : memref<1x128xi32, #tpu.memory_space<vmem>> -> memref<128xi32, #tpu.memory_space<vmem>>
      %dma_start3A_93 = arith.constant 0 : i32
      %dma_start3A_94 = arith.constant 0 : i32
      %dma_start3A_95 = tpu.memref_slice %arg2[%dma_start3A_93, %dma_start3A_94] : memref<10000x128xf32, #tpu.memory_space<hbm>> -> memref<10000x128xf32, #tpu.memory_space<hbm>>
      tpu.enqueue_indirect_dma source(%dma_start3A_95 : memref<10000x128xf32, #tpu.memory_space<hbm>>) target(%arg10 : memref<128x128xf32, #tpu.memory_space<vmem>>) offsets(%dma_start3A_92 : memref<128xi32, #tpu.memory_space<vmem>>) semaphore(%arg14 : memref<!tpu.dma_semaphore, #tpu.memory_space<semaphore_mem>>)
      "tpu.region"() ({
        %run_scoped3A_109 = tpu.sem_alloc : memref<!tpu.dma_semaphore, #tpu.memory_space<semaphore_mem>>
        %dma_start3A_110 = arith.constant 0 : i32
        %dma_start3A_111 = tpu.memref_slice %arg8[%mul3A_82, %dma_start3A_110] : memref<122x128xi32, #tpu.memory_space<vmem>> -> memref<1x128xi32, #tpu.memory_space<vmem>>
        %dma_start3A_112 = tpu.memref_squeeze %dma_start3A_111 : memref<1x128xi32, #tpu.memory_space<vmem>> -> memref<128xi32, #tpu.memory_space<vmem>>
        %dma_start3A_113 = arith.constant 0 : i32
        %dma_start3A_114 = arith.constant 0 : i32
        %dma_start3A_115 = tpu.memref_slice %arg12[%dma_start3A_113, %dma_start3A_114] : memref<5248x128xf32, #tpu.memory_space<vmem_shared>> -> memref<5248x128xf32, #tpu.memory_space<vmem_shared>>
        tpu.enqueue_indirect_dma source(%arg9 : memref<128x128xf32, #tpu.memory_space<vmem>>) target(%dma_start3A_115 : memref<5248x128xf32, #tpu.memory_space<vmem_shared>>) offsets(%dma_start3A_112 : memref<128xi32, #tpu.memory_space<vmem>>) semaphore(%run_scoped3A_109 : memref<!tpu.dma_semaphore, #tpu.memory_space<semaphore_mem>>) {add = true}
        %dma_wait3A_116 = arith.constant 0 : i32
        %dma_wait3A_117 = tpu.memref_slice %arg8[%mul3A_82, %dma_wait3A_116] : memref<122x128xi32, #tpu.memory_space<vmem>> -> memref<1x128xi32, #tpu.memory_space<vmem>>
        %dma_wait3A_118 = tpu.memref_squeeze %dma_wait3A_117 : memref<1x128xi32, #tpu.memory_space<vmem>> -> memref<128xi32, #tpu.memory_space<vmem>>
        %dma_wait3A_119 = arith.constant 0 : i32
        %dma_wait3A_120 = arith.constant 0 : i32
        %dma_wait3A_121 = tpu.memref_slice %arg12[%dma_wait3A_119, %dma_wait3A_120] : memref<5248x128xf32, #tpu.memory_space<vmem_shared>> -> memref<5248x128xf32, #tpu.memory_space<vmem_shared>>
        tpu.wait_indirect_dma semaphore(%run_scoped3A_109 : memref<!tpu.dma_semaphore, #tpu.memory_space<semaphore_mem>>) src(%arg9 : memref<128x128xf32, #tpu.memory_space<vmem>>) dst(%dma_wait3A_121 : memref<5248x128xf32, #tpu.memory_space<vmem_shared>>)
        tpu.yield
      }) : () -> ()
      %add3A_96 = arith.constant 1 : i32
      %add3A_97 = arith.addi %mul3A_82, %add3A_96 : i32
      %dma_wait3A_98 = arith.constant 0 : i32
      %dma_wait3A_99 = tpu.memref_slice %arg7[%add3A_97, %dma_wait3A_98] : memref<122x128xi32, #tpu.memory_space<vmem>> -> memref<1x128xi32, #tpu.memory_space<vmem>>
      %dma_wait3A_100 = tpu.memref_squeeze %dma_wait3A_99 : memref<1x128xi32, #tpu.memory_space<vmem>> -> memref<128xi32, #tpu.memory_space<vmem>>
      %dma_wait3A_101 = arith.constant 0 : i32
      %dma_wait3A_102 = arith.constant 0 : i32
      %dma_wait3A_103 = tpu.memref_slice %arg2[%dma_wait3A_101, %dma_wait3A_102] : memref<10000x128xf32, #tpu.memory_space<hbm>> -> memref<10000x128xf32, #tpu.memory_space<hbm>>
      tpu.wait_indirect_dma semaphore(%arg14 : memref<!tpu.dma_semaphore, #tpu.memory_space<semaphore_mem>>) src(%dma_wait3A_103 : memref<10000x128xf32, #tpu.memory_space<hbm>>) dst(%arg10 : memref<128x128xf32, #tpu.memory_space<vmem>>)
      %sub3A = arith.constant 1 : i32
      %sub3A_104 = arith.subi %select_n3A, %sub3A : i32
      %lt3A = arith.cmpi slt, %while3A_79, %sub3A_104 : i32
      %convert_element_type3A = arith.extui %lt3A : i1 to i32
      %cond3A = arith.constant 0 : i32
      %cond3A_105 = arith.cmpi ne, %convert_element_type3A, %cond3A : i32
      scf.if %cond3A_105 {
        %add3A_109 = arith.constant 2 : i32
        %add3A_110 = arith.addi %mul3A_82, %add3A_109 : i32
        %dma_start3A_111 = arith.constant 0 : i32
        %dma_start3A_112 = tpu.memref_slice %arg7[%add3A_110, %dma_start3A_111] : memref<122x128xi32, #tpu.memory_space<vmem>> -> memref<1x128xi32, #tpu.memory_space<vmem>>
        %dma_start3A_113 = tpu.memref_squeeze %dma_start3A_112 : memref<1x128xi32, #tpu.memory_space<vmem>> -> memref<128xi32, #tpu.memory_space<vmem>>
        %dma_start3A_114 = arith.constant 0 : i32
        %dma_start3A_115 = arith.constant 0 : i32
        %dma_start3A_116 = tpu.memref_slice %arg2[%dma_start3A_114, %dma_start3A_115] : memref<10000x128xf32, #tpu.memory_space<hbm>> -> memref<10000x128xf32, #tpu.memory_space<hbm>>
        tpu.enqueue_indirect_dma source(%dma_start3A_116 : memref<10000x128xf32, #tpu.memory_space<hbm>>) target(%arg9 : memref<128x128xf32, #tpu.memory_space<vmem>>) offsets(%dma_start3A_113 : memref<128xi32, #tpu.memory_space<vmem>>) semaphore(%arg13 : memref<!tpu.dma_semaphore, #tpu.memory_space<semaphore_mem>>)
      } else {
      }
      %add3A_106 = arith.constant 1 : i32
      %add3A_107 = arith.addi %mul3A_82, %add3A_106 : i32
      "tpu.region"() ({
        %run_scoped3A_109 = tpu.sem_alloc : memref<!tpu.dma_semaphore, #tpu.memory_space<semaphore_mem>>
        %dma_start3A_110 = arith.constant 0 : i32
        %dma_start3A_111 = tpu.memref_slice %arg8[%add3A_107, %dma_start3A_110] : memref<122x128xi32, #tpu.memory_space<vmem>> -> memref<1x128xi32, #tpu.memory_space<vmem>>
        %dma_start3A_112 = tpu.memref_squeeze %dma_start3A_111 : memref<1x128xi32, #tpu.memory_space<vmem>> -> memref<128xi32, #tpu.memory_space<vmem>>
        %dma_start3A_113 = arith.constant 0 : i32
        %dma_start3A_114 = arith.constant 0 : i32
        %dma_start3A_115 = tpu.memref_slice %arg12[%dma_start3A_113, %dma_start3A_114] : memref<5248x128xf32, #tpu.memory_space<vmem_shared>> -> memref<5248x128xf32, #tpu.memory_space<vmem_shared>>
        tpu.enqueue_indirect_dma source(%arg10 : memref<128x128xf32, #tpu.memory_space<vmem>>) target(%dma_start3A_115 : memref<5248x128xf32, #tpu.memory_space<vmem_shared>>) offsets(%dma_start3A_112 : memref<128xi32, #tpu.memory_space<vmem>>) semaphore(%run_scoped3A_109 : memref<!tpu.dma_semaphore, #tpu.memory_space<semaphore_mem>>) {add = true}
        %dma_wait3A_116 = arith.constant 0 : i32
        %dma_wait3A_117 = tpu.memref_slice %arg8[%add3A_107, %dma_wait3A_116] : memref<122x128xi32, #tpu.memory_space<vmem>> -> memref<1x128xi32, #tpu.memory_space<vmem>>
        %dma_wait3A_118 = tpu.memref_squeeze %dma_wait3A_117 : memref<1x128xi32, #tpu.memory_space<vmem>> -> memref<128xi32, #tpu.memory_space<vmem>>
        %dma_wait3A_119 = arith.constant 0 : i32
        %dma_wait3A_120 = arith.constant 0 : i32
        %dma_wait3A_121 = tpu.memref_slice %arg12[%dma_wait3A_119, %dma_wait3A_120] : memref<5248x128xf32, #tpu.memory_space<vmem_shared>> -> memref<5248x128xf32, #tpu.memory_space<vmem_shared>>
        tpu.wait_indirect_dma semaphore(%run_scoped3A_109 : memref<!tpu.dma_semaphore, #tpu.memory_space<semaphore_mem>>) src(%arg10 : memref<128x128xf32, #tpu.memory_space<vmem>>) dst(%dma_wait3A_121 : memref<5248x128xf32, #tpu.memory_space<vmem_shared>>)
        tpu.yield
      }) : () -> ()
      %while3A_108 = arith.constant 0 : i32
      scf.yield %while3A_108 : i32
    }
    %barrier3A_36 = arith.constant 0 : index
    tpu.barrier barrier_id(%barrier3A_36)
    %mul3A_37 = arith.constant 320 : i32
    %mul3A_38 = arith.muli %arg1, %mul3A_37 : i32
    %mul3A_39 = arith.constant 320 : i32
    %mul3A_40 = arith.muli %arg1, %mul3A_39 : i32
    %run_scoped3A = arith.constant 0 : i32
    "tpu.region"() ({
      %run_scoped3A_79 = tpu.sem_alloc : memref<!tpu.dma_semaphore, #tpu.memory_space<semaphore_mem>>
      %dma_start3A_80 = arith.constant 0 : i32
      %dma_start3A_81 = tpu.memref_slice %arg6[%arg0, %run_scoped3A, %mul3A_40, %dma_start3A_80] : memref<2x2x5120x128xf32, #tpu.memory_space<hbm>> -> memref<1x1x320x128xf32, #tpu.memory_space<hbm>>
      %dma_start3A_82 = tpu.memref_squeeze %dma_start3A_81 : memref<1x1x320x128xf32, #tpu.memory_space<hbm>> -> memref<320x128xf32, #tpu.memory_space<hbm>>
      %dma_start3A_83 = arith.constant 0 : i32
      %dma_start3A_84 = tpu.memref_slice %arg12[%mul3A_38, %dma_start3A_83] : memref<5248x128xf32, #tpu.memory_space<vmem_shared>> -> memref<320x128xf32, #tpu.memory_space<vmem_shared>>
      tpu.enqueue_dma source(%dma_start3A_84 : memref<320x128xf32, #tpu.memory_space<vmem_shared>>) target(%dma_start3A_82 : memref<320x128xf32, #tpu.memory_space<hbm>>) target_semaphore(%run_scoped3A_79 : memref<!tpu.dma_semaphore, #tpu.memory_space<semaphore_mem>>)
      %dma_wait3A = arith.constant 0 : i32
      %dma_wait3A_85 = tpu.memref_slice %arg6[%arg0, %run_scoped3A, %mul3A_40, %dma_wait3A] : memref<2x2x5120x128xf32, #tpu.memory_space<hbm>> -> memref<1x1x320x128xf32, #tpu.memory_space<hbm>>
      %dma_wait3A_86 = tpu.memref_squeeze %dma_wait3A_85 : memref<1x1x320x128xf32, #tpu.memory_space<hbm>> -> memref<320x128xf32, #tpu.memory_space<hbm>>
      %dma_wait3A_87 = arith.constant 0 : i32
      %dma_wait3A_88 = tpu.memref_slice %arg12[%mul3A_38, %dma_wait3A_87] : memref<5248x128xf32, #tpu.memory_space<vmem_shared>> -> memref<320x128xf32, #tpu.memory_space<vmem_shared>>
      tpu.wait_dma2 semaphore(%run_scoped3A_79 : memref<!tpu.dma_semaphore, #tpu.memory_space<semaphore_mem>>) src(%dma_wait3A_88 : memref<320x128xf32, #tpu.memory_space<vmem_shared>>) dst(%dma_wait3A_86 : memref<320x128xf32, #tpu.memory_space<hbm>>)
      tpu.yield
    }) : () -> ()
    %barrier3A_41 = arith.constant 0 : index
    tpu.barrier barrier_id(%barrier3A_41)
    "tpu.region"() ({
      %run_scoped3A_79 = tpu.sem_alloc : memref<!tpu.dma_semaphore, #tpu.memory_space<semaphore_mem>>
      %dma_start3A_80 = arith.constant 0 : i32
      %dma_start3A_81 = arith.constant 0 : i32
      %dma_start3A_82 = tpu.memref_slice %arg5[%add3A, %dma_start3A_80, %dma_start3A_81] : memref<32x122x128xi32, #tpu.memory_space<hbm>> -> memref<1x122x128xi32, #tpu.memory_space<hbm>>
      %dma_start3A_83 = tpu.memref_squeeze %dma_start3A_82 : memref<1x122x128xi32, #tpu.memory_space<hbm>> -> memref<122x128xi32, #tpu.memory_space<hbm>>
      %dma_start3A_84 = arith.constant 0 : i32
      %dma_start3A_85 = arith.constant 0 : i32
      %dma_start3A_86 = tpu.memref_slice %arg5[%add3A, %dma_start3A_84, %dma_start3A_85] : memref<32x122x128xi32, #tpu.memory_space<hbm>> -> memref<1x122x128xi32, #tpu.memory_space<hbm>>
      %dma_start3A_87 = tpu.memref_squeeze %dma_start3A_86 : memref<1x122x128xi32, #tpu.memory_space<hbm>> -> memref<122x128xi32, #tpu.memory_space<hbm>>
      tpu.enqueue_dma source(%dma_start3A_87 : memref<122x128xi32, #tpu.memory_space<hbm>>) target(%arg8 : memref<122x128xi32, #tpu.memory_space<vmem>>) target_semaphore(%run_scoped3A_79 : memref<!tpu.dma_semaphore, #tpu.memory_space<semaphore_mem>>)
      %dma_wait3A = arith.constant 0 : i32
      %dma_wait3A_88 = arith.constant 0 : i32
      %dma_wait3A_89 = tpu.memref_slice %arg5[%add3A, %dma_wait3A, %dma_wait3A_88] : memref<32x122x128xi32, #tpu.memory_space<hbm>> -> memref<1x122x128xi32, #tpu.memory_space<hbm>>
      %dma_wait3A_90 = tpu.memref_squeeze %dma_wait3A_89 : memref<1x122x128xi32, #tpu.memory_space<hbm>> -> memref<122x128xi32, #tpu.memory_space<hbm>>
      %dma_wait3A_91 = arith.constant 0 : i32
      %dma_wait3A_92 = arith.constant 0 : i32
      %dma_wait3A_93 = tpu.memref_slice %arg5[%add3A, %dma_wait3A_91, %dma_wait3A_92] : memref<32x122x128xi32, #tpu.memory_space<hbm>> -> memref<1x122x128xi32, #tpu.memory_space<hbm>>
      %dma_wait3A_94 = tpu.memref_squeeze %dma_wait3A_93 : memref<1x122x128xi32, #tpu.memory_space<hbm>> -> memref<122x128xi32, #tpu.memory_space<hbm>>
      tpu.wait_dma2 semaphore(%run_scoped3A_79 : memref<!tpu.dma_semaphore, #tpu.memory_space<semaphore_mem>>) src(%dma_wait3A_94 : memref<122x128xi32, #tpu.memory_space<hbm>>) dst(%arg8 : memref<122x128xi32, #tpu.memory_space<vmem>>)
      tpu.yield
    }) : () -> ()
    %mul3A_42 = arith.constant 320 : i32
    %mul3A_43 = arith.muli %arg1, %mul3A_42 : i32
    "tpu.region"() ({
      %run_scoped3A_79 = tpu.sem_alloc : memref<!tpu.dma_semaphore, #tpu.memory_space<semaphore_mem>>
      %dma_start3A_80 = arith.constant 0 : i32
      %dma_start3A_81 = tpu.memref_slice %arg12[%mul3A_43, %dma_start3A_80] : memref<5248x128xf32, #tpu.memory_space<vmem_shared>> -> memref<128x128xf32, #tpu.memory_space<vmem_shared>>
      %dma_start3A_82 = arith.constant 0 : i32
      %dma_start3A_83 = tpu.memref_slice %arg12[%mul3A_43, %dma_start3A_82] : memref<5248x128xf32, #tpu.memory_space<vmem_shared>> -> memref<128x128xf32, #tpu.memory_space<vmem_shared>>
      tpu.enqueue_dma source(%arg11 : memref<128x128xf32, #tpu.memory_space<vmem>>) target(%dma_start3A_83 : memref<128x128xf32, #tpu.memory_space<vmem_shared>>) target_semaphore(%run_scoped3A_79 : memref<!tpu.dma_semaphore, #tpu.memory_space<semaphore_mem>>)
      %dma_wait3A = arith.constant 0 : i32
      %dma_wait3A_84 = tpu.memref_slice %arg12[%mul3A_43, %dma_wait3A] : memref<5248x128xf32, #tpu.memory_space<vmem_shared>> -> memref<128x128xf32, #tpu.memory_space<vmem_shared>>
      %dma_wait3A_85 = arith.constant 0 : i32
      %dma_wait3A_86 = tpu.memref_slice %arg12[%mul3A_43, %dma_wait3A_85] : memref<5248x128xf32, #tpu.memory_space<vmem_shared>> -> memref<128x128xf32, #tpu.memory_space<vmem_shared>>
      tpu.wait_dma2 semaphore(%run_scoped3A_79 : memref<!tpu.dma_semaphore, #tpu.memory_space<semaphore_mem>>) src(%arg11 : memref<128x128xf32, #tpu.memory_space<vmem>>) dst(%dma_wait3A_86 : memref<128x128xf32, #tpu.memory_space<vmem_shared>>)
      tpu.yield
    }) : () -> ()
    %mul3A_44 = arith.constant 320 : i32
    %mul3A_45 = arith.muli %arg1, %mul3A_44 : i32
    %add3A_46 = arith.constant 128 : i32
    %add3A_47 = arith.addi %mul3A_45, %add3A_46 : i32
    "tpu.region"() ({
      %run_scoped3A_79 = tpu.sem_alloc : memref<!tpu.dma_semaphore, #tpu.memory_space<semaphore_mem>>
      %dma_start3A_80 = arith.constant 0 : i32
      %dma_start3A_81 = tpu.memref_slice %arg12[%add3A_47, %dma_start3A_80] : memref<5248x128xf32, #tpu.memory_space<vmem_shared>> -> memref<128x128xf32, #tpu.memory_space<vmem_shared>>
      %dma_start3A_82 = arith.constant 0 : i32
      %dma_start3A_83 = tpu.memref_slice %arg12[%add3A_47, %dma_start3A_82] : memref<5248x128xf32, #tpu.memory_space<vmem_shared>> -> memref<128x128xf32, #tpu.memory_space<vmem_shared>>
      tpu.enqueue_dma source(%arg11 : memref<128x128xf32, #tpu.memory_space<vmem>>) target(%dma_start3A_83 : memref<128x128xf32, #tpu.memory_space<vmem_shared>>) target_semaphore(%run_scoped3A_79 : memref<!tpu.dma_semaphore, #tpu.memory_space<semaphore_mem>>)
      %dma_wait3A = arith.constant 0 : i32
      %dma_wait3A_84 = tpu.memref_slice %arg12[%add3A_47, %dma_wait3A] : memref<5248x128xf32, #tpu.memory_space<vmem_shared>> -> memref<128x128xf32, #tpu.memory_space<vmem_shared>>
      %dma_wait3A_85 = arith.constant 0 : i32
      %dma_wait3A_86 = tpu.memref_slice %arg12[%add3A_47, %dma_wait3A_85] : memref<5248x128xf32, #tpu.memory_space<vmem_shared>> -> memref<128x128xf32, #tpu.memory_space<vmem_shared>>
      tpu.wait_dma2 semaphore(%run_scoped3A_79 : memref<!tpu.dma_semaphore, #tpu.memory_space<semaphore_mem>>) src(%arg11 : memref<128x128xf32, #tpu.memory_space<vmem>>) dst(%dma_wait3A_86 : memref<128x128xf32, #tpu.memory_space<vmem_shared>>)
      tpu.yield
    }) : () -> ()
    %mul3A_48 = arith.constant 320 : i32
    %mul3A_49 = arith.muli %arg1, %mul3A_48 : i32
    %add3A_50 = arith.constant 256 : i32
    %add3A_51 = arith.addi %mul3A_49, %add3A_50 : i32
    "tpu.region"() ({
      %run_scoped3A_79 = tpu.sem_alloc : memref<!tpu.dma_semaphore, #tpu.memory_space<semaphore_mem>>
      %dma_start3A_80 = arith.constant 0 : i32
      %dma_start3A_81 = arith.constant 0 : i32
      %dma_start3A_82 = tpu.memref_slice %arg11[%dma_start3A_80, %dma_start3A_81] : memref<128x128xf32, #tpu.memory_space<vmem>> -> memref<64x128xf32, #tpu.memory_space<vmem>>
      %dma_start3A_83 = arith.constant 0 : i32
      %dma_start3A_84 = tpu.memref_slice %arg12[%add3A_51, %dma_start3A_83] : memref<5248x128xf32, #tpu.memory_space<vmem_shared>> -> memref<64x128xf32, #tpu.memory_space<vmem_shared>>
      %dma_start3A_85 = arith.constant 0 : i32
      %dma_start3A_86 = tpu.memref_slice %arg12[%add3A_51, %dma_start3A_85] : memref<5248x128xf32, #tpu.memory_space<vmem_shared>> -> memref<64x128xf32, #tpu.memory_space<vmem_shared>>
      %dma_start3A_87 = arith.constant 0 : i32
      %dma_start3A_88 = arith.constant 0 : i32
      %dma_start3A_89 = tpu.memref_slice %arg11[%dma_start3A_87, %dma_start3A_88] : memref<128x128xf32, #tpu.memory_space<vmem>> -> memref<64x128xf32, #tpu.memory_space<vmem>>
      tpu.enqueue_dma source(%dma_start3A_89 : memref<64x128xf32, #tpu.memory_space<vmem>>) target(%dma_start3A_86 : memref<64x128xf32, #tpu.memory_space<vmem_shared>>) target_semaphore(%run_scoped3A_79 : memref<!tpu.dma_semaphore, #tpu.memory_space<semaphore_mem>>)
      %dma_wait3A = arith.constant 0 : i32
      %dma_wait3A_90 = arith.constant 0 : i32
      %dma_wait3A_91 = tpu.memref_slice %arg11[%dma_wait3A, %dma_wait3A_90] : memref<128x128xf32, #tpu.memory_space<vmem>> -> memref<64x128xf32, #tpu.memory_space<vmem>>
      %dma_wait3A_92 = arith.constant 0 : i32
      %dma_wait3A_93 = tpu.memref_slice %arg12[%add3A_51, %dma_wait3A_92] : memref<5248x128xf32, #tpu.memory_space<vmem_shared>> -> memref<64x128xf32, #tpu.memory_space<vmem_shared>>
      %dma_wait3A_94 = arith.constant 0 : i32
      %dma_wait3A_95 = tpu.memref_slice %arg12[%add3A_51, %dma_wait3A_94] : memref<5248x128xf32, #tpu.memory_space<vmem_shared>> -> memref<64x128xf32, #tpu.memory_space<vmem_shared>>
      %dma_wait3A_96 = arith.constant 0 : i32
      %dma_wait3A_97 = arith.constant 0 : i32
      %dma_wait3A_98 = tpu.memref_slice %arg11[%dma_wait3A_96, %dma_wait3A_97] : memref<128x128xf32, #tpu.memory_space<vmem>> -> memref<64x128xf32, #tpu.memory_space<vmem>>
      tpu.wait_dma2 semaphore(%run_scoped3A_79 : memref<!tpu.dma_semaphore, #tpu.memory_space<semaphore_mem>>) src(%dma_wait3A_98 : memref<64x128xf32, #tpu.memory_space<vmem>>) dst(%dma_wait3A_95 : memref<64x128xf32, #tpu.memory_space<vmem_shared>>)
      tpu.yield
    }) : () -> ()
    %barrier3A_52 = arith.constant 0 : index
    tpu.barrier barrier_id(%barrier3A_52)
    %dma_start3A_53 = arith.constant 0 : i32
    %dma_start3A_54 = arith.constant 0 : i32
    %dma_start3A_55 = tpu.memref_slice %arg7[%dma_start3A_53, %dma_start3A_54] : memref<122x128xi32, #tpu.memory_space<vmem>> -> memref<1x128xi32, #tpu.memory_space<vmem>>
    %dma_start3A_56 = tpu.memref_squeeze %dma_start3A_55 : memref<1x128xi32, #tpu.memory_space<vmem>> -> memref<128xi32, #tpu.memory_space<vmem>>
    %dma_start3A_57 = arith.constant 0 : i32
    %dma_start3A_58 = arith.constant 0 : i32
    %dma_start3A_59 = tpu.memref_slice %arg2[%dma_start3A_57, %dma_start3A_58] : memref<10000x128xf32, #tpu.memory_space<hbm>> -> memref<10000x128xf32, #tpu.memory_space<hbm>>
    tpu.enqueue_indirect_dma source(%dma_start3A_59 : memref<10000x128xf32, #tpu.memory_space<hbm>>) target(%arg9 : memref<128x128xf32, #tpu.memory_space<vmem>>) offsets(%dma_start3A_56 : memref<128xi32, #tpu.memory_space<vmem>>) semaphore(%arg13 : memref<!tpu.dma_semaphore, #tpu.memory_space<semaphore_mem>>)
    %while3A_60 = arith.constant 0 : i32
    %while3A_61 = arith.constant 0 : i32
    %while3A_62 = arith.subi %select_n3A, %while3A_60 : i32
    %while3A_63 = arith.addi %while3A_60, %while3A_62 : i32
    %while3A_64 = arith.constant 1 : i32
    %while3A_65 = arith.divsi %while3A_62, %while3A_64 : i32
    %while3A_66 = arith.muli %while3A_65, %while3A_64 : i32
    %while3A_67 = arith.addi %while3A_60, %while3A_66 : i32
    %while3A_68 = arith.constant 1 : i32
    %while3A_69 = scf.for %while3A_79 = %while3A_60 to %while3A_67 step %while3A_68 iter_args(%while3A_80 = %while3A_61) -> (i32)  : i32 {
      %mul3A_81 = arith.constant 2 : i32
      %mul3A_82 = arith.muli %mul3A_81, %while3A_79 : i32
      %dma_wait3A = arith.constant 0 : i32
      %dma_wait3A_83 = tpu.memref_slice %arg7[%mul3A_82, %dma_wait3A] : memref<122x128xi32, #tpu.memory_space<vmem>> -> memref<1x128xi32, #tpu.memory_space<vmem>>
      %dma_wait3A_84 = tpu.memref_squeeze %dma_wait3A_83 : memref<1x128xi32, #tpu.memory_space<vmem>> -> memref<128xi32, #tpu.memory_space<vmem>>
      %dma_wait3A_85 = arith.constant 0 : i32
      %dma_wait3A_86 = arith.constant 0 : i32
      %dma_wait3A_87 = tpu.memref_slice %arg2[%dma_wait3A_85, %dma_wait3A_86] : memref<10000x128xf32, #tpu.memory_space<hbm>> -> memref<10000x128xf32, #tpu.memory_space<hbm>>
      tpu.wait_indirect_dma semaphore(%arg13 : memref<!tpu.dma_semaphore, #tpu.memory_space<semaphore_mem>>) src(%dma_wait3A_87 : memref<10000x128xf32, #tpu.memory_space<hbm>>) dst(%arg9 : memref<128x128xf32, #tpu.memory_space<vmem>>)
      %add3A_88 = arith.constant 1 : i32
      %add3A_89 = arith.addi %mul3A_82, %add3A_88 : i32
      %dma_start3A_90 = arith.constant 0 : i32
      %dma_start3A_91 = tpu.memref_slice %arg7[%add3A_89, %dma_start3A_90] : memref<122x128xi32, #tpu.memory_space<vmem>> -> memref<1x128xi32, #tpu.memory_space<vmem>>
      %dma_start3A_92 = tpu.memref_squeeze %dma_start3A_91 : memref<1x128xi32, #tpu.memory_space<vmem>> -> memref<128xi32, #tpu.memory_space<vmem>>
      %dma_start3A_93 = arith.constant 0 : i32
      %dma_start3A_94 = arith.constant 0 : i32
      %dma_start3A_95 = tpu.memref_slice %arg2[%dma_start3A_93, %dma_start3A_94] : memref<10000x128xf32, #tpu.memory_space<hbm>> -> memref<10000x128xf32, #tpu.memory_space<hbm>>
      tpu.enqueue_indirect_dma source(%dma_start3A_95 : memref<10000x128xf32, #tpu.memory_space<hbm>>) target(%arg10 : memref<128x128xf32, #tpu.memory_space<vmem>>) offsets(%dma_start3A_92 : memref<128xi32, #tpu.memory_space<vmem>>) semaphore(%arg14 : memref<!tpu.dma_semaphore, #tpu.memory_space<semaphore_mem>>)
      "tpu.region"() ({
        %run_scoped3A_109 = tpu.sem_alloc : memref<!tpu.dma_semaphore, #tpu.memory_space<semaphore_mem>>
        %dma_start3A_110 = arith.constant 0 : i32
        %dma_start3A_111 = tpu.memref_slice %arg8[%mul3A_82, %dma_start3A_110] : memref<122x128xi32, #tpu.memory_space<vmem>> -> memref<1x128xi32, #tpu.memory_space<vmem>>
        %dma_start3A_112 = tpu.memref_squeeze %dma_start3A_111 : memref<1x128xi32, #tpu.memory_space<vmem>> -> memref<128xi32, #tpu.memory_space<vmem>>
        %dma_start3A_113 = arith.constant 0 : i32
        %dma_start3A_114 = arith.constant 0 : i32
        %dma_start3A_115 = tpu.memref_slice %arg12[%dma_start3A_113, %dma_start3A_114] : memref<5248x128xf32, #tpu.memory_space<vmem_shared>> -> memref<5248x128xf32, #tpu.memory_space<vmem_shared>>
        tpu.enqueue_indirect_dma source(%arg9 : memref<128x128xf32, #tpu.memory_space<vmem>>) target(%dma_start3A_115 : memref<5248x128xf32, #tpu.memory_space<vmem_shared>>) offsets(%dma_start3A_112 : memref<128xi32, #tpu.memory_space<vmem>>) semaphore(%run_scoped3A_109 : memref<!tpu.dma_semaphore, #tpu.memory_space<semaphore_mem>>) {add = true}
        %dma_wait3A_116 = arith.constant 0 : i32
        %dma_wait3A_117 = tpu.memref_slice %arg8[%mul3A_82, %dma_wait3A_116] : memref<122x128xi32, #tpu.memory_space<vmem>> -> memref<1x128xi32, #tpu.memory_space<vmem>>
        %dma_wait3A_118 = tpu.memref_squeeze %dma_wait3A_117 : memref<1x128xi32, #tpu.memory_space<vmem>> -> memref<128xi32, #tpu.memory_space<vmem>>
        %dma_wait3A_119 = arith.constant 0 : i32
        %dma_wait3A_120 = arith.constant 0 : i32
        %dma_wait3A_121 = tpu.memref_slice %arg12[%dma_wait3A_119, %dma_wait3A_120] : memref<5248x128xf32, #tpu.memory_space<vmem_shared>> -> memref<5248x128xf32, #tpu.memory_space<vmem_shared>>
        tpu.wait_indirect_dma semaphore(%run_scoped3A_109 : memref<!tpu.dma_semaphore, #tpu.memory_space<semaphore_mem>>) src(%arg9 : memref<128x128xf32, #tpu.memory_space<vmem>>) dst(%dma_wait3A_121 : memref<5248x128xf32, #tpu.memory_space<vmem_shared>>)
        tpu.yield
      }) : () -> ()
      %add3A_96 = arith.constant 1 : i32
      %add3A_97 = arith.addi %mul3A_82, %add3A_96 : i32
      %dma_wait3A_98 = arith.constant 0 : i32
      %dma_wait3A_99 = tpu.memref_slice %arg7[%add3A_97, %dma_wait3A_98] : memref<122x128xi32, #tpu.memory_space<vmem>> -> memref<1x128xi32, #tpu.memory_space<vmem>>
      %dma_wait3A_100 = tpu.memref_squeeze %dma_wait3A_99 : memref<1x128xi32, #tpu.memory_space<vmem>> -> memref<128xi32, #tpu.memory_space<vmem>>
      %dma_wait3A_101 = arith.constant 0 : i32
      %dma_wait3A_102 = arith.constant 0 : i32
      %dma_wait3A_103 = tpu.memref_slice %arg2[%dma_wait3A_101, %dma_wait3A_102] : memref<10000x128xf32, #tpu.memory_space<hbm>> -> memref<10000x128xf32, #tpu.memory_space<hbm>>
      tpu.wait_indirect_dma semaphore(%arg14 : memref<!tpu.dma_semaphore, #tpu.memory_space<semaphore_mem>>) src(%dma_wait3A_103 : memref<10000x128xf32, #tpu.memory_space<hbm>>) dst(%arg10 : memref<128x128xf32, #tpu.memory_space<vmem>>)
      %sub3A = arith.constant 1 : i32
      %sub3A_104 = arith.subi %select_n3A, %sub3A : i32
      %lt3A = arith.cmpi slt, %while3A_79, %sub3A_104 : i32
      %convert_element_type3A = arith.extui %lt3A : i1 to i32
      %cond3A = arith.constant 0 : i32
      %cond3A_105 = arith.cmpi ne, %convert_element_type3A, %cond3A : i32
      scf.if %cond3A_105 {
        %add3A_109 = arith.constant 2 : i32
        %add3A_110 = arith.addi %mul3A_82, %add3A_109 : i32
        %dma_start3A_111 = arith.constant 0 : i32
        %dma_start3A_112 = tpu.memref_slice %arg7[%add3A_110, %dma_start3A_111] : memref<122x128xi32, #tpu.memory_space<vmem>> -> memref<1x128xi32, #tpu.memory_space<vmem>>
        %dma_start3A_113 = tpu.memref_squeeze %dma_start3A_112 : memref<1x128xi32, #tpu.memory_space<vmem>> -> memref<128xi32, #tpu.memory_space<vmem>>
        %dma_start3A_114 = arith.constant 0 : i32
        %dma_start3A_115 = arith.constant 0 : i32
        %dma_start3A_116 = tpu.memref_slice %arg2[%dma_start3A_114, %dma_start3A_115] : memref<10000x128xf32, #tpu.memory_space<hbm>> -> memref<10000x128xf32, #tpu.memory_space<hbm>>
        tpu.enqueue_indirect_dma source(%dma_start3A_116 : memref<10000x128xf32, #tpu.memory_space<hbm>>) target(%arg9 : memref<128x128xf32, #tpu.memory_space<vmem>>) offsets(%dma_start3A_113 : memref<128xi32, #tpu.memory_space<vmem>>) semaphore(%arg13 : memref<!tpu.dma_semaphore, #tpu.memory_space<semaphore_mem>>)
      } else {
      }
      %add3A_106 = arith.constant 1 : i32
      %add3A_107 = arith.addi %mul3A_82, %add3A_106 : i32
      "tpu.region"() ({
        %run_scoped3A_109 = tpu.sem_alloc : memref<!tpu.dma_semaphore, #tpu.memory_space<semaphore_mem>>
        %dma_start3A_110 = arith.constant 0 : i32
        %dma_start3A_111 = tpu.memref_slice %arg8[%add3A_107, %dma_start3A_110] : memref<122x128xi32, #tpu.memory_space<vmem>> -> memref<1x128xi32, #tpu.memory_space<vmem>>
        %dma_start3A_112 = tpu.memref_squeeze %dma_start3A_111 : memref<1x128xi32, #tpu.memory_space<vmem>> -> memref<128xi32, #tpu.memory_space<vmem>>
        %dma_start3A_113 = arith.constant 0 : i32
        %dma_start3A_114 = arith.constant 0 : i32
        %dma_start3A_115 = tpu.memref_slice %arg12[%dma_start3A_113, %dma_start3A_114] : memref<5248x128xf32, #tpu.memory_space<vmem_shared>> -> memref<5248x128xf32, #tpu.memory_space<vmem_shared>>
        tpu.enqueue_indirect_dma source(%arg10 : memref<128x128xf32, #tpu.memory_space<vmem>>) target(%dma_start3A_115 : memref<5248x128xf32, #tpu.memory_space<vmem_shared>>) offsets(%dma_start3A_112 : memref<128xi32, #tpu.memory_space<vmem>>) semaphore(%run_scoped3A_109 : memref<!tpu.dma_semaphore, #tpu.memory_space<semaphore_mem>>) {add = true}
        %dma_wait3A_116 = arith.constant 0 : i32
        %dma_wait3A_117 = tpu.memref_slice %arg8[%add3A_107, %dma_wait3A_116] : memref<122x128xi32, #tpu.memory_space<vmem>> -> memref<1x128xi32, #tpu.memory_space<vmem>>
        %dma_wait3A_118 = tpu.memref_squeeze %dma_wait3A_117 : memref<1x128xi32, #tpu.memory_space<vmem>> -> memref<128xi32, #tpu.memory_space<vmem>>
        %dma_wait3A_119 = arith.constant 0 : i32
        %dma_wait3A_120 = arith.constant 0 : i32
        %dma_wait3A_121 = tpu.memref_slice %arg12[%dma_wait3A_119, %dma_wait3A_120] : memref<5248x128xf32, #tpu.memory_space<vmem_shared>> -> memref<5248x128xf32, #tpu.memory_space<vmem_shared>>
        tpu.wait_indirect_dma semaphore(%run_scoped3A_109 : memref<!tpu.dma_semaphore, #tpu.memory_space<semaphore_mem>>) src(%arg10 : memref<128x128xf32, #tpu.memory_space<vmem>>) dst(%dma_wait3A_121 : memref<5248x128xf32, #tpu.memory_space<vmem_shared>>)
        tpu.yield
      }) : () -> ()
      %while3A_108 = arith.constant 0 : i32
      scf.yield %while3A_108 : i32
    }
    %while3A_70 = arith.constant 1 : i32
    %while3A_71 = scf.for %while3A_79 = %while3A_67 to %while3A_63 step %while3A_70 iter_args(%while3A_80 = %while3A_69) -> (i32)  : i32 {
      %mul3A_81 = arith.constant 2 : i32
      %mul3A_82 = arith.muli %mul3A_81, %while3A_79 : i32
      %dma_wait3A = arith.constant 0 : i32
      %dma_wait3A_83 = tpu.memref_slice %arg7[%mul3A_82, %dma_wait3A] : memref<122x128xi32, #tpu.memory_space<vmem>> -> memref<1x128xi32, #tpu.memory_space<vmem>>
      %dma_wait3A_84 = tpu.memref_squeeze %dma_wait3A_83 : memref<1x128xi32, #tpu.memory_space<vmem>> -> memref<128xi32, #tpu.memory_space<vmem>>
      %dma_wait3A_85 = arith.constant 0 : i32
      %dma_wait3A_86 = arith.constant 0 : i32
      %dma_wait3A_87 = tpu.memref_slice %arg2[%dma_wait3A_85, %dma_wait3A_86] : memref<10000x128xf32, #tpu.memory_space<hbm>> -> memref<10000x128xf32, #tpu.memory_space<hbm>>
      tpu.wait_indirect_dma semaphore(%arg13 : memref<!tpu.dma_semaphore, #tpu.memory_space<semaphore_mem>>) src(%dma_wait3A_87 : memref<10000x128xf32, #tpu.memory_space<hbm>>) dst(%arg9 : memref<128x128xf32, #tpu.memory_space<vmem>>)
      %add3A_88 = arith.constant 1 : i32
      %add3A_89 = arith.addi %mul3A_82, %add3A_88 : i32
      %dma_start3A_90 = arith.constant 0 : i32
      %dma_start3A_91 = tpu.memref_slice %arg7[%add3A_89, %dma_start3A_90] : memref<122x128xi32, #tpu.memory_space<vmem>> -> memref<1x128xi32, #tpu.memory_space<vmem>>
      %dma_start3A_92 = tpu.memref_squeeze %dma_start3A_91 : memref<1x128xi32, #tpu.memory_space<vmem>> -> memref<128xi32, #tpu.memory_space<vmem>>
      %dma_start3A_93 = arith.constant 0 : i32
      %dma_start3A_94 = arith.constant 0 : i32
      %dma_start3A_95 = tpu.memref_slice %arg2[%dma_start3A_93, %dma_start3A_94] : memref<10000x128xf32, #tpu.memory_space<hbm>> -> memref<10000x128xf32, #tpu.memory_space<hbm>>
      tpu.enqueue_indirect_dma source(%dma_start3A_95 : memref<10000x128xf32, #tpu.memory_space<hbm>>) target(%arg10 : memref<128x128xf32, #tpu.memory_space<vmem>>) offsets(%dma_start3A_92 : memref<128xi32, #tpu.memory_space<vmem>>) semaphore(%arg14 : memref<!tpu.dma_semaphore, #tpu.memory_space<semaphore_mem>>)
      "tpu.region"() ({
        %run_scoped3A_109 = tpu.sem_alloc : memref<!tpu.dma_semaphore, #tpu.memory_space<semaphore_mem>>
        %dma_start3A_110 = arith.constant 0 : i32
        %dma_start3A_111 = tpu.memref_slice %arg8[%mul3A_82, %dma_start3A_110] : memref<122x128xi32, #tpu.memory_space<vmem>> -> memref<1x128xi32, #tpu.memory_space<vmem>>
        %dma_start3A_112 = tpu.memref_squeeze %dma_start3A_111 : memref<1x128xi32, #tpu.memory_space<vmem>> -> memref<128xi32, #tpu.memory_space<vmem>>
        %dma_start3A_113 = arith.constant 0 : i32
        %dma_start3A_114 = arith.constant 0 : i32
        %dma_start3A_115 = tpu.memref_slice %arg12[%dma_start3A_113, %dma_start3A_114] : memref<5248x128xf32, #tpu.memory_space<vmem_shared>> -> memref<5248x128xf32, #tpu.memory_space<vmem_shared>>
        tpu.enqueue_indirect_dma source(%arg9 : memref<128x128xf32, #tpu.memory_space<vmem>>) target(%dma_start3A_115 : memref<5248x128xf32, #tpu.memory_space<vmem_shared>>) offsets(%dma_start3A_112 : memref<128xi32, #tpu.memory_space<vmem>>) semaphore(%run_scoped3A_109 : memref<!tpu.dma_semaphore, #tpu.memory_space<semaphore_mem>>) {add = true}
        %dma_wait3A_116 = arith.constant 0 : i32
        %dma_wait3A_117 = tpu.memref_slice %arg8[%mul3A_82, %dma_wait3A_116] : memref<122x128xi32, #tpu.memory_space<vmem>> -> memref<1x128xi32, #tpu.memory_space<vmem>>
        %dma_wait3A_118 = tpu.memref_squeeze %dma_wait3A_117 : memref<1x128xi32, #tpu.memory_space<vmem>> -> memref<128xi32, #tpu.memory_space<vmem>>
        %dma_wait3A_119 = arith.constant 0 : i32
        %dma_wait3A_120 = arith.constant 0 : i32
        %dma_wait3A_121 = tpu.memref_slice %arg12[%dma_wait3A_119, %dma_wait3A_120] : memref<5248x128xf32, #tpu.memory_space<vmem_shared>> -> memref<5248x128xf32, #tpu.memory_space<vmem_shared>>
        tpu.wait_indirect_dma semaphore(%run_scoped3A_109 : memref<!tpu.dma_semaphore, #tpu.memory_space<semaphore_mem>>) src(%arg9 : memref<128x128xf32, #tpu.memory_space<vmem>>) dst(%dma_wait3A_121 : memref<5248x128xf32, #tpu.memory_space<vmem_shared>>)
        tpu.yield
      }) : () -> ()
      %add3A_96 = arith.constant 1 : i32
      %add3A_97 = arith.addi %mul3A_82, %add3A_96 : i32
      %dma_wait3A_98 = arith.constant 0 : i32
      %dma_wait3A_99 = tpu.memref_slice %arg7[%add3A_97, %dma_wait3A_98] : memref<122x128xi32, #tpu.memory_space<vmem>> -> memref<1x128xi32, #tpu.memory_space<vmem>>
      %dma_wait3A_100 = tpu.memref_squeeze %dma_wait3A_99 : memref<1x128xi32, #tpu.memory_space<vmem>> -> memref<128xi32, #tpu.memory_space<vmem>>
      %dma_wait3A_101 = arith.constant 0 : i32
      %dma_wait3A_102 = arith.constant 0 : i32
      %dma_wait3A_103 = tpu.memref_slice %arg2[%dma_wait3A_101, %dma_wait3A_102] : memref<10000x128xf32, #tpu.memory_space<hbm>> -> memref<10000x128xf32, #tpu.memory_space<hbm>>
      tpu.wait_indirect_dma semaphore(%arg14 : memref<!tpu.dma_semaphore, #tpu.memory_space<semaphore_mem>>) src(%dma_wait3A_103 : memref<10000x128xf32, #tpu.memory_space<hbm>>) dst(%arg10 : memref<128x128xf32, #tpu.memory_space<vmem>>)
      %sub3A = arith.constant 1 : i32
      %sub3A_104 = arith.subi %select_n3A, %sub3A : i32
      %lt3A = arith.cmpi slt, %while3A_79, %sub3A_104 : i32
      %convert_element_type3A = arith.extui %lt3A : i1 to i32
      %cond3A = arith.constant 0 : i32
      %cond3A_105 = arith.cmpi ne, %convert_element_type3A, %cond3A : i32
      scf.if %cond3A_105 {
        %add3A_109 = arith.constant 2 : i32
        %add3A_110 = arith.addi %mul3A_82, %add3A_109 : i32
        %dma_start3A_111 = arith.constant 0 : i32
        %dma_start3A_112 = tpu.memref_slice %arg7[%add3A_110, %dma_start3A_111] : memref<122x128xi32, #tpu.memory_space<vmem>> -> memref<1x128xi32, #tpu.memory_space<vmem>>
        %dma_start3A_113 = tpu.memref_squeeze %dma_start3A_112 : memref<1x128xi32, #tpu.memory_space<vmem>> -> memref<128xi32, #tpu.memory_space<vmem>>
        %dma_start3A_114 = arith.constant 0 : i32
        %dma_start3A_115 = arith.constant 0 : i32
        %dma_start3A_116 = tpu.memref_slice %arg2[%dma_start3A_114, %dma_start3A_115] : memref<10000x128xf32, #tpu.memory_space<hbm>> -> memref<10000x128xf32, #tpu.memory_space<hbm>>
        tpu.enqueue_indirect_dma source(%dma_start3A_116 : memref<10000x128xf32, #tpu.memory_space<hbm>>) target(%arg9 : memref<128x128xf32, #tpu.memory_space<vmem>>) offsets(%dma_start3A_113 : memref<128xi32, #tpu.memory_space<vmem>>) semaphore(%arg13 : memref<!tpu.dma_semaphore, #tpu.memory_space<semaphore_mem>>)
      } else {
      }
      %add3A_106 = arith.constant 1 : i32
      %add3A_107 = arith.addi %mul3A_82, %add3A_106 : i32
      "tpu.region"() ({
        %run_scoped3A_109 = tpu.sem_alloc : memref<!tpu.dma_semaphore, #tpu.memory_space<semaphore_mem>>
        %dma_start3A_110 = arith.constant 0 : i32
        %dma_start3A_111 = tpu.memref_slice %arg8[%add3A_107, %dma_start3A_110] : memref<122x128xi32, #tpu.memory_space<vmem>> -> memref<1x128xi32, #tpu.memory_space<vmem>>
        %dma_start3A_112 = tpu.memref_squeeze %dma_start3A_111 : memref<1x128xi32, #tpu.memory_space<vmem>> -> memref<128xi32, #tpu.memory_space<vmem>>
        %dma_start3A_113 = arith.constant 0 : i32
        %dma_start3A_114 = arith.constant 0 : i32
        %dma_start3A_115 = tpu.memref_slice %arg12[%dma_start3A_113, %dma_start3A_114] : memref<5248x128xf32, #tpu.memory_space<vmem_shared>> -> memref<5248x128xf32, #tpu.memory_space<vmem_shared>>
        tpu.enqueue_indirect_dma source(%arg10 : memref<128x128xf32, #tpu.memory_space<vmem>>) target(%dma_start3A_115 : memref<5248x128xf32, #tpu.memory_space<vmem_shared>>) offsets(%dma_start3A_112 : memref<128xi32, #tpu.memory_space<vmem>>) semaphore(%run_scoped3A_109 : memref<!tpu.dma_semaphore, #tpu.memory_space<semaphore_mem>>) {add = true}
        %dma_wait3A_116 = arith.constant 0 : i32
        %dma_wait3A_117 = tpu.memref_slice %arg8[%add3A_107, %dma_wait3A_116] : memref<122x128xi32, #tpu.memory_space<vmem>> -> memref<1x128xi32, #tpu.memory_space<vmem>>
        %dma_wait3A_118 = tpu.memref_squeeze %dma_wait3A_117 : memref<1x128xi32, #tpu.memory_space<vmem>> -> memref<128xi32, #tpu.memory_space<vmem>>
        %dma_wait3A_119 = arith.constant 0 : i32
        %dma_wait3A_120 = arith.constant 0 : i32
        %dma_wait3A_121 = tpu.memref_slice %arg12[%dma_wait3A_119, %dma_wait3A_120] : memref<5248x128xf32, #tpu.memory_space<vmem_shared>> -> memref<5248x128xf32, #tpu.memory_space<vmem_shared>>
        tpu.wait_indirect_dma semaphore(%run_scoped3A_109 : memref<!tpu.dma_semaphore, #tpu.memory_space<semaphore_mem>>) src(%arg10 : memref<128x128xf32, #tpu.memory_space<vmem>>) dst(%dma_wait3A_121 : memref<5248x128xf32, #tpu.memory_space<vmem_shared>>)
        tpu.yield
      }) : () -> ()
      %while3A_108 = arith.constant 0 : i32
      scf.yield %while3A_108 : i32
    }
    %barrier3A_72 = arith.constant 0 : index
    tpu.barrier barrier_id(%barrier3A_72)
    %mul3A_73 = arith.constant 320 : i32
    %mul3A_74 = arith.muli %arg1, %mul3A_73 : i32
    %mul3A_75 = arith.constant 320 : i32
    %mul3A_76 = arith.muli %arg1, %mul3A_75 : i32
    %run_scoped3A_77 = arith.constant 1 : i32
    "tpu.region"() ({
      %run_scoped3A_79 = tpu.sem_alloc : memref<!tpu.dma_semaphore, #tpu.memory_space<semaphore_mem>>
      %dma_start3A_80 = arith.constant 0 : i32
      %dma_start3A_81 = tpu.memref_slice %arg6[%arg0, %run_scoped3A_77, %mul3A_76, %dma_start3A_80] : memref<2x2x5120x128xf32, #tpu.memory_space<hbm>> -> memref<1x1x320x128xf32, #tpu.memory_space<hbm>>
      %dma_start3A_82 = tpu.memref_squeeze %dma_start3A_81 : memref<1x1x320x128xf32, #tpu.memory_space<hbm>> -> memref<320x128xf32, #tpu.memory_space<hbm>>
      %dma_start3A_83 = arith.constant 0 : i32
      %dma_start3A_84 = tpu.memref_slice %arg12[%mul3A_74, %dma_start3A_83] : memref<5248x128xf32, #tpu.memory_space<vmem_shared>> -> memref<320x128xf32, #tpu.memory_space<vmem_shared>>
      tpu.enqueue_dma source(%dma_start3A_84 : memref<320x128xf32, #tpu.memory_space<vmem_shared>>) target(%dma_start3A_82 : memref<320x128xf32, #tpu.memory_space<hbm>>) target_semaphore(%run_scoped3A_79 : memref<!tpu.dma_semaphore, #tpu.memory_space<semaphore_mem>>)
      %dma_wait3A = arith.constant 0 : i32
      %dma_wait3A_85 = tpu.memref_slice %arg6[%arg0, %run_scoped3A_77, %mul3A_76, %dma_wait3A] : memref<2x2x5120x128xf32, #tpu.memory_space<hbm>> -> memref<1x1x320x128xf32, #tpu.memory_space<hbm>>
      %dma_wait3A_86 = tpu.memref_squeeze %dma_wait3A_85 : memref<1x1x320x128xf32, #tpu.memory_space<hbm>> -> memref<320x128xf32, #tpu.memory_space<hbm>>
      %dma_wait3A_87 = arith.constant 0 : i32
      %dma_wait3A_88 = tpu.memref_slice %arg12[%mul3A_74, %dma_wait3A_87] : memref<5248x128xf32, #tpu.memory_space<vmem_shared>> -> memref<320x128xf32, #tpu.memory_space<vmem_shared>>
      tpu.wait_dma2 semaphore(%run_scoped3A_79 : memref<!tpu.dma_semaphore, #tpu.memory_space<semaphore_mem>>) src(%dma_wait3A_88 : memref<320x128xf32, #tpu.memory_space<vmem_shared>>) dst(%dma_wait3A_86 : memref<320x128xf32, #tpu.memory_space<hbm>>)
      tpu.yield
    }) : () -> ()
    %barrier3A_78 = arith.constant 0 : index
    tpu.barrier barrier_id(%barrier3A_78)
    return
  }
}

module attributes {stable_mosaic.version = 14 : i64} {
  func.func @_tc_prep_body(%arg0: i32, %arg1: memref<2000x128xf32, #tpu.memory_space<vmem>>, %arg2: memref<128x128xf32, #tpu.memory_space<vmem>>, %arg3: memref<2x2000x128xf32, #tpu.memory_space<vmem>>, %arg4: memref<2000x128xf32, #tpu.memory_space<vmem>>) attributes {dimension_semantics = [#tpu.dimension_semantics<arbitrary>], iteration_bounds = array<i64: 5>, scalar_prefetch = 0 : i64, scratch_operands = 0 : i64, tpu.core_type = #tpu.core_type<tc>, window_params = [{transform_indices = @transform_0, window_bounds = array<i64: 2000, 128>}, {pipeline_mode = #tpu.pipeline_mode<synchronous>, transform_indices = @transform_1, window_bounds = array<i64: 128, 128>}, {transform_indices = @transform_2, window_bounds = array<i64: 2, 2000, 128>}, {transform_indices = @transform_3, window_bounds = array<i64: 2000, 128>}]} {
    %get3A = arith.constant 0 : index
    %get3A_0 = arith.constant 0 : index
    %get3A_1 = arith.constant 0 : index
    %get3A_2 = vector.load %arg3[%get3A, %get3A_0, %get3A_1] : memref<2x2000x128xf32, #tpu.memory_space<vmem>>, vector<1x2000x128xf32>
    %get3A_3 = vector.shape_cast %get3A_2 : vector<1x2000x128xf32> to vector<2000x128xf32>
    %slice3A = vector.extract_strided_slice %get3A_3 {offsets = [0, 0], sizes = [2000, 1], strides = [1, 1]} : vector<2000x128xf32> to vector<2000x1xf32>
    %get3A_4 = arith.constant 1 : index
    %get3A_5 = arith.constant 0 : index
    %get3A_6 = arith.constant 0 : index
    %get3A_7 = vector.load %arg3[%get3A_4, %get3A_5, %get3A_6] : memref<2x2000x128xf32, #tpu.memory_space<vmem>>, vector<1x2000x128xf32>
    %get3A_8 = vector.shape_cast %get3A_7 : vector<1x2000x128xf32> to vector<2000x128xf32>
    %slice3A_9 = vector.extract_strided_slice %get3A_8 {offsets = [0, 0], sizes = [2000, 1], strides = [1, 1]} : vector<2000x128xf32> to vector<2000x1xf32>
    %add3A = arith.addf %slice3A, %slice3A_9 : vector<2000x1xf32>
    %add3A_10 = arith.constant 1.000000e+00 : f32
    %add3A_11 = vector.broadcast %add3A_10 : f32 to vector<2000x1xf32>
    %add3A_12 = arith.addf %add3A, %add3A_11 : vector<2000x1xf32>
    %rsqrt3A = math.rsqrt %add3A_12 : vector<2000x1xf32>
    %get3A_13 = arith.constant 0 : index
    %get3A_14 = arith.constant 0 : index
    %get3A_15 = vector.load %arg1[%get3A_13, %get3A_14] : memref<2000x128xf32, #tpu.memory_space<vmem>>, vector<2000x128xf32>
    %get3A_16 = arith.constant 0 : index
    %get3A_17 = arith.constant 0 : index
    %get3A_18 = vector.load %arg2[%get3A_16, %get3A_17] : memref<128x128xf32, #tpu.memory_space<vmem>>, vector<128x128xf32>
    %dot_general3A = arith.constant dense<0.000000e+00> : vector<2000x128xf32>
    %dot_general3A_19 = tpu.matmul %get3A_15, %get3A_18, %dot_general3A {dimension_numbers = #tpu.dot_dimension_numbers<[1], [0], [0], [1], [0, 0, 1, 1], [], []>, transpose_lhs_hint = false} : vector<2000x128xf32>, vector<128x128xf32>, vector<2000x128xf32> -> vector<2000x128xf32>
    %mul3A = vector.broadcast %rsqrt3A : vector<2000x1xf32> to vector<2000x128xf32>
    %mul3A_20 = arith.mulf %dot_general3A_19, %mul3A : vector<2000x128xf32>
    %swap3A = arith.constant 0 : index
    %swap3A_21 = arith.constant 0 : index
    %swap3A_22 = vector.load %arg4[%swap3A, %swap3A_21] : memref<2000x128xf32, #tpu.memory_space<vmem>>, vector<2000x128xf32>
    tpu.vector_store %arg4[%swap3A, %swap3A_21], %mul3A_20 {strides = array<i32>} : memref<2000x128xf32, #tpu.memory_space<vmem>>, vector<2000x128xf32>,
    return
  }
  func.func @transform_0(%arg0: i32) -> (i32, i32) {
    %c0_i32 = arith.constant 0 : i32
    %c0_i32_0 = arith.constant 0 : i32
    return %arg0, %c0_i32 : i32, i32
  }
  func.func @transform_1(%arg0: i32) -> (i32, i32) {
    %c0_i32 = arith.constant 0 : i32
    %c0_i32_0 = arith.constant 0 : i32
    %c0_i32_1 = arith.constant 0 : i32
    return %c0_i32, %c0_i32_0 : i32, i32
  }
  func.func @transform_2(%arg0: i32) -> (i32, i32, i32) {
    %c0_i32 = arith.constant 0 : i32
    %c0_i32_0 = arith.constant 0 : i32
    %c0_i32_1 = arith.constant 0 : i32
    return %c0_i32, %arg0, %c0_i32_0 : i32, i32, i32
  }
  func.func @transform_3(%arg0: i32) -> (i32, i32) {
    %c0_i32 = arith.constant 0 : i32
    %c0_i32_0 = arith.constant 0 : i32
    return %arg0, %c0_i32 : i32, i32
  }
}

module attributes {stable_mosaic.version = 14 : i64} {
  func.func @_tc_mid_body(%arg0: i32, %arg1: memref<2x2000x128xf32, #tpu.memory_space<vmem>>, %arg2: memref<2000x128xf32, #tpu.memory_space<vmem>>, %arg3: memref<2x2000x128xf32, #tpu.memory_space<vmem>>, %arg4: memref<1x128xf32, #tpu.memory_space<vmem>>, %arg5: memref<128x128xf32, #tpu.memory_space<vmem>>, %arg6: memref<2000x128xf32, #tpu.memory_space<vmem>>) attributes {dimension_semantics = [#tpu.dimension_semantics<arbitrary>], iteration_bounds = array<i64: 5>, scalar_prefetch = 0 : i64, scratch_operands = 0 : i64, tpu.core_type = #tpu.core_type<tc>, window_params = [{transform_indices = @transform_0, window_bounds = array<i64: 2, 2000, 128>}, {transform_indices = @transform_1, window_bounds = array<i64: 2000, 128>}, {transform_indices = @transform_2, window_bounds = array<i64: 2, 2000, 128>}, {pipeline_mode = #tpu.pipeline_mode<synchronous>, transform_indices = @transform_3, window_bounds = array<i64: 1, 128>}, {pipeline_mode = #tpu.pipeline_mode<synchronous>, transform_indices = @transform_4, window_bounds = array<i64: 128, 128>}, {transform_indices = @transform_5, window_bounds = array<i64: 2000, 128>}]} {
    %get3A = arith.constant 0 : index
    %get3A_0 = arith.constant 0 : index
    %get3A_1 = arith.constant 0 : index
    %get3A_2 = vector.load %arg3[%get3A, %get3A_0, %get3A_1] : memref<2x2000x128xf32, #tpu.memory_space<vmem>>, vector<1x2000x128xf32>
    %get3A_3 = vector.shape_cast %get3A_2 : vector<1x2000x128xf32> to vector<2000x128xf32>
    %slice3A = vector.extract_strided_slice %get3A_3 {offsets = [0, 0], sizes = [2000, 1], strides = [1, 1]} : vector<2000x128xf32> to vector<2000x1xf32>
    %get3A_4 = arith.constant 1 : index
    %get3A_5 = arith.constant 0 : index
    %get3A_6 = arith.constant 0 : index
    %get3A_7 = vector.load %arg3[%get3A_4, %get3A_5, %get3A_6] : memref<2x2000x128xf32, #tpu.memory_space<vmem>>, vector<1x2000x128xf32>
    %get3A_8 = vector.shape_cast %get3A_7 : vector<1x2000x128xf32> to vector<2000x128xf32>
    %slice3A_9 = vector.extract_strided_slice %get3A_8 {offsets = [0, 0], sizes = [2000, 1], strides = [1, 1]} : vector<2000x128xf32> to vector<2000x1xf32>
    %add3A = arith.addf %slice3A, %slice3A_9 : vector<2000x1xf32>
    %add3A_10 = arith.constant 1.000000e+00 : f32
    %add3A_11 = vector.broadcast %add3A_10 : f32 to vector<2000x1xf32>
    %add3A_12 = arith.addf %add3A, %add3A_11 : vector<2000x1xf32>
    %rsqrt3A = math.rsqrt %add3A_12 : vector<2000x1xf32>
    %get3A_13 = arith.constant 0 : index
    %get3A_14 = arith.constant 0 : index
    %get3A_15 = arith.constant 0 : index
    %get3A_16 = vector.load %arg1[%get3A_13, %get3A_14, %get3A_15] : memref<2x2000x128xf32, #tpu.memory_space<vmem>>, vector<1x2000x128xf32>
    %get3A_17 = vector.shape_cast %get3A_16 : vector<1x2000x128xf32> to vector<2000x128xf32>
    %get3A_18 = arith.constant 1 : index
    %get3A_19 = arith.constant 0 : index
    %get3A_20 = arith.constant 0 : index
    %get3A_21 = vector.load %arg1[%get3A_18, %get3A_19, %get3A_20] : memref<2x2000x128xf32, #tpu.memory_space<vmem>>, vector<1x2000x128xf32>
    %get3A_22 = vector.shape_cast %get3A_21 : vector<1x2000x128xf32> to vector<2000x128xf32>
    %add3A_23 = arith.addf %get3A_17, %get3A_22 : vector<2000x128xf32>
    %get3A_24 = arith.constant 0 : index
    %get3A_25 = arith.constant 0 : index
    %get3A_26 = vector.load %arg2[%get3A_24, %get3A_25] : memref<2000x128xf32, #tpu.memory_space<vmem>>, vector<2000x128xf32>
    %add3A_27 = arith.addf %add3A_23, %get3A_26 : vector<2000x128xf32>
    %mul3A = vector.broadcast %rsqrt3A : vector<2000x1xf32> to vector<2000x128xf32>
    %mul3A_28 = arith.mulf %mul3A, %add3A_27 : vector<2000x128xf32>
    %get3A_29 = arith.constant 0 : index
    %get3A_30 = arith.constant 0 : index
    %get3A_31 = vector.load %arg4[%get3A_29, %get3A_30] : memref<1x128xf32, #tpu.memory_space<vmem>>, vector<1x128xf32>
    %add3A_32 = vector.broadcast %get3A_31 : vector<1x128xf32> to vector<2000x128xf32>
    %add3A_33 = arith.addf %mul3A_28, %add3A_32 : vector<2000x128xf32>
    %max3A = arith.constant 0.000000e+00 : f32
    %max3A_34 = vector.broadcast %max3A : f32 to vector<2000x128xf32>
    %max3A_35 = arith.maximumf %add3A_33, %max3A_34 : vector<2000x128xf32>
    %get3A_36 = arith.constant 0 : index
    %get3A_37 = arith.constant 0 : index
    %get3A_38 = vector.load %arg5[%get3A_36, %get3A_37] : memref<128x128xf32, #tpu.memory_space<vmem>>, vector<128x128xf32>
    %dot_general3A = arith.constant dense<0.000000e+00> : vector<2000x128xf32>
    %dot_general3A_39 = tpu.matmul %max3A_35, %get3A_38, %dot_general3A {dimension_numbers = #tpu.dot_dimension_numbers<[1], [0], [0], [1], [0, 0, 1, 1], [], []>, transpose_lhs_hint = false} : vector<2000x128xf32>, vector<128x128xf32>, vector<2000x128xf32> -> vector<2000x128xf32>
    %mul3A_40 = vector.broadcast %rsqrt3A : vector<2000x1xf32> to vector<2000x128xf32>
    %mul3A_41 = arith.mulf %dot_general3A_39, %mul3A_40 : vector<2000x128xf32>
    %swap3A = arith.constant 0 : index
    %swap3A_42 = arith.constant 0 : index
    %swap3A_43 = vector.load %arg6[%swap3A, %swap3A_42] : memref<2000x128xf32, #tpu.memory_space<vmem>>, vector<2000x128xf32>
    tpu.vector_store %arg6[%swap3A, %swap3A_42], %mul3A_41 {strides = array<i32>} : memref<2000x128xf32, #tpu.memory_space<vmem>>, vector<2000x128xf32>,
    return
  }
  func.func @transform_0(%arg0: i32) -> (i32, i32, i32) {
    %c0_i32 = arith.constant 0 : i32
    %c0_i32_0 = arith.constant 0 : i32
    %c0_i32_1 = arith.constant 0 : i32
    return %c0_i32, %arg0, %c0_i32_0 : i32, i32, i32
  }
  func.func @transform_1(%arg0: i32) -> (i32, i32) {
    %c0_i32 = arith.constant 0 : i32
    %c0_i32_0 = arith.constant 0 : i32
    return %arg0, %c0_i32 : i32, i32
  }
  func.func @transform_2(%arg0: i32) -> (i32, i32, i32) {
    %c0_i32 = arith.constant 0 : i32
    %c0_i32_0 = arith.constant 0 : i32
    %c0_i32_1 = arith.constant 0 : i32
    return %c0_i32, %arg0, %c0_i32_0 : i32, i32, i32
  }
  func.func @transform_3(%arg0: i32) -> (i32, i32) {
    %c0_i32 = arith.constant 0 : i32
    %c0_i32_0 = arith.constant 0 : i32
    %c0_i32_1 = arith.constant 0 : i32
    return %c0_i32, %c0_i32_0 : i32, i32
  }
  func.func @transform_4(%arg0: i32) -> (i32, i32) {
    %c0_i32 = arith.constant 0 : i32
    %c0_i32_0 = arith.constant 0 : i32
    %c0_i32_1 = arith.constant 0 : i32
    return %c0_i32, %c0_i32_0 : i32, i32
  }
  func.func @transform_5(%arg0: i32) -> (i32, i32) {
    %c0_i32 = arith.constant 0 : i32
    %c0_i32_0 = arith.constant 0 : i32
    return %arg0, %c0_i32 : i32, i32
  }
}

module attributes {stable_mosaic.version = 14 : i64} {
  func.func @_tc_final_body(%arg0: i32, %arg1: memref<2x10000x128xf32, #tpu.memory_space<vmem>>, %arg2: memref<10000x128xf32, #tpu.memory_space<vmem>>, %arg3: memref<2x10000x128xf32, #tpu.memory_space<vmem>>, %arg4: memref<1x128xf32, #tpu.memory_space<vmem>>, %arg5: memref<1x10000xi32, #tpu.memory_space<vmem>>, %arg6: memref<128x16xf32, #tpu.memory_space<vmem>>, %arg7: memref<1x16xf32, #tpu.memory_space<vmem>>, %arg8: memref<64x16xf32, #tpu.memory_space<vmem>>) attributes {dimension_semantics = [#tpu.dimension_semantics<arbitrary>], iteration_bounds = array<i64: 1>, scalar_prefetch = 0 : i64, scratch_operands = 0 : i64, tpu.core_type = #tpu.core_type<tc>, window_params = [{transform_indices = @transform_0, window_bounds = array<i64: 2, 10000, 128>}, {pipeline_mode = #tpu.pipeline_mode<synchronous>, transform_indices = @transform_1, window_bounds = array<i64: 10000, 128>}, {transform_indices = @transform_2, window_bounds = array<i64: 2, 10000, 128>}, {pipeline_mode = #tpu.pipeline_mode<synchronous>, transform_indices = @transform_3, window_bounds = array<i64: 1, 128>}, {pipeline_mode = #tpu.pipeline_mode<synchronous>, transform_indices = @transform_4, window_bounds = array<i64: 1, 10000>}, {pipeline_mode = #tpu.pipeline_mode<synchronous>, transform_indices = @transform_5, window_bounds = array<i64: 128, 16>}, {pipeline_mode = #tpu.pipeline_mode<synchronous>, transform_indices = @transform_6, window_bounds = array<i64: 1, 16>}, {pipeline_mode = #tpu.pipeline_mode<synchronous>, transform_indices = @transform_7, window_bounds = array<i64: 64, 16>}]} {
    %get3A = arith.constant 0 : index
    %get3A_0 = arith.constant 0 : index
    %get3A_1 = arith.constant 0 : index
    %get3A_2 = vector.load %arg3[%get3A, %get3A_0, %get3A_1] : memref<2x10000x128xf32, #tpu.memory_space<vmem>>, vector<1x10000x128xf32>
    %get3A_3 = vector.shape_cast %get3A_2 : vector<1x10000x128xf32> to vector<10000x128xf32>
    %slice3A = vector.extract_strided_slice %get3A_3 {offsets = [0, 0], sizes = [10000, 1], strides = [1, 1]} : vector<10000x128xf32> to vector<10000x1xf32>
    %get3A_4 = arith.constant 1 : index
    %get3A_5 = arith.constant 0 : index
    %get3A_6 = arith.constant 0 : index
    %get3A_7 = vector.load %arg3[%get3A_4, %get3A_5, %get3A_6] : memref<2x10000x128xf32, #tpu.memory_space<vmem>>, vector<1x10000x128xf32>
    %get3A_8 = vector.shape_cast %get3A_7 : vector<1x10000x128xf32> to vector<10000x128xf32>
    %slice3A_9 = vector.extract_strided_slice %get3A_8 {offsets = [0, 0], sizes = [10000, 1], strides = [1, 1]} : vector<10000x128xf32> to vector<10000x1xf32>
    %add3A = arith.addf %slice3A, %slice3A_9 : vector<10000x1xf32>
    %add3A_10 = arith.constant 1.000000e+00 : f32
    %add3A_11 = vector.broadcast %add3A_10 : f32 to vector<10000x1xf32>
    %add3A_12 = arith.addf %add3A, %add3A_11 : vector<10000x1xf32>
    %rsqrt3A = math.rsqrt %add3A_12 : vector<10000x1xf32>
    %get3A_13 = arith.constant 0 : index
    %get3A_14 = arith.constant 0 : index
    %get3A_15 = arith.constant 0 : index
    %get3A_16 = vector.load %arg1[%get3A_13, %get3A_14, %get3A_15] : memref<2x10000x128xf32, #tpu.memory_space<vmem>>, vector<1x10000x128xf32>
    %get3A_17 = vector.shape_cast %get3A_16 : vector<1x10000x128xf32> to vector<10000x128xf32>
    %get3A_18 = arith.constant 1 : index
    %get3A_19 = arith.constant 0 : index
    %get3A_20 = arith.constant 0 : index
    %get3A_21 = vector.load %arg1[%get3A_18, %get3A_19, %get3A_20] : memref<2x10000x128xf32, #tpu.memory_space<vmem>>, vector<1x10000x128xf32>
    %get3A_22 = vector.shape_cast %get3A_21 : vector<1x10000x128xf32> to vector<10000x128xf32>
    %add3A_23 = arith.addf %get3A_17, %get3A_22 : vector<10000x128xf32>
    %get3A_24 = arith.constant 0 : index
    %get3A_25 = arith.constant 0 : index
    %get3A_26 = vector.load %arg2[%get3A_24, %get3A_25] : memref<10000x128xf32, #tpu.memory_space<vmem>>, vector<10000x128xf32>
    %add3A_27 = arith.addf %add3A_23, %get3A_26 : vector<10000x128xf32>
    %mul3A = vector.broadcast %rsqrt3A : vector<10000x1xf32> to vector<10000x128xf32>
    %mul3A_28 = arith.mulf %mul3A, %add3A_27 : vector<10000x128xf32>
    %get3A_29 = arith.constant 0 : index
    %get3A_30 = arith.constant 0 : index
    %get3A_31 = vector.load %arg4[%get3A_29, %get3A_30] : memref<1x128xf32, #tpu.memory_space<vmem>>, vector<1x128xf32>
    %add3A_32 = vector.broadcast %get3A_31 : vector<1x128xf32> to vector<10000x128xf32>
    %add3A_33 = arith.addf %mul3A_28, %add3A_32 : vector<10000x128xf32>
    %iota3A = tpu.iota {dimensions = array<i32: 0>} : vector<64x10000xi32>
    %get3A_34 = arith.constant 0 : index
    %get3A_35 = arith.constant 0 : index
    %get3A_36 = vector.load %arg5[%get3A_34, %get3A_35] : memref<1x10000xi32, #tpu.memory_space<vmem>>, vector<1x10000xi32>
    %eq3A = vector.broadcast %get3A_36 : vector<1x10000xi32> to vector<64x10000xi32>
    %eq3A_37 = arith.cmpi eq, %eq3A, %iota3A : vector<64x10000xi32>
    %convert_element_type3A = arith.extui %eq3A_37 : vector<64x10000xi1> to vector<64x10000xi32>
    %convert_element_type3A_38 = arith.sitofp %convert_element_type3A : vector<64x10000xi32> to vector<64x10000xf32>
    %dot_general3A = arith.constant dense<0.000000e+00> : vector<64x128xf32>
    %dot_general3A_39 = tpu.matmul %convert_element_type3A_38, %add3A_33, %dot_general3A {dimension_numbers = #tpu.dot_dimension_numbers<[1], [0], [0], [1], [0, 0, 1, 1], [], []>, transpose_lhs_hint = false} : vector<64x10000xf32>, vector<10000x128xf32>, vector<64x128xf32> -> vector<64x128xf32>
    %reduce_sum3A = arith.constant dense<0.000000e+00> : vector<64xf32>
    %reduce_sum3A_40 = vector.multi_reduction <add>, %convert_element_type3A_38, %reduce_sum3A [1] : vector<64x10000xf32> to vector<64xf32>
    %broadcast_in_dim3A = vector.shape_cast %reduce_sum3A_40 : vector<64xf32> to vector<64x1xf32>
    %max3A = arith.constant 1.000000e+00 : f32
    %max3A_41 = vector.broadcast %max3A : f32 to vector<64x1xf32>
    %max3A_42 = arith.maximumf %broadcast_in_dim3A, %max3A_41 : vector<64x1xf32>
    %div3A = vector.broadcast %max3A_42 : vector<64x1xf32> to vector<64x128xf32>
    %div3A_43 = arith.divf %dot_general3A_39, %div3A : vector<64x128xf32>
    %get3A_44 = arith.constant 0 : index
    %get3A_45 = arith.constant 0 : index
    %get3A_46 = vector.load %arg6[%get3A_44, %get3A_45] : memref<128x16xf32, #tpu.memory_space<vmem>>, vector<128x16xf32>
    %dot_general3A_47 = arith.constant dense<0.000000e+00> : vector<64x16xf32>
    %dot_general3A_48 = tpu.matmul %div3A_43, %get3A_46, %dot_general3A_47 {dimension_numbers = #tpu.dot_dimension_numbers<[1], [0], [0], [1], [0, 0, 1, 1], [], []>, transpose_lhs_hint = false} : vector<64x128xf32>, vector<128x16xf32>, vector<64x16xf32> -> vector<64x16xf32>
    %get3A_49 = arith.constant 0 : index
    %get3A_50 = arith.constant 0 : index
    %get3A_51 = vector.load %arg7[%get3A_49, %get3A_50] : memref<1x16xf32, #tpu.memory_space<vmem>>, vector<1x16xf32>
    %add3A_52 = vector.broadcast %get3A_51 : vector<1x16xf32> to vector<64x16xf32>
    %add3A_53 = arith.addf %dot_general3A_48, %add3A_52 : vector<64x16xf32>
    %swap3A = arith.constant 0 : index
    %swap3A_54 = arith.constant 0 : index
    %swap3A_55 = vector.load %arg8[%swap3A, %swap3A_54] : memref<64x16xf32, #tpu.memory_space<vmem>>, vector<64x16xf32>
    tpu.vector_store %arg8[%swap3A, %swap3A_54], %add3A_53 {strides = array<i32>} : memref<64x16xf32, #tpu.memory_space<vmem>>, vector<64x16xf32>,
    return
  }
  func.func @transform_0(%arg0: i32) -> (i32, i32, i32) {
    %c0_i32 = arith.constant 0 : i32
    %c0_i32_0 = arith.constant 0 : i32
    %c0_i32_1 = arith.constant 0 : i32
    %c0_i32_2 = arith.constant 0 : i32
    return %c0_i32, %c0_i32_0, %c0_i32_1 : i32, i32, i32
  }
  func.func @transform_1(%arg0: i32) -> (i32, i32) {
    %c0_i32 = arith.constant 0 : i32
    %c0_i32_0 = arith.constant 0 : i32
    %c0_i32_1 = arith.constant 0 : i32
    return %c0_i32, %c0_i32_0 : i32, i32
  }
  func.func @transform_2(%arg0: i32) -> (i32, i32, i32) {
    %c0_i32 = arith.constant 0 : i32
    %c0_i32_0 = arith.constant 0 : i32
    %c0_i32_1 = arith.constant 0 : i32
    %c0_i32_2 = arith.constant 0 : i32
    return %c0_i32, %c0_i32_0, %c0_i32_1 : i32, i32, i32
  }
  func.func @transform_3(%arg0: i32) -> (i32, i32) {
    %c0_i32 = arith.constant 0 : i32
    %c0_i32_0 = arith.constant 0 : i32
    %c0_i32_1 = arith.constant 0 : i32
    return %c0_i32, %c0_i32_0 : i32, i32
  }
  func.func @transform_4(%arg0: i32) -> (i32, i32) {
    %c0_i32 = arith.constant 0 : i32
    %c0_i32_0 = arith.constant 0 : i32
    %c0_i32_1 = arith.constant 0 : i32
    return %c0_i32, %c0_i32_0 : i32, i32
  }
  func.func @transform_5(%arg0: i32) -> (i32, i32) {
    %c0_i32 = arith.constant 0 : i32
    %c0_i32_0 = arith.constant 0 : i32
    %c0_i32_1 = arith.constant 0 : i32
    return %c0_i32, %c0_i32_0 : i32, i32
  }
  func.func @transform_6(%arg0: i32) -> (i32, i32) {
    %c0_i32 = arith.constant 0 : i32
    %c0_i32_0 = arith.constant 0 : i32
    %c0_i32_1 = arith.constant 0 : i32
    return %c0_i32, %c0_i32_0 : i32, i32
  }
  func.func @transform_7(%arg0: i32) -> (i32, i32) {
    %c0_i32 = arith.constant 0 : i32
    %c0_i32_0 = arith.constant 0 : i32
    %c0_i32_1 = arith.constant 0 : i32
    return %c0_i32, %c0_i32_0 : i32, i32
  }
}

</mosaic_0001>

<sc_bundles>
// kernel: kernel.10.cloned.1.call-start
scs
__scs_entry_jumppad:
0x0: {  	(pc) =	sbr.rel $0x88, $3  }
0x1: {  	(tag) =	ssettag $0x0;
	lr =	simm.s32 $0x1  }
0x2: {  	[smem:$0x3F96] =	sst lr;
	_ =	strace $0xD0000000  }
0x3: {  	_ = 	snop  }
0x4: {  	_ = 	snop  }
0x5: {  	_ = 	snop  }
0x6: {  	_ = 	snop  }
0x7: {  	_ = 	snop  }
__scs_overlays_trampoline_lowered:
0x8: {  	[smem:$0x3FA5] =	sst s0  }
0x9: {  	[smem:$0x3FA6] =	sst s1  }
0xa: {  	[smem:$0x3FA7] =	sst s2  }
0xb: {  	[smem:$0x3FA8] =	sst s3  }
0xc: {  	[smem:$0x3FA9] =	sst s4  }
0xd: {  	[smem:$0x3FAA] =	sst s5  }
0xe: {  	[smem:$0x3FAB] =	sst s6  }
0xf: {  	[smem:$0x3FAC] =	sst s7  }
0x10: {  	[smem:$0x3FAD] =	sst s8  }
0x11: {  	[smem:$0x3FAE] =	sst s9;
	s0 =	simm.s32 @!p0 $0x0  }
0x12: {  	s1 =	sld [smem:$0x3F94];
	s0 =	simm.s32 @p0 $0x1  }
0x13: {  	[smem:$0x3FAF] =	sst s0;
	s0 =	simm.s32 @!p1 $0x0  }
0x14: {  	s2 =	sld [smem:$0x3F93];
	s0 =	simm.s32 @p1 $0x1  }
0x15: {  	[smem:$0x3FB0] =	sst s0;
	s0 =	simm.s32 @!p2 $0x0  }
0x16: {  	s3 =	sld [smem:$0x3FDB];
	s0 =	simm.s32 @p2 $0x1  }
0x17: {  	s4 =	simm.s32 $0x1BF5;
	[smem:$0x3FB2] =	sst s0  }
0x18: {  	s0 =	sld [smem:$0x3F95];
	_ =	swait.ge [sflag:s4], $0x0  }
0x19: {  	s7 =	sld [smem:$0x3F96]  }
0x1a: {  	s8 =	sadd.s32 $0xFFFFE003, lr  }
0x1b: {  	s9 =	sadd.s32 $0xFFFFFEF7, lr;
	s5 =	simm.s32 $0xFFFFFFFF;
	p2 =	slt.u32 s8, $0xFFFFF086  }
0x1c: {  	p1 =	slt.u32 s9, $0xF7A;
	s5 =	simm.s32 @!p2 $0x0  }
0x1d: {  	s5 =	simm.s32 @p1 $0x1;
	p0 =	seq.s32 s7, s2  }
0x1e: {  	s7 =	smul.u32 @!p0 $0xF7A, s2;
	p2 =	seq.s32 @!p0 s5, $0x0  }
0x1f: {  	s9 =	smul.u32 $0xF7A, s1;
	s8 =	simm.s32 @!p0 $0x1BF5;
	p2 =	por !p2, p0  }
0x20: {  	[sflag:s8] =	ssyncset.s32 @!p0 $0xFFFFF086;
	s6 =	sadd.s32 @!p0 s3, s7;
	s7 =	simm.s32 @!p0 $0x108  }
0x21: {  	s3 =	sadd.s32 s3, s9;
	s6 =	sadd.s32 @!p0 $0x88, s6;
	s7 =	simm.s32 @p2 $0x1082  }
0x22: {  	[simem:s7], [sflag:s8] =	dma.local @!p0 [hbm:s6], $0xF7A  }
0x23: {  	s9 =	sor.u32 $0xD0000000, s2;
	s6 =	simm.s32 $0x108;
	_ =	swait.ge @!p0 [sflag:s8], $0x0  }
0x24: {  	s3 =	sadd.s32 $0x88, s3;
	s6 =	simm.s32 @!p1 $0x1082;
	[sflag:s4] =	ssyncset.s32 $0xFFFFF086  }
0x25: {  	[simem:s6], [sflag:s4] =	dma.local [hbm:s3], $0xF7A  }
0x26: {  	[smem:$0x3F96] =	sst s1;
	(tag) =	ssettag s2;
	_ =	strace s9  }
0x27: {  	s1 =	sld [smem:$0x3FA6]  }
0x28: {  	s2 =	sld [smem:$0x3FA7]  }
0x29: {  	s4 =	sld [smem:$0x3FA9]  }
0x2a: {  	p0 =	seq.s32 s5, $0x0;
	s5 =	sld [smem:$0x3FAA]  }
0x2b: {  	s6 =	sld [smem:$0x3FAB]  }
0x2c: {  	s7 =	sld [smem:$0x3FAC]  }
0x2d: {  	s3 =	simm.s32 $0x108;
	s8 =	sld [smem:$0x3FAD]  }
0x2e: {  	s3 =	simm.s32 @!p0 $0x1082;
	s9 =	sld [smem:$0x3FAE]  }
0x2f: {  	lr =	sadd.s32 s0, s3;
	s0 =	sld [smem:$0x3FA5]  }
0x30: {  	s3 =	sld [smem:$0x3FA8]  }
0x31: {  	[smem:$0x3FB1] =	sst s10  }
0x32: {  	s10 =	sld [smem:$0x3FAF];
	_ =	sdelay $0x3  }
0x33: {  	p0 =	seq.s32 s10, $0x1;
	s10 =	sld [smem:$0x3FB1];
	_ =	sdelay $0x3  }
0x34: {  	[smem:$0x3FB1] =	sst s10  }
0x35: {  	s10 =	sld [smem:$0x3FB0];
	_ =	sdelay $0x3  }
0x36: {  	p1 =	seq.s32 s10, $0x1;
	s10 =	sld [smem:$0x3FB1];
	_ =	sdelay $0x3  }
0x37: {  	[smem:$0x3FB1] =	sst s10  }
0x38: {  	s10 =	sld [smem:$0x3FB2]  }
0x39: {  	_ = 	snop;
	(pc) =	sbr.ind lr, $3  }
0x3a: {  	_ = 	snop  }
0x3b: {  	_ = 	snop  }
0x3c: {  	p2 =	seq.s32 s10, $0x1;
	s10 =	sld [smem:$0x3FB1]  }
0x3d: {  	_ =	shalt  }
0x3e: {  	_ =	shalt  }
0x3f: {  	_ =	shalt  }
0x40: {  	_ =	shalt  }
0x41: {  	_ =	shalt  }
0x42: {  	_ =	shalt  }
0x43: {  	_ =	shalt  }
0x44: {  	_ =	shalt  }
0x45: {  	_ =	shalt  }
0x46: {  	_ =	shalt  }
0x47: {  	_ =	shalt  }
0x48: {  	_ =	shalt  }
0x49: {  	_ =	shalt  }
0x4a: {  	_ =	shalt  }
0x4b: {  	_ =	shalt  }
0x4c: {  	_ =	shalt  }
0x4d: {  	_ =	shalt  }
0x4e: {  	_ =	shalt  }
0x4f: {  	_ =	shalt  }
0x50: {  	_ =	shalt  }
0x51: {  	_ =	shalt  }
0x52: {  	_ =	shalt  }
0x53: {  	_ =	shalt  }
0x54: {  	_ =	shalt  }
0x55: {  	_ =	shalt  }
0x56: {  	_ =	shalt  }
0x57: {  	_ =	shalt  }
0x58: {  	_ =	shalt  }
0x59: {  	_ =	shalt  }
0x5a: {  	_ =	shalt  }
0x5b: {  	_ =	shalt  }
0x5c: {  	_ =	shalt  }
0x5d: {  	_ =	shalt  }
0x5e: {  	_ =	shalt  }
0x5f: {  	_ =	shalt  }
0x60: {  	_ =	shalt  }
0x61: {  	_ =	shalt  }
0x62: {  	_ =	shalt  }
0x63: {  	_ =	shalt  }
0x64: {  	_ =	shalt  }
0x65: {  	_ =	shalt  }
0x66: {  	_ =	shalt  }
0x67: {  	_ =	shalt  }
0x68: {  	_ =	shalt  }
0x69: {  	_ =	shalt  }
0x6a: {  	_ =	shalt  }
0x6b: {  	_ =	shalt  }
0x6c: {  	_ =	shalt  }
0x6d: {  	_ =	shalt  }
0x6e: {  	_ =	shalt  }
0x6f: {  	_ =	shalt  }
0x70: {  	_ =	shalt  }
0x71: {  	_ =	shalt  }
0x72: {  	_ =	shalt  }
0x73: {  	_ =	shalt  }
0x74: {  	_ =	shalt  }
0x75: {  	_ =	shalt  }
0x76: {  	_ =	shalt  }
0x77: {  	_ =	shalt  }
0x78: {  	_ =	shalt  }
0x79: {  	_ =	shalt  }
0x7a: {  	_ =	shalt  }
0x7b: {  	_ =	shalt  }
0x7c: {  	_ =	shalt  }
0x7d: {  	_ =	shalt  }
0x7e: {  	_ =	shalt  }
0x7f: {  	_ =	shalt  }
0x80: {  	_ =	shalt  }
0x81: {  	_ =	shalt  }
0x82: {  	_ =	shalt  }
0x83: {  	_ =	shalt  }
0x84: {  	_ =	shalt  }
0x85: {  	_ =	shalt  }
0x86: {  	_ =	shalt  }
0x87: {  	_ =	shalt  }
.Lfunc_end0:
.L_simem_size_0:
called_computation_lowered:
.L_overlay_start_0:
0x88: {  	s2 =	sld [smem:$0x3FD9]  }
0x89: {  	s3 =	sld [smem:$0x3FFE];
	_ =	sdelay $0x1  }
0x8a: {  	s1 =	srdreg.scid  }
0x8b: {  	s0 =	sand.u32 $0x1, s1  }
0x8c: {  	s16 =	sshll.u32 s0, $0xA;
	s2 =	sadd.s32 s3, s2  }
0x8d: {  	s2 =	sadd.s32 s2, s16  }
0x8e: {  	[smem:$0x3FBD] =	sst s2  }
0x8f: {  	_ = 	snop  }
0x90: {  	(tm) =	ssettm $0x1  }
0x91: {  	s17 =	sld [smem:$0x3FFB];
	_ =	sdelay $0x3  }
0x92: {  	_ =	strace s17  }
0x93: {  	s2 =	sld [smem:$0x3FFC];
	_ =	sdelay $0x3  }
0x94: {  	_ =	strace s2  }
0x95: {  	s2 =	sld [smem:$0x3FFD];
	_ =	sdelay $0x3  }
0x96: {  	_ =	strace s2  }
0x97: {  	_ =	strace $0x8FFFFFFF  }
0x98: {  	s18 =	sld [smem:$0x3FDB];
	_ =	sdelay $0x1  }
0x99: {  	s19 =	simm.s32 $_scs_section_size  }
0x9a: {  	s4 =	simm.s32 $_size__tile_overlayer_lowered;
	s5 =	simm.s32 $_tile_overlayer_lowered  }
0x9b: {  	s22 =	simm.s32 $0x1BFF;
	s21 =	sshll.u32 s5, $0x1;
	s2 =	sadd.s32 s19, s18  }
0x9c: {  	s6 =	simm.s32 $0x0;
	s20 =	sshll.u32 s4, $0x1;
	s4 =	sadd.s32 s21, s2  }
0x9d: {  	[timem:s6], [sflag:s22] =	dma.local [hbm:s4], s20  }
0x9e: {  	_ =	swait.ge [sflag:s22], s20  }
0x9f: {  	s3 =	ssub.s32 $0x0, s20;
	[sflag:s22] =	ssyncset.done $0x0  }
0xa0: {  	[sflag:s22] =	ssyncadd.s32 s3;
	_ =	sdelay $0x1  }
0xa1: {  	s23 =	simm.s32 $0x1B8B  }
0xa2: {  	_ =	swait.ge [sflag:s23], $0x1  }
0xa3: {  	[sflag:s23] =	ssyncset.done $0x0  }
0xa4: {  	s25 =	simm.s32 $0x1B8E;
	s24 =	sld [smem:$0x3FFE];
	[sflag:s23] =	ssyncadd.s32 $0xFFFFFFFF  }
0xa5: {  	s26 =	simm.s32 $execute0_lowered;
	[smem:$0x3FD2] =	sst s25  }
0xa6: {  	s4 =	sshll.u32 s26, $0x1;
	_ =	strace $0x80000046;
	[dreg:$0x1] =	wrdreg $0xFFFFFFFF  }
0xa7: {  	s28 =	simm.s32 $_size_execute0_lowered;
	s2 =	sadd.s32 s2, s4;
	[dreg:$0x0] =	wrdreg $0x0  }
0xa8: {  	s4 =	sshll.u32 s28, $0x1;
	[dreg:$0x2] =	wrdreg s2  }
0xa9: {  	[dreg:$0x3] =	wrdreg s4  }
0xaa: {  	[dreg:$0x4] =	wrdreg $0xC0  }
0xab: {  	_ =	task [dreg:s6], $0x5FFFF  }
0xac: {  	[dreg:$0x1] =	wrdreg $0xFFFFFFFF  }
0xad: {  	[dreg:$0x0] =	wrdreg $0x60  }
0xae: {  	[dreg:$0x2] =	wrdreg s24  }
0xaf: {  	[dreg:$0x3] =	wrdreg $0xC0000  }
0xb0: {  	[dreg:$0x4] =	wrdreg $0x9  }
0xb1: {  	_ =	task.clear_ibuf [dreg:s6], $0x5FFFF;
	_ =	strace $0x90000046  }
0xb2: {  	s29 =	simm.s32 $0x9;
	_ =	strace $0x80000048  }
0xb3: {  	_ =	swait.ge [sflag:s29], $0x1  }
0xb4: {  	[sflag:s29] =	ssyncadd.s32 $0xFFFFFFFF  }
0xb5: {  	_ =	strace $0x90000048  }
0xb6: {  	_ =	sfence  }
0xb7: {  	s30 =	sld [smem:$0x0];
	_ =	sdelay $0x2  }
0xb8: {  	s31 =	sshll.u32 s1, $0xD;
	s1 =	sshrl.u32 s1, $0x2  }
0xb9: {  	s3 =	sand.u32 $0x4000, s31;
	s1 =	sadd.s32 s1, s30  }
0xba: {  	s0 =	sor.u32 s3, s0;
	s1 =	sshll.u32 s1, $0x11  }
0xbb: {  	s0 =	sor.u32 s1, s0  }
0xbc: {  	s0 =	sadd.s32 $0x8F2B, s0  }
0xbd: {  	[sflag:s0] =	ssyncadd.remote.s32 $0x1  }
0xbe: {  	_ =	sfence.sel $0xFFFF  }
0xbf: {  	[dreg:$0x0] =	wrdreg $0xFFFFFFFF;
	(pc) =	sbr.abs _section_cstart, $3  }
0xc0: {  	[dreg:$0x1] =	wrdreg $0xFFFFFFFF  }
0xc1: {  	_ =	task.clear_ibuf [dreg:s6], $0x2FFFF;
	_ =	strace $0x9FFFFFFF  }
0xc2: {  	(tm) =	ssettm $0x7FFFFFFF  }
0xc3: {  	_ =	shalt  }
tec
execute0_lowered:
.L_overlay_start_1:
0x0: {  	(tag) =	ssettag $0x1  }
0x1: {  	s4 =	rddreg [dreg:$0x0]  }
0x2: {  	s1 =	rddreg [dreg:$0x1]  }
0x3: {  	s0 =	rddreg [dreg:$0x2];
	s3 =	simm.s32 $0x0;
	s2 =	srdreg.scid  }
0x4: {  	s13 =	simm.s32 $0x1;
	s14 =	simm.s32 $0x8000;
	s15 =	simm.s32 $0x80  }
0x5: {  	s16 =	simm.s32 $0x4000;
	s5 =	sand.u32 $0x1, s2;
	s2 =	stileid.u32  }
0x6: {  	[smem:$0x7FF] =	sst s3;
	s6 =	smul.u32 $0x140000, s5;
	s7 =	sshll.u32 s2, $0xC  }
0x7: {  	s8 =	sshll.u32 s5, $0xB;
	s9 =	smul.u32 $0xA000, s2;
	_ =	strace $0x80000047  }
0x8: {  	s28 =	ssub.s32 $0x2, s5;
	s29 =	smul.u32 $0x28000, s2;
	p0 =	seq.s32 s5, $0x0  }
0x9: {  	s7 =	sor.u32 s8, s7;
	s30 =	sshrl.u32 s28, $0x1;
	s6 =	sadd.s32 s9, s6  }
0xa: {  	s10 =	sadd.s32 s7, s4;
	s12 =	ssub.s32 s28, s30;
	s31 =	sshrl.u32 s29, $0x2  }
0xb: {  	s6 =	sshrl.u32 s6, $0x3;
	s5 =	sadd.s32 s31, s1;
	s12 =	smax.u32 s12, $0x1  }
0xc: {  	s11 =	sadd.s32 s6, s4;
	s4 =	simm.s32 $0x24;
	s6 =	sadd.s32 $0x12E00, s10  }
0xd: {  	s7 =	sadd.s32 $0x4000, s5;
	s8 =	sadd.s32 $0x8000, s5;
	s10 =	sadd.s32 $0x2E00, s10  }
0xe: {  	v0 =	vimm.f32 $1.000000000e+00;
	v1 =	vimm.f32 $0.0e+00;
	s4 =	simm.s32 @!p0 $0x7A;
	s9 =	sadd.s32 $0x22E00, s11;
	s11 =	sadd.s32 $0x36E00, s11  }
.LBB2_1:
0xf: {  	s17 =	simm.s32 $0x0;
	s18 =	simm.s32 $0x200  }
.LBB2_2:
0x10: {  	p0 =	sne.s32 s18, $0xFE00;
	[tilespmem:s17+$0x4070] =	vst v0  }
0x11: {  	[tilespmem:s17+$0x4000] =	vst v0  }
0x12: {  	[tilespmem:s17+$0x4010] =	vst v0  }
.Ltmp0:
0x13: {  	[tilespmem:s17+$0x4020] =	vst v0;
	(pc) =	sbr.rel @p0 .LBB2_2-.Ltmp0, $4  }
0x14: {  	[tilespmem:s17+$0x4030] =	vst v0  }
0x15: {  	[tilespmem:s17+$0x4040] =	vst v0  }
0x16: {  	[tilespmem:s17+$0x4050] =	vst v0  }
0x17: {  	[tilespmem:s17+$0x4060] =	vst v0;
	s17 =	sshra.s32 s18, $0x2;
	s18 =	sadd.s32 $0x200, s18  }
0x18: {  	[tilespmem:s17+$0x4070] =	vst v0  }
0x19: {  	[tilespmem:s17+$0x4000] =	vst v0  }
0x1a: {  	[tilespmem:s17+$0x4010] =	vst v0  }
0x1b: {  	[tilespmem:s17+$0x4020] =	vst v0  }
0x1c: {  	[tilespmem:s17+$0x4030] =	vst v0  }
0x1d: {  	[tilespmem:s17+$0x4040] =	vst v0  }
0x1e: {  	[tilespmem:s17+$0x4050] =	vst v0  }
0x1f: {  	[tilespmem:s17+$0x4060] =	vst v0;
	s17 =	simm.s32 $0x0;
	s18 =	simm.s32 $0x200  }
.LBB2_4:
0x20: {  	p0 =	sne.s32 s18, $0xFE00;
	[tilespmem:s17+$0x8070] =	vst v1  }
0x21: {  	[tilespmem:s17+$0x8000] =	vst v1  }
0x22: {  	[tilespmem:s17+$0x8010] =	vst v1  }
.Ltmp1:
0x23: {  	[tilespmem:s17+$0x8020] =	vst v1;
	(pc) =	sbr.rel @p0 .LBB2_4-.Ltmp1, $4  }
0x24: {  	[tilespmem:s17+$0x8030] =	vst v1  }
0x25: {  	[tilespmem:s17+$0x8040] =	vst v1  }
0x26: {  	[tilespmem:s17+$0x8050] =	vst v1  }
0x27: {  	[tilespmem:s17+$0x8060] =	vst v1;
	s17 =	sshra.s32 s18, $0x2;
	s18 =	sadd.s32 $0x200, s18  }
0x28: {  	[tilespmem:s17+$0x8070] =	vst v1  }
0x29: {  	[tilespmem:s17+$0x8000] =	vst v1  }
0x2a: {  	[tilespmem:s17+$0x8010] =	vst v1  }
0x2b: {  	[tilespmem:s17+$0x8020] =	vst v1  }
0x2c: {  	[tilespmem:s17+$0x8030] =	vst v1  }
0x2d: {  	[tilespmem:s17+$0x8040] =	vst v1  }
0x2e: {  	[tilespmem:s17+$0x8050] =	vst v1  }
0x2f: {  	[tilespmem:s17+$0x8060] =	vst v1;
	s17 =	simm.s32 $0x0  }
0x30: {  	[tilespmem:s17], [sflag:$0x1] =	stream.linear.gather [hbm4b:s6+s17], $0x3D00, $0x38;
	[tilespmem:$0x16400] =	vst v63  }
0x31: {  	_ =	swait.ge [sflag:s13], $0x3D00  }
0x32: {  	[sflag:s13] =	ssyncset.done $0x0  }
0x33: {  	[sflag:s13] =	ssyncadd.s32 $0xFFFFC300  }
0x34: {  	[spmem:s5] =	stream.linear.scatter [tilespmem:s14], [sflag:$0x1], $0x4000, $0x38;
	[tilespmem:$0x16400] =	vst v63  }
0x35: {  	_ =	swait.ge [sflag:s13], $0x4000  }
0x36: {  	[sflag:s13] =	ssyncset.done $0x0  }
0x37: {  	[sflag:s13] =	ssyncadd.s32 $0xFFFFC000  }
0x38: {  	[spmem:s7] =	stream.linear.scatter [tilespmem:s14], [sflag:$0x1], $0x4000, $0x38;
	[tilespmem:$0x16400] =	vst v63  }
0x39: {  	_ =	swait.ge [sflag:s13], $0x4000  }
0x3a: {  	[sflag:s13] =	ssyncset.done $0x0  }
0x3b: {  	[sflag:s13] =	ssyncadd.s32 $0xFFFFC000  }
0x3c: {  	[spmem:s8] =	stream.linear.scatter [tilespmem:s14], [sflag:$0x1], $0x2000, $0x38;
	[tilespmem:$0x16400] =	vst v63  }
0x3d: {  	_ =	swait.ge [sflag:s13], $0x2000  }
0x3e: {  	p0 =	sne.s32 s4, $0x1;
	[sflag:s13] =	ssyncset.done $0x0  }
.Ltmp2:
0x3f: {  	[sflag:s13] =	ssyncadd.s32 $0xFFFFE000;
	(pc) =	sbr.rel @!p0 .LBB2_7-.Ltmp2, $4  }
0x40: {  	[bflag:$0x0] =	sbarrier.arrive $0xFFFF  }
0x41: {  	[spmem:s1] =	stream.indirect.scatter.add.f32 [tilespmem:s16], [sflag:$0x1], $0x80, s17, s15, $0xb8;
	[tilespmem:$0x16400] =	vst v63  }
0x42: {  	_ =	swait.ge [sflag:s13], $0x4000  }
0x43: {  	s18 =	sadd.s32 $0xFFFFFFFF, s4;
	s19 =	simm.s32 $0x0;
	[sflag:s13] =	ssyncset.done $0x0  }
.LBB2_6:
0x44: {  	p1 =	sne.s32 s18, $0x1;
	[sflag:s13] =	ssyncadd.s32 $0xFFFFC000;
	s19 =	sadd.s32 $0x80, s19  }
.Ltmp3:
0x45: {  	s18 =	sadd.s32 $0xFFFFFFFF, s18;
	(pc) =	sbr.rel @p1 .LBB2_6-.Ltmp3, $4  }
0x46: {  	_ = 	snop  }
0x47: {  	[spmem:s1] =	stream.indirect.scatter.add.f32 [tilespmem:s16], [sflag:$0x1], $0x80, s19, s15, $0xb8;
	[tilespmem:$0x16400] =	vst v63  }
0x48: {  	_ =	swait.ge [sflag:s13], $0x4000  }
0x49: {  	[sflag:s13] =	ssyncset.done $0x0  }
.LBB2_7:
0x4a: {  	[sflag:s13] =	ssyncadd.s32 $0xFFFFC000;
	s18 =	sshll.u32 s2, $0x6  }
0x4b: {  	s19 =	sshrl.u32 s5, $0x3;
	[bflag:$0x0] =	sbarrier.arrive $0xFFFF;
	s18 =	sor.u32 $0x1C01, s18  }
0x4c: {  	[hbm:s9], [sflag:s18] =	dma.local [spmem:s19], $0x1400  }
0x4d: {  	_ =	swait.ge [sflag:s13], $0x1400  }
0x4e: {  	[sflag:s13] =	ssyncset.done $0x0  }
0x4f: {  	[sflag:s13] =	ssyncadd.s32 $0xFFFFEC00  }
0x50: {  	[bflag:$0x0] =	sbarrier.arrive $0xFFFF  }
0x51: {  	[tilespmem:s17], [sflag:$0x1] =	stream.linear.gather [hbm4b:s10+s17], $0x3D00, $0x38;
	[tilespmem:$0x16400] =	vst v63  }
0x52: {  	_ =	swait.ge [sflag:s13], $0x3D00  }
0x53: {  	[sflag:s13] =	ssyncset.done $0x0  }
0x54: {  	[sflag:s13] =	ssyncadd.s32 $0xFFFFC300  }
0x55: {  	[spmem:s5] =	stream.linear.scatter [tilespmem:s14], [sflag:$0x1], $0x4000, $0x38;
	[tilespmem:$0x16400] =	vst v63  }
0x56: {  	_ =	swait.ge [sflag:s13], $0x4000  }
0x57: {  	[sflag:s13] =	ssyncset.done $0x0  }
0x58: {  	[sflag:s13] =	ssyncadd.s32 $0xFFFFC000  }
0x59: {  	[spmem:s7] =	stream.linear.scatter [tilespmem:s14], [sflag:$0x1], $0x4000, $0x38;
	[tilespmem:$0x16400] =	vst v63  }
0x5a: {  	_ =	swait.ge [sflag:s13], $0x4000  }
0x5b: {  	[sflag:s13] =	ssyncset.done $0x0  }
0x5c: {  	[sflag:s13] =	ssyncadd.s32 $0xFFFFC000  }
0x5d: {  	[spmem:s8] =	stream.linear.scatter [tilespmem:s14], [sflag:$0x1], $0x2000, $0x38;
	[tilespmem:$0x16400] =	vst v63  }
0x5e: {  	_ =	swait.ge [sflag:s13], $0x2000  }
0x5f: {  	[sflag:s13] =	ssyncset.done $0x0  }
.Ltmp4:
0x60: {  	[sflag:s13] =	ssyncadd.s32 $0xFFFFE000;
	(pc) =	sbr.rel @!p0 .LBB2_9-.Ltmp4, $4  }
0x61: {  	[bflag:$0x0] =	sbarrier.arrive $0xFFFF  }
0x62: {  	[spmem:s1] =	stream.indirect.scatter.add.f32 [tilespmem:s16], [sflag:$0x1], $0x80, s17, s15, $0xb8;
	[tilespmem:$0x16400] =	vst v63  }
0x63: {  	_ =	swait.ge [sflag:s13], $0x4000  }
0x64: {  	s20 =	sadd.s32 $0xFFFFFFFF, s4;
	[sflag:s13] =	ssyncset.done $0x0  }
.LBB2_8:
0x65: {  	p0 =	sne.s32 s20, $0x1;
	[sflag:s13] =	ssyncadd.s32 $0xFFFFC000;
	s17 =	sadd.s32 $0x80, s17  }
.Ltmp5:
0x66: {  	s20 =	sadd.s32 $0xFFFFFFFF, s20;
	(pc) =	sbr.rel @p0 .LBB2_8-.Ltmp5, $4  }
0x67: {  	_ = 	snop  }
0x68: {  	[spmem:s1] =	stream.indirect.scatter.add.f32 [tilespmem:s16], [sflag:$0x1], $0x80, s17, s15, $0xb8;
	[tilespmem:$0x16400] =	vst v63  }
0x69: {  	_ =	swait.ge [sflag:s13], $0x4000  }
0x6a: {  	[sflag:s13] =	ssyncset.done $0x0  }
.LBB2_9:
0x6b: {  	[sflag:s13] =	ssyncadd.s32 $0xFFFFC000;
	s3 =	sadd.s32 $0x1, s3  }
0x6c: {  	[bflag:$0x0] =	sbarrier.arrive $0xFFFF;
	p0 =	sne.s32 s3, s12  }
0x6d: {  	[hbm:s11], [sflag:s18] =	dma.local [spmem:s19], $0x1400  }
.Ltmp6:
0x6e: {  	_ =	swait.ge [sflag:s13], $0x1400;
	(pc) =	sbr.rel @p0 .LBB2_1-.Ltmp6, $3  }
0x6f: {  	[sflag:s13] =	ssyncset.done $0x0  }
0x70: {  	[sflag:s13] =	ssyncadd.s32 $0xFFFFEC00  }
0x71: {  	[bflag:$0x0] =	sbarrier.arrive $0xFFFF;
	_ =	sdelay $0x1  }
0x72: {  	_ =	sfence.sel $0x180000  }
0x73: {  	[bflag:$0x0] =	sbarrier.arrive $0xFFFF  }
0x74: {  	p0 =	sne.s32 s2, $0x0;
	_ =	strace $0x90000047  }
0x75: {  	s0 =	sadd.s32 @!p0 $0x100000, s0;
	[bflag:$0x2] =	sbarrier.arrive $0xFFFF  }
0x76: {  	[sflag:s0] =	ssyncadd.tile.s32 @!p0 $0x1;
	_ =	shalt  }
.Lfunc_end2:
_tile_overlayer_lowered:
.L_overlay_start_2:
0x77: {  	(tag) =	ssettag $0x2  }
0x78: {  	s0 =	rddreg [dreg:$0x0];
	s2 =	stileid.u32  }
0x79: {  	s1 =	rddreg [dreg:$0x1];
	p0 =	sne.s32 s2, $0x0  }
0x7a: {  	s3 =	rddreg [dreg:$0x2];
	[bflag:$0x3] =	sbarrier.arrive $0xFFFF;
	s2 =	simm.s32 @!p0 $0x1C01  }
0x7b: {  	[timem:s3], [sflag:s2] =	dma.local @!p0 [hbm:s0], s1  }
0x7c: {  	s0 =	simm.s32 @!p0 $0x1  }
0x7d: {  	_ =	swait.ge @!p0 [sflag:s0], s1  }
0x7e: {  	s1 =	ssub.s32 @!p0 $0x0, s1;
	[sflag:s0] =	ssyncset.done @!p0 $0x0  }
0x7f: {  	[sflag:s0] =	ssyncadd.s32 @!p0 s1  }
0x80: {  	[bflag:$0x3] =	sbarrier.arrive $0xFFFF  }
0x81: {  	_ =	shalt  }

// kernel: kernel.13.cloned.1.call-start
scs
__scs_entry_jumppad:
0x0: {  	(pc) =	sbr.rel $0x88, $3  }
0x1: {  	(tag) =	ssettag $0x0;
	lr =	simm.s32 $0x1  }
0x2: {  	[smem:$0x3F96] =	sst lr;
	_ =	strace $0xD0000000  }
0x3: {  	_ = 	snop  }
0x4: {  	_ = 	snop  }
0x5: {  	_ = 	snop  }
0x6: {  	_ = 	snop  }
0x7: {  	_ = 	snop  }
__scs_overlays_trampoline_lowered:
0x8: {  	[smem:$0x3FA5] =	sst s0  }
0x9: {  	[smem:$0x3FA6] =	sst s1  }
0xa: {  	[smem:$0x3FA7] =	sst s2  }
0xb: {  	[smem:$0x3FA8] =	sst s3  }
0xc: {  	[smem:$0x3FA9] =	sst s4  }
0xd: {  	[smem:$0x3FAA] =	sst s5  }
0xe: {  	[smem:$0x3FAB] =	sst s6  }
0xf: {  	[smem:$0x3FAC] =	sst s7  }
0x10: {  	[smem:$0x3FAD] =	sst s8  }
0x11: {  	[smem:$0x3FAE] =	sst s9;
	s0 =	simm.s32 @!p0 $0x0  }
0x12: {  	s1 =	sld [smem:$0x3F94];
	s0 =	simm.s32 @p0 $0x1  }
0x13: {  	[smem:$0x3FAF] =	sst s0;
	s0 =	simm.s32 @!p1 $0x0  }
0x14: {  	s2 =	sld [smem:$0x3F93];
	s0 =	simm.s32 @p1 $0x1  }
0x15: {  	[smem:$0x3FB0] =	sst s0;
	s0 =	simm.s32 @!p2 $0x0  }
0x16: {  	s3 =	sld [smem:$0x3FDB];
	s0 =	simm.s32 @p2 $0x1  }
0x17: {  	s4 =	simm.s32 $0x1BF5;
	[smem:$0x3FB2] =	sst s0  }
0x18: {  	s0 =	sld [smem:$0x3F95];
	_ =	swait.ge [sflag:s4], $0x0  }
0x19: {  	s7 =	sld [smem:$0x3F96]  }
0x1a: {  	s8 =	sadd.s32 $0xFFFFE003, lr  }
0x1b: {  	s9 =	sadd.s32 $0xFFFFFEF7, lr;
	s5 =	simm.s32 $0xFFFFFFFF;
	p2 =	slt.u32 s8, $0xFFFFF086  }
0x1c: {  	p1 =	slt.u32 s9, $0xF7A;
	s5 =	simm.s32 @!p2 $0x0  }
0x1d: {  	s5 =	simm.s32 @p1 $0x1;
	p0 =	seq.s32 s7, s2  }
0x1e: {  	s7 =	smul.u32 @!p0 $0xF7A, s2;
	p2 =	seq.s32 @!p0 s5, $0x0  }
0x1f: {  	s9 =	smul.u32 $0xF7A, s1;
	s8 =	simm.s32 @!p0 $0x1BF5;
	p2 =	por !p2, p0  }
0x20: {  	[sflag:s8] =	ssyncset.s32 @!p0 $0xFFFFF086;
	s6 =	sadd.s32 @!p0 s3, s7;
	s7 =	simm.s32 @!p0 $0x108  }
0x21: {  	s3 =	sadd.s32 s3, s9;
	s6 =	sadd.s32 @!p0 $0x88, s6;
	s7 =	simm.s32 @p2 $0x1082  }
0x22: {  	[simem:s7], [sflag:s8] =	dma.local @!p0 [hbm:s6], $0xF7A  }
0x23: {  	s9 =	sor.u32 $0xD0000000, s2;
	s6 =	simm.s32 $0x108;
	_ =	swait.ge @!p0 [sflag:s8], $0x0  }
0x24: {  	s3 =	sadd.s32 $0x88, s3;
	s6 =	simm.s32 @!p1 $0x1082;
	[sflag:s4] =	ssyncset.s32 $0xFFFFF086  }
0x25: {  	[simem:s6], [sflag:s4] =	dma.local [hbm:s3], $0xF7A  }
0x26: {  	[smem:$0x3F96] =	sst s1;
	(tag) =	ssettag s2;
	_ =	strace s9  }
0x27: {  	s1 =	sld [smem:$0x3FA6]  }
0x28: {  	s2 =	sld [smem:$0x3FA7]  }
0x29: {  	s4 =	sld [smem:$0x3FA9]  }
0x2a: {  	p0 =	seq.s32 s5, $0x0;
	s5 =	sld [smem:$0x3FAA]  }
0x2b: {  	s6 =	sld [smem:$0x3FAB]  }
0x2c: {  	s7 =	sld [smem:$0x3FAC]  }
0x2d: {  	s3 =	simm.s32 $0x108;
	s8 =	sld [smem:$0x3FAD]  }
0x2e: {  	s3 =	simm.s32 @!p0 $0x1082;
	s9 =	sld [smem:$0x3FAE]  }
0x2f: {  	lr =	sadd.s32 s0, s3;
	s0 =	sld [smem:$0x3FA5]  }
0x30: {  	s3 =	sld [smem:$0x3FA8]  }
0x31: {  	[smem:$0x3FB1] =	sst s10  }
0x32: {  	s10 =	sld [smem:$0x3FAF];
	_ =	sdelay $0x3  }
0x33: {  	p0 =	seq.s32 s10, $0x1;
	s10 =	sld [smem:$0x3FB1];
	_ =	sdelay $0x3  }
0x34: {  	[smem:$0x3FB1] =	sst s10  }
0x35: {  	s10 =	sld [smem:$0x3FB0];
	_ =	sdelay $0x3  }
0x36: {  	p1 =	seq.s32 s10, $0x1;
	s10 =	sld [smem:$0x3FB1];
	_ =	sdelay $0x3  }
0x37: {  	[smem:$0x3FB1] =	sst s10  }
0x38: {  	s10 =	sld [smem:$0x3FB2]  }
0x39: {  	_ = 	snop;
	(pc) =	sbr.ind lr, $3  }
0x3a: {  	_ = 	snop  }
0x3b: {  	_ = 	snop  }
0x3c: {  	p2 =	seq.s32 s10, $0x1;
	s10 =	sld [smem:$0x3FB1]  }
0x3d: {  	_ =	shalt  }
0x3e: {  	_ =	shalt  }
0x3f: {  	_ =	shalt  }
0x40: {  	_ =	shalt  }
0x41: {  	_ =	shalt  }
0x42: {  	_ =	shalt  }
0x43: {  	_ =	shalt  }
0x44: {  	_ =	shalt  }
0x45: {  	_ =	shalt  }
0x46: {  	_ =	shalt  }
0x47: {  	_ =	shalt  }
0x48: {  	_ =	shalt  }
0x49: {  	_ =	shalt  }
0x4a: {  	_ =	shalt  }
0x4b: {  	_ =	shalt  }
0x4c: {  	_ =	shalt  }
0x4d: {  	_ =	shalt  }
0x4e: {  	_ =	shalt  }
0x4f: {  	_ =	shalt  }
0x50: {  	_ =	shalt  }
0x51: {  	_ =	shalt  }
0x52: {  	_ =	shalt  }
0x53: {  	_ =	shalt  }
0x54: {  	_ =	shalt  }
0x55: {  	_ =	shalt  }
0x56: {  	_ =	shalt  }
0x57: {  	_ =	shalt  }
0x58: {  	_ =	shalt  }
0x59: {  	_ =	shalt  }
0x5a: {  	_ =	shalt  }
0x5b: {  	_ =	shalt  }
0x5c: {  	_ =	shalt  }
0x5d: {  	_ =	shalt  }
0x5e: {  	_ =	shalt  }
0x5f: {  	_ =	shalt  }
0x60: {  	_ =	shalt  }
0x61: {  	_ =	shalt  }
0x62: {  	_ =	shalt  }
0x63: {  	_ =	shalt  }
0x64: {  	_ =	shalt  }
0x65: {  	_ =	shalt  }
0x66: {  	_ =	shalt  }
0x67: {  	_ =	shalt  }
0x68: {  	_ =	shalt  }
0x69: {  	_ =	shalt  }
0x6a: {  	_ =	shalt  }
0x6b: {  	_ =	shalt  }
0x6c: {  	_ =	shalt  }
0x6d: {  	_ =	shalt  }
0x6e: {  	_ =	shalt  }
0x6f: {  	_ =	shalt  }
0x70: {  	_ =	shalt  }
0x71: {  	_ =	shalt  }
0x72: {  	_ =	shalt  }
0x73: {  	_ =	shalt  }
0x74: {  	_ =	shalt  }
0x75: {  	_ =	shalt  }
0x76: {  	_ =	shalt  }
0x77: {  	_ =	shalt  }
0x78: {  	_ =	shalt  }
0x79: {  	_ =	shalt  }
0x7a: {  	_ =	shalt  }
0x7b: {  	_ =	shalt  }
0x7c: {  	_ =	shalt  }
0x7d: {  	_ =	shalt  }
0x7e: {  	_ =	shalt  }
0x7f: {  	_ =	shalt  }
0x80: {  	_ =	shalt  }
0x81: {  	_ =	shalt  }
0x82: {  	_ =	shalt  }
0x83: {  	_ =	shalt  }
0x84: {  	_ =	shalt  }
0x85: {  	_ =	shalt  }
0x86: {  	_ =	shalt  }
0x87: {  	_ =	shalt  }
.Lfunc_end0:
.L_simem_size_0:
called_computation.1_lowered:
.L_overlay_start_0:
0x88: {  	s2 =	sld [smem:$0x3FD9]  }
0x89: {  	s3 =	sld [smem:$0x3FFE];
	_ =	sdelay $0x1  }
0x8a: {  	s1 =	srdreg.scid  }
0x8b: {  	s0 =	sand.u32 $0x1, s1  }
0x8c: {  	s16 =	sshll.u32 s0, $0xA;
	s2 =	sadd.s32 s3, s2  }
0x8d: {  	s2 =	sadd.s32 s2, s16  }
0x8e: {  	[smem:$0x3FBD] =	sst s2  }
0x8f: {  	_ = 	snop  }
0x90: {  	(tm) =	ssettm $0x1  }
0x91: {  	s17 =	sld [smem:$0x3FFB];
	_ =	sdelay $0x3  }
0x92: {  	_ =	strace s17  }
0x93: {  	s2 =	sld [smem:$0x3FFC];
	_ =	sdelay $0x3  }
0x94: {  	_ =	strace s2  }
0x95: {  	s2 =	sld [smem:$0x3FFD];
	_ =	sdelay $0x3  }
0x96: {  	_ =	strace s2  }
0x97: {  	_ =	strace $0x8FFFFFFF  }
0x98: {  	s18 =	sld [smem:$0x3FDB];
	_ =	sdelay $0x1  }
0x99: {  	s19 =	simm.s32 $_scs_section_size  }
0x9a: {  	s4 =	simm.s32 $_size__tile_overlayer_lowered;
	s5 =	simm.s32 $_tile_overlayer_lowered  }
0x9b: {  	s22 =	simm.s32 $0x1BFF;
	s21 =	sshll.u32 s5, $0x1;
	s2 =	sadd.s32 s19, s18  }
0x9c: {  	s6 =	simm.s32 $0x0;
	s20 =	sshll.u32 s4, $0x1;
	s4 =	sadd.s32 s21, s2  }
0x9d: {  	[timem:s6], [sflag:s22] =	dma.local [hbm:s4], s20  }
0x9e: {  	_ =	swait.ge [sflag:s22], s20  }
0x9f: {  	s3 =	ssub.s32 $0x0, s20;
	[sflag:s22] =	ssyncset.done $0x0  }
0xa0: {  	[sflag:s22] =	ssyncadd.s32 s3;
	_ =	sdelay $0x1  }
0xa1: {  	s23 =	simm.s32 $0x1B8B  }
0xa2: {  	_ =	swait.ge [sflag:s23], $0x1  }
0xa3: {  	[sflag:s23] =	ssyncset.done $0x0  }
0xa4: {  	s25 =	simm.s32 $0x1B8E;
	s24 =	sld [smem:$0x3FFE];
	[sflag:s23] =	ssyncadd.s32 $0xFFFFFFFF  }
0xa5: {  	s26 =	simm.s32 $execute0_lowered;
	[smem:$0x3FD2] =	sst s25  }
0xa6: {  	s4 =	sshll.u32 s26, $0x1;
	_ =	strace $0x80000049;
	[dreg:$0x1] =	wrdreg $0xFFFFFFFF  }
0xa7: {  	s28 =	simm.s32 $_size_execute0_lowered;
	s2 =	sadd.s32 s2, s4;
	[dreg:$0x0] =	wrdreg $0x0  }
0xa8: {  	s4 =	sshll.u32 s28, $0x1;
	[dreg:$0x2] =	wrdreg s2  }
0xa9: {  	[dreg:$0x3] =	wrdreg s4  }
0xaa: {  	[dreg:$0x4] =	wrdreg $0xC0  }
0xab: {  	_ =	task [dreg:s6], $0x5FFFF  }
0xac: {  	[dreg:$0x1] =	wrdreg $0xFFFFFFFF  }
0xad: {  	[dreg:$0x0] =	wrdreg $0x60  }
0xae: {  	[dreg:$0x2] =	wrdreg s24  }
0xaf: {  	[dreg:$0x3] =	wrdreg $0x140000  }
0xb0: {  	[dreg:$0x4] =	wrdreg $0x9  }
0xb1: {  	_ =	task.clear_ibuf [dreg:s6], $0x5FFFF;
	_ =	strace $0x90000049  }
0xb2: {  	s29 =	simm.s32 $0x9;
	_ =	strace $0x8000004B  }
0xb3: {  	_ =	swait.ge [sflag:s29], $0x1  }
0xb4: {  	[sflag:s29] =	ssyncadd.s32 $0xFFFFFFFF  }
0xb5: {  	_ =	strace $0x9000004B  }
0xb6: {  	_ =	sfence  }
0xb7: {  	s30 =	sld [smem:$0x0];
	_ =	sdelay $0x2  }
0xb8: {  	s31 =	sshll.u32 s1, $0xD;
	s1 =	sshrl.u32 s1, $0x2  }
0xb9: {  	s3 =	sand.u32 $0x4000, s31;
	s1 =	sadd.s32 s1, s30  }
0xba: {  	s0 =	sor.u32 s3, s0;
	s1 =	sshll.u32 s1, $0x11  }
0xbb: {  	s0 =	sor.u32 s1, s0  }
0xbc: {  	s0 =	sadd.s32 $0x8F2B, s0  }
0xbd: {  	[sflag:s0] =	ssyncadd.remote.s32 $0x1  }
0xbe: {  	_ =	sfence.sel $0xFFFF  }
0xbf: {  	[dreg:$0x0] =	wrdreg $0xFFFFFFFF;
	(pc) =	sbr.abs _section_cstart, $3  }
0xc0: {  	[dreg:$0x1] =	wrdreg $0xFFFFFFFF  }
0xc1: {  	_ =	task.clear_ibuf [dreg:s6], $0x2FFFF;
	_ =	strace $0x9FFFFFFF  }
0xc2: {  	(tm) =	ssettm $0x7FFFFFFF  }
0xc3: {  	_ =	shalt  }
tec
execute0_lowered:
.L_overlay_start_1:
0x0: {  	(tag) =	ssettag $0x1  }
0x1: {  	s0 =	rddreg [dreg:$0x0]  }
0x2: {  	s1 =	srdreg.scid;
	s2 =	rddreg [dreg:$0x1]  }
0x3: {  	s7 =	stileid.u32;
	s5 =	simm.s32 $0x0;
	s16 =	simm.s32 $0x3  }
0x4: {  	s18 =	simm.s32 $0x10000;
	s19 =	simm.s32 $0x80;
	s20 =	simm.s32 $0x8000  }
0x5: {  	s21 =	simm.s32 $0x1;
	s22 =	simm.s32 $0xC000;
	s4 =	smul.u32 $0xA000, s7  }
0x6: {  	s23 =	simm.s32 $0x2;
	s1 =	sand.u32 $0x1, s1;
	s26 =	smul.u32 $0x28000, s7  }
0x7: {  	[smem:$0x7FF] =	sst s5;
	s24 =	sshll.u32 s7, $0xC;
	s3 =	smul.u32 $0x140000, s1  }
0x8: {  	s6 =	sshll.u32 s1, $0xB;
	_ =	strace $0x8000004A;
	s25 =	ssub.s32 $0x2, s1  }
0x9: {  	p0 =	seq.s32 s1, $0x0;
	s1 =	simm.s32 $0x12;
	s5 =	sor.u32 s6, s24  }
0xa: {  	s28 =	sshrl.u32 s25, $0x1;
	s1 =	simm.s32 @!p0 $0x3D;
	s29 =	sshrl.u32 s26, $0x2  }
0xb: {  	s24 =	simm.s32 $0x0;
	s3 =	sadd.s32 s4, s3;
	s4 =	sadd.s32 $0x82E00, s0  }
0xc: {  	s5 =	sadd.s32 s5, s0;
	s7 =	sadd.s32 s29, s2;
	s10 =	sadd.s32 $0xFFFFFFFF, s1  }
0xd: {  	s1 =	sshll.u32 s1, $0xA;
	s3 =	sshrl.u32 s3, $0x3;
	s30 =	sadd.s32 $0x72E00, s5  }
0xe: {  	s31 =	sadd.s32 $0x12E00, s5;
	s8 =	sadd.s32 $0x4000, s7;
	s9 =	sadd.s32 $0x8000, s7  }
0xf: {  	s12 =	sadd.s32 $0x2E00, s5;
	s15 =	sadd.s32 $0xFFFFFC00, s1;
	[dreg:$0x3] =	wrdreg s30  }
0x10: {  	s0 =	sadd.s32 s3, s0;
	s3 =	ssub.s32 s25, s28;
	[dreg:$0x4] =	wrdreg s31  }
0x11: {  	v0 =	vimm.f32 $0.0e+00;
	s11 =	sadd.s32 $0xAA000, s0;
	s13 =	sadd.s32 $0xBE000, s0;
	s14 =	smax.u32 s3, $0x1  }
.LBB2_1:
0x12: {  	s0 =	simm.s32 $0x0;
	s1 =	simm.s32 $0x200  }
.LBB2_2:
0x13: {  	p0 =	sne.s32 s1, $0xFE00;
	[tilespmem:s0+$0x10070] =	vst v0  }
0x14: {  	[tilespmem:s0+$0x10000] =	vst v0  }
0x15: {  	[tilespmem:s0+$0x10010] =	vst v0  }
.Ltmp0:
0x16: {  	[tilespmem:s0+$0x10020] =	vst v0;
	(pc) =	sbr.rel @p0 .LBB2_2-.Ltmp0, $4  }
0x17: {  	[tilespmem:s0+$0x10030] =	vst v0  }
0x18: {  	[tilespmem:s0+$0x10040] =	vst v0  }
0x19: {  	[tilespmem:s0+$0x10050] =	vst v0  }
0x1a: {  	[tilespmem:s0+$0x10060] =	vst v0;
	s0 =	sshra.s32 s1, $0x2;
	s1 =	sadd.s32 $0x200, s1  }
0x1b: {  	[tilespmem:s0+$0x10070] =	vst v0  }
0x1c: {  	[tilespmem:s0+$0x10000] =	vst v0  }
0x1d: {  	[tilespmem:s0+$0x10010] =	vst v0  }
0x1e: {  	[tilespmem:s0+$0x10020] =	vst v0  }
0x1f: {  	[tilespmem:s0+$0x10030] =	vst v0  }
0x20: {  	[tilespmem:s0+$0x10040] =	vst v0  }
0x21: {  	[tilespmem:s0+$0x10050] =	vst v0  }
0x22: {  	[tilespmem:s0+$0x10060] =	vst v0;
	s25 =	simm.s32 $0x0;
	s1 =	rddreg [dreg:$0x3]  }
0x23: {  	[tilespmem:s25], [sflag:$0x3] =	stream.linear.gather [hbm4b:s1+s25], $0x3D00, $0x38;
	[tilespmem:$0x1E400] =	vst v63  }
0x24: {  	_ =	swait.ge [sflag:s16], $0x3D00  }
0x25: {  	[sflag:s16] =	ssyncset.done $0x0  }
0x26: {  	s3 =	simm.s32 $0x4000;
	s26 =	rddreg [dreg:$0x4];
	[sflag:s16] =	ssyncadd.s32 $0xFFFFC300  }
0x27: {  	[tilespmem:s3], [sflag:$0x3] =	stream.linear.gather [hbm4b:s26+s25], $0x3D00, $0x38;
	[tilespmem:$0x1E400] =	vst v63  }
0x28: {  	_ =	swait.ge [sflag:s16], $0x3D00  }
0x29: {  	[sflag:s16] =	ssyncset.done $0x0  }
0x2a: {  	[sflag:s16] =	ssyncadd.s32 $0xFFFFC300  }
0x2b: {  	[spmem:s7] =	stream.linear.scatter [tilespmem:s18], [sflag:$0x3], $0x4000, $0x38;
	[tilespmem:$0x1E400] =	vst v63  }
0x2c: {  	_ =	swait.ge [sflag:s16], $0x4000  }
0x2d: {  	[sflag:s16] =	ssyncset.done $0x0  }
0x2e: {  	[sflag:s16] =	ssyncadd.s32 $0xFFFFC000  }
0x2f: {  	[spmem:s8] =	stream.linear.scatter [tilespmem:s18], [sflag:$0x3], $0x4000, $0x38;
	[tilespmem:$0x1E400] =	vst v63  }
0x30: {  	_ =	swait.ge [sflag:s16], $0x4000  }
0x31: {  	[sflag:s16] =	ssyncset.done $0x0  }
0x32: {  	[sflag:s16] =	ssyncadd.s32 $0xFFFFC000  }
0x33: {  	[spmem:s9] =	stream.linear.scatter [tilespmem:s18], [sflag:$0x3], $0x2000, $0x38;
	[tilespmem:$0x1E400] =	vst v63  }
0x34: {  	_ =	swait.ge [sflag:s16], $0x2000  }
0x35: {  	[sflag:s16] =	ssyncset.done $0x0  }
0x36: {  	[sflag:s16] =	ssyncadd.s32 $0xFFFFE000  }
0x37: {  	[bflag:$0x0] =	sbarrier.arrive $0xFFFF  }
0x38: {  	[tilespmem:s20], [sflag:$0x1] =	stream.indirect.gather [hbm4b:s4+s19], $0x80, s25, s19, $0xb8;
	[tilespmem:$0x1E400] =	vst v63  }
0x39: {  	_ =	swait.ge [sflag:s21], $0x4000  }
0x3a: {  	[sflag:s21] =	ssyncset.done $0x0  }
0x3b: {  	s28 =	simm.s32 $0x80;
	[sflag:s21] =	ssyncadd.s32 $0xFFFFC000  }
0x3c: {  	[tilespmem:s22], [sflag:$0x2] =	stream.indirect.gather [hbm4b:s4+s19], $0x80, s28, s19, $0xb8;
	[tilespmem:$0x1E400] =	vst v63  }
0x3d: {  	s29 =	simm.s32 $0x4000  }
0x3e: {  	[spmem:s2] =	stream.indirect.scatter.add.f32 [tilespmem:s20], [sflag:$0x3], $0x80, s29, s19, $0xb8;
	[tilespmem:$0x1E400] =	vst v63  }
0x3f: {  	_ =	swait.ge [sflag:s16], $0x4000  }
0x40: {  	[sflag:s16] =	ssyncset.done $0x0  }
0x41: {  	[sflag:s16] =	ssyncadd.s32 $0xFFFFC000  }
0x42: {  	_ =	swait.ge [sflag:s23], $0x4000  }
0x43: {  	[sflag:s23] =	ssyncset.done $0x0  }
0x44: {  	s30 =	simm.s32 $0x100;
	p0 =	sne.s32 s15, $0x400;
	[sflag:s23] =	ssyncadd.s32 $0xFFFFC000  }
0x45: {  	[tilespmem:s20], [sflag:$0x1] =	stream.indirect.gather [hbm4b:s4+s19], $0x80, s30, s19, $0xb8;
	[tilespmem:$0x1E400] =	vst v63  }
.Ltmp1:
0x46: {  	_ = 	snop;
	(pc) =	sbr.rel @!p0 .LBB2_5-.Ltmp1, $4  }
0x47: {  	s31 =	simm.s32 $0x4080  }
0x48: {  	[spmem:s2] =	stream.indirect.scatter.add.f32 [tilespmem:s22], [sflag:$0x3], $0x80, s31, s19, $0xb8;
	[tilespmem:$0x1E400] =	vst v63  }
0x49: {  	s0 =	simm.s32 $0x400;
	s1 =	simm.s32 $0xFFFFFFFF;
	_ =	swait.ge [sflag:s16], $0x4000  }
0x4a: {  	s3 =	simm.s32 $0x2;
	s25 =	simm.s32 $0x1;
	[sflag:s16] =	ssyncset.done $0x0  }
.LBB2_4:
0x4b: {  	s25 =	smov.u32 s3;
	s1 =	sadd.s32 $0x1, s1  }
0x4c: {  	s5 =	smov.u32 s0;
	s0 =	sadd.s32 $0x400, s0;
	[sflag:s16] =	ssyncadd.s32 $0xFFFFC000  }
0x4d: {  	p0 =	sne.s32 s15, s0  }
0x4e: {  	_ =	swait.ge [sflag:s21], $0x4000  }
0x4f: {  	s5 =	sshra.s32 s5, $0x2;
	[sflag:s21] =	ssyncset.done $0x0  }
0x50: {  	s17 =	sadd.s32 $0x80, s5;
	[sflag:s21] =	ssyncadd.s32 $0xFFFFC000  }
0x51: {  	[tilespmem:s22], [sflag:$0x2] =	stream.indirect.gather [hbm4b:s4+s19], $0x80, s17, s19, $0xb8;
	[tilespmem:$0x1E400] =	vst v63  }
0x52: {  	s17 =	sadd.s32 $0x4000, s5  }
0x53: {  	[spmem:s2] =	stream.indirect.scatter.add.f32 [tilespmem:s20], [sflag:$0x3], $0x80, s17, s19, $0xb8;
	[tilespmem:$0x1E400] =	vst v63  }
0x54: {  	_ =	swait.ge [sflag:s16], $0x4000  }
0x55: {  	[sflag:s16] =	ssyncset.done $0x0  }
0x56: {  	[sflag:s16] =	ssyncadd.s32 $0xFFFFC000  }
0x57: {  	_ =	swait.ge [sflag:s23], $0x4000  }
0x58: {  	[sflag:s23] =	ssyncset.done $0x0  }
0x59: {  	s17 =	sadd.s32 $0x100, s5;
	[sflag:s23] =	ssyncadd.s32 $0xFFFFC000  }
0x5a: {  	[tilespmem:s20], [sflag:$0x1] =	stream.indirect.gather [hbm4b:s4+s19], $0x80, s17, s19, $0xb8;
	[tilespmem:$0x1E400] =	vst v63  }
.Ltmp2:
0x5b: {  	_ = 	snop;
	(pc) =	sbr.rel @p0 .LBB2_4-.Ltmp2, $4  }
0x5c: {  	s5 =	sadd.s32 $0x4080, s5  }
0x5d: {  	[spmem:s2] =	stream.indirect.scatter.add.f32 [tilespmem:s22], [sflag:$0x3], $0x80, s5, s19, $0xb8;
	[tilespmem:$0x1E400] =	vst v63  }
0x5e: {  	_ =	swait.ge [sflag:s16], $0x4000  }
0x5f: {  	s3 =	sadd.s32 $0x1, s3;
	[sflag:s16] =	ssyncset.done $0x0  }
.LBB2_5:
0x60: {  	[sflag:s16] =	ssyncadd.s32 $0xFFFFC000  }
0x61: {  	_ =	swait.ge [sflag:s21], $0x4000  }
0x62: {  	s3 =	sshra.s32 s0, $0x2;
	[sflag:s21] =	ssyncset.done $0x0  }
0x63: {  	s26 =	sadd.s32 $0x80, s3;
	[sflag:s21] =	ssyncadd.s32 $0xFFFFC000  }
0x64: {  	[tilespmem:s22], [sflag:$0x2] =	stream.indirect.gather [hbm4b:s4+s19], $0x80, s26, s19, $0xb8;
	[tilespmem:$0x1E400] =	vst v63  }
0x65: {  	s28 =	sadd.s32 $0x4000, s3  }
0x66: {  	[spmem:s2] =	stream.indirect.scatter.add.f32 [tilespmem:s20], [sflag:$0x3], $0x80, s28, s19, $0xb8;
	[tilespmem:$0x1E400] =	vst v63  }
0x67: {  	_ =	swait.ge [sflag:s16], $0x4000  }
0x68: {  	s1 =	sadd.s32 $0x1, s1;
	[sflag:s16] =	ssyncset.done $0x0  }
0x69: {  	s1 =	sadd.s32 $0x1, s1;
	[sflag:s16] =	ssyncadd.s32 $0xFFFFC000  }
0x6a: {  	p0 =	sge.u32 s1, s10;
	_ =	swait.ge [sflag:s23], $0x4000  }
0x6b: {  	s0 =	sshra.s32 @!p0 s0, $0x2;
	s30 =	simm.s32 @!p0 $0x80;
	[sflag:s23] =	ssyncset.done $0x0  }
0x6c: {  	s31 =	simm.s32 @!p0 $0x8000;
	s29 =	sadd.s32 @!p0 $0x100, s0;
	[sflag:s23] =	ssyncadd.s32 $0xFFFFC000  }
0x6d: {  	[tilespmem:s31], [sflag:$0x1] =	stream.indirect.gather @!p0 [hbm4b:s4+s30], $0x80, s29, s30, $0xb8;
	[tilespmem:$0x1E400] =	vst v63  }
0x6e: {  	s0 =	sadd.s32 $0x4080, s3  }
0x6f: {  	[spmem:s2] =	stream.indirect.scatter.add.f32 [tilespmem:s22], [sflag:$0x3], $0x80, s0, s19, $0xb8;
	[tilespmem:$0x1E400] =	vst v63  }
0x70: {  	_ =	swait.ge [sflag:s16], $0x4000  }
0x71: {  	s5 =	stileid.u32;
	[sflag:s16] =	ssyncset.done $0x0  }
0x72: {  	s1 =	sshll.u32 s5, $0x6;
	[sflag:s16] =	ssyncadd.s32 $0xFFFFC000  }
0x73: {  	s17 =	sshrl.u32 s7, $0x3;
	s1 =	sor.u32 $0x1C03, s1;
	[bflag:$0x0] =	sbarrier.arrive $0xFFFF  }
0x74: {  	[hbm:s11], [sflag:s1] =	dma.local [spmem:s17], $0x1400  }
0x75: {  	_ =	swait.ge [sflag:s16], $0x1400  }
0x76: {  	[sflag:s16] =	ssyncset.done $0x0  }
0x77: {  	[sflag:s16] =	ssyncadd.s32 $0xFFFFEC00  }
0x78: {  	s5 =	simm.s32 $0x0;
	s3 =	simm.s32 $0x4000;
	[bflag:$0x0] =	sbarrier.arrive $0xFFFF  }
0x79: {  	[tilespmem:s3], [sflag:$0x3] =	stream.linear.gather [hbm4b:s12+s5], $0x3D00, $0x38;
	[tilespmem:$0x1E400] =	vst v63  }
0x7a: {  	_ =	swait.ge [sflag:s16], $0x3D00  }
0x7b: {  	[sflag:s16] =	ssyncset.done $0x0  }
0x7c: {  	[sflag:s16] =	ssyncadd.s32 $0xFFFFC300  }
0x7d: {  	[spmem:s7] =	stream.linear.scatter [tilespmem:s18], [sflag:$0x3], $0x4000, $0x38;
	[tilespmem:$0x1E400] =	vst v63  }
0x7e: {  	_ =	swait.ge [sflag:s16], $0x4000  }
0x7f: {  	[sflag:s16] =	ssyncset.done $0x0  }
0x80: {  	[sflag:s16] =	ssyncadd.s32 $0xFFFFC000  }
0x81: {  	[spmem:s8] =	stream.linear.scatter [tilespmem:s18], [sflag:$0x3], $0x4000, $0x38;
	[tilespmem:$0x1E400] =	vst v63  }
0x82: {  	_ =	swait.ge [sflag:s16], $0x4000  }
0x83: {  	[sflag:s16] =	ssyncset.done $0x0  }
0x84: {  	[sflag:s16] =	ssyncadd.s32 $0xFFFFC000  }
0x85: {  	[spmem:s9] =	stream.linear.scatter [tilespmem:s18], [sflag:$0x3], $0x2000, $0x38;
	[tilespmem:$0x1E400] =	vst v63  }
0x86: {  	_ =	swait.ge [sflag:s16], $0x2000  }
0x87: {  	[sflag:s16] =	ssyncset.done $0x0  }
0x88: {  	[sflag:s16] =	ssyncadd.s32 $0xFFFFE000  }
0x89: {  	[bflag:$0x0] =	sbarrier.arrive $0xFFFF  }
0x8a: {  	[tilespmem:s20], [sflag:$0x1] =	stream.indirect.gather [hbm4b:s4+s19], $0x80, s5, s19, $0xb8;
	[tilespmem:$0x1E400] =	vst v63  }
0x8b: {  	_ =	swait.ge [sflag:s21], $0x4000  }
0x8c: {  	[sflag:s21] =	ssyncset.done $0x0  }
0x8d: {  	s6 =	simm.s32 $0x80;
	[sflag:s21] =	ssyncadd.s32 $0xFFFFC000  }
0x8e: {  	[tilespmem:s22], [sflag:$0x2] =	stream.indirect.gather [hbm4b:s4+s19], $0x80, s6, s19, $0xb8;
	[tilespmem:$0x1E400] =	vst v63  }
0x8f: {  	_ = 	snop  }
0x90: {  	[spmem:s2] =	stream.indirect.scatter.add.f32 [tilespmem:s20], [sflag:$0x3], $0x80, s3, s19, $0xb8;
	[tilespmem:$0x1E400] =	vst v63  }
0x91: {  	_ =	swait.ge [sflag:s16], $0x4000  }
0x92: {  	[sflag:s16] =	ssyncset.done $0x0  }
0x93: {  	[sflag:s16] =	ssyncadd.s32 $0xFFFFC000  }
0x94: {  	_ =	swait.ge [sflag:s23], $0x4000  }
0x95: {  	[sflag:s23] =	ssyncset.done $0x0  }
0x96: {  	p1 =	sne.s32 s25, $0x1;
	s5 =	simm.s32 $0x100;
	[sflag:s23] =	ssyncadd.s32 $0xFFFFC000  }
0x97: {  	[tilespmem:s20], [sflag:$0x1] =	stream.indirect.gather [hbm4b:s4+s19], $0x80, s5, s19, $0xb8;
	[tilespmem:$0x1E400] =	vst v63  }
.Ltmp3:
0x98: {  	_ = 	snop;
	(pc) =	sbr.rel @!p1 .LBB2_7-.Ltmp3, $4  }
0x99: {  	s6 =	simm.s32 $0x4080  }
0x9a: {  	[spmem:s2] =	stream.indirect.scatter.add.f32 [tilespmem:s22], [sflag:$0x3], $0x80, s6, s19, $0xb8;
	[tilespmem:$0x1E400] =	vst v63  }
0x9b: {  	_ =	swait.ge [sflag:s16], $0x4000  }
0x9c: {  	s25 =	sadd.s32 $0xFFFFFFFF, s25;
	[sflag:s16] =	ssyncset.done $0x0  }
.LBB2_6:
0x9d: {  	[sflag:s16] =	ssyncadd.s32 $0xFFFFC000;
	s5 =	sadd.s32 $0x100, s5;
	s3 =	sadd.s32 $0x100, s3  }
0x9e: {  	p1 =	sne.s32 s25, $0x1;
	s25 =	sadd.s32 $0xFFFFFFFF, s25  }
0x9f: {  	_ =	swait.ge [sflag:s21], $0x4000  }
0xa0: {  	[sflag:s21] =	ssyncset.done $0x0  }
0xa1: {  	s6 =	sadd.s32 $0xFFFFFF80, s5;
	[sflag:s21] =	ssyncadd.s32 $0xFFFFC000  }
0xa2: {  	[tilespmem:s22], [sflag:$0x2] =	stream.indirect.gather [hbm4b:s4+s19], $0x80, s6, s19, $0xb8;
	[tilespmem:$0x1E400] =	vst v63  }
0xa3: {  	_ = 	snop  }
0xa4: {  	[spmem:s2] =	stream.indirect.scatter.add.f32 [tilespmem:s20], [sflag:$0x3], $0x80, s3, s19, $0xb8;
	[tilespmem:$0x1E400] =	vst v63  }
0xa5: {  	_ =	swait.ge [sflag:s16], $0x4000  }
0xa6: {  	[sflag:s16] =	ssyncset.done $0x0  }
0xa7: {  	[sflag:s16] =	ssyncadd.s32 $0xFFFFC000  }
0xa8: {  	_ =	swait.ge [sflag:s23], $0x4000  }
0xa9: {  	[sflag:s23] =	ssyncset.done $0x0  }
0xaa: {  	[sflag:s23] =	ssyncadd.s32 $0xFFFFC000  }
0xab: {  	[tilespmem:s20], [sflag:$0x1] =	stream.indirect.gather [hbm4b:s4+s19], $0x80, s5, s19, $0xb8;
	[tilespmem:$0x1E400] =	vst v63  }
.Ltmp4:
0xac: {  	_ = 	snop;
	(pc) =	sbr.rel @p1 .LBB2_6-.Ltmp4, $4  }
0xad: {  	s6 =	sadd.s32 $0x80, s3  }
0xae: {  	[spmem:s2] =	stream.indirect.scatter.add.f32 [tilespmem:s22], [sflag:$0x3], $0x80, s6, s19, $0xb8;
	[tilespmem:$0x1E400] =	vst v63  }
0xaf: {  	_ =	swait.ge [sflag:s16], $0x4000  }
0xb0: {  	[sflag:s16] =	ssyncset.done $0x0  }
.LBB2_7:
0xb1: {  	[sflag:s16] =	ssyncadd.s32 $0xFFFFC000  }
0xb2: {  	_ =	swait.ge [sflag:s21], $0x4000  }
0xb3: {  	[sflag:s21] =	ssyncset.done $0x0  }
0xb4: {  	[sflag:s21] =	ssyncadd.s32 $0xFFFFC000  }
0xb5: {  	[tilespmem:s22], [sflag:$0x2] =	stream.indirect.gather [hbm4b:s4+s19], $0x80, s26, s19, $0xb8;
	[tilespmem:$0x1E400] =	vst v63  }
0xb6: {  	_ = 	snop  }
0xb7: {  	[spmem:s2] =	stream.indirect.scatter.add.f32 [tilespmem:s20], [sflag:$0x3], $0x80, s28, s19, $0xb8;
	[tilespmem:$0x1E400] =	vst v63  }
0xb8: {  	_ =	swait.ge [sflag:s16], $0x4000  }
0xb9: {  	[sflag:s16] =	ssyncset.done $0x0  }
0xba: {  	[sflag:s16] =	ssyncadd.s32 $0xFFFFC000  }
0xbb: {  	_ =	swait.ge [sflag:s23], $0x4000  }
0xbc: {  	[sflag:s23] =	ssyncset.done $0x0  }
0xbd: {  	[sflag:s23] =	ssyncadd.s32 $0xFFFFC000  }
0xbe: {  	[tilespmem:s31], [sflag:$0x1] =	stream.indirect.gather @!p0 [hbm4b:s4+s30], $0x80, s29, s30, $0xb8;
	[tilespmem:$0x1E400] =	vst v63  }
0xbf: {  	_ = 	snop  }
0xc0: {  	[spmem:s2] =	stream.indirect.scatter.add.f32 [tilespmem:s22], [sflag:$0x3], $0x80, s0, s19, $0xb8;
	[tilespmem:$0x1E400] =	vst v63  }
0xc1: {  	_ =	swait.ge [sflag:s16], $0x4000  }
0xc2: {  	[sflag:s16] =	ssyncset.done $0x0  }
0xc3: {  	s24 =	sadd.s32 $0x1, s24;
	[sflag:s16] =	ssyncadd.s32 $0xFFFFC000  }
0xc4: {  	p0 =	sne.s32 s24, s14;
	[bflag:$0x0] =	sbarrier.arrive $0xFFFF  }
0xc5: {  	[hbm:s13], [sflag:s1] =	dma.local [spmem:s17], $0x1400  }
.Ltmp5:
0xc6: {  	_ =	swait.ge [sflag:s16], $0x1400;
	(pc) =	sbr.rel @p0 .LBB2_1-.Ltmp5, $3  }
0xc7: {  	[sflag:s16] =	ssyncset.done $0x0  }
0xc8: {  	[sflag:s16] =	ssyncadd.s32 $0xFFFFEC00  }
0xc9: {  	[bflag:$0x0] =	sbarrier.arrive $0xFFFF;
	_ =	sdelay $0x1  }
0xca: {  	_ =	sfence.sel $0x180000  }
0xcb: {  	[bflag:$0x0] =	sbarrier.arrive $0xFFFF  }
0xcc: {  	_ =	strace $0x9000004A  }
0xcd: {  	s0 =	stileid.u32;
	[bflag:$0x2] =	sbarrier.arrive $0xFFFF  }
0xce: {  	p0 =	sne.s32 s0, $0x0;
	s0 =	rddreg [dreg:$0x2]  }
0xcf: {  	s0 =	sadd.s32 @!p0 $0x100000, s0  }
0xd0: {  	[sflag:s0] =	ssyncadd.tile.s32 @!p0 $0x1;
	_ =	shalt  }
.Lfunc_end2:
_tile_overlayer_lowered:
.L_overlay_start_2:
0xd1: {  	(tag) =	ssettag $0x2  }
0xd2: {  	s0 =	rddreg [dreg:$0x0];
	s2 =	stileid.u32  }
0xd3: {  	s1 =	rddreg [dreg:$0x1];
	p0 =	sne.s32 s2, $0x0  }
0xd4: {  	s3 =	rddreg [dreg:$0x2];
	[bflag:$0x3] =	sbarrier.arrive $0xFFFF;
	s2 =	simm.s32 @!p0 $0x1C03  }
0xd5: {  	[timem:s3], [sflag:s2] =	dma.local @!p0 [hbm:s0], s1  }
0xd6: {  	s0 =	simm.s32 @!p0 $0x3  }
0xd7: {  	_ =	swait.ge @!p0 [sflag:s0], s1  }
0xd8: {  	s1 =	ssub.s32 @!p0 $0x0, s1;
	[sflag:s0] =	ssyncset.done @!p0 $0x0  }
0xd9: {  	[sflag:s0] =	ssyncadd.s32 @!p0 s1  }
0xda: {  	[bflag:$0x3] =	sbarrier.arrive $0xFFFF  }
0xdb: {  	_ =	shalt  }

// kernel: kernel.16.cloned.1.call-start
scs
__scs_entry_jumppad:
0x0: {  	(pc) =	sbr.rel $0x88, $3  }
0x1: {  	(tag) =	ssettag $0x0;
	lr =	simm.s32 $0x1  }
0x2: {  	[smem:$0x3F96] =	sst lr;
	_ =	strace $0xD0000000  }
0x3: {  	_ = 	snop  }
0x4: {  	_ = 	snop  }
0x5: {  	_ = 	snop  }
0x6: {  	_ = 	snop  }
0x7: {  	_ = 	snop  }
__scs_overlays_trampoline_lowered:
0x8: {  	[smem:$0x3FA5] =	sst s0  }
0x9: {  	[smem:$0x3FA6] =	sst s1  }
0xa: {  	[smem:$0x3FA7] =	sst s2  }
0xb: {  	[smem:$0x3FA8] =	sst s3  }
0xc: {  	[smem:$0x3FA9] =	sst s4  }
0xd: {  	[smem:$0x3FAA] =	sst s5  }
0xe: {  	[smem:$0x3FAB] =	sst s6  }
0xf: {  	[smem:$0x3FAC] =	sst s7  }
0x10: {  	[smem:$0x3FAD] =	sst s8  }
0x11: {  	[smem:$0x3FAE] =	sst s9;
	s0 =	simm.s32 @!p0 $0x0  }
0x12: {  	s1 =	sld [smem:$0x3F94];
	s0 =	simm.s32 @p0 $0x1  }
0x13: {  	[smem:$0x3FAF] =	sst s0;
	s0 =	simm.s32 @!p1 $0x0  }
0x14: {  	s2 =	sld [smem:$0x3F93];
	s0 =	simm.s32 @p1 $0x1  }
0x15: {  	[smem:$0x3FB0] =	sst s0;
	s0 =	simm.s32 @!p2 $0x0  }
0x16: {  	s3 =	sld [smem:$0x3FDB];
	s0 =	simm.s32 @p2 $0x1  }
0x17: {  	s4 =	simm.s32 $0x1BF5;
	[smem:$0x3FB2] =	sst s0  }
0x18: {  	s0 =	sld [smem:$0x3F95];
	_ =	swait.ge [sflag:s4], $0x0  }
0x19: {  	s7 =	sld [smem:$0x3F96]  }
0x1a: {  	s8 =	sadd.s32 $0xFFFFE003, lr  }
0x1b: {  	s9 =	sadd.s32 $0xFFFFFEF7, lr;
	s5 =	simm.s32 $0xFFFFFFFF;
	p2 =	slt.u32 s8, $0xFFFFF086  }
0x1c: {  	p1 =	slt.u32 s9, $0xF7A;
	s5 =	simm.s32 @!p2 $0x0  }
0x1d: {  	s5 =	simm.s32 @p1 $0x1;
	p0 =	seq.s32 s7, s2  }
0x1e: {  	s7 =	smul.u32 @!p0 $0xF7A, s2;
	p2 =	seq.s32 @!p0 s5, $0x0  }
0x1f: {  	s9 =	smul.u32 $0xF7A, s1;
	s8 =	simm.s32 @!p0 $0x1BF5;
	p2 =	por !p2, p0  }
0x20: {  	[sflag:s8] =	ssyncset.s32 @!p0 $0xFFFFF086;
	s6 =	sadd.s32 @!p0 s3, s7;
	s7 =	simm.s32 @!p0 $0x108  }
0x21: {  	s3 =	sadd.s32 s3, s9;
	s6 =	sadd.s32 @!p0 $0x88, s6;
	s7 =	simm.s32 @p2 $0x1082  }
0x22: {  	[simem:s7], [sflag:s8] =	dma.local @!p0 [hbm:s6], $0xF7A  }
0x23: {  	s9 =	sor.u32 $0xD0000000, s2;
	s6 =	simm.s32 $0x108;
	_ =	swait.ge @!p0 [sflag:s8], $0x0  }
0x24: {  	s3 =	sadd.s32 $0x88, s3;
	s6 =	simm.s32 @!p1 $0x1082;
	[sflag:s4] =	ssyncset.s32 $0xFFFFF086  }
0x25: {  	[simem:s6], [sflag:s4] =	dma.local [hbm:s3], $0xF7A  }
0x26: {  	[smem:$0x3F96] =	sst s1;
	(tag) =	ssettag s2;
	_ =	strace s9  }
0x27: {  	s1 =	sld [smem:$0x3FA6]  }
0x28: {  	s2 =	sld [smem:$0x3FA7]  }
0x29: {  	s4 =	sld [smem:$0x3FA9]  }
0x2a: {  	p0 =	seq.s32 s5, $0x0;
	s5 =	sld [smem:$0x3FAA]  }
0x2b: {  	s6 =	sld [smem:$0x3FAB]  }
0x2c: {  	s7 =	sld [smem:$0x3FAC]  }
0x2d: {  	s3 =	simm.s32 $0x108;
	s8 =	sld [smem:$0x3FAD]  }
0x2e: {  	s3 =	simm.s32 @!p0 $0x1082;
	s9 =	sld [smem:$0x3FAE]  }
0x2f: {  	lr =	sadd.s32 s0, s3;
	s0 =	sld [smem:$0x3FA5]  }
0x30: {  	s3 =	sld [smem:$0x3FA8]  }
0x31: {  	[smem:$0x3FB1] =	sst s10  }
0x32: {  	s10 =	sld [smem:$0x3FAF];
	_ =	sdelay $0x3  }
0x33: {  	p0 =	seq.s32 s10, $0x1;
	s10 =	sld [smem:$0x3FB1];
	_ =	sdelay $0x3  }
0x34: {  	[smem:$0x3FB1] =	sst s10  }
0x35: {  	s10 =	sld [smem:$0x3FB0];
	_ =	sdelay $0x3  }
0x36: {  	p1 =	seq.s32 s10, $0x1;
	s10 =	sld [smem:$0x3FB1];
	_ =	sdelay $0x3  }
0x37: {  	[smem:$0x3FB1] =	sst s10  }
0x38: {  	s10 =	sld [smem:$0x3FB2]  }
0x39: {  	_ = 	snop;
	(pc) =	sbr.ind lr, $3  }
0x3a: {  	_ = 	snop  }
0x3b: {  	_ = 	snop  }
0x3c: {  	p2 =	seq.s32 s10, $0x1;
	s10 =	sld [smem:$0x3FB1]  }
0x3d: {  	_ =	shalt  }
0x3e: {  	_ =	shalt  }
0x3f: {  	_ =	shalt  }
0x40: {  	_ =	shalt  }
0x41: {  	_ =	shalt  }
0x42: {  	_ =	shalt  }
0x43: {  	_ =	shalt  }
0x44: {  	_ =	shalt  }
0x45: {  	_ =	shalt  }
0x46: {  	_ =	shalt  }
0x47: {  	_ =	shalt  }
0x48: {  	_ =	shalt  }
0x49: {  	_ =	shalt  }
0x4a: {  	_ =	shalt  }
0x4b: {  	_ =	shalt  }
0x4c: {  	_ =	shalt  }
0x4d: {  	_ =	shalt  }
0x4e: {  	_ =	shalt  }
0x4f: {  	_ =	shalt  }
0x50: {  	_ =	shalt  }
0x51: {  	_ =	shalt  }
0x52: {  	_ =	shalt  }
0x53: {  	_ =	shalt  }
0x54: {  	_ =	shalt  }
0x55: {  	_ =	shalt  }
0x56: {  	_ =	shalt  }
0x57: {  	_ =	shalt  }
0x58: {  	_ =	shalt  }
0x59: {  	_ =	shalt  }
0x5a: {  	_ =	shalt  }
0x5b: {  	_ =	shalt  }
0x5c: {  	_ =	shalt  }
0x5d: {  	_ =	shalt  }
0x5e: {  	_ =	shalt  }
0x5f: {  	_ =	shalt  }
0x60: {  	_ =	shalt  }
0x61: {  	_ =	shalt  }
0x62: {  	_ =	shalt  }
0x63: {  	_ =	shalt  }
0x64: {  	_ =	shalt  }
0x65: {  	_ =	shalt  }
0x66: {  	_ =	shalt  }
0x67: {  	_ =	shalt  }
0x68: {  	_ =	shalt  }
0x69: {  	_ =	shalt  }
0x6a: {  	_ =	shalt  }
0x6b: {  	_ =	shalt  }
0x6c: {  	_ =	shalt  }
0x6d: {  	_ =	shalt  }
0x6e: {  	_ =	shalt  }
0x6f: {  	_ =	shalt  }
0x70: {  	_ =	shalt  }
0x71: {  	_ =	shalt  }
0x72: {  	_ =	shalt  }
0x73: {  	_ =	shalt  }
0x74: {  	_ =	shalt  }
0x75: {  	_ =	shalt  }
0x76: {  	_ =	shalt  }
0x77: {  	_ =	shalt  }
0x78: {  	_ =	shalt  }
0x79: {  	_ =	shalt  }
0x7a: {  	_ =	shalt  }
0x7b: {  	_ =	shalt  }
0x7c: {  	_ =	shalt  }
0x7d: {  	_ =	shalt  }
0x7e: {  	_ =	shalt  }
0x7f: {  	_ =	shalt  }
0x80: {  	_ =	shalt  }
0x81: {  	_ =	shalt  }
0x82: {  	_ =	shalt  }
0x83: {  	_ =	shalt  }
0x84: {  	_ =	shalt  }
0x85: {  	_ =	shalt  }
0x86: {  	_ =	shalt  }
0x87: {  	_ =	shalt  }
.Lfunc_end0:
.L_simem_size_0:
called_computation.2_lowered:
.L_overlay_start_0:
0x88: {  	s2 =	sld [smem:$0x3FD9]  }
0x89: {  	s3 =	sld [smem:$0x3FFE];
	_ =	sdelay $0x1  }
0x8a: {  	s1 =	srdreg.scid  }
0x8b: {  	s0 =	sand.u32 $0x1, s1  }
0x8c: {  	s16 =	sshll.u32 s0, $0xA;
	s2 =	sadd.s32 s3, s2  }
0x8d: {  	s2 =	sadd.s32 s2, s16  }
0x8e: {  	[smem:$0x3FBD] =	sst s2  }
0x8f: {  	_ = 	snop  }
0x90: {  	(tm) =	ssettm $0x1  }
0x91: {  	s17 =	sld [smem:$0x3FFB];
	_ =	sdelay $0x3  }
0x92: {  	_ =	strace s17  }
0x93: {  	s2 =	sld [smem:$0x3FFC];
	_ =	sdelay $0x3  }
0x94: {  	_ =	strace s2  }
0x95: {  	s2 =	sld [smem:$0x3FFD];
	_ =	sdelay $0x3  }
0x96: {  	_ =	strace s2  }
0x97: {  	_ =	strace $0x8FFFFFFF  }
0x98: {  	s18 =	sld [smem:$0x3FDB];
	_ =	sdelay $0x1  }
0x99: {  	s19 =	simm.s32 $_scs_section_size  }
0x9a: {  	s4 =	simm.s32 $_size__tile_overlayer_lowered;
	s5 =	simm.s32 $_tile_overlayer_lowered  }
0x9b: {  	s22 =	simm.s32 $0x1BFF;
	s21 =	sshll.u32 s5, $0x1;
	s2 =	sadd.s32 s19, s18  }
0x9c: {  	s6 =	simm.s32 $0x0;
	s20 =	sshll.u32 s4, $0x1;
	s4 =	sadd.s32 s21, s2  }
0x9d: {  	[timem:s6], [sflag:s22] =	dma.local [hbm:s4], s20  }
0x9e: {  	_ =	swait.ge [sflag:s22], s20  }
0x9f: {  	s3 =	ssub.s32 $0x0, s20;
	[sflag:s22] =	ssyncset.done $0x0  }
0xa0: {  	[sflag:s22] =	ssyncadd.s32 s3;
	_ =	sdelay $0x1  }
0xa1: {  	s23 =	simm.s32 $0x1B8B  }
0xa2: {  	_ =	swait.ge [sflag:s23], $0x1  }
0xa3: {  	[sflag:s23] =	ssyncset.done $0x0  }
0xa4: {  	s25 =	simm.s32 $0x1B8E;
	s24 =	sld [smem:$0x3FFE];
	[sflag:s23] =	ssyncadd.s32 $0xFFFFFFFF  }
0xa5: {  	s26 =	simm.s32 $execute0_lowered;
	[smem:$0x3FD2] =	sst s25  }
0xa6: {  	s4 =	sshll.u32 s26, $0x1;
	_ =	strace $0x8000004C;
	[dreg:$0x1] =	wrdreg $0xFFFFFFFF  }
0xa7: {  	s28 =	simm.s32 $_size_execute0_lowered;
	s2 =	sadd.s32 s2, s4;
	[dreg:$0x0] =	wrdreg $0x0  }
0xa8: {  	s4 =	sshll.u32 s28, $0x1;
	[dreg:$0x2] =	wrdreg s2  }
0xa9: {  	[dreg:$0x3] =	wrdreg s4  }
0xaa: {  	[dreg:$0x4] =	wrdreg $0xC0  }
0xab: {  	_ =	task [dreg:s6], $0x5FFFF  }
0xac: {  	[dreg:$0x1] =	wrdreg $0xFFFFFFFF  }
0xad: {  	[dreg:$0x0] =	wrdreg $0x60  }
0xae: {  	[dreg:$0x2] =	wrdreg s24  }
0xaf: {  	[dreg:$0x3] =	wrdreg $0x140000  }
0xb0: {  	[dreg:$0x4] =	wrdreg $0x9  }
0xb1: {  	_ =	task.clear_ibuf [dreg:s6], $0x5FFFF;
	_ =	strace $0x9000004C  }
0xb2: {  	s29 =	simm.s32 $0x9;
	_ =	strace $0x8000004E  }
0xb3: {  	_ =	swait.ge [sflag:s29], $0x1  }
0xb4: {  	[sflag:s29] =	ssyncadd.s32 $0xFFFFFFFF  }
0xb5: {  	_ =	strace $0x9000004E  }
0xb6: {  	_ =	sfence  }
0xb7: {  	s30 =	sld [smem:$0x0];
	_ =	sdelay $0x2  }
0xb8: {  	s31 =	sshll.u32 s1, $0xD;
	s1 =	sshrl.u32 s1, $0x2  }
0xb9: {  	s3 =	sand.u32 $0x4000, s31;
	s1 =	sadd.s32 s1, s30  }
0xba: {  	s0 =	sor.u32 s3, s0;
	s1 =	sshll.u32 s1, $0x11  }
0xbb: {  	s0 =	sor.u32 s1, s0  }
0xbc: {  	s0 =	sadd.s32 $0x8F2B, s0  }
0xbd: {  	[sflag:s0] =	ssyncadd.remote.s32 $0x1  }
0xbe: {  	_ =	sfence.sel $0xFFFF  }
0xbf: {  	[dreg:$0x0] =	wrdreg $0xFFFFFFFF;
	(pc) =	sbr.abs _section_cstart, $3  }
0xc0: {  	[dreg:$0x1] =	wrdreg $0xFFFFFFFF  }
0xc1: {  	_ =	task.clear_ibuf [dreg:s6], $0x2FFFF;
	_ =	strace $0x9FFFFFFF  }
0xc2: {  	(tm) =	ssettm $0x7FFFFFFF  }
0xc3: {  	_ =	shalt  }
tec
execute0_lowered:
.L_overlay_start_1:
0x0: {  	(tag) =	ssettag $0x1  }
0x1: {  	s0 =	rddreg [dreg:$0x0]  }
0x2: {  	s1 =	srdreg.scid;
	s2 =	rddreg [dreg:$0x1]  }
0x3: {  	s7 =	stileid.u32;
	s5 =	simm.s32 $0x0;
	s16 =	simm.s32 $0x3  }
0x4: {  	s18 =	simm.s32 $0x10000;
	s19 =	simm.s32 $0x80;
	s20 =	simm.s32 $0x8000  }
0x5: {  	s21 =	simm.s32 $0x1;
	s22 =	simm.s32 $0xC000;
	s4 =	smul.u32 $0xA000, s7  }
0x6: {  	s23 =	simm.s32 $0x2;
	s1 =	sand.u32 $0x1, s1;
	s26 =	smul.u32 $0x28000, s7  }
0x7: {  	[smem:$0x7FF] =	sst s5;
	s24 =	sshll.u32 s7, $0xC;
	s3 =	smul.u32 $0x140000, s1  }
0x8: {  	s6 =	sshll.u32 s1, $0xB;
	_ =	strace $0x8000004D;
	s25 =	ssub.s32 $0x2, s1  }
0x9: {  	p0 =	seq.s32 s1, $0x0;
	s1 =	simm.s32 $0x12;
	s5 =	sor.u32 s6, s24  }
0xa: {  	s28 =	sshrl.u32 s25, $0x1;
	s1 =	simm.s32 @!p0 $0x3D;
	s29 =	sshrl.u32 s26, $0x2  }
0xb: {  	s24 =	simm.s32 $0x0;
	s3 =	sadd.s32 s4, s3;
	s4 =	sadd.s32 $0x82E00, s0  }
0xc: {  	s5 =	sadd.s32 s5, s0;
	s7 =	sadd.s32 s29, s2;
	s10 =	sadd.s32 $0xFFFFFFFF, s1  }
0xd: {  	s1 =	sshll.u32 s1, $0xA;
	s3 =	sshrl.u32 s3, $0x3;
	s30 =	sadd.s32 $0x72E00, s5  }
0xe: {  	s31 =	sadd.s32 $0x12E00, s5;
	s8 =	sadd.s32 $0x4000, s7;
	s9 =	sadd.s32 $0x8000, s7  }
0xf: {  	s12 =	sadd.s32 $0x2E00, s5;
	s15 =	sadd.s32 $0xFFFFFC00, s1;
	[dreg:$0x3] =	wrdreg s30  }
0x10: {  	s0 =	sadd.s32 s3, s0;
	s3 =	ssub.s32 s25, s28;
	[dreg:$0x4] =	wrdreg s31  }
0x11: {  	v0 =	vimm.f32 $0.0e+00;
	s11 =	sadd.s32 $0xAA000, s0;
	s13 =	sadd.s32 $0xBE000, s0;
	s14 =	smax.u32 s3, $0x1  }
.LBB2_1:
0x12: {  	s0 =	simm.s32 $0x0;
	s1 =	simm.s32 $0x200  }
.LBB2_2:
0x13: {  	p0 =	sne.s32 s1, $0xFE00;
	[tilespmem:s0+$0x10070] =	vst v0  }
0x14: {  	[tilespmem:s0+$0x10000] =	vst v0  }
0x15: {  	[tilespmem:s0+$0x10010] =	vst v0  }
.Ltmp0:
0x16: {  	[tilespmem:s0+$0x10020] =	vst v0;
	(pc) =	sbr.rel @p0 .LBB2_2-.Ltmp0, $4  }
0x17: {  	[tilespmem:s0+$0x10030] =	vst v0  }
0x18: {  	[tilespmem:s0+$0x10040] =	vst v0  }
0x19: {  	[tilespmem:s0+$0x10050] =	vst v0  }
0x1a: {  	[tilespmem:s0+$0x10060] =	vst v0;
	s0 =	sshra.s32 s1, $0x2;
	s1 =	sadd.s32 $0x200, s1  }
0x1b: {  	[tilespmem:s0+$0x10070] =	vst v0  }
0x1c: {  	[tilespmem:s0+$0x10000] =	vst v0  }
0x1d: {  	[tilespmem:s0+$0x10010] =	vst v0  }
0x1e: {  	[tilespmem:s0+$0x10020] =	vst v0  }
0x1f: {  	[tilespmem:s0+$0x10030] =	vst v0  }
0x20: {  	[tilespmem:s0+$0x10040] =	vst v0  }
0x21: {  	[tilespmem:s0+$0x10050] =	vst v0  }
0x22: {  	[tilespmem:s0+$0x10060] =	vst v0;
	s25 =	simm.s32 $0x0;
	s1 =	rddreg [dreg:$0x3]  }
0x23: {  	[tilespmem:s25], [sflag:$0x3] =	stream.linear.gather [hbm4b:s1+s25], $0x3D00, $0x38;
	[tilespmem:$0x1E400] =	vst v63  }
0x24: {  	_ =	swait.ge [sflag:s16], $0x3D00  }
0x25: {  	[sflag:s16] =	ssyncset.done $0x0  }
0x26: {  	s3 =	simm.s32 $0x4000;
	s26 =	rddreg [dreg:$0x4];
	[sflag:s16] =	ssyncadd.s32 $0xFFFFC300  }
0x27: {  	[tilespmem:s3], [sflag:$0x3] =	stream.linear.gather [hbm4b:s26+s25], $0x3D00, $0x38;
	[tilespmem:$0x1E400] =	vst v63  }
0x28: {  	_ =	swait.ge [sflag:s16], $0x3D00  }
0x29: {  	[sflag:s16] =	ssyncset.done $0x0  }
0x2a: {  	[sflag:s16] =	ssyncadd.s32 $0xFFFFC300  }
0x2b: {  	[spmem:s7] =	stream.linear.scatter [tilespmem:s18], [sflag:$0x3], $0x4000, $0x38;
	[tilespmem:$0x1E400] =	vst v63  }
0x2c: {  	_ =	swait.ge [sflag:s16], $0x4000  }
0x2d: {  	[sflag:s16] =	ssyncset.done $0x0  }
0x2e: {  	[sflag:s16] =	ssyncadd.s32 $0xFFFFC000  }
0x2f: {  	[spmem:s8] =	stream.linear.scatter [tilespmem:s18], [sflag:$0x3], $0x4000, $0x38;
	[tilespmem:$0x1E400] =	vst v63  }
0x30: {  	_ =	swait.ge [sflag:s16], $0x4000  }
0x31: {  	[sflag:s16] =	ssyncset.done $0x0  }
0x32: {  	[sflag:s16] =	ssyncadd.s32 $0xFFFFC000  }
0x33: {  	[spmem:s9] =	stream.linear.scatter [tilespmem:s18], [sflag:$0x3], $0x2000, $0x38;
	[tilespmem:$0x1E400] =	vst v63  }
0x34: {  	_ =	swait.ge [sflag:s16], $0x2000  }
0x35: {  	[sflag:s16] =	ssyncset.done $0x0  }
0x36: {  	[sflag:s16] =	ssyncadd.s32 $0xFFFFE000  }
0x37: {  	[bflag:$0x0] =	sbarrier.arrive $0xFFFF  }
0x38: {  	[tilespmem:s20], [sflag:$0x1] =	stream.indirect.gather [hbm4b:s4+s19], $0x80, s25, s19, $0xb8;
	[tilespmem:$0x1E400] =	vst v63  }
0x39: {  	_ =	swait.ge [sflag:s21], $0x4000  }
0x3a: {  	[sflag:s21] =	ssyncset.done $0x0  }
0x3b: {  	s28 =	simm.s32 $0x80;
	[sflag:s21] =	ssyncadd.s32 $0xFFFFC000  }
0x3c: {  	[tilespmem:s22], [sflag:$0x2] =	stream.indirect.gather [hbm4b:s4+s19], $0x80, s28, s19, $0xb8;
	[tilespmem:$0x1E400] =	vst v63  }
0x3d: {  	s29 =	simm.s32 $0x4000  }
0x3e: {  	[spmem:s2] =	stream.indirect.scatter.add.f32 [tilespmem:s20], [sflag:$0x3], $0x80, s29, s19, $0xb8;
	[tilespmem:$0x1E400] =	vst v63  }
0x3f: {  	_ =	swait.ge [sflag:s16], $0x4000  }
0x40: {  	[sflag:s16] =	ssyncset.done $0x0  }
0x41: {  	[sflag:s16] =	ssyncadd.s32 $0xFFFFC000  }
0x42: {  	_ =	swait.ge [sflag:s23], $0x4000  }
0x43: {  	[sflag:s23] =	ssyncset.done $0x0  }
0x44: {  	s30 =	simm.s32 $0x100;
	p0 =	sne.s32 s15, $0x400;
	[sflag:s23] =	ssyncadd.s32 $0xFFFFC000  }
0x45: {  	[tilespmem:s20], [sflag:$0x1] =	stream.indirect.gather [hbm4b:s4+s19], $0x80, s30, s19, $0xb8;
	[tilespmem:$0x1E400] =	vst v63  }
.Ltmp1:
0x46: {  	_ = 	snop;
	(pc) =	sbr.rel @!p0 .LBB2_5-.Ltmp1, $4  }
0x47: {  	s31 =	simm.s32 $0x4080  }
0x48: {  	[spmem:s2] =	stream.indirect.scatter.add.f32 [tilespmem:s22], [sflag:$0x3], $0x80, s31, s19, $0xb8;
	[tilespmem:$0x1E400] =	vst v63  }
0x49: {  	s0 =	simm.s32 $0x400;
	s1 =	simm.s32 $0xFFFFFFFF;
	_ =	swait.ge [sflag:s16], $0x4000  }
0x4a: {  	s3 =	simm.s32 $0x2;
	s25 =	simm.s32 $0x1;
	[sflag:s16] =	ssyncset.done $0x0  }
.LBB2_4:
0x4b: {  	s25 =	smov.u32 s3;
	s1 =	sadd.s32 $0x1, s1  }
0x4c: {  	s5 =	smov.u32 s0;
	s0 =	sadd.s32 $0x400, s0;
	[sflag:s16] =	ssyncadd.s32 $0xFFFFC000  }
0x4d: {  	p0 =	sne.s32 s15, s0  }
0x4e: {  	_ =	swait.ge [sflag:s21], $0x4000  }
0x4f: {  	s5 =	sshra.s32 s5, $0x2;
	[sflag:s21] =	ssyncset.done $0x0  }
0x50: {  	s17 =	sadd.s32 $0x80, s5;
	[sflag:s21] =	ssyncadd.s32 $0xFFFFC000  }
0x51: {  	[tilespmem:s22], [sflag:$0x2] =	stream.indirect.gather [hbm4b:s4+s19], $0x80, s17, s19, $0xb8;
	[tilespmem:$0x1E400] =	vst v63  }
0x52: {  	s17 =	sadd.s32 $0x4000, s5  }
0x53: {  	[spmem:s2] =	stream.indirect.scatter.add.f32 [tilespmem:s20], [sflag:$0x3], $0x80, s17, s19, $0xb8;
	[tilespmem:$0x1E400] =	vst v63  }
0x54: {  	_ =	swait.ge [sflag:s16], $0x4000  }
0x55: {  	[sflag:s16] =	ssyncset.done $0x0  }
0x56: {  	[sflag:s16] =	ssyncadd.s32 $0xFFFFC000  }
0x57: {  	_ =	swait.ge [sflag:s23], $0x4000  }
0x58: {  	[sflag:s23] =	ssyncset.done $0x0  }
0x59: {  	s17 =	sadd.s32 $0x100, s5;
	[sflag:s23] =	ssyncadd.s32 $0xFFFFC000  }
0x5a: {  	[tilespmem:s20], [sflag:$0x1] =	stream.indirect.gather [hbm4b:s4+s19], $0x80, s17, s19, $0xb8;
	[tilespmem:$0x1E400] =	vst v63  }
.Ltmp2:
0x5b: {  	_ = 	snop;
	(pc) =	sbr.rel @p0 .LBB2_4-.Ltmp2, $4  }
0x5c: {  	s5 =	sadd.s32 $0x4080, s5  }
0x5d: {  	[spmem:s2] =	stream.indirect.scatter.add.f32 [tilespmem:s22], [sflag:$0x3], $0x80, s5, s19, $0xb8;
	[tilespmem:$0x1E400] =	vst v63  }
0x5e: {  	_ =	swait.ge [sflag:s16], $0x4000  }
0x5f: {  	s3 =	sadd.s32 $0x1, s3;
	[sflag:s16] =	ssyncset.done $0x0  }
.LBB2_5:
0x60: {  	[sflag:s16] =	ssyncadd.s32 $0xFFFFC000  }
0x61: {  	_ =	swait.ge [sflag:s21], $0x4000  }
0x62: {  	s3 =	sshra.s32 s0, $0x2;
	[sflag:s21] =	ssyncset.done $0x0  }
0x63: {  	s26 =	sadd.s32 $0x80, s3;
	[sflag:s21] =	ssyncadd.s32 $0xFFFFC000  }
0x64: {  	[tilespmem:s22], [sflag:$0x2] =	stream.indirect.gather [hbm4b:s4+s19], $0x80, s26, s19, $0xb8;
	[tilespmem:$0x1E400] =	vst v63  }
0x65: {  	s28 =	sadd.s32 $0x4000, s3  }
0x66: {  	[spmem:s2] =	stream.indirect.scatter.add.f32 [tilespmem:s20], [sflag:$0x3], $0x80, s28, s19, $0xb8;
	[tilespmem:$0x1E400] =	vst v63  }
0x67: {  	_ =	swait.ge [sflag:s16], $0x4000  }
0x68: {  	s1 =	sadd.s32 $0x1, s1;
	[sflag:s16] =	ssyncset.done $0x0  }
0x69: {  	s1 =	sadd.s32 $0x1, s1;
	[sflag:s16] =	ssyncadd.s32 $0xFFFFC000  }
0x6a: {  	p0 =	sge.u32 s1, s10;
	_ =	swait.ge [sflag:s23], $0x4000  }
0x6b: {  	s0 =	sshra.s32 @!p0 s0, $0x2;
	s30 =	simm.s32 @!p0 $0x80;
	[sflag:s23] =	ssyncset.done $0x0  }
0x6c: {  	s31 =	simm.s32 @!p0 $0x8000;
	s29 =	sadd.s32 @!p0 $0x100, s0;
	[sflag:s23] =	ssyncadd.s32 $0xFFFFC000  }
0x6d: {  	[tilespmem:s31], [sflag:$0x1] =	stream.indirect.gather @!p0 [hbm4b:s4+s30], $0x80, s29, s30, $0xb8;
	[tilespmem:$0x1E400] =	vst v63  }
0x6e: {  	s0 =	sadd.s32 $0x4080, s3  }
0x6f: {  	[spmem:s2] =	stream.indirect.scatter.add.f32 [tilespmem:s22], [sflag:$0x3], $0x80, s0, s19, $0xb8;
	[tilespmem:$0x1E400] =	vst v63  }
0x70: {  	_ =	swait.ge [sflag:s16], $0x4000  }
0x71: {  	s5 =	stileid.u32;
	[sflag:s16] =	ssyncset.done $0x0  }
0x72: {  	s1 =	sshll.u32 s5, $0x6;
	[sflag:s16] =	ssyncadd.s32 $0xFFFFC000  }
0x73: {  	s17 =	sshrl.u32 s7, $0x3;
	s1 =	sor.u32 $0x1C03, s1;
	[bflag:$0x0] =	sbarrier.arrive $0xFFFF  }
0x74: {  	[hbm:s11], [sflag:s1] =	dma.local [spmem:s17], $0x1400  }
0x75: {  	_ =	swait.ge [sflag:s16], $0x1400  }
0x76: {  	[sflag:s16] =	ssyncset.done $0x0  }
0x77: {  	[sflag:s16] =	ssyncadd.s32 $0xFFFFEC00  }
0x78: {  	s5 =	simm.s32 $0x0;
	s3 =	simm.s32 $0x4000;
	[bflag:$0x0] =	sbarrier.arrive $0xFFFF  }
0x79: {  	[tilespmem:s3], [sflag:$0x3] =	stream.linear.gather [hbm4b:s12+s5], $0x3D00, $0x38;
	[tilespmem:$0x1E400] =	vst v63  }
0x7a: {  	_ =	swait.ge [sflag:s16], $0x3D00  }
0x7b: {  	[sflag:s16] =	ssyncset.done $0x0  }
0x7c: {  	[sflag:s16] =	ssyncadd.s32 $0xFFFFC300  }
0x7d: {  	[spmem:s7] =	stream.linear.scatter [tilespmem:s18], [sflag:$0x3], $0x4000, $0x38;
	[tilespmem:$0x1E400] =	vst v63  }
0x7e: {  	_ =	swait.ge [sflag:s16], $0x4000  }
0x7f: {  	[sflag:s16] =	ssyncset.done $0x0  }
0x80: {  	[sflag:s16] =	ssyncadd.s32 $0xFFFFC000  }
0x81: {  	[spmem:s8] =	stream.linear.scatter [tilespmem:s18], [sflag:$0x3], $0x4000, $0x38;
	[tilespmem:$0x1E400] =	vst v63  }
0x82: {  	_ =	swait.ge [sflag:s16], $0x4000  }
0x83: {  	[sflag:s16] =	ssyncset.done $0x0  }
0x84: {  	[sflag:s16] =	ssyncadd.s32 $0xFFFFC000  }
0x85: {  	[spmem:s9] =	stream.linear.scatter [tilespmem:s18], [sflag:$0x3], $0x2000, $0x38;
	[tilespmem:$0x1E400] =	vst v63  }
0x86: {  	_ =	swait.ge [sflag:s16], $0x2000  }
0x87: {  	[sflag:s16] =	ssyncset.done $0x0  }
0x88: {  	[sflag:s16] =	ssyncadd.s32 $0xFFFFE000  }
0x89: {  	[bflag:$0x0] =	sbarrier.arrive $0xFFFF  }
0x8a: {  	[tilespmem:s20], [sflag:$0x1] =	stream.indirect.gather [hbm4b:s4+s19], $0x80, s5, s19, $0xb8;
	[tilespmem:$0x1E400] =	vst v63  }
0x8b: {  	_ =	swait.ge [sflag:s21], $0x4000  }
0x8c: {  	[sflag:s21] =	ssyncset.done $0x0  }
0x8d: {  	s6 =	simm.s32 $0x80;
	[sflag:s21] =	ssyncadd.s32 $0xFFFFC000  }
0x8e: {  	[tilespmem:s22], [sflag:$0x2] =	stream.indirect.gather [hbm4b:s4+s19], $0x80, s6, s19, $0xb8;
	[tilespmem:$0x1E400] =	vst v63  }
0x8f: {  	_ = 	snop  }
0x90: {  	[spmem:s2] =	stream.indirect.scatter.add.f32 [tilespmem:s20], [sflag:$0x3], $0x80, s3, s19, $0xb8;
	[tilespmem:$0x1E400] =	vst v63  }
0x91: {  	_ =	swait.ge [sflag:s16], $0x4000  }
0x92: {  	[sflag:s16] =	ssyncset.done $0x0  }
0x93: {  	[sflag:s16] =	ssyncadd.s32 $0xFFFFC000  }
0x94: {  	_ =	swait.ge [sflag:s23], $0x4000  }
0x95: {  	[sflag:s23] =	ssyncset.done $0x0  }
0x96: {  	p1 =	sne.s32 s25, $0x1;
	s5 =	simm.s32 $0x100;
	[sflag:s23] =	ssyncadd.s32 $0xFFFFC000  }
0x97: {  	[tilespmem:s20], [sflag:$0x1] =	stream.indirect.gather [hbm4b:s4+s19], $0x80, s5, s19, $0xb8;
	[tilespmem:$0x1E400] =	vst v63  }
.Ltmp3:
0x98: {  	_ = 	snop;
	(pc) =	sbr.rel @!p1 .LBB2_7-.Ltmp3, $4  }
0x99: {  	s6 =	simm.s32 $0x4080  }
0x9a: {  	[spmem:s2] =	stream.indirect.scatter.add.f32 [tilespmem:s22], [sflag:$0x3], $0x80, s6, s19, $0xb8;
	[tilespmem:$0x1E400] =	vst v63  }
0x9b: {  	_ =	swait.ge [sflag:s16], $0x4000  }
0x9c: {  	s25 =	sadd.s32 $0xFFFFFFFF, s25;
	[sflag:s16] =	ssyncset.done $0x0  }
.LBB2_6:
0x9d: {  	[sflag:s16] =	ssyncadd.s32 $0xFFFFC000;
	s5 =	sadd.s32 $0x100, s5;
	s3 =	sadd.s32 $0x100, s3  }
0x9e: {  	p1 =	sne.s32 s25, $0x1;
	s25 =	sadd.s32 $0xFFFFFFFF, s25  }
0x9f: {  	_ =	swait.ge [sflag:s21], $0x4000  }
0xa0: {  	[sflag:s21] =	ssyncset.done $0x0  }
0xa1: {  	s6 =	sadd.s32 $0xFFFFFF80, s5;
	[sflag:s21] =	ssyncadd.s32 $0xFFFFC000  }
0xa2: {  	[tilespmem:s22], [sflag:$0x2] =	stream.indirect.gather [hbm4b:s4+s19], $0x80, s6, s19, $0xb8;
	[tilespmem:$0x1E400] =	vst v63  }
0xa3: {  	_ = 	snop  }
0xa4: {  	[spmem:s2] =	stream.indirect.scatter.add.f32 [tilespmem:s20], [sflag:$0x3], $0x80, s3, s19, $0xb8;
	[tilespmem:$0x1E400] =	vst v63  }
0xa5: {  	_ =	swait.ge [sflag:s16], $0x4000  }
0xa6: {  	[sflag:s16] =	ssyncset.done $0x0  }
0xa7: {  	[sflag:s16] =	ssyncadd.s32 $0xFFFFC000  }
0xa8: {  	_ =	swait.ge [sflag:s23], $0x4000  }
0xa9: {  	[sflag:s23] =	ssyncset.done $0x0  }
0xaa: {  	[sflag:s23] =	ssyncadd.s32 $0xFFFFC000  }
0xab: {  	[tilespmem:s20], [sflag:$0x1] =	stream.indirect.gather [hbm4b:s4+s19], $0x80, s5, s19, $0xb8;
	[tilespmem:$0x1E400] =	vst v63  }
.Ltmp4:
0xac: {  	_ = 	snop;
	(pc) =	sbr.rel @p1 .LBB2_6-.Ltmp4, $4  }
0xad: {  	s6 =	sadd.s32 $0x80, s3  }
0xae: {  	[spmem:s2] =	stream.indirect.scatter.add.f32 [tilespmem:s22], [sflag:$0x3], $0x80, s6, s19, $0xb8;
	[tilespmem:$0x1E400] =	vst v63  }
0xaf: {  	_ =	swait.ge [sflag:s16], $0x4000  }
0xb0: {  	[sflag:s16] =	ssyncset.done $0x0  }
.LBB2_7:
0xb1: {  	[sflag:s16] =	ssyncadd.s32 $0xFFFFC000  }
0xb2: {  	_ =	swait.ge [sflag:s21], $0x4000  }
0xb3: {  	[sflag:s21] =	ssyncset.done $0x0  }
0xb4: {  	[sflag:s21] =	ssyncadd.s32 $0xFFFFC000  }
0xb5: {  	[tilespmem:s22], [sflag:$0x2] =	stream.indirect.gather [hbm4b:s4+s19], $0x80, s26, s19, $0xb8;
	[tilespmem:$0x1E400] =	vst v63  }
0xb6: {  	_ = 	snop  }
0xb7: {  	[spmem:s2] =	stream.indirect.scatter.add.f32 [tilespmem:s20], [sflag:$0x3], $0x80, s28, s19, $0xb8;
	[tilespmem:$0x1E400] =	vst v63  }
0xb8: {  	_ =	swait.ge [sflag:s16], $0x4000  }
0xb9: {  	[sflag:s16] =	ssyncset.done $0x0  }
0xba: {  	[sflag:s16] =	ssyncadd.s32 $0xFFFFC000  }
0xbb: {  	_ =	swait.ge [sflag:s23], $0x4000  }
0xbc: {  	[sflag:s23] =	ssyncset.done $0x0  }
0xbd: {  	[sflag:s23] =	ssyncadd.s32 $0xFFFFC000  }
0xbe: {  	[tilespmem:s31], [sflag:$0x1] =	stream.indirect.gather @!p0 [hbm4b:s4+s30], $0x80, s29, s30, $0xb8;
	[tilespmem:$0x1E400] =	vst v63  }
0xbf: {  	_ = 	snop  }
0xc0: {  	[spmem:s2] =	stream.indirect.scatter.add.f32 [tilespmem:s22], [sflag:$0x3], $0x80, s0, s19, $0xb8;
	[tilespmem:$0x1E400] =	vst v63  }
0xc1: {  	_ =	swait.ge [sflag:s16], $0x4000  }
0xc2: {  	[sflag:s16] =	ssyncset.done $0x0  }
0xc3: {  	s24 =	sadd.s32 $0x1, s24;
	[sflag:s16] =	ssyncadd.s32 $0xFFFFC000  }
0xc4: {  	p0 =	sne.s32 s24, s14;
	[bflag:$0x0] =	sbarrier.arrive $0xFFFF  }
0xc5: {  	[hbm:s13], [sflag:s1] =	dma.local [spmem:s17], $0x1400  }
.Ltmp5:
0xc6: {  	_ =	swait.ge [sflag:s16], $0x1400;
	(pc) =	sbr.rel @p0 .LBB2_1-.Ltmp5, $3  }
0xc7: {  	[sflag:s16] =	ssyncset.done $0x0  }
0xc8: {  	[sflag:s16] =	ssyncadd.s32 $0xFFFFEC00  }
0xc9: {  	[bflag:$0x0] =	sbarrier.arrive $0xFFFF;
	_ =	sdelay $0x1  }
0xca: {  	_ =	sfence.sel $0x180000  }
0xcb: {  	[bflag:$0x0] =	sbarrier.arrive $0xFFFF  }
0xcc: {  	_ =	strace $0x9000004D  }
0xcd: {  	s0 =	stileid.u32;
	[bflag:$0x2] =	sbarrier.arrive $0xFFFF  }
0xce: {  	p0 =	sne.s32 s0, $0x0;
	s0 =	rddreg [dreg:$0x2]  }
0xcf: {  	s0 =	sadd.s32 @!p0 $0x100000, s0  }
0xd0: {  	[sflag:s0] =	ssyncadd.tile.s32 @!p0 $0x1;
	_ =	shalt  }
.Lfunc_end2:
_tile_overlayer_lowered:
.L_overlay_start_2:
0xd1: {  	(tag) =	ssettag $0x2  }
0xd2: {  	s0 =	rddreg [dreg:$0x0];
	s2 =	stileid.u32  }
0xd3: {  	s1 =	rddreg [dreg:$0x1];
	p0 =	sne.s32 s2, $0x0  }
0xd4: {  	s3 =	rddreg [dreg:$0x2];
	[bflag:$0x3] =	sbarrier.arrive $0xFFFF;
	s2 =	simm.s32 @!p0 $0x1C03  }
0xd5: {  	[timem:s3], [sflag:s2] =	dma.local @!p0 [hbm:s0], s1  }
0xd6: {  	s0 =	simm.s32 @!p0 $0x3  }
0xd7: {  	_ =	swait.ge @!p0 [sflag:s0], s1  }
0xd8: {  	s1 =	ssub.s32 @!p0 $0x0, s1;
	[sflag:s0] =	ssyncset.done @!p0 $0x0  }
0xd9: {  	[sflag:s0] =	ssyncadd.s32 @!p0 s1  }
0xda: {  	[bflag:$0x3] =	sbarrier.arrive $0xFFFF  }
0xdb: {  	_ =	shalt  }

// kernel: kernel.19.cloned.1.call-start
scs
__scs_entry_jumppad:
0x0: {  	(pc) =	sbr.rel $0x88, $3  }
0x1: {  	(tag) =	ssettag $0x0;
	lr =	simm.s32 $0x1  }
0x2: {  	[smem:$0x3F96] =	sst lr;
	_ =	strace $0xD0000000  }
0x3: {  	_ = 	snop  }
0x4: {  	_ = 	snop  }
0x5: {  	_ = 	snop  }
0x6: {  	_ = 	snop  }
0x7: {  	_ = 	snop  }
__scs_overlays_trampoline_lowered:
0x8: {  	[smem:$0x3FA5] =	sst s0  }
0x9: {  	[smem:$0x3FA6] =	sst s1  }
0xa: {  	[smem:$0x3FA7] =	sst s2  }
0xb: {  	[smem:$0x3FA8] =	sst s3  }
0xc: {  	[smem:$0x3FA9] =	sst s4  }
0xd: {  	[smem:$0x3FAA] =	sst s5  }
0xe: {  	[smem:$0x3FAB] =	sst s6  }
0xf: {  	[smem:$0x3FAC] =	sst s7  }
0x10: {  	[smem:$0x3FAD] =	sst s8  }
0x11: {  	[smem:$0x3FAE] =	sst s9;
	s0 =	simm.s32 @!p0 $0x0  }
0x12: {  	s1 =	sld [smem:$0x3F94];
	s0 =	simm.s32 @p0 $0x1  }
0x13: {  	[smem:$0x3FAF] =	sst s0;
	s0 =	simm.s32 @!p1 $0x0  }
0x14: {  	s2 =	sld [smem:$0x3F93];
	s0 =	simm.s32 @p1 $0x1  }
0x15: {  	[smem:$0x3FB0] =	sst s0;
	s0 =	simm.s32 @!p2 $0x0  }
0x16: {  	s3 =	sld [smem:$0x3FDB];
	s0 =	simm.s32 @p2 $0x1  }
0x17: {  	s4 =	simm.s32 $0x1BF5;
	[smem:$0x3FB2] =	sst s0  }
0x18: {  	s0 =	sld [smem:$0x3F95];
	_ =	swait.ge [sflag:s4], $0x0  }
0x19: {  	s7 =	sld [smem:$0x3F96]  }
0x1a: {  	s8 =	sadd.s32 $0xFFFFE003, lr  }
0x1b: {  	s9 =	sadd.s32 $0xFFFFFEF7, lr;
	s5 =	simm.s32 $0xFFFFFFFF;
	p2 =	slt.u32 s8, $0xFFFFF086  }
0x1c: {  	p1 =	slt.u32 s9, $0xF7A;
	s5 =	simm.s32 @!p2 $0x0  }
0x1d: {  	s5 =	simm.s32 @p1 $0x1;
	p0 =	seq.s32 s7, s2  }
0x1e: {  	s7 =	smul.u32 @!p0 $0xF7A, s2;
	p2 =	seq.s32 @!p0 s5, $0x0  }
0x1f: {  	s9 =	smul.u32 $0xF7A, s1;
	s8 =	simm.s32 @!p0 $0x1BF5;
	p2 =	por !p2, p0  }
0x20: {  	[sflag:s8] =	ssyncset.s32 @!p0 $0xFFFFF086;
	s6 =	sadd.s32 @!p0 s3, s7;
	s7 =	simm.s32 @!p0 $0x108  }
0x21: {  	s3 =	sadd.s32 s3, s9;
	s6 =	sadd.s32 @!p0 $0x88, s6;
	s7 =	simm.s32 @p2 $0x1082  }
0x22: {  	[simem:s7], [sflag:s8] =	dma.local @!p0 [hbm:s6], $0xF7A  }
0x23: {  	s9 =	sor.u32 $0xD0000000, s2;
	s6 =	simm.s32 $0x108;
	_ =	swait.ge @!p0 [sflag:s8], $0x0  }
0x24: {  	s3 =	sadd.s32 $0x88, s3;
	s6 =	simm.s32 @!p1 $0x1082;
	[sflag:s4] =	ssyncset.s32 $0xFFFFF086  }
0x25: {  	[simem:s6], [sflag:s4] =	dma.local [hbm:s3], $0xF7A  }
0x26: {  	[smem:$0x3F96] =	sst s1;
	(tag) =	ssettag s2;
	_ =	strace s9  }
0x27: {  	s1 =	sld [smem:$0x3FA6]  }
0x28: {  	s2 =	sld [smem:$0x3FA7]  }
0x29: {  	s4 =	sld [smem:$0x3FA9]  }
0x2a: {  	p0 =	seq.s32 s5, $0x0;
	s5 =	sld [smem:$0x3FAA]  }
0x2b: {  	s6 =	sld [smem:$0x3FAB]  }
0x2c: {  	s7 =	sld [smem:$0x3FAC]  }
0x2d: {  	s3 =	simm.s32 $0x108;
	s8 =	sld [smem:$0x3FAD]  }
0x2e: {  	s3 =	simm.s32 @!p0 $0x1082;
	s9 =	sld [smem:$0x3FAE]  }
0x2f: {  	lr =	sadd.s32 s0, s3;
	s0 =	sld [smem:$0x3FA5]  }
0x30: {  	s3 =	sld [smem:$0x3FA8]  }
0x31: {  	[smem:$0x3FB1] =	sst s10  }
0x32: {  	s10 =	sld [smem:$0x3FAF];
	_ =	sdelay $0x3  }
0x33: {  	p0 =	seq.s32 s10, $0x1;
	s10 =	sld [smem:$0x3FB1];
	_ =	sdelay $0x3  }
0x34: {  	[smem:$0x3FB1] =	sst s10  }
0x35: {  	s10 =	sld [smem:$0x3FB0];
	_ =	sdelay $0x3  }
0x36: {  	p1 =	seq.s32 s10, $0x1;
	s10 =	sld [smem:$0x3FB1];
	_ =	sdelay $0x3  }
0x37: {  	[smem:$0x3FB1] =	sst s10  }
0x38: {  	s10 =	sld [smem:$0x3FB2]  }
0x39: {  	_ = 	snop;
	(pc) =	sbr.ind lr, $3  }
0x3a: {  	_ = 	snop  }
0x3b: {  	_ = 	snop  }
0x3c: {  	p2 =	seq.s32 s10, $0x1;
	s10 =	sld [smem:$0x3FB1]  }
0x3d: {  	_ =	shalt  }
0x3e: {  	_ =	shalt  }
0x3f: {  	_ =	shalt  }
0x40: {  	_ =	shalt  }
0x41: {  	_ =	shalt  }
0x42: {  	_ =	shalt  }
0x43: {  	_ =	shalt  }
0x44: {  	_ =	shalt  }
0x45: {  	_ =	shalt  }
0x46: {  	_ =	shalt  }
0x47: {  	_ =	shalt  }
0x48: {  	_ =	shalt  }
0x49: {  	_ =	shalt  }
0x4a: {  	_ =	shalt  }
0x4b: {  	_ =	shalt  }
0x4c: {  	_ =	shalt  }
0x4d: {  	_ =	shalt  }
0x4e: {  	_ =	shalt  }
0x4f: {  	_ =	shalt  }
0x50: {  	_ =	shalt  }
0x51: {  	_ =	shalt  }
0x52: {  	_ =	shalt  }
0x53: {  	_ =	shalt  }
0x54: {  	_ =	shalt  }
0x55: {  	_ =	shalt  }
0x56: {  	_ =	shalt  }
0x57: {  	_ =	shalt  }
0x58: {  	_ =	shalt  }
0x59: {  	_ =	shalt  }
0x5a: {  	_ =	shalt  }
0x5b: {  	_ =	shalt  }
0x5c: {  	_ =	shalt  }
0x5d: {  	_ =	shalt  }
0x5e: {  	_ =	shalt  }
0x5f: {  	_ =	shalt  }
0x60: {  	_ =	shalt  }
0x61: {  	_ =	shalt  }
0x62: {  	_ =	shalt  }
0x63: {  	_ =	shalt  }
0x64: {  	_ =	shalt  }
0x65: {  	_ =	shalt  }
0x66: {  	_ =	shalt  }
0x67: {  	_ =	shalt  }
0x68: {  	_ =	shalt  }
0x69: {  	_ =	shalt  }
0x6a: {  	_ =	shalt  }
0x6b: {  	_ =	shalt  }
0x6c: {  	_ =	shalt  }
0x6d: {  	_ =	shalt  }
0x6e: {  	_ =	shalt  }
0x6f: {  	_ =	shalt  }
0x70: {  	_ =	shalt  }
0x71: {  	_ =	shalt  }
0x72: {  	_ =	shalt  }
0x73: {  	_ =	shalt  }
0x74: {  	_ =	shalt  }
0x75: {  	_ =	shalt  }
0x76: {  	_ =	shalt  }
0x77: {  	_ =	shalt  }
0x78: {  	_ =	shalt  }
0x79: {  	_ =	shalt  }
0x7a: {  	_ =	shalt  }
0x7b: {  	_ =	shalt  }
0x7c: {  	_ =	shalt  }
0x7d: {  	_ =	shalt  }
0x7e: {  	_ =	shalt  }
0x7f: {  	_ =	shalt  }
0x80: {  	_ =	shalt  }
0x81: {  	_ =	shalt  }
0x82: {  	_ =	shalt  }
0x83: {  	_ =	shalt  }
0x84: {  	_ =	shalt  }
0x85: {  	_ =	shalt  }
0x86: {  	_ =	shalt  }
0x87: {  	_ =	shalt  }
.Lfunc_end0:
.L_simem_size_0:
called_computation.3_lowered:
.L_overlay_start_0:
0x88: {  	s2 =	sld [smem:$0x3FD9]  }
0x89: {  	s3 =	sld [smem:$0x3FFE];
	_ =	sdelay $0x1  }
0x8a: {  	s1 =	srdreg.scid  }
0x8b: {  	s0 =	sand.u32 $0x1, s1  }
0x8c: {  	s16 =	sshll.u32 s0, $0xA;
	s2 =	sadd.s32 s3, s2  }
0x8d: {  	s2 =	sadd.s32 s2, s16  }
0x8e: {  	[smem:$0x3FBD] =	sst s2  }
0x8f: {  	_ = 	snop  }
0x90: {  	(tm) =	ssettm $0x1  }
0x91: {  	s17 =	sld [smem:$0x3FFB];
	_ =	sdelay $0x3  }
0x92: {  	_ =	strace s17  }
0x93: {  	s2 =	sld [smem:$0x3FFC];
	_ =	sdelay $0x3  }
0x94: {  	_ =	strace s2  }
0x95: {  	s2 =	sld [smem:$0x3FFD];
	_ =	sdelay $0x3  }
0x96: {  	_ =	strace s2  }
0x97: {  	_ =	strace $0x8FFFFFFF  }
0x98: {  	s18 =	sld [smem:$0x3FDB];
	_ =	sdelay $0x1  }
0x99: {  	s19 =	simm.s32 $_scs_section_size  }
0x9a: {  	s4 =	simm.s32 $_size__tile_overlayer_lowered;
	s5 =	simm.s32 $_tile_overlayer_lowered  }
0x9b: {  	s22 =	simm.s32 $0x1BFF;
	s21 =	sshll.u32 s5, $0x1;
	s2 =	sadd.s32 s19, s18  }
0x9c: {  	s6 =	simm.s32 $0x0;
	s20 =	sshll.u32 s4, $0x1;
	s4 =	sadd.s32 s21, s2  }
0x9d: {  	[timem:s6], [sflag:s22] =	dma.local [hbm:s4], s20  }
0x9e: {  	_ =	swait.ge [sflag:s22], s20  }
0x9f: {  	s3 =	ssub.s32 $0x0, s20;
	[sflag:s22] =	ssyncset.done $0x0  }
0xa0: {  	[sflag:s22] =	ssyncadd.s32 s3;
	_ =	sdelay $0x1  }
0xa1: {  	s23 =	simm.s32 $0x1B8B  }
0xa2: {  	_ =	swait.ge [sflag:s23], $0x1  }
0xa3: {  	[sflag:s23] =	ssyncset.done $0x0  }
0xa4: {  	s25 =	simm.s32 $0x1B8E;
	s24 =	sld [smem:$0x3FFE];
	[sflag:s23] =	ssyncadd.s32 $0xFFFFFFFF  }
0xa5: {  	s26 =	simm.s32 $execute0_lowered;
	[smem:$0x3FD2] =	sst s25  }
0xa6: {  	s4 =	sshll.u32 s26, $0x1;
	_ =	strace $0x8000004F;
	[dreg:$0x1] =	wrdreg $0xFFFFFFFF  }
0xa7: {  	s28 =	simm.s32 $_size_execute0_lowered;
	s2 =	sadd.s32 s2, s4;
	[dreg:$0x0] =	wrdreg $0x0  }
0xa8: {  	s4 =	sshll.u32 s28, $0x1;
	[dreg:$0x2] =	wrdreg s2  }
0xa9: {  	[dreg:$0x3] =	wrdreg s4  }
0xaa: {  	[dreg:$0x4] =	wrdreg $0xC0  }
0xab: {  	_ =	task [dreg:s6], $0x5FFFF  }
0xac: {  	[dreg:$0x1] =	wrdreg $0xFFFFFFFF  }
0xad: {  	[dreg:$0x0] =	wrdreg $0x60  }
0xae: {  	[dreg:$0x2] =	wrdreg s24  }
0xaf: {  	[dreg:$0x3] =	wrdreg $0x140000  }
0xb0: {  	[dreg:$0x4] =	wrdreg $0x9  }
0xb1: {  	_ =	task.clear_ibuf [dreg:s6], $0x5FFFF;
	_ =	strace $0x9000004F  }
0xb2: {  	s29 =	simm.s32 $0x9;
	_ =	strace $0x80000051  }
0xb3: {  	_ =	swait.ge [sflag:s29], $0x1  }
0xb4: {  	[sflag:s29] =	ssyncadd.s32 $0xFFFFFFFF  }
0xb5: {  	_ =	strace $0x90000051  }
0xb6: {  	_ =	sfence  }
0xb7: {  	s30 =	sld [smem:$0x0];
	_ =	sdelay $0x2  }
0xb8: {  	s31 =	sshll.u32 s1, $0xD;
	s1 =	sshrl.u32 s1, $0x2  }
0xb9: {  	s3 =	sand.u32 $0x4000, s31;
	s1 =	sadd.s32 s1, s30  }
0xba: {  	s0 =	sor.u32 s3, s0;
	s1 =	sshll.u32 s1, $0x11  }
0xbb: {  	s0 =	sor.u32 s1, s0  }
0xbc: {  	s0 =	sadd.s32 $0x8F2B, s0  }
0xbd: {  	[sflag:s0] =	ssyncadd.remote.s32 $0x1  }
0xbe: {  	_ =	sfence.sel $0xFFFF  }
0xbf: {  	[dreg:$0x0] =	wrdreg $0xFFFFFFFF;
	(pc) =	sbr.abs _section_cstart, $3  }
0xc0: {  	[dreg:$0x1] =	wrdreg $0xFFFFFFFF  }
0xc1: {  	_ =	task.clear_ibuf [dreg:s6], $0x2FFFF;
	_ =	strace $0x9FFFFFFF  }
0xc2: {  	(tm) =	ssettm $0x7FFFFFFF  }
0xc3: {  	_ =	shalt  }
tec
execute0_lowered:
.L_overlay_start_1:
0x0: {  	(tag) =	ssettag $0x1  }
0x1: {  	s0 =	rddreg [dreg:$0x0]  }
0x2: {  	s1 =	srdreg.scid;
	s2 =	rddreg [dreg:$0x1]  }
0x3: {  	s7 =	stileid.u32;
	s5 =	simm.s32 $0x0;
	s16 =	simm.s32 $0x3  }
0x4: {  	s18 =	simm.s32 $0x10000;
	s19 =	simm.s32 $0x80;
	s20 =	simm.s32 $0x8000  }
0x5: {  	s21 =	simm.s32 $0x1;
	s22 =	simm.s32 $0xC000;
	s4 =	smul.u32 $0xA000, s7  }
0x6: {  	s23 =	simm.s32 $0x2;
	s1 =	sand.u32 $0x1, s1;
	s26 =	smul.u32 $0x28000, s7  }
0x7: {  	[smem:$0x7FF] =	sst s5;
	s24 =	sshll.u32 s7, $0xC;
	s3 =	smul.u32 $0x140000, s1  }
0x8: {  	s6 =	sshll.u32 s1, $0xB;
	_ =	strace $0x80000050;
	s25 =	ssub.s32 $0x2, s1  }
0x9: {  	p0 =	seq.s32 s1, $0x0;
	s1 =	simm.s32 $0x12;
	s5 =	sor.u32 s6, s24  }
0xa: {  	s28 =	sshrl.u32 s25, $0x1;
	s1 =	simm.s32 @!p0 $0x3D;
	s29 =	sshrl.u32 s26, $0x2  }
0xb: {  	s24 =	simm.s32 $0x0;
	s3 =	sadd.s32 s4, s3;
	s4 =	sadd.s32 $0x82E00, s0  }
0xc: {  	s5 =	sadd.s32 s5, s0;
	s7 =	sadd.s32 s29, s2;
	s10 =	sadd.s32 $0xFFFFFFFF, s1  }
0xd: {  	s1 =	sshll.u32 s1, $0xA;
	s3 =	sshrl.u32 s3, $0x3;
	s30 =	sadd.s32 $0x72E00, s5  }
0xe: {  	s31 =	sadd.s32 $0x12E00, s5;
	s8 =	sadd.s32 $0x4000, s7;
	s9 =	sadd.s32 $0x8000, s7  }
0xf: {  	s12 =	sadd.s32 $0x2E00, s5;
	s15 =	sadd.s32 $0xFFFFFC00, s1;
	[dreg:$0x3] =	wrdreg s30  }
0x10: {  	s0 =	sadd.s32 s3, s0;
	s3 =	ssub.s32 s25, s28;
	[dreg:$0x4] =	wrdreg s31  }
0x11: {  	v0 =	vimm.f32 $0.0e+00;
	s11 =	sadd.s32 $0xAA000, s0;
	s13 =	sadd.s32 $0xBE000, s0;
	s14 =	smax.u32 s3, $0x1  }
.LBB2_1:
0x12: {  	s0 =	simm.s32 $0x0;
	s1 =	simm.s32 $0x200  }
.LBB2_2:
0x13: {  	p0 =	sne.s32 s1, $0xFE00;
	[tilespmem:s0+$0x10070] =	vst v0  }
0x14: {  	[tilespmem:s0+$0x10000] =	vst v0  }
0x15: {  	[tilespmem:s0+$0x10010] =	vst v0  }
.Ltmp0:
0x16: {  	[tilespmem:s0+$0x10020] =	vst v0;
	(pc) =	sbr.rel @p0 .LBB2_2-.Ltmp0, $4  }
0x17: {  	[tilespmem:s0+$0x10030] =	vst v0  }
0x18: {  	[tilespmem:s0+$0x10040] =	vst v0  }
0x19: {  	[tilespmem:s0+$0x10050] =	vst v0  }
0x1a: {  	[tilespmem:s0+$0x10060] =	vst v0;
	s0 =	sshra.s32 s1, $0x2;
	s1 =	sadd.s32 $0x200, s1  }
0x1b: {  	[tilespmem:s0+$0x10070] =	vst v0  }
0x1c: {  	[tilespmem:s0+$0x10000] =	vst v0  }
0x1d: {  	[tilespmem:s0+$0x10010] =	vst v0  }
0x1e: {  	[tilespmem:s0+$0x10020] =	vst v0  }
0x1f: {  	[tilespmem:s0+$0x10030] =	vst v0  }
0x20: {  	[tilespmem:s0+$0x10040] =	vst v0  }
0x21: {  	[tilespmem:s0+$0x10050] =	vst v0  }
0x22: {  	[tilespmem:s0+$0x10060] =	vst v0;
	s25 =	simm.s32 $0x0;
	s1 =	rddreg [dreg:$0x3]  }
0x23: {  	[tilespmem:s25], [sflag:$0x3] =	stream.linear.gather [hbm4b:s1+s25], $0x3D00, $0x38;
	[tilespmem:$0x1E400] =	vst v63  }
0x24: {  	_ =	swait.ge [sflag:s16], $0x3D00  }
0x25: {  	[sflag:s16] =	ssyncset.done $0x0  }
0x26: {  	s3 =	simm.s32 $0x4000;
	s26 =	rddreg [dreg:$0x4];
	[sflag:s16] =	ssyncadd.s32 $0xFFFFC300  }
0x27: {  	[tilespmem:s3], [sflag:$0x3] =	stream.linear.gather [hbm4b:s26+s25], $0x3D00, $0x38;
	[tilespmem:$0x1E400] =	vst v63  }
0x28: {  	_ =	swait.ge [sflag:s16], $0x3D00  }
0x29: {  	[sflag:s16] =	ssyncset.done $0x0  }
0x2a: {  	[sflag:s16] =	ssyncadd.s32 $0xFFFFC300  }
0x2b: {  	[spmem:s7] =	stream.linear.scatter [tilespmem:s18], [sflag:$0x3], $0x4000, $0x38;
	[tilespmem:$0x1E400] =	vst v63  }
0x2c: {  	_ =	swait.ge [sflag:s16], $0x4000  }
0x2d: {  	[sflag:s16] =	ssyncset.done $0x0  }
0x2e: {  	[sflag:s16] =	ssyncadd.s32 $0xFFFFC000  }
0x2f: {  	[spmem:s8] =	stream.linear.scatter [tilespmem:s18], [sflag:$0x3], $0x4000, $0x38;
	[tilespmem:$0x1E400] =	vst v63  }
0x30: {  	_ =	swait.ge [sflag:s16], $0x4000  }
0x31: {  	[sflag:s16] =	ssyncset.done $0x0  }
0x32: {  	[sflag:s16] =	ssyncadd.s32 $0xFFFFC000  }
0x33: {  	[spmem:s9] =	stream.linear.scatter [tilespmem:s18], [sflag:$0x3], $0x2000, $0x38;
	[tilespmem:$0x1E400] =	vst v63  }
0x34: {  	_ =	swait.ge [sflag:s16], $0x2000  }
0x35: {  	[sflag:s16] =	ssyncset.done $0x0  }
0x36: {  	[sflag:s16] =	ssyncadd.s32 $0xFFFFE000  }
0x37: {  	[bflag:$0x0] =	sbarrier.arrive $0xFFFF  }
0x38: {  	[tilespmem:s20], [sflag:$0x1] =	stream.indirect.gather [hbm4b:s4+s19], $0x80, s25, s19, $0xb8;
	[tilespmem:$0x1E400] =	vst v63  }
0x39: {  	_ =	swait.ge [sflag:s21], $0x4000  }
0x3a: {  	[sflag:s21] =	ssyncset.done $0x0  }
0x3b: {  	s28 =	simm.s32 $0x80;
	[sflag:s21] =	ssyncadd.s32 $0xFFFFC000  }
0x3c: {  	[tilespmem:s22], [sflag:$0x2] =	stream.indirect.gather [hbm4b:s4+s19], $0x80, s28, s19, $0xb8;
	[tilespmem:$0x1E400] =	vst v63  }
0x3d: {  	s29 =	simm.s32 $0x4000  }
0x3e: {  	[spmem:s2] =	stream.indirect.scatter.add.f32 [tilespmem:s20], [sflag:$0x3], $0x80, s29, s19, $0xb8;
	[tilespmem:$0x1E400] =	vst v63  }
0x3f: {  	_ =	swait.ge [sflag:s16], $0x4000  }
0x40: {  	[sflag:s16] =	ssyncset.done $0x0  }
0x41: {  	[sflag:s16] =	ssyncadd.s32 $0xFFFFC000  }
0x42: {  	_ =	swait.ge [sflag:s23], $0x4000  }
0x43: {  	[sflag:s23] =	ssyncset.done $0x0  }
0x44: {  	s30 =	simm.s32 $0x100;
	p0 =	sne.s32 s15, $0x400;
	[sflag:s23] =	ssyncadd.s32 $0xFFFFC000  }
0x45: {  	[tilespmem:s20], [sflag:$0x1] =	stream.indirect.gather [hbm4b:s4+s19], $0x80, s30, s19, $0xb8;
	[tilespmem:$0x1E400] =	vst v63  }
.Ltmp1:
0x46: {  	_ = 	snop;
	(pc) =	sbr.rel @!p0 .LBB2_5-.Ltmp1, $4  }
0x47: {  	s31 =	simm.s32 $0x4080  }
0x48: {  	[spmem:s2] =	stream.indirect.scatter.add.f32 [tilespmem:s22], [sflag:$0x3], $0x80, s31, s19, $0xb8;
	[tilespmem:$0x1E400] =	vst v63  }
0x49: {  	s0 =	simm.s32 $0x400;
	s1 =	simm.s32 $0xFFFFFFFF;
	_ =	swait.ge [sflag:s16], $0x4000  }
0x4a: {  	s3 =	simm.s32 $0x2;
	s25 =	simm.s32 $0x1;
	[sflag:s16] =	ssyncset.done $0x0  }
.LBB2_4:
0x4b: {  	s25 =	smov.u32 s3;
	s1 =	sadd.s32 $0x1, s1  }
0x4c: {  	s5 =	smov.u32 s0;
	s0 =	sadd.s32 $0x400, s0;
	[sflag:s16] =	ssyncadd.s32 $0xFFFFC000  }
0x4d: {  	p0 =	sne.s32 s15, s0  }
0x4e: {  	_ =	swait.ge [sflag:s21], $0x4000  }
0x4f: {  	s5 =	sshra.s32 s5, $0x2;
	[sflag:s21] =	ssyncset.done $0x0  }
0x50: {  	s17 =	sadd.s32 $0x80, s5;
	[sflag:s21] =	ssyncadd.s32 $0xFFFFC000  }
0x51: {  	[tilespmem:s22], [sflag:$0x2] =	stream.indirect.gather [hbm4b:s4+s19], $0x80, s17, s19, $0xb8;
	[tilespmem:$0x1E400] =	vst v63  }
0x52: {  	s17 =	sadd.s32 $0x4000, s5  }
0x53: {  	[spmem:s2] =	stream.indirect.scatter.add.f32 [tilespmem:s20], [sflag:$0x3], $0x80, s17, s19, $0xb8;
	[tilespmem:$0x1E400] =	vst v63  }
0x54: {  	_ =	swait.ge [sflag:s16], $0x4000  }
0x55: {  	[sflag:s16] =	ssyncset.done $0x0  }
0x56: {  	[sflag:s16] =	ssyncadd.s32 $0xFFFFC000  }
0x57: {  	_ =	swait.ge [sflag:s23], $0x4000  }
0x58: {  	[sflag:s23] =	ssyncset.done $0x0  }
0x59: {  	s17 =	sadd.s32 $0x100, s5;
	[sflag:s23] =	ssyncadd.s32 $0xFFFFC000  }
0x5a: {  	[tilespmem:s20], [sflag:$0x1] =	stream.indirect.gather [hbm4b:s4+s19], $0x80, s17, s19, $0xb8;
	[tilespmem:$0x1E400] =	vst v63  }
.Ltmp2:
0x5b: {  	_ = 	snop;
	(pc) =	sbr.rel @p0 .LBB2_4-.Ltmp2, $4  }
0x5c: {  	s5 =	sadd.s32 $0x4080, s5  }
0x5d: {  	[spmem:s2] =	stream.indirect.scatter.add.f32 [tilespmem:s22], [sflag:$0x3], $0x80, s5, s19, $0xb8;
	[tilespmem:$0x1E400] =	vst v63  }
0x5e: {  	_ =	swait.ge [sflag:s16], $0x4000  }
0x5f: {  	s3 =	sadd.s32 $0x1, s3;
	[sflag:s16] =	ssyncset.done $0x0  }
.LBB2_5:
0x60: {  	[sflag:s16] =	ssyncadd.s32 $0xFFFFC000  }
0x61: {  	_ =	swait.ge [sflag:s21], $0x4000  }
0x62: {  	s3 =	sshra.s32 s0, $0x2;
	[sflag:s21] =	ssyncset.done $0x0  }
0x63: {  	s26 =	sadd.s32 $0x80, s3;
	[sflag:s21] =	ssyncadd.s32 $0xFFFFC000  }
0x64: {  	[tilespmem:s22], [sflag:$0x2] =	stream.indirect.gather [hbm4b:s4+s19], $0x80, s26, s19, $0xb8;
	[tilespmem:$0x1E400] =	vst v63  }
0x65: {  	s28 =	sadd.s32 $0x4000, s3  }
0x66: {  	[spmem:s2] =	stream.indirect.scatter.add.f32 [tilespmem:s20], [sflag:$0x3], $0x80, s28, s19, $0xb8;
	[tilespmem:$0x1E400] =	vst v63  }
0x67: {  	_ =	swait.ge [sflag:s16], $0x4000  }
0x68: {  	s1 =	sadd.s32 $0x1, s1;
	[sflag:s16] =	ssyncset.done $0x0  }
0x69: {  	s1 =	sadd.s32 $0x1, s1;
	[sflag:s16] =	ssyncadd.s32 $0xFFFFC000  }
0x6a: {  	p0 =	sge.u32 s1, s10;
	_ =	swait.ge [sflag:s23], $0x4000  }
0x6b: {  	s0 =	sshra.s32 @!p0 s0, $0x2;
	s30 =	simm.s32 @!p0 $0x80;
	[sflag:s23] =	ssyncset.done $0x0  }
0x6c: {  	s31 =	simm.s32 @!p0 $0x8000;
	s29 =	sadd.s32 @!p0 $0x100, s0;
	[sflag:s23] =	ssyncadd.s32 $0xFFFFC000  }
0x6d: {  	[tilespmem:s31], [sflag:$0x1] =	stream.indirect.gather @!p0 [hbm4b:s4+s30], $0x80, s29, s30, $0xb8;
	[tilespmem:$0x1E400] =	vst v63  }
0x6e: {  	s0 =	sadd.s32 $0x4080, s3  }
0x6f: {  	[spmem:s2] =	stream.indirect.scatter.add.f32 [tilespmem:s22], [sflag:$0x3], $0x80, s0, s19, $0xb8;
	[tilespmem:$0x1E400] =	vst v63  }
0x70: {  	_ =	swait.ge [sflag:s16], $0x4000  }
0x71: {  	s5 =	stileid.u32;
	[sflag:s16] =	ssyncset.done $0x0  }
0x72: {  	s1 =	sshll.u32 s5, $0x6;
	[sflag:s16] =	ssyncadd.s32 $0xFFFFC000  }
0x73: {  	s17 =	sshrl.u32 s7, $0x3;
	s1 =	sor.u32 $0x1C03, s1;
	[bflag:$0x0] =	sbarrier.arrive $0xFFFF  }
0x74: {  	[hbm:s11], [sflag:s1] =	dma.local [spmem:s17], $0x1400  }
0x75: {  	_ =	swait.ge [sflag:s16], $0x1400  }
0x76: {  	[sflag:s16] =	ssyncset.done $0x0  }
0x77: {  	[sflag:s16] =	ssyncadd.s32 $0xFFFFEC00  }
0x78: {  	s5 =	simm.s32 $0x0;
	s3 =	simm.s32 $0x4000;
	[bflag:$0x0] =	sbarrier.arrive $0xFFFF  }
0x79: {  	[tilespmem:s3], [sflag:$0x3] =	stream.linear.gather [hbm4b:s12+s5], $0x3D00, $0x38;
	[tilespmem:$0x1E400] =	vst v63  }
0x7a: {  	_ =	swait.ge [sflag:s16], $0x3D00  }
0x7b: {  	[sflag:s16] =	ssyncset.done $0x0  }
0x7c: {  	[sflag:s16] =	ssyncadd.s32 $0xFFFFC300  }
0x7d: {  	[spmem:s7] =	stream.linear.scatter [tilespmem:s18], [sflag:$0x3], $0x4000, $0x38;
	[tilespmem:$0x1E400] =	vst v63  }
0x7e: {  	_ =	swait.ge [sflag:s16], $0x4000  }
0x7f: {  	[sflag:s16] =	ssyncset.done $0x0  }
0x80: {  	[sflag:s16] =	ssyncadd.s32 $0xFFFFC000  }
0x81: {  	[spmem:s8] =	stream.linear.scatter [tilespmem:s18], [sflag:$0x3], $0x4000, $0x38;
	[tilespmem:$0x1E400] =	vst v63  }
0x82: {  	_ =	swait.ge [sflag:s16], $0x4000  }
0x83: {  	[sflag:s16] =	ssyncset.done $0x0  }
0x84: {  	[sflag:s16] =	ssyncadd.s32 $0xFFFFC000  }
0x85: {  	[spmem:s9] =	stream.linear.scatter [tilespmem:s18], [sflag:$0x3], $0x2000, $0x38;
	[tilespmem:$0x1E400] =	vst v63  }
0x86: {  	_ =	swait.ge [sflag:s16], $0x2000  }
0x87: {  	[sflag:s16] =	ssyncset.done $0x0  }
0x88: {  	[sflag:s16] =	ssyncadd.s32 $0xFFFFE000  }
0x89: {  	[bflag:$0x0] =	sbarrier.arrive $0xFFFF  }
0x8a: {  	[tilespmem:s20], [sflag:$0x1] =	stream.indirect.gather [hbm4b:s4+s19], $0x80, s5, s19, $0xb8;
	[tilespmem:$0x1E400] =	vst v63  }
0x8b: {  	_ =	swait.ge [sflag:s21], $0x4000  }
0x8c: {  	[sflag:s21] =	ssyncset.done $0x0  }
0x8d: {  	s6 =	simm.s32 $0x80;
	[sflag:s21] =	ssyncadd.s32 $0xFFFFC000  }
0x8e: {  	[tilespmem:s22], [sflag:$0x2] =	stream.indirect.gather [hbm4b:s4+s19], $0x80, s6, s19, $0xb8;
	[tilespmem:$0x1E400] =	vst v63  }
0x8f: {  	_ = 	snop  }
0x90: {  	[spmem:s2] =	stream.indirect.scatter.add.f32 [tilespmem:s20], [sflag:$0x3], $0x80, s3, s19, $0xb8;
	[tilespmem:$0x1E400] =	vst v63  }
0x91: {  	_ =	swait.ge [sflag:s16], $0x4000  }
0x92: {  	[sflag:s16] =	ssyncset.done $0x0  }
0x93: {  	[sflag:s16] =	ssyncadd.s32 $0xFFFFC000  }
0x94: {  	_ =	swait.ge [sflag:s23], $0x4000  }
0x95: {  	[sflag:s23] =	ssyncset.done $0x0  }
0x96: {  	p1 =	sne.s32 s25, $0x1;
	s5 =	simm.s32 $0x100;
	[sflag:s23] =	ssyncadd.s32 $0xFFFFC000  }
0x97: {  	[tilespmem:s20], [sflag:$0x1] =	stream.indirect.gather [hbm4b:s4+s19], $0x80, s5, s19, $0xb8;
	[tilespmem:$0x1E400] =	vst v63  }
.Ltmp3:
0x98: {  	_ = 	snop;
	(pc) =	sbr.rel @!p1 .LBB2_7-.Ltmp3, $4  }
0x99: {  	s6 =	simm.s32 $0x4080  }
0x9a: {  	[spmem:s2] =	stream.indirect.scatter.add.f32 [tilespmem:s22], [sflag:$0x3], $0x80, s6, s19, $0xb8;
	[tilespmem:$0x1E400] =	vst v63  }
0x9b: {  	_ =	swait.ge [sflag:s16], $0x4000  }
0x9c: {  	s25 =	sadd.s32 $0xFFFFFFFF, s25;
	[sflag:s16] =	ssyncset.done $0x0  }
.LBB2_6:
0x9d: {  	[sflag:s16] =	ssyncadd.s32 $0xFFFFC000;
	s5 =	sadd.s32 $0x100, s5;
	s3 =	sadd.s32 $0x100, s3  }
0x9e: {  	p1 =	sne.s32 s25, $0x1;
	s25 =	sadd.s32 $0xFFFFFFFF, s25  }
0x9f: {  	_ =	swait.ge [sflag:s21], $0x4000  }
0xa0: {  	[sflag:s21] =	ssyncset.done $0x0  }
0xa1: {  	s6 =	sadd.s32 $0xFFFFFF80, s5;
	[sflag:s21] =	ssyncadd.s32 $0xFFFFC000  }
0xa2: {  	[tilespmem:s22], [sflag:$0x2] =	stream.indirect.gather [hbm4b:s4+s19], $0x80, s6, s19, $0xb8;
	[tilespmem:$0x1E400] =	vst v63  }
0xa3: {  	_ = 	snop  }
0xa4: {  	[spmem:s2] =	stream.indirect.scatter.add.f32 [tilespmem:s20], [sflag:$0x3], $0x80, s3, s19, $0xb8;
	[tilespmem:$0x1E400] =	vst v63  }
0xa5: {  	_ =	swait.ge [sflag:s16], $0x4000  }
0xa6: {  	[sflag:s16] =	ssyncset.done $0x0  }
0xa7: {  	[sflag:s16] =	ssyncadd.s32 $0xFFFFC000  }
0xa8: {  	_ =	swait.ge [sflag:s23], $0x4000  }
0xa9: {  	[sflag:s23] =	ssyncset.done $0x0  }
0xaa: {  	[sflag:s23] =	ssyncadd.s32 $0xFFFFC000  }
0xab: {  	[tilespmem:s20], [sflag:$0x1] =	stream.indirect.gather [hbm4b:s4+s19], $0x80, s5, s19, $0xb8;
	[tilespmem:$0x1E400] =	vst v63  }
.Ltmp4:
0xac: {  	_ = 	snop;
	(pc) =	sbr.rel @p1 .LBB2_6-.Ltmp4, $4  }
0xad: {  	s6 =	sadd.s32 $0x80, s3  }
0xae: {  	[spmem:s2] =	stream.indirect.scatter.add.f32 [tilespmem:s22], [sflag:$0x3], $0x80, s6, s19, $0xb8;
	[tilespmem:$0x1E400] =	vst v63  }
0xaf: {  	_ =	swait.ge [sflag:s16], $0x4000  }
0xb0: {  	[sflag:s16] =	ssyncset.done $0x0  }
.LBB2_7:
0xb1: {  	[sflag:s16] =	ssyncadd.s32 $0xFFFFC000  }
0xb2: {  	_ =	swait.ge [sflag:s21], $0x4000  }
0xb3: {  	[sflag:s21] =	ssyncset.done $0x0  }
0xb4: {  	[sflag:s21] =	ssyncadd.s32 $0xFFFFC000  }
0xb5: {  	[tilespmem:s22], [sflag:$0x2] =	stream.indirect.gather [hbm4b:s4+s19], $0x80, s26, s19, $0xb8;
	[tilespmem:$0x1E400] =	vst v63  }
0xb6: {  	_ = 	snop  }
0xb7: {  	[spmem:s2] =	stream.indirect.scatter.add.f32 [tilespmem:s20], [sflag:$0x3], $0x80, s28, s19, $0xb8;
	[tilespmem:$0x1E400] =	vst v63  }
0xb8: {  	_ =	swait.ge [sflag:s16], $0x4000  }
0xb9: {  	[sflag:s16] =	ssyncset.done $0x0  }
0xba: {  	[sflag:s16] =	ssyncadd.s32 $0xFFFFC000  }
0xbb: {  	_ =	swait.ge [sflag:s23], $0x4000  }
0xbc: {  	[sflag:s23] =	ssyncset.done $0x0  }
0xbd: {  	[sflag:s23] =	ssyncadd.s32 $0xFFFFC000  }
0xbe: {  	[tilespmem:s31], [sflag:$0x1] =	stream.indirect.gather @!p0 [hbm4b:s4+s30], $0x80, s29, s30, $0xb8;
	[tilespmem:$0x1E400] =	vst v63  }
0xbf: {  	_ = 	snop  }
0xc0: {  	[spmem:s2] =	stream.indirect.scatter.add.f32 [tilespmem:s22], [sflag:$0x3], $0x80, s0, s19, $0xb8;
	[tilespmem:$0x1E400] =	vst v63  }
0xc1: {  	_ =	swait.ge [sflag:s16], $0x4000  }
0xc2: {  	[sflag:s16] =	ssyncset.done $0x0  }
0xc3: {  	s24 =	sadd.s32 $0x1, s24;
	[sflag:s16] =	ssyncadd.s32 $0xFFFFC000  }
0xc4: {  	p0 =	sne.s32 s24, s14;
	[bflag:$0x0] =	sbarrier.arrive $0xFFFF  }
0xc5: {  	[hbm:s13], [sflag:s1] =	dma.local [spmem:s17], $0x1400  }
.Ltmp5:
0xc6: {  	_ =	swait.ge [sflag:s16], $0x1400;
	(pc) =	sbr.rel @p0 .LBB2_1-.Ltmp5, $3  }
0xc7: {  	[sflag:s16] =	ssyncset.done $0x0  }
0xc8: {  	[sflag:s16] =	ssyncadd.s32 $0xFFFFEC00  }
0xc9: {  	[bflag:$0x0] =	sbarrier.arrive $0xFFFF;
	_ =	sdelay $0x1  }
0xca: {  	_ =	sfence.sel $0x180000  }
0xcb: {  	[bflag:$0x0] =	sbarrier.arrive $0xFFFF  }
0xcc: {  	_ =	strace $0x90000050  }
0xcd: {  	s0 =	stileid.u32;
	[bflag:$0x2] =	sbarrier.arrive $0xFFFF  }
0xce: {  	p0 =	sne.s32 s0, $0x0;
	s0 =	rddreg [dreg:$0x2]  }
0xcf: {  	s0 =	sadd.s32 @!p0 $0x100000, s0  }
0xd0: {  	[sflag:s0] =	ssyncadd.tile.s32 @!p0 $0x1;
	_ =	shalt  }
.Lfunc_end2:
_tile_overlayer_lowered:
.L_overlay_start_2:
0xd1: {  	(tag) =	ssettag $0x2  }
0xd2: {  	s0 =	rddreg [dreg:$0x0];
	s2 =	stileid.u32  }
0xd3: {  	s1 =	rddreg [dreg:$0x1];
	p0 =	sne.s32 s2, $0x0  }
0xd4: {  	s3 =	rddreg [dreg:$0x2];
	[bflag:$0x3] =	sbarrier.arrive $0xFFFF;
	s2 =	simm.s32 @!p0 $0x1C03  }
0xd5: {  	[timem:s3], [sflag:s2] =	dma.local @!p0 [hbm:s0], s1  }
0xd6: {  	s0 =	simm.s32 @!p0 $0x3  }
0xd7: {  	_ =	swait.ge @!p0 [sflag:s0], s1  }
0xd8: {  	s1 =	ssub.s32 @!p0 $0x0, s1;
	[sflag:s0] =	ssyncset.done @!p0 $0x0  }
0xd9: {  	[sflag:s0] =	ssyncadd.s32 @!p0 s1  }
0xda: {  	[bflag:$0x3] =	sbarrier.arrive $0xFFFF  }
0xdb: {  	_ =	shalt  }

</sc_bundles>
